<compile_context>
chip_gen: v7x
topology: tpu7x:2x2x1
jax: 0.10.2.dev20260603
libtpu: 0.0.44.dev20260713+nightly
codegen_flags: <defaults>
</compile_context>

<pallas_src>
import functools

import jax
import jax.numpy as jnp
from jax import lax
from jax.experimental import pallas as pl
from jax.experimental.pallas import tpu as pltpu
from jax.experimental.pallas import tpu_sc as plsc

B = 2
H = 16
KVH = 8
W = 64
T_CMP = 4096
T_ORIG = 8192
HD = 128
C = 2048
SCALING = HD ** (-0.5)
K_SEL = int(0.25 * T_CMP)
OUT_LEN = T_CMP + K_SEL
RB = 512

NC = 2
NS = 16
L = 16
N_KEEP = T_CMP - K_SEL
KEEP_SEG = N_KEEP // NS
PAIR_SEG = 2 * K_SEL // NS // 2 * 2 // 2
PAIR_ROWS = 2 * K_SEL
PAIR_SEG = PAIR_ROWS // NS
G = 16
NBUF = 3


def _scores_kernel(q_ref, k_ref, s_ref, m_ref):
    k = k_ref[0, 0]
    for g in range(2):
        s = lax.dot_general(q_ref[0, g], k, (((1,), (1,)), ((), ())))
        s_ref[0, g] = s
        m_ref[0, g, 0, :] = jnp.max(s * SCALING, axis=1)


def _scores(q_w, km_cmp):
    return pl.pallas_call(
        _scores_kernel,
        grid=(B, KVH),
        in_specs=[
            pl.BlockSpec((1, 2, W, HD), lambda b, j: (b, j, 0, 0)),
            pl.BlockSpec((1, 1, T_CMP, HD), lambda b, j: (b, j, 0, 0)),
        ],
        out_specs=[
            pl.BlockSpec((1, 2, W, T_CMP), lambda b, j: (b, j, 0, 0)),
            pl.BlockSpec((1, 2, 1, W), lambda b, j: (b, j, 0, 0)),
        ],
        out_shape=[
            jax.ShapeDtypeStruct((B, H, W, T_CMP), jnp.float32),
            jax.ShapeDtypeStruct((B, H, 1, W), jnp.float32),
        ],
    )(q_w, km_cmp)


def _rank_kernel(vrow_ref, vcol_ref, out_ref):
    j0 = pl.program_id(1)
    vrow = vrow_ref[0]
    vcol = vcol_ref[0]
    jj = lax.broadcasted_iota(jnp.int32, (RB, T_CMP), 1)
    ti = j0 * RB + lax.broadcasted_iota(jnp.int32, (RB, T_CMP), 0)
    gt = vrow > vcol
    tie = (vrow == vcol) & (jj < ti)
    cnt = jnp.sum((gt | tie).astype(jnp.int32), axis=1)
    out_ref[0, 0, 0, :] = cnt


def _rank(imp):
    vrow = imp.reshape(B, 1, T_CMP)
    vcol = imp.reshape(B, T_CMP, 1)
    out = pl.pallas_call(
        _rank_kernel,
        grid=(B, T_CMP // RB),
        in_specs=[
            pl.BlockSpec((1, 1, T_CMP), lambda b, j: (b, 0, 0)),
            pl.BlockSpec((1, RB, 1), lambda b, j: (b, j, 0)),
        ],
        out_specs=pl.BlockSpec((1, 1, 1, RB), lambda b, j: (b, j, 0, 0)),
        out_shape=jax.ShapeDtypeStruct((B, T_CMP // RB, 1, RB), jnp.int32),
    )(vrow, vcol)
    return out.reshape(B, T_CMP)


def _sc_interleave_body(rank_hbm, xm_hbm, xmc_hbm, y_hbm,
                        rank_v, ks_v, kd_v, ps_v, pd_v, r2_v, d2_v,
                        sh_ks, sh_kd, sh_r2, sh_d2,
                        my_ks, my_kd, my_r2, my_d2,
                        buf, gsem, ssem):
    b = lax.axis_index("c")
    sid = lax.axis_index("s")
    iota = jnp.arange(L, dtype=jnp.int32)

    @pl.when(sid == 0)
    def _phase_a():
        pltpu.sync_copy(rank_hbm.at[pl.ds(b * T_CMP, T_CMP)], rank_v)

        def chunk(i, carry):
            rc = rank_v[pl.ds(i * L, L)]
            sel = rc < K_SEL
            sel_i = sel.astype(jnp.int32)
            incl = plsc.cumsum(sel_i)
            excl = incl - sel_i
            nb = carry + excl
            tvec = i * L + iota
            start = tvec + nb
            kidx = tvec - nb
            nsel = jnp.logical_not(sel)
            plsc.store_scatter(ks_v, [kidx], tvec + b * T_CMP, mask=nsel)
            plsc.store_scatter(kd_v, [kidx], start + b * OUT_LEN, mask=nsel)
            plsc.store_scatter(ps_v, [rc], tvec, mask=sel)
            plsc.store_scatter(pd_v, [nb], start + b * OUT_LEN, mask=sel)
            return carry + jnp.sum(sel_i)

        lax.fori_loop(0, T_CMP // L, chunk, jnp.int32(0))

        def pchunk(k, carry):
            jv = k * L + iota
            ps = ps_v[pl.ds(k * L, L)]
            pd = pd_v[pl.ds(k * L, L)]
            r_even = 2 * ps + b * T_ORIG
            plsc.store_scatter(r2_v, [2 * jv], r_even)
            plsc.store_scatter(r2_v, [2 * jv + 1], r_even + 1)
            plsc.store_scatter(d2_v, [2 * jv], pd)
            plsc.store_scatter(d2_v, [2 * jv + 1], pd + 1)
            return carry

        lax.fori_loop(0, K_SEL // L, pchunk, jnp.int32(0))

        pltpu.sync_copy(ks_v, sh_ks)
        pltpu.sync_copy(kd_v, sh_kd)
        pltpu.sync_copy(r2_v, sh_r2)
        pltpu.sync_copy(d2_v, sh_d2)

    plsc.subcore_barrier()

    pltpu.sync_copy(sh_ks.at[pl.ds(sid * KEEP_SEG, KEEP_SEG)], my_ks)
    pltpu.sync_copy(sh_kd.at[pl.ds(sid * KEEP_SEG, KEEP_SEG)], my_kd)
    pltpu.sync_copy(sh_r2.at[pl.ds(sid * PAIR_SEG, PAIR_SEG)], my_r2)
    pltpu.sync_copy(sh_d2.at[pl.ds(sid * PAIR_SEG, PAIR_SEG)], my_d2)

    chunks = ([(xmc_hbm, my_ks, my_kd, ci * G) for ci in range(KEEP_SEG // G)]
              + [(xm_hbm, my_r2, my_d2, ci * G) for ci in range(PAIR_SEG // G)])
    n = len(chunks)
    gd = [None] * n
    sd = [None] * n

    def _scatter(j):
        q = j % NBUF
        gd[j].wait()
        _, _, dlr, offj = chunks[j]
        didx = dlr[pl.ds(offj, G)]
        sd[j] = pltpu.async_copy(buf.at[q], y_hbm.at[didx], ssem.at[q])

    for i in range(n):
        p = i % NBUF
        if i >= NBUF:
            sd[i - NBUF].wait()
        tab, slr, _, off = chunks[i]
        sidx = slr[pl.ds(off, G)]
        gd[i] = pltpu.async_copy(tab.at[sidx], buf.at[p], gsem.at[p])
        if i >= 2:
            _scatter(i - 2)
    for j in range(n - 2, n):
        _scatter(j)
    for j in range(max(0, n - NBUF), n):
        sd[j].wait()


def _sc_interleave(rank, x_m2, xm2):
    mesh = plsc.VectorSubcoreMesh(
        core_axis_name="c", subcore_axis_name="s", num_cores=NC,
        num_subcores=NS)
    f = pl.kernel(
        _sc_interleave_body,
        out_type=jax.ShapeDtypeStruct((B * OUT_LEN, C), jnp.float32),
        mesh=mesh,
        compiler_params=pltpu.CompilerParams(needs_layout_passes=False),
        scratch_types=[
            pltpu.VMEM((T_CMP,), jnp.int32),
            pltpu.VMEM((N_KEEP,), jnp.int32),
            pltpu.VMEM((N_KEEP,), jnp.int32),
            pltpu.VMEM((K_SEL,), jnp.int32),
            pltpu.VMEM((K_SEL,), jnp.int32),
            pltpu.VMEM((PAIR_ROWS,), jnp.int32),
            pltpu.VMEM((PAIR_ROWS,), jnp.int32),
            pltpu.VMEM_SHARED((N_KEEP,), jnp.int32),
            pltpu.VMEM_SHARED((N_KEEP,), jnp.int32),
            pltpu.VMEM_SHARED((PAIR_ROWS,), jnp.int32),
            pltpu.VMEM_SHARED((PAIR_ROWS,), jnp.int32),
            pltpu.VMEM((KEEP_SEG,), jnp.int32),
            pltpu.VMEM((KEEP_SEG,), jnp.int32),
            pltpu.VMEM((PAIR_SEG,), jnp.int32),
            pltpu.VMEM((PAIR_SEG,), jnp.int32),
            pltpu.VMEM((NBUF, G, C), jnp.float32),
            pltpu.SemaphoreType.DMA((NBUF,)),
            pltpu.SemaphoreType.DMA((NBUF,)),
        ],
    )
    return f(rank, x_m2, xm2)


def kernel(x_m, xm_cmp, q_w, km_cmp):
    s0, mx = _scores(q_w, km_cmp)
    mx = mx[:, :, 0, :, None]
    e = jnp.exp(s0 * SCALING - mx)
    den = jnp.sum(e, axis=-1, keepdims=True)
    weights = e / den
    importance_scores = weights.sum(axis=2).mean(axis=1)
    importance_scores = lax.optimization_barrier(importance_scores)
    rank = _rank(importance_scores)
    y2 = _sc_interleave(rank.reshape(B * T_CMP),
                        x_m.reshape(B * T_ORIG, C),
                        xm_cmp.reshape(B * T_CMP, C))
    return y2.reshape(B, OUT_LEN, C)

# --- scband reference (transcript-rebuilt; emitter-appended) ---
"""Pipeline reference for scband-final-compressed-tokens-35785667510440 (READ-ONLY COPY).

The authoritative reference and input builder live on the scoring server;
editing this copy changes nothing except your own understanding.
"""

import jax, jax.numpy as jnp
import numpy as np

B = 2
H = 16
KVH = 8
W = 64
T_CMP = 4096
T_ORIG = 8192
HD = 128
C = 2048
R = 0.25
M = 0


def setup_inputs(seed: int = 0) -> dict:
    key = jax.random.key(seed)
    k1, k2, k3, k4 = jax.random.split(key, 4)
    x_m = jax.random.normal(k1, (B, T_ORIG, C), dtype=jnp.float32)
    xm_cmp = jax.random.normal(k2, (B, T_CMP, C), dtype=jnp.float32)
    q_w = jax.random.normal(k3, (B, H, W, HD), dtype=jnp.float32)
    km_cmp = jax.random.normal(k4, (B, KVH, T_CMP, HD), dtype=jnp.float32)
    return {"x_m": x_m, "xm_cmp": xm_cmp, "q_w": q_w, "km_cmp": km_cmp}


def reference(x_m, xm_cmp, q_w, km_cmp):
    scaling = HD ** (-0.5)
    groups = H // KVH
    # repeat_kv: unsqueeze+expand+reshape == consecutive repeat along head axis
    km = jnp.repeat(km_cmp, groups, axis=1)  # [B, H, T_cmp, HD]
    scores = jnp.einsum('bhqd,bhkd->bhqk', q_w, km) * scaling
    weights = jax.nn.softmax(scores, axis=-1)
    cumulative_attention = weights.sum(axis=2)      # [B, H, T_cmp]
    importance_scores = cumulative_attention.mean(axis=1)  # [B, T_cmp]
    # select_indices
    num_to_select = int(R * T_CMP + M * (1 - R) / 2)
    num_to_select = min(num_to_select, T_CMP)
    _, sel = jax.lax.top_k(importance_scores, num_to_select)  # topk order (desc by value), like torch.topk
    bidx = jnp.arange(B)[:, None]
    # interleave_selected
    expand_mask = jnp.zeros((B, T_CMP), dtype=bool).at[bidx, sel].set(True)
    position_sizes = jnp.where(expand_mask, 2, 1)
    cum_positions = jnp.cumsum(position_sizes, axis=1)
    start_positions = cum_positions - position_sizes
    out_len = T_CMP + num_to_select
    y = jnp.zeros((B, out_len, C), dtype=jnp.float32)
    # keep tokens: scatter xm_cmp at start_positions where not expanded (drop expanded slots)
    keep_pos = jnp.where(expand_mask, out_len, start_positions)
    y = y.at[bidx, keep_pos].set(xm_cmp, mode='drop')
    # expanded tokens: pair tokens gathered in topk order, placed at mask-sorted positions
    # (faithful to the torch code, which pairs topk-ordered tokens with row-major mask positions)
    pair_starts = x_m[bidx, 2 * sel]       # [B, k, C], topk order
    pair_ends = x_m[bidx, 2 * sel + 1]     # [B, k, C], topk order
    sel_sorted = jnp.sort(sel, axis=1)
    exp_pos = jnp.take_along_axis(start_positions, sel_sorted, axis=1)  # [B, k], ascending-position order
    y = y.at[bidx, exp_pos].set(pair_starts, mode='drop')
    y = y.at[bidx, exp_pos + 1].set(pair_ends, mode='drop')
    return y

if __name__ == "__main__":
    import jax
    _d = setup_inputs()
    print(jax.jit(kernel)(*tuple(_d.values())))

</pallas_src>

<mosaic_0001>
#map = affine_map<(d0, d1) -> (0)>
#map1 = affine_map<(d0, d1) -> (0, 0)>
module attributes {stable_mosaic.version = 14 : i64} {
  func.func @_sc_interleave_body(%arg0: i32, %arg1: i32, %arg2: memref<8192xi32, #tpu.memory_space<hbm>>, %arg3: memref<16384x2048xf32, #tpu.memory_space<hbm>>, %arg4: memref<8192x2048xf32, #tpu.memory_space<hbm>>, %arg5: memref<10240x2048xf32, #tpu.memory_space<hbm>>, %arg6: memref<4096xi32, #tpu.memory_space<vmem>>, %arg7: memref<3072xi32, #tpu.memory_space<vmem>>, %arg8: memref<3072xi32, #tpu.memory_space<vmem>>, %arg9: memref<1024xi32, #tpu.memory_space<vmem>>, %arg10: memref<1024xi32, #tpu.memory_space<vmem>>, %arg11: memref<2048xi32, #tpu.memory_space<vmem>>, %arg12: memref<2048xi32, #tpu.memory_space<vmem>>, %arg13: memref<3072xi32, #tpu.memory_space<vmem_shared>>, %arg14: memref<3072xi32, #tpu.memory_space<vmem_shared>>, %arg15: memref<2048xi32, #tpu.memory_space<vmem_shared>>, %arg16: memref<2048xi32, #tpu.memory_space<vmem_shared>>, %arg17: memref<192xi32, #tpu.memory_space<vmem>>, %arg18: memref<192xi32, #tpu.memory_space<vmem>>, %arg19: memref<128xi32, #tpu.memory_space<vmem>>, %arg20: memref<128xi32, #tpu.memory_space<vmem>>, %arg21: memref<3x16x2048xf32, #tpu.memory_space<vmem>>, %arg22: memref<3x!tpu.dma_semaphore, #tpu.memory_space<semaphore_mem>>, %arg23: memref<3x!tpu.dma_semaphore, #tpu.memory_space<semaphore_mem>>) attributes {dimension_semantics = [#tpu.dimension_semantics<core_parallel>, #tpu.dimension_semantics<subcore_parallel>], iteration_bounds = array<i64: 2, 16>, scalar_prefetch = 0 : i64, scratch_operands = 18 : i64, tpu.core_type = #tpu.core_type<sc_vector_subcore>, window_params = [{transform_indices = #map}, {transform_indices = #map1}, {transform_indices = #map1}, {transform_indices = #map1}]} {
    %iota3A = tpu.iota {dimensions = array<i32: 0>} : vector<16xi32>
    %eq3A = arith.constant 0 : i32
    %eq3A_0 = arith.cmpi eq, %arg1, %eq3A : i32
    %convert_element_type3A = arith.extui %eq3A_0 : i1 to i32
    %cond3A = arith.constant 0 : i32
    %cond3A_1 = arith.cmpi ne, %convert_element_type3A, %cond3A : i32
    scf.if %cond3A_1 {
      %mul3A_966 = arith.constant 4096 : i32
      %mul3A_967 = arith.muli %arg0, %mul3A_966 : i32
      "tpu.region"() ({
        %run_scoped3A = tpu.sem_alloc : memref<!tpu.dma_semaphore, #tpu.memory_space<semaphore_mem>>
        %dma_start3A_980 = tpu.memref_slice %arg2[%mul3A_967] : memref<8192xi32, #tpu.memory_space<hbm>> -> memref<4096xi32, #tpu.memory_space<hbm>>
        %dma_start3A_981 = tpu.memref_slice %arg2[%mul3A_967] : memref<8192xi32, #tpu.memory_space<hbm>> -> memref<4096xi32, #tpu.memory_space<hbm>>
        tpu.enqueue_dma source(%dma_start3A_981 : memref<4096xi32, #tpu.memory_space<hbm>>) target(%arg6 : memref<4096xi32, #tpu.memory_space<vmem>>) target_semaphore(%run_scoped3A : memref<!tpu.dma_semaphore, #tpu.memory_space<semaphore_mem>>)
        %dma_wait3A_982 = tpu.memref_slice %arg2[%mul3A_967] : memref<8192xi32, #tpu.memory_space<hbm>> -> memref<4096xi32, #tpu.memory_space<hbm>>
        %dma_wait3A_983 = tpu.memref_slice %arg2[%mul3A_967] : memref<8192xi32, #tpu.memory_space<hbm>> -> memref<4096xi32, #tpu.memory_space<hbm>>
        tpu.wait_dma2 semaphore(%run_scoped3A : memref<!tpu.dma_semaphore, #tpu.memory_space<semaphore_mem>>) src(%dma_wait3A_983 : memref<4096xi32, #tpu.memory_space<hbm>>) dst(%arg6 : memref<4096xi32, #tpu.memory_space<vmem>>)
        tpu.yield
      }) : () -> ()
      %scan3A = arith.constant 0 : i32
      %scan3A_968 = arith.constant 0 : i32
      %scan3A_969 = arith.constant 256 : i32
      %scan3A_970 = arith.addi %scan3A_968, %scan3A_969 : i32
      %scan3A_971 = arith.constant 1 : i32
      %scan3A_972 = scf.for %scan3A_980 = %scan3A_968 to %scan3A_970 step %scan3A_971 iter_args(%scan3A_981 = %scan3A) -> (i32)  : i32 {
        %mul3A_982 = arith.constant 16 : i32
        %mul3A_983 = arith.muli %scan3A_980, %mul3A_982 : i32
        %get3A_984 = arith.index_cast %mul3A_983 : i32 to index
        %get3A_985 = tpu.vector_load %arg6[%get3A_984] {strides = array<i32>} : memref<4096xi32, #tpu.memory_space<vmem>>, vector<16xi32>,
        %lt3A = arith.constant 1024 : i32
        %lt3A_986 = vector.broadcast %lt3A : i32 to vector<16xi32>
        %lt3A_987 = arith.cmpi slt, %get3A_985, %lt3A_986 : vector<16xi32>
        %convert_element_type3A_988 = arith.extui %lt3A_987 : vector<16xi1> to vector<16xi32>
        %broadcast_in_dim3A = arith.constant true
        %broadcast_in_dim3A_989 = vector.broadcast %broadcast_in_dim3A : i1 to vector<16xi1>
        %masked_cumsum3A = tpu.scan <sum>, %convert_element_type3A_988 masked %broadcast_in_dim3A_989 : vector<16xi32>, vector<16xi1> -> vector<16xi32>
        %sub3A = arith.subi %masked_cumsum3A, %convert_element_type3A_988 : vector<16xi32>
        %add3A = vector.broadcast %scan3A_981 : i32 to vector<16xi32>
        %add3A_990 = arith.addi %add3A, %sub3A : vector<16xi32>
        %mul3A_991 = arith.constant 16 : i32
        %mul3A_992 = arith.muli %scan3A_980, %mul3A_991 : i32
        %add3A_993 = vector.broadcast %mul3A_992 : i32 to vector<16xi32>
        %add3A_994 = arith.addi %add3A_993, %iota3A : vector<16xi32>
        %add3A_995 = arith.addi %add3A_994, %add3A_990 : vector<16xi32>
        %sub3A_996 = arith.subi %add3A_994, %add3A_990 : vector<16xi32>
        %not3A = arith.constant dense<true> : vector<16xi1>
        %not3A_997 = arith.xori %lt3A_987, %not3A : vector<16xi1>
        %mul3A_998 = arith.constant 4096 : i32
        %mul3A_999 = arith.muli %arg0, %mul3A_998 : i32
        %add3A_1000 = vector.broadcast %mul3A_999 : i32 to vector<16xi32>
        %add3A_1001 = arith.addi %add3A_994, %add3A_1000 : vector<16xi32>
        tpu.vector_store_idx %arg7[%sub3A_996], %add3A_1001 masked %not3A_997 : memref<3072xi32, #tpu.memory_space<vmem>>[vector<16xi32>], vector<16xi32>, vector<16xi1>
        %mul3A_1002 = arith.constant 5120 : i32
        %mul3A_1003 = arith.muli %arg0, %mul3A_1002 : i32
        %add3A_1004 = vector.broadcast %mul3A_1003 : i32 to vector<16xi32>
        %add3A_1005 = arith.addi %add3A_995, %add3A_1004 : vector<16xi32>
        tpu.vector_store_idx %arg8[%sub3A_996], %add3A_1005 masked %not3A_997 : memref<3072xi32, #tpu.memory_space<vmem>>[vector<16xi32>], vector<16xi32>, vector<16xi1>
        tpu.vector_store_idx %arg9[%get3A_985], %add3A_994 masked %lt3A_987 : memref<1024xi32, #tpu.memory_space<vmem>>[vector<16xi32>], vector<16xi32>, vector<16xi1>
        %mul3A_1006 = arith.constant 5120 : i32
        %mul3A_1007 = arith.muli %arg0, %mul3A_1006 : i32
        %add3A_1008 = vector.broadcast %mul3A_1007 : i32 to vector<16xi32>
        %add3A_1009 = arith.addi %add3A_995, %add3A_1008 : vector<16xi32>
        tpu.vector_store_idx %arg10[%add3A_990], %add3A_1009 masked %lt3A_987 : memref<1024xi32, #tpu.memory_space<vmem>>[vector<16xi32>], vector<16xi32>, vector<16xi1>
        %reduce_sum3A = arith.constant true
        %reduce_sum3A_1010 = vector.broadcast %reduce_sum3A : i1 to vector<16xi1>
        %reduce_sum3A_1011 = tpu.scan <sum>, %convert_element_type3A_988 masked %reduce_sum3A_1010 : vector<16xi32>, vector<16xi1> -> vector<16xi32>
        %reduce_sum3A_1012 = vector.extract %reduce_sum3A_1011[15] : i32 from vector<16xi32>
        %add3A_1013 = arith.addi %scan3A_981, %reduce_sum3A_1012 : i32
        scf.yield %add3A_1013 : i32
      }
      %scan3A_973 = arith.constant 256 : i32
      %scan3A_974 = arith.constant 0 : i32
      %scan3A_975 = arith.constant 0 : i32
      %scan3A_976 = arith.constant 64 : i32
      %scan3A_977 = arith.addi %scan3A_975, %scan3A_976 : i32
      %scan3A_978 = arith.constant 1 : i32
      scf.for %scan3A_980 = %scan3A_975 to %scan3A_977 step %scan3A_978  : i32 {
        %mul3A_981 = arith.constant 16 : i32
        %mul3A_982 = arith.muli %scan3A_980, %mul3A_981 : i32
        %add3A = vector.broadcast %mul3A_982 : i32 to vector<16xi32>
        %add3A_983 = arith.addi %add3A, %iota3A : vector<16xi32>
        %mul3A_984 = arith.constant 16 : i32
        %mul3A_985 = arith.muli %scan3A_980, %mul3A_984 : i32
        %get3A_986 = arith.index_cast %mul3A_985 : i32 to index
        %get3A_987 = tpu.vector_load %arg9[%get3A_986] {strides = array<i32>} : memref<1024xi32, #tpu.memory_space<vmem>>, vector<16xi32>,
        %mul3A_988 = arith.constant 16 : i32
        %mul3A_989 = arith.muli %scan3A_980, %mul3A_988 : i32
        %get3A_990 = arith.index_cast %mul3A_989 : i32 to index
        %get3A_991 = tpu.vector_load %arg10[%get3A_990] {strides = array<i32>} : memref<1024xi32, #tpu.memory_space<vmem>>, vector<16xi32>,
        %mul3A_992 = arith.constant 2 : i32
        %mul3A_993 = vector.broadcast %mul3A_992 : i32 to vector<16xi32>
        %mul3A_994 = arith.muli %mul3A_993, %get3A_987 : vector<16xi32>
        %mul3A_995 = arith.constant 8192 : i32
        %mul3A_996 = arith.muli %arg0, %mul3A_995 : i32
        %add3A_997 = vector.broadcast %mul3A_996 : i32 to vector<16xi32>
        %add3A_998 = arith.addi %mul3A_994, %add3A_997 : vector<16xi32>
        %mul3A_999 = arith.constant 2 : i32
        %mul3A_1000 = vector.broadcast %mul3A_999 : i32 to vector<16xi32>
        %mul3A_1001 = arith.muli %mul3A_1000, %add3A_983 : vector<16xi32>
        tpu.vector_store_idx %arg11[%mul3A_1001], %add3A_998 : memref<2048xi32, #tpu.memory_space<vmem>>[vector<16xi32>], vector<16xi32>,
        %mul3A_1002 = arith.constant 2 : i32
        %mul3A_1003 = vector.broadcast %mul3A_1002 : i32 to vector<16xi32>
        %mul3A_1004 = arith.muli %mul3A_1003, %add3A_983 : vector<16xi32>
        %add3A_1005 = arith.constant 1 : i32
        %add3A_1006 = vector.broadcast %add3A_1005 : i32 to vector<16xi32>
        %add3A_1007 = arith.addi %mul3A_1004, %add3A_1006 : vector<16xi32>
        %add3A_1008 = arith.constant 1 : i32
        %add3A_1009 = vector.broadcast %add3A_1008 : i32 to vector<16xi32>
        %add3A_1010 = arith.addi %add3A_998, %add3A_1009 : vector<16xi32>
        tpu.vector_store_idx %arg11[%add3A_1007], %add3A_1010 : memref<2048xi32, #tpu.memory_space<vmem>>[vector<16xi32>], vector<16xi32>,
        %mul3A_1011 = arith.constant 2 : i32
        %mul3A_1012 = vector.broadcast %mul3A_1011 : i32 to vector<16xi32>
        %mul3A_1013 = arith.muli %mul3A_1012, %add3A_983 : vector<16xi32>
        tpu.vector_store_idx %arg12[%mul3A_1013], %get3A_991 : memref<2048xi32, #tpu.memory_space<vmem>>[vector<16xi32>], vector<16xi32>,
        %mul3A_1014 = arith.constant 2 : i32
        %mul3A_1015 = vector.broadcast %mul3A_1014 : i32 to vector<16xi32>
        %mul3A_1016 = arith.muli %mul3A_1015, %add3A_983 : vector<16xi32>
        %add3A_1017 = arith.constant 1 : i32
        %add3A_1018 = vector.broadcast %add3A_1017 : i32 to vector<16xi32>
        %add3A_1019 = arith.addi %mul3A_1016, %add3A_1018 : vector<16xi32>
        %add3A_1020 = arith.constant 1 : i32
        %add3A_1021 = vector.broadcast %add3A_1020 : i32 to vector<16xi32>
        %add3A_1022 = arith.addi %get3A_991, %add3A_1021 : vector<16xi32>
        tpu.vector_store_idx %arg12[%add3A_1019], %add3A_1022 : memref<2048xi32, #tpu.memory_space<vmem>>[vector<16xi32>], vector<16xi32>,
      }
      %scan3A_979 = arith.constant 64 : i32
      "tpu.region"() ({
        %run_scoped3A = tpu.sem_alloc : memref<!tpu.dma_semaphore, #tpu.memory_space<semaphore_mem>>
        tpu.enqueue_dma source(%arg7 : memref<3072xi32, #tpu.memory_space<vmem>>) target(%arg13 : memref<3072xi32, #tpu.memory_space<vmem_shared>>) target_semaphore(%run_scoped3A : memref<!tpu.dma_semaphore, #tpu.memory_space<semaphore_mem>>)
        tpu.wait_dma2 semaphore(%run_scoped3A : memref<!tpu.dma_semaphore, #tpu.memory_space<semaphore_mem>>) src(%arg7 : memref<3072xi32, #tpu.memory_space<vmem>>) dst(%arg13 : memref<3072xi32, #tpu.memory_space<vmem_shared>>)
        tpu.yield
      }) : () -> ()
      "tpu.region"() ({
        %run_scoped3A = tpu.sem_alloc : memref<!tpu.dma_semaphore, #tpu.memory_space<semaphore_mem>>
        tpu.enqueue_dma source(%arg8 : memref<3072xi32, #tpu.memory_space<vmem>>) target(%arg14 : memref<3072xi32, #tpu.memory_space<vmem_shared>>) target_semaphore(%run_scoped3A : memref<!tpu.dma_semaphore, #tpu.memory_space<semaphore_mem>>)
        tpu.wait_dma2 semaphore(%run_scoped3A : memref<!tpu.dma_semaphore, #tpu.memory_space<semaphore_mem>>) src(%arg8 : memref<3072xi32, #tpu.memory_space<vmem>>) dst(%arg14 : memref<3072xi32, #tpu.memory_space<vmem_shared>>)
        tpu.yield
      }) : () -> ()
      "tpu.region"() ({
        %run_scoped3A = tpu.sem_alloc : memref<!tpu.dma_semaphore, #tpu.memory_space<semaphore_mem>>
        tpu.enqueue_dma source(%arg11 : memref<2048xi32, #tpu.memory_space<vmem>>) target(%arg15 : memref<2048xi32, #tpu.memory_space<vmem_shared>>) target_semaphore(%run_scoped3A : memref<!tpu.dma_semaphore, #tpu.memory_space<semaphore_mem>>)
        tpu.wait_dma2 semaphore(%run_scoped3A : memref<!tpu.dma_semaphore, #tpu.memory_space<semaphore_mem>>) src(%arg11 : memref<2048xi32, #tpu.memory_space<vmem>>) dst(%arg15 : memref<2048xi32, #tpu.memory_space<vmem_shared>>)
        tpu.yield
      }) : () -> ()
      "tpu.region"() ({
        %run_scoped3A = tpu.sem_alloc : memref<!tpu.dma_semaphore, #tpu.memory_space<semaphore_mem>>
        tpu.enqueue_dma source(%arg12 : memref<2048xi32, #tpu.memory_space<vmem>>) target(%arg16 : memref<2048xi32, #tpu.memory_space<vmem_shared>>) target_semaphore(%run_scoped3A : memref<!tpu.dma_semaphore, #tpu.memory_space<semaphore_mem>>)
        tpu.wait_dma2 semaphore(%run_scoped3A : memref<!tpu.dma_semaphore, #tpu.memory_space<semaphore_mem>>) src(%arg12 : memref<2048xi32, #tpu.memory_space<vmem>>) dst(%arg16 : memref<2048xi32, #tpu.memory_space<vmem_shared>>)
        tpu.yield
      }) : () -> ()
    } else {
    }
    %barrier3A = arith.constant 0 : index
    tpu.barrier barrier_id(%barrier3A)
    %mul3A = arith.constant 192 : i32
    %mul3A_2 = arith.muli %arg1, %mul3A : i32
    "tpu.region"() ({
      %run_scoped3A = tpu.sem_alloc : memref<!tpu.dma_semaphore, #tpu.memory_space<semaphore_mem>>
      %dma_start3A_966 = tpu.memref_slice %arg13[%mul3A_2] : memref<3072xi32, #tpu.memory_space<vmem_shared>> -> memref<192xi32, #tpu.memory_space<vmem_shared>>
      %dma_start3A_967 = tpu.memref_slice %arg13[%mul3A_2] : memref<3072xi32, #tpu.memory_space<vmem_shared>> -> memref<192xi32, #tpu.memory_space<vmem_shared>>
      tpu.enqueue_dma source(%dma_start3A_967 : memref<192xi32, #tpu.memory_space<vmem_shared>>) target(%arg17 : memref<192xi32, #tpu.memory_space<vmem>>) target_semaphore(%run_scoped3A : memref<!tpu.dma_semaphore, #tpu.memory_space<semaphore_mem>>)
      %dma_wait3A_968 = tpu.memref_slice %arg13[%mul3A_2] : memref<3072xi32, #tpu.memory_space<vmem_shared>> -> memref<192xi32, #tpu.memory_space<vmem_shared>>
      %dma_wait3A_969 = tpu.memref_slice %arg13[%mul3A_2] : memref<3072xi32, #tpu.memory_space<vmem_shared>> -> memref<192xi32, #tpu.memory_space<vmem_shared>>
      tpu.wait_dma2 semaphore(%run_scoped3A : memref<!tpu.dma_semaphore, #tpu.memory_space<semaphore_mem>>) src(%dma_wait3A_969 : memref<192xi32, #tpu.memory_space<vmem_shared>>) dst(%arg17 : memref<192xi32, #tpu.memory_space<vmem>>)
      tpu.yield
    }) : () -> ()
    %mul3A_3 = arith.constant 192 : i32
    %mul3A_4 = arith.muli %arg1, %mul3A_3 : i32
    "tpu.region"() ({
      %run_scoped3A = tpu.sem_alloc : memref<!tpu.dma_semaphore, #tpu.memory_space<semaphore_mem>>
      %dma_start3A_966 = tpu.memref_slice %arg14[%mul3A_4] : memref<3072xi32, #tpu.memory_space<vmem_shared>> -> memref<192xi32, #tpu.memory_space<vmem_shared>>
      %dma_start3A_967 = tpu.memref_slice %arg14[%mul3A_4] : memref<3072xi32, #tpu.memory_space<vmem_shared>> -> memref<192xi32, #tpu.memory_space<vmem_shared>>
      tpu.enqueue_dma source(%dma_start3A_967 : memref<192xi32, #tpu.memory_space<vmem_shared>>) target(%arg18 : memref<192xi32, #tpu.memory_space<vmem>>) target_semaphore(%run_scoped3A : memref<!tpu.dma_semaphore, #tpu.memory_space<semaphore_mem>>)
      %dma_wait3A_968 = tpu.memref_slice %arg14[%mul3A_4] : memref<3072xi32, #tpu.memory_space<vmem_shared>> -> memref<192xi32, #tpu.memory_space<vmem_shared>>
      %dma_wait3A_969 = tpu.memref_slice %arg14[%mul3A_4] : memref<3072xi32, #tpu.memory_space<vmem_shared>> -> memref<192xi32, #tpu.memory_space<vmem_shared>>
      tpu.wait_dma2 semaphore(%run_scoped3A : memref<!tpu.dma_semaphore, #tpu.memory_space<semaphore_mem>>) src(%dma_wait3A_969 : memref<192xi32, #tpu.memory_space<vmem_shared>>) dst(%arg18 : memref<192xi32, #tpu.memory_space<vmem>>)
      tpu.yield
    }) : () -> ()
    %mul3A_5 = arith.constant 128 : i32
    %mul3A_6 = arith.muli %arg1, %mul3A_5 : i32
    "tpu.region"() ({
      %run_scoped3A = tpu.sem_alloc : memref<!tpu.dma_semaphore, #tpu.memory_space<semaphore_mem>>
      %dma_start3A_966 = tpu.memref_slice %arg15[%mul3A_6] : memref<2048xi32, #tpu.memory_space<vmem_shared>> -> memref<128xi32, #tpu.memory_space<vmem_shared>>
      %dma_start3A_967 = tpu.memref_slice %arg15[%mul3A_6] : memref<2048xi32, #tpu.memory_space<vmem_shared>> -> memref<128xi32, #tpu.memory_space<vmem_shared>>
      tpu.enqueue_dma source(%dma_start3A_967 : memref<128xi32, #tpu.memory_space<vmem_shared>>) target(%arg19 : memref<128xi32, #tpu.memory_space<vmem>>) target_semaphore(%run_scoped3A : memref<!tpu.dma_semaphore, #tpu.memory_space<semaphore_mem>>)
      %dma_wait3A_968 = tpu.memref_slice %arg15[%mul3A_6] : memref<2048xi32, #tpu.memory_space<vmem_shared>> -> memref<128xi32, #tpu.memory_space<vmem_shared>>
      %dma_wait3A_969 = tpu.memref_slice %arg15[%mul3A_6] : memref<2048xi32, #tpu.memory_space<vmem_shared>> -> memref<128xi32, #tpu.memory_space<vmem_shared>>
      tpu.wait_dma2 semaphore(%run_scoped3A : memref<!tpu.dma_semaphore, #tpu.memory_space<semaphore_mem>>) src(%dma_wait3A_969 : memref<128xi32, #tpu.memory_space<vmem_shared>>) dst(%arg19 : memref<128xi32, #tpu.memory_space<vmem>>)
      tpu.yield
    }) : () -> ()
    %mul3A_7 = arith.constant 128 : i32
    %mul3A_8 = arith.muli %arg1, %mul3A_7 : i32
    "tpu.region"() ({
      %run_scoped3A = tpu.sem_alloc : memref<!tpu.dma_semaphore, #tpu.memory_space<semaphore_mem>>
      %dma_start3A_966 = tpu.memref_slice %arg16[%mul3A_8] : memref<2048xi32, #tpu.memory_space<vmem_shared>> -> memref<128xi32, #tpu.memory_space<vmem_shared>>
      %dma_start3A_967 = tpu.memref_slice %arg16[%mul3A_8] : memref<2048xi32, #tpu.memory_space<vmem_shared>> -> memref<128xi32, #tpu.memory_space<vmem_shared>>
      tpu.enqueue_dma source(%dma_start3A_967 : memref<128xi32, #tpu.memory_space<vmem_shared>>) target(%arg20 : memref<128xi32, #tpu.memory_space<vmem>>) target_semaphore(%run_scoped3A : memref<!tpu.dma_semaphore, #tpu.memory_space<semaphore_mem>>)
      %dma_wait3A_968 = tpu.memref_slice %arg16[%mul3A_8] : memref<2048xi32, #tpu.memory_space<vmem_shared>> -> memref<128xi32, #tpu.memory_space<vmem_shared>>
      %dma_wait3A_969 = tpu.memref_slice %arg16[%mul3A_8] : memref<2048xi32, #tpu.memory_space<vmem_shared>> -> memref<128xi32, #tpu.memory_space<vmem_shared>>
      tpu.wait_dma2 semaphore(%run_scoped3A : memref<!tpu.dma_semaphore, #tpu.memory_space<semaphore_mem>>) src(%dma_wait3A_969 : memref<128xi32, #tpu.memory_space<vmem_shared>>) dst(%arg20 : memref<128xi32, #tpu.memory_space<vmem>>)
      tpu.yield
    }) : () -> ()
    %get3A = arith.constant 0 : index
    %get3A_9 = tpu.vector_load %arg17[%get3A] {strides = array<i32>} : memref<192xi32, #tpu.memory_space<vmem>>, vector<16xi32>,
    %dma_start3A = arith.constant 0 : i32
    %dma_start3A_10 = arith.constant 0 : i32
    %dma_start3A_11 = arith.constant 0 : i32
    %dma_start3A_12 = arith.constant 0 : i32
    %dma_start3A_13 = tpu.memref_slice %arg21[%dma_start3A, %dma_start3A_11, %dma_start3A_12] : memref<3x16x2048xf32, #tpu.memory_space<vmem>> -> memref<1x16x2048xf32, #tpu.memory_space<vmem>>
    %dma_start3A_14 = tpu.memref_squeeze %dma_start3A_13 : memref<1x16x2048xf32, #tpu.memory_space<vmem>> -> memref<16x2048xf32, #tpu.memory_space<vmem>>
    %dma_start3A_15 = arith.constant 0 : i32
    %dma_start3A_16 = arith.constant 0 : i32
    %dma_start3A_17 = tpu.memref_slice %arg4[%dma_start3A_15, %dma_start3A_16] : memref<8192x2048xf32, #tpu.memory_space<hbm>> -> memref<8192x2048xf32, #tpu.memory_space<hbm>>
    %dma_start3A_18 = tpu.memref_slice %arg22[%dma_start3A_10] : memref<3x!tpu.dma_semaphore, #tpu.memory_space<semaphore_mem>> -> memref<1x!tpu.dma_semaphore, #tpu.memory_space<semaphore_mem>>
    %dma_start3A_19 = tpu.memref_squeeze %dma_start3A_18 : memref<1x!tpu.dma_semaphore, #tpu.memory_space<semaphore_mem>> -> memref<!tpu.dma_semaphore, #tpu.memory_space<semaphore_mem>>
    tpu.enqueue_indirect_dma source(%dma_start3A_17 : memref<8192x2048xf32, #tpu.memory_space<hbm>>) target(%dma_start3A_14 : memref<16x2048xf32, #tpu.memory_space<vmem>>) offsets(%get3A_9 : vector<16xi32>) semaphore(%dma_start3A_19 : memref<!tpu.dma_semaphore, #tpu.memory_space<semaphore_mem>>)
    %get3A_20 = arith.constant 16 : index
    %get3A_21 = tpu.vector_load %arg17[%get3A_20] {strides = array<i32>} : memref<192xi32, #tpu.memory_space<vmem>>, vector<16xi32>,
    %dma_start3A_22 = arith.constant 1 : i32
    %dma_start3A_23 = arith.constant 1 : i32
    %dma_start3A_24 = arith.constant 0 : i32
    %dma_start3A_25 = arith.constant 0 : i32
    %dma_start3A_26 = tpu.memref_slice %arg21[%dma_start3A_22, %dma_start3A_24, %dma_start3A_25] : memref<3x16x2048xf32, #tpu.memory_space<vmem>> -> memref<1x16x2048xf32, #tpu.memory_space<vmem>>
    %dma_start3A_27 = tpu.memref_squeeze %dma_start3A_26 : memref<1x16x2048xf32, #tpu.memory_space<vmem>> -> memref<16x2048xf32, #tpu.memory_space<vmem>>
    %dma_start3A_28 = arith.constant 0 : i32
    %dma_start3A_29 = arith.constant 0 : i32
    %dma_start3A_30 = tpu.memref_slice %arg4[%dma_start3A_28, %dma_start3A_29] : memref<8192x2048xf32, #tpu.memory_space<hbm>> -> memref<8192x2048xf32, #tpu.memory_space<hbm>>
    %dma_start3A_31 = tpu.memref_slice %arg22[%dma_start3A_23] : memref<3x!tpu.dma_semaphore, #tpu.memory_space<semaphore_mem>> -> memref<1x!tpu.dma_semaphore, #tpu.memory_space<semaphore_mem>>
    %dma_start3A_32 = tpu.memref_squeeze %dma_start3A_31 : memref<1x!tpu.dma_semaphore, #tpu.memory_space<semaphore_mem>> -> memref<!tpu.dma_semaphore, #tpu.memory_space<semaphore_mem>>
    tpu.enqueue_indirect_dma source(%dma_start3A_30 : memref<8192x2048xf32, #tpu.memory_space<hbm>>) target(%dma_start3A_27 : memref<16x2048xf32, #tpu.memory_space<vmem>>) offsets(%get3A_21 : vector<16xi32>) semaphore(%dma_start3A_32 : memref<!tpu.dma_semaphore, #tpu.memory_space<semaphore_mem>>)
    %get3A_33 = arith.constant 32 : index
    %get3A_34 = tpu.vector_load %arg17[%get3A_33] {strides = array<i32>} : memref<192xi32, #tpu.memory_space<vmem>>, vector<16xi32>,
    %dma_start3A_35 = arith.constant 2 : i32
    %dma_start3A_36 = arith.constant 2 : i32
    %dma_start3A_37 = arith.constant 0 : i32
    %dma_start3A_38 = arith.constant 0 : i32
    %dma_start3A_39 = tpu.memref_slice %arg21[%dma_start3A_35, %dma_start3A_37, %dma_start3A_38] : memref<3x16x2048xf32, #tpu.memory_space<vmem>> -> memref<1x16x2048xf32, #tpu.memory_space<vmem>>
    %dma_start3A_40 = tpu.memref_squeeze %dma_start3A_39 : memref<1x16x2048xf32, #tpu.memory_space<vmem>> -> memref<16x2048xf32, #tpu.memory_space<vmem>>
    %dma_start3A_41 = arith.constant 0 : i32
    %dma_start3A_42 = arith.constant 0 : i32
    %dma_start3A_43 = tpu.memref_slice %arg4[%dma_start3A_41, %dma_start3A_42] : memref<8192x2048xf32, #tpu.memory_space<hbm>> -> memref<8192x2048xf32, #tpu.memory_space<hbm>>
    %dma_start3A_44 = tpu.memref_slice %arg22[%dma_start3A_36] : memref<3x!tpu.dma_semaphore, #tpu.memory_space<semaphore_mem>> -> memref<1x!tpu.dma_semaphore, #tpu.memory_space<semaphore_mem>>
    %dma_start3A_45 = tpu.memref_squeeze %dma_start3A_44 : memref<1x!tpu.dma_semaphore, #tpu.memory_space<semaphore_mem>> -> memref<!tpu.dma_semaphore, #tpu.memory_space<semaphore_mem>>
    tpu.enqueue_indirect_dma source(%dma_start3A_43 : memref<8192x2048xf32, #tpu.memory_space<hbm>>) target(%dma_start3A_40 : memref<16x2048xf32, #tpu.memory_space<vmem>>) offsets(%get3A_34 : vector<16xi32>) semaphore(%dma_start3A_45 : memref<!tpu.dma_semaphore, #tpu.memory_space<semaphore_mem>>)
    %dma_wait3A = arith.constant 0 : i32
    %dma_wait3A_46 = arith.constant 0 : i32
    %dma_wait3A_47 = arith.constant 0 : i32
    %dma_wait3A_48 = arith.constant 0 : i32
    %dma_wait3A_49 = tpu.memref_slice %arg21[%dma_wait3A, %dma_wait3A_47, %dma_wait3A_48] : memref<3x16x2048xf32, #tpu.memory_space<vmem>> -> memref<1x16x2048xf32, #tpu.memory_space<vmem>>
    %dma_wait3A_50 = tpu.memref_squeeze %dma_wait3A_49 : memref<1x16x2048xf32, #tpu.memory_space<vmem>> -> memref<16x2048xf32, #tpu.memory_space<vmem>>
    %dma_wait3A_51 = arith.constant 0 : i32
    %dma_wait3A_52 = arith.constant 0 : i32
    %dma_wait3A_53 = tpu.memref_slice %arg4[%dma_wait3A_51, %dma_wait3A_52] : memref<8192x2048xf32, #tpu.memory_space<hbm>> -> memref<8192x2048xf32, #tpu.memory_space<hbm>>
    %dma_wait3A_54 = tpu.memref_slice %arg22[%dma_wait3A_46] : memref<3x!tpu.dma_semaphore, #tpu.memory_space<semaphore_mem>> -> memref<1x!tpu.dma_semaphore, #tpu.memory_space<semaphore_mem>>
    %dma_wait3A_55 = tpu.memref_squeeze %dma_wait3A_54 : memref<1x!tpu.dma_semaphore, #tpu.memory_space<semaphore_mem>> -> memref<!tpu.dma_semaphore, #tpu.memory_space<semaphore_mem>>
    tpu.wait_indirect_dma semaphore(%dma_wait3A_55 : memref<!tpu.dma_semaphore, #tpu.memory_space<semaphore_mem>>) src(%dma_wait3A_53 : memref<8192x2048xf32, #tpu.memory_space<hbm>>) dst(%dma_wait3A_50 : memref<16x2048xf32, #tpu.memory_space<vmem>>)
    %get3A_56 = arith.constant 0 : index
    %get3A_57 = tpu.vector_load %arg18[%get3A_56] {strides = array<i32>} : memref<192xi32, #tpu.memory_space<vmem>>, vector<16xi32>,
    %dma_start3A_58 = arith.constant 0 : i32
    %dma_start3A_59 = arith.constant 0 : i32
    %dma_start3A_60 = arith.constant 0 : i32
    %dma_start3A_61 = arith.constant 0 : i32
    %dma_start3A_62 = tpu.memref_slice %arg21[%dma_start3A_58, %dma_start3A_60, %dma_start3A_61] : memref<3x16x2048xf32, #tpu.memory_space<vmem>> -> memref<1x16x2048xf32, #tpu.memory_space<vmem>>
    %dma_start3A_63 = tpu.memref_squeeze %dma_start3A_62 : memref<1x16x2048xf32, #tpu.memory_space<vmem>> -> memref<16x2048xf32, #tpu.memory_space<vmem>>
    %dma_start3A_64 = arith.constant 0 : i32
    %dma_start3A_65 = arith.constant 0 : i32
    %dma_start3A_66 = tpu.memref_slice %arg5[%dma_start3A_64, %dma_start3A_65] : memref<10240x2048xf32, #tpu.memory_space<hbm>> -> memref<10240x2048xf32, #tpu.memory_space<hbm>>
    %dma_start3A_67 = tpu.memref_slice %arg23[%dma_start3A_59] : memref<3x!tpu.dma_semaphore, #tpu.memory_space<semaphore_mem>> -> memref<1x!tpu.dma_semaphore, #tpu.memory_space<semaphore_mem>>
    %dma_start3A_68 = tpu.memref_squeeze %dma_start3A_67 : memref<1x!tpu.dma_semaphore, #tpu.memory_space<semaphore_mem>> -> memref<!tpu.dma_semaphore, #tpu.memory_space<semaphore_mem>>
    tpu.enqueue_indirect_dma source(%dma_start3A_63 : memref<16x2048xf32, #tpu.memory_space<vmem>>) target(%dma_start3A_66 : memref<10240x2048xf32, #tpu.memory_space<hbm>>) offsets(%get3A_57 : vector<16xi32>) semaphore(%dma_start3A_68 : memref<!tpu.dma_semaphore, #tpu.memory_space<semaphore_mem>>)
    %dma_wait3A_69 = arith.constant 0 : i32
    %dma_wait3A_70 = arith.constant 0 : i32
    %dma_wait3A_71 = arith.constant 0 : i32
    %dma_wait3A_72 = arith.constant 0 : i32
    %dma_wait3A_73 = tpu.memref_slice %arg21[%dma_wait3A_69, %dma_wait3A_71, %dma_wait3A_72] : memref<3x16x2048xf32, #tpu.memory_space<vmem>> -> memref<1x16x2048xf32, #tpu.memory_space<vmem>>
    %dma_wait3A_74 = tpu.memref_squeeze %dma_wait3A_73 : memref<1x16x2048xf32, #tpu.memory_space<vmem>> -> memref<16x2048xf32, #tpu.memory_space<vmem>>
    %dma_wait3A_75 = arith.constant 0 : i32
    %dma_wait3A_76 = arith.constant 0 : i32
    %dma_wait3A_77 = tpu.memref_slice %arg5[%dma_wait3A_75, %dma_wait3A_76] : memref<10240x2048xf32, #tpu.memory_space<hbm>> -> memref<10240x2048xf32, #tpu.memory_space<hbm>>
    %dma_wait3A_78 = tpu.memref_slice %arg23[%dma_wait3A_70] : memref<3x!tpu.dma_semaphore, #tpu.memory_space<semaphore_mem>> -> memref<1x!tpu.dma_semaphore, #tpu.memory_space<semaphore_mem>>
    %dma_wait3A_79 = tpu.memref_squeeze %dma_wait3A_78 : memref<1x!tpu.dma_semaphore, #tpu.memory_space<semaphore_mem>> -> memref<!tpu.dma_semaphore, #tpu.memory_space<semaphore_mem>>
    tpu.wait_indirect_dma semaphore(%dma_wait3A_79 : memref<!tpu.dma_semaphore, #tpu.memory_space<semaphore_mem>>) src(%dma_wait3A_74 : memref<16x2048xf32, #tpu.memory_space<vmem>>) dst(%dma_wait3A_77 : memref<10240x2048xf32, #tpu.memory_space<hbm>>)
    %get3A_80 = arith.constant 48 : index
    %get3A_81 = tpu.vector_load %arg17[%get3A_80] {strides = array<i32>} : memref<192xi32, #tpu.memory_space<vmem>>, vector<16xi32>,
    %dma_start3A_82 = arith.constant 0 : i32
    %dma_start3A_83 = arith.constant 0 : i32
    %dma_start3A_84 = arith.constant 0 : i32
    %dma_start3A_85 = arith.constant 0 : i32
    %dma_start3A_86 = tpu.memref_slice %arg21[%dma_start3A_82, %dma_start3A_84, %dma_start3A_85] : memref<3x16x2048xf32, #tpu.memory_space<vmem>> -> memref<1x16x2048xf32, #tpu.memory_space<vmem>>
    %dma_start3A_87 = tpu.memref_squeeze %dma_start3A_86 : memref<1x16x2048xf32, #tpu.memory_space<vmem>> -> memref<16x2048xf32, #tpu.memory_space<vmem>>
    %dma_start3A_88 = arith.constant 0 : i32
    %dma_start3A_89 = arith.constant 0 : i32
    %dma_start3A_90 = tpu.memref_slice %arg4[%dma_start3A_88, %dma_start3A_89] : memref<8192x2048xf32, #tpu.memory_space<hbm>> -> memref<8192x2048xf32, #tpu.memory_space<hbm>>
    %dma_start3A_91 = tpu.memref_slice %arg22[%dma_start3A_83] : memref<3x!tpu.dma_semaphore, #tpu.memory_space<semaphore_mem>> -> memref<1x!tpu.dma_semaphore, #tpu.memory_space<semaphore_mem>>
    %dma_start3A_92 = tpu.memref_squeeze %dma_start3A_91 : memref<1x!tpu.dma_semaphore, #tpu.memory_space<semaphore_mem>> -> memref<!tpu.dma_semaphore, #tpu.memory_space<semaphore_mem>>
    tpu.enqueue_indirect_dma source(%dma_start3A_90 : memref<8192x2048xf32, #tpu.memory_space<hbm>>) target(%dma_start3A_87 : memref<16x2048xf32, #tpu.memory_space<vmem>>) offsets(%get3A_81 : vector<16xi32>) semaphore(%dma_start3A_92 : memref<!tpu.dma_semaphore, #tpu.memory_space<semaphore_mem>>)
    %dma_wait3A_93 = arith.constant 1 : i32
    %dma_wait3A_94 = arith.constant 1 : i32
    %dma_wait3A_95 = arith.constant 0 : i32
    %dma_wait3A_96 = arith.constant 0 : i32
    %dma_wait3A_97 = tpu.memref_slice %arg21[%dma_wait3A_93, %dma_wait3A_95, %dma_wait3A_96] : memref<3x16x2048xf32, #tpu.memory_space<vmem>> -> memref<1x16x2048xf32, #tpu.memory_space<vmem>>
    %dma_wait3A_98 = tpu.memref_squeeze %dma_wait3A_97 : memref<1x16x2048xf32, #tpu.memory_space<vmem>> -> memref<16x2048xf32, #tpu.memory_space<vmem>>
    %dma_wait3A_99 = arith.constant 0 : i32
    %dma_wait3A_100 = arith.constant 0 : i32
    %dma_wait3A_101 = tpu.memref_slice %arg4[%dma_wait3A_99, %dma_wait3A_100] : memref<8192x2048xf32, #tpu.memory_space<hbm>> -> memref<8192x2048xf32, #tpu.memory_space<hbm>>
    %dma_wait3A_102 = tpu.memref_slice %arg22[%dma_wait3A_94] : memref<3x!tpu.dma_semaphore, #tpu.memory_space<semaphore_mem>> -> memref<1x!tpu.dma_semaphore, #tpu.memory_space<semaphore_mem>>
    %dma_wait3A_103 = tpu.memref_squeeze %dma_wait3A_102 : memref<1x!tpu.dma_semaphore, #tpu.memory_space<semaphore_mem>> -> memref<!tpu.dma_semaphore, #tpu.memory_space<semaphore_mem>>
    tpu.wait_indirect_dma semaphore(%dma_wait3A_103 : memref<!tpu.dma_semaphore, #tpu.memory_space<semaphore_mem>>) src(%dma_wait3A_101 : memref<8192x2048xf32, #tpu.memory_space<hbm>>) dst(%dma_wait3A_98 : memref<16x2048xf32, #tpu.memory_space<vmem>>)
    %get3A_104 = arith.constant 16 : index
    %get3A_105 = tpu.vector_load %arg18[%get3A_104] {strides = array<i32>} : memref<192xi32, #tpu.memory_space<vmem>>, vector<16xi32>,
    %dma_start3A_106 = arith.constant 1 : i32
    %dma_start3A_107 = arith.constant 1 : i32
    %dma_start3A_108 = arith.constant 0 : i32
    %dma_start3A_109 = arith.constant 0 : i32
    %dma_start3A_110 = tpu.memref_slice %arg21[%dma_start3A_106, %dma_start3A_108, %dma_start3A_109] : memref<3x16x2048xf32, #tpu.memory_space<vmem>> -> memref<1x16x2048xf32, #tpu.memory_space<vmem>>
    %dma_start3A_111 = tpu.memref_squeeze %dma_start3A_110 : memref<1x16x2048xf32, #tpu.memory_space<vmem>> -> memref<16x2048xf32, #tpu.memory_space<vmem>>
    %dma_start3A_112 = arith.constant 0 : i32
    %dma_start3A_113 = arith.constant 0 : i32
    %dma_start3A_114 = tpu.memref_slice %arg5[%dma_start3A_112, %dma_start3A_113] : memref<10240x2048xf32, #tpu.memory_space<hbm>> -> memref<10240x2048xf32, #tpu.memory_space<hbm>>
    %dma_start3A_115 = tpu.memref_slice %arg23[%dma_start3A_107] : memref<3x!tpu.dma_semaphore, #tpu.memory_space<semaphore_mem>> -> memref<1x!tpu.dma_semaphore, #tpu.memory_space<semaphore_mem>>
    %dma_start3A_116 = tpu.memref_squeeze %dma_start3A_115 : memref<1x!tpu.dma_semaphore, #tpu.memory_space<semaphore_mem>> -> memref<!tpu.dma_semaphore, #tpu.memory_space<semaphore_mem>>
    tpu.enqueue_indirect_dma source(%dma_start3A_111 : memref<16x2048xf32, #tpu.memory_space<vmem>>) target(%dma_start3A_114 : memref<10240x2048xf32, #tpu.memory_space<hbm>>) offsets(%get3A_105 : vector<16xi32>) semaphore(%dma_start3A_116 : memref<!tpu.dma_semaphore, #tpu.memory_space<semaphore_mem>>)
    %dma_wait3A_117 = arith.constant 1 : i32
    %dma_wait3A_118 = arith.constant 1 : i32
    %dma_wait3A_119 = arith.constant 0 : i32
    %dma_wait3A_120 = arith.constant 0 : i32
    %dma_wait3A_121 = tpu.memref_slice %arg21[%dma_wait3A_117, %dma_wait3A_119, %dma_wait3A_120] : memref<3x16x2048xf32, #tpu.memory_space<vmem>> -> memref<1x16x2048xf32, #tpu.memory_space<vmem>>
    %dma_wait3A_122 = tpu.memref_squeeze %dma_wait3A_121 : memref<1x16x2048xf32, #tpu.memory_space<vmem>> -> memref<16x2048xf32, #tpu.memory_space<vmem>>
    %dma_wait3A_123 = arith.constant 0 : i32
    %dma_wait3A_124 = arith.constant 0 : i32
    %dma_wait3A_125 = tpu.memref_slice %arg5[%dma_wait3A_123, %dma_wait3A_124] : memref<10240x2048xf32, #tpu.memory_space<hbm>> -> memref<10240x2048xf32, #tpu.memory_space<hbm>>
    %dma_wait3A_126 = tpu.memref_slice %arg23[%dma_wait3A_118] : memref<3x!tpu.dma_semaphore, #tpu.memory_space<semaphore_mem>> -> memref<1x!tpu.dma_semaphore, #tpu.memory_space<semaphore_mem>>
    %dma_wait3A_127 = tpu.memref_squeeze %dma_wait3A_126 : memref<1x!tpu.dma_semaphore, #tpu.memory_space<semaphore_mem>> -> memref<!tpu.dma_semaphore, #tpu.memory_space<semaphore_mem>>
    tpu.wait_indirect_dma semaphore(%dma_wait3A_127 : memref<!tpu.dma_semaphore, #tpu.memory_space<semaphore_mem>>) src(%dma_wait3A_122 : memref<16x2048xf32, #tpu.memory_space<vmem>>) dst(%dma_wait3A_125 : memref<10240x2048xf32, #tpu.memory_space<hbm>>)
    %get3A_128 = arith.constant 64 : index
    %get3A_129 = tpu.vector_load %arg17[%get3A_128] {strides = array<i32>} : memref<192xi32, #tpu.memory_space<vmem>>, vector<16xi32>,
    %dma_start3A_130 = arith.constant 1 : i32
    %dma_start3A_131 = arith.constant 1 : i32
    %dma_start3A_132 = arith.constant 0 : i32
    %dma_start3A_133 = arith.constant 0 : i32
    %dma_start3A_134 = tpu.memref_slice %arg21[%dma_start3A_130, %dma_start3A_132, %dma_start3A_133] : memref<3x16x2048xf32, #tpu.memory_space<vmem>> -> memref<1x16x2048xf32, #tpu.memory_space<vmem>>
    %dma_start3A_135 = tpu.memref_squeeze %dma_start3A_134 : memref<1x16x2048xf32, #tpu.memory_space<vmem>> -> memref<16x2048xf32, #tpu.memory_space<vmem>>
    %dma_start3A_136 = arith.constant 0 : i32
    %dma_start3A_137 = arith.constant 0 : i32
    %dma_start3A_138 = tpu.memref_slice %arg4[%dma_start3A_136, %dma_start3A_137] : memref<8192x2048xf32, #tpu.memory_space<hbm>> -> memref<8192x2048xf32, #tpu.memory_space<hbm>>
    %dma_start3A_139 = tpu.memref_slice %arg22[%dma_start3A_131] : memref<3x!tpu.dma_semaphore, #tpu.memory_space<semaphore_mem>> -> memref<1x!tpu.dma_semaphore, #tpu.memory_space<semaphore_mem>>
    %dma_start3A_140 = tpu.memref_squeeze %dma_start3A_139 : memref<1x!tpu.dma_semaphore, #tpu.memory_space<semaphore_mem>> -> memref<!tpu.dma_semaphore, #tpu.memory_space<semaphore_mem>>
    tpu.enqueue_indirect_dma source(%dma_start3A_138 : memref<8192x2048xf32, #tpu.memory_space<hbm>>) target(%dma_start3A_135 : memref<16x2048xf32, #tpu.memory_space<vmem>>) offsets(%get3A_129 : vector<16xi32>) semaphore(%dma_start3A_140 : memref<!tpu.dma_semaphore, #tpu.memory_space<semaphore_mem>>)
    %dma_wait3A_141 = arith.constant 2 : i32
    %dma_wait3A_142 = arith.constant 2 : i32
    %dma_wait3A_143 = arith.constant 0 : i32
    %dma_wait3A_144 = arith.constant 0 : i32
    %dma_wait3A_145 = tpu.memref_slice %arg21[%dma_wait3A_141, %dma_wait3A_143, %dma_wait3A_144] : memref<3x16x2048xf32, #tpu.memory_space<vmem>> -> memref<1x16x2048xf32, #tpu.memory_space<vmem>>
    %dma_wait3A_146 = tpu.memref_squeeze %dma_wait3A_145 : memref<1x16x2048xf32, #tpu.memory_space<vmem>> -> memref<16x2048xf32, #tpu.memory_space<vmem>>
    %dma_wait3A_147 = arith.constant 0 : i32
    %dma_wait3A_148 = arith.constant 0 : i32
    %dma_wait3A_149 = tpu.memref_slice %arg4[%dma_wait3A_147, %dma_wait3A_148] : memref<8192x2048xf32, #tpu.memory_space<hbm>> -> memref<8192x2048xf32, #tpu.memory_space<hbm>>
    %dma_wait3A_150 = tpu.memref_slice %arg22[%dma_wait3A_142] : memref<3x!tpu.dma_semaphore, #tpu.memory_space<semaphore_mem>> -> memref<1x!tpu.dma_semaphore, #tpu.memory_space<semaphore_mem>>
    %dma_wait3A_151 = tpu.memref_squeeze %dma_wait3A_150 : memref<1x!tpu.dma_semaphore, #tpu.memory_space<semaphore_mem>> -> memref<!tpu.dma_semaphore, #tpu.memory_space<semaphore_mem>>
    tpu.wait_indirect_dma semaphore(%dma_wait3A_151 : memref<!tpu.dma_semaphore, #tpu.memory_space<semaphore_mem>>) src(%dma_wait3A_149 : memref<8192x2048xf32, #tpu.memory_space<hbm>>) dst(%dma_wait3A_146 : memref<16x2048xf32, #tpu.memory_space<vmem>>)
    %get3A_152 = arith.constant 32 : index
    %get3A_153 = tpu.vector_load %arg18[%get3A_152] {strides = array<i32>} : memref<192xi32, #tpu.memory_space<vmem>>, vector<16xi32>,
    %dma_start3A_154 = arith.constant 2 : i32
    %dma_start3A_155 = arith.constant 2 : i32
    %dma_start3A_156 = arith.constant 0 : i32
    %dma_start3A_157 = arith.constant 0 : i32
    %dma_start3A_158 = tpu.memref_slice %arg21[%dma_start3A_154, %dma_start3A_156, %dma_start3A_157] : memref<3x16x2048xf32, #tpu.memory_space<vmem>> -> memref<1x16x2048xf32, #tpu.memory_space<vmem>>
    %dma_start3A_159 = tpu.memref_squeeze %dma_start3A_158 : memref<1x16x2048xf32, #tpu.memory_space<vmem>> -> memref<16x2048xf32, #tpu.memory_space<vmem>>
    %dma_start3A_160 = arith.constant 0 : i32
    %dma_start3A_161 = arith.constant 0 : i32
    %dma_start3A_162 = tpu.memref_slice %arg5[%dma_start3A_160, %dma_start3A_161] : memref<10240x2048xf32, #tpu.memory_space<hbm>> -> memref<10240x2048xf32, #tpu.memory_space<hbm>>
    %dma_start3A_163 = tpu.memref_slice %arg23[%dma_start3A_155] : memref<3x!tpu.dma_semaphore, #tpu.memory_space<semaphore_mem>> -> memref<1x!tpu.dma_semaphore, #tpu.memory_space<semaphore_mem>>
    %dma_start3A_164 = tpu.memref_squeeze %dma_start3A_163 : memref<1x!tpu.dma_semaphore, #tpu.memory_space<semaphore_mem>> -> memref<!tpu.dma_semaphore, #tpu.memory_space<semaphore_mem>>
    tpu.enqueue_indirect_dma source(%dma_start3A_159 : memref<16x2048xf32, #tpu.memory_space<vmem>>) target(%dma_start3A_162 : memref<10240x2048xf32, #tpu.memory_space<hbm>>) offsets(%get3A_153 : vector<16xi32>) semaphore(%dma_start3A_164 : memref<!tpu.dma_semaphore, #tpu.memory_space<semaphore_mem>>)
    %dma_wait3A_165 = arith.constant 2 : i32
    %dma_wait3A_166 = arith.constant 2 : i32
    %dma_wait3A_167 = arith.constant 0 : i32
    %dma_wait3A_168 = arith.constant 0 : i32
    %dma_wait3A_169 = tpu.memref_slice %arg21[%dma_wait3A_165, %dma_wait3A_167, %dma_wait3A_168] : memref<3x16x2048xf32, #tpu.memory_space<vmem>> -> memref<1x16x2048xf32, #tpu.memory_space<vmem>>
    %dma_wait3A_170 = tpu.memref_squeeze %dma_wait3A_169 : memref<1x16x2048xf32, #tpu.memory_space<vmem>> -> memref<16x2048xf32, #tpu.memory_space<vmem>>
    %dma_wait3A_171 = arith.constant 0 : i32
    %dma_wait3A_172 = arith.constant 0 : i32
    %dma_wait3A_173 = tpu.memref_slice %arg5[%dma_wait3A_171, %dma_wait3A_172] : memref<10240x2048xf32, #tpu.memory_space<hbm>> -> memref<10240x2048xf32, #tpu.memory_space<hbm>>
    %dma_wait3A_174 = tpu.memref_slice %arg23[%dma_wait3A_166] : memref<3x!tpu.dma_semaphore, #tpu.memory_space<semaphore_mem>> -> memref<1x!tpu.dma_semaphore, #tpu.memory_space<semaphore_mem>>
    %dma_wait3A_175 = tpu.memref_squeeze %dma_wait3A_174 : memref<1x!tpu.dma_semaphore, #tpu.memory_space<semaphore_mem>> -> memref<!tpu.dma_semaphore, #tpu.memory_space<semaphore_mem>>
    tpu.wait_indirect_dma semaphore(%dma_wait3A_175 : memref<!tpu.dma_semaphore, #tpu.memory_space<semaphore_mem>>) src(%dma_wait3A_170 : memref<16x2048xf32, #tpu.memory_space<vmem>>) dst(%dma_wait3A_173 : memref<10240x2048xf32, #tpu.memory_space<hbm>>)
    %get3A_176 = arith.constant 80 : index
    %get3A_177 = tpu.vector_load %arg17[%get3A_176] {strides = array<i32>} : memref<192xi32, #tpu.memory_space<vmem>>, vector<16xi32>,
    %dma_start3A_178 = arith.constant 2 : i32
    %dma_start3A_179 = arith.constant 2 : i32
    %dma_start3A_180 = arith.constant 0 : i32
    %dma_start3A_181 = arith.constant 0 : i32
    %dma_start3A_182 = tpu.memref_slice %arg21[%dma_start3A_178, %dma_start3A_180, %dma_start3A_181] : memref<3x16x2048xf32, #tpu.memory_space<vmem>> -> memref<1x16x2048xf32, #tpu.memory_space<vmem>>
    %dma_start3A_183 = tpu.memref_squeeze %dma_start3A_182 : memref<1x16x2048xf32, #tpu.memory_space<vmem>> -> memref<16x2048xf32, #tpu.memory_space<vmem>>
    %dma_start3A_184 = arith.constant 0 : i32
    %dma_start3A_185 = arith.constant 0 : i32
    %dma_start3A_186 = tpu.memref_slice %arg4[%dma_start3A_184, %dma_start3A_185] : memref<8192x2048xf32, #tpu.memory_space<hbm>> -> memref<8192x2048xf32, #tpu.memory_space<hbm>>
    %dma_start3A_187 = tpu.memref_slice %arg22[%dma_start3A_179] : memref<3x!tpu.dma_semaphore, #tpu.memory_space<semaphore_mem>> -> memref<1x!tpu.dma_semaphore, #tpu.memory_space<semaphore_mem>>
    %dma_start3A_188 = tpu.memref_squeeze %dma_start3A_187 : memref<1x!tpu.dma_semaphore, #tpu.memory_space<semaphore_mem>> -> memref<!tpu.dma_semaphore, #tpu.memory_space<semaphore_mem>>
    tpu.enqueue_indirect_dma source(%dma_start3A_186 : memref<8192x2048xf32, #tpu.memory_space<hbm>>) target(%dma_start3A_183 : memref<16x2048xf32, #tpu.memory_space<vmem>>) offsets(%get3A_177 : vector<16xi32>) semaphore(%dma_start3A_188 : memref<!tpu.dma_semaphore, #tpu.memory_space<semaphore_mem>>)
    %dma_wait3A_189 = arith.constant 0 : i32
    %dma_wait3A_190 = arith.constant 0 : i32
    %dma_wait3A_191 = arith.constant 0 : i32
    %dma_wait3A_192 = arith.constant 0 : i32
    %dma_wait3A_193 = tpu.memref_slice %arg21[%dma_wait3A_189, %dma_wait3A_191, %dma_wait3A_192] : memref<3x16x2048xf32, #tpu.memory_space<vmem>> -> memref<1x16x2048xf32, #tpu.memory_space<vmem>>
    %dma_wait3A_194 = tpu.memref_squeeze %dma_wait3A_193 : memref<1x16x2048xf32, #tpu.memory_space<vmem>> -> memref<16x2048xf32, #tpu.memory_space<vmem>>
    %dma_wait3A_195 = arith.constant 0 : i32
    %dma_wait3A_196 = arith.constant 0 : i32
    %dma_wait3A_197 = tpu.memref_slice %arg4[%dma_wait3A_195, %dma_wait3A_196] : memref<8192x2048xf32, #tpu.memory_space<hbm>> -> memref<8192x2048xf32, #tpu.memory_space<hbm>>
    %dma_wait3A_198 = tpu.memref_slice %arg22[%dma_wait3A_190] : memref<3x!tpu.dma_semaphore, #tpu.memory_space<semaphore_mem>> -> memref<1x!tpu.dma_semaphore, #tpu.memory_space<semaphore_mem>>
    %dma_wait3A_199 = tpu.memref_squeeze %dma_wait3A_198 : memref<1x!tpu.dma_semaphore, #tpu.memory_space<semaphore_mem>> -> memref<!tpu.dma_semaphore, #tpu.memory_space<semaphore_mem>>
    tpu.wait_indirect_dma semaphore(%dma_wait3A_199 : memref<!tpu.dma_semaphore, #tpu.memory_space<semaphore_mem>>) src(%dma_wait3A_197 : memref<8192x2048xf32, #tpu.memory_space<hbm>>) dst(%dma_wait3A_194 : memref<16x2048xf32, #tpu.memory_space<vmem>>)
    %get3A_200 = arith.constant 48 : index
    %get3A_201 = tpu.vector_load %arg18[%get3A_200] {strides = array<i32>} : memref<192xi32, #tpu.memory_space<vmem>>, vector<16xi32>,
    %dma_start3A_202 = arith.constant 0 : i32
    %dma_start3A_203 = arith.constant 0 : i32
    %dma_start3A_204 = arith.constant 0 : i32
    %dma_start3A_205 = arith.constant 0 : i32
    %dma_start3A_206 = tpu.memref_slice %arg21[%dma_start3A_202, %dma_start3A_204, %dma_start3A_205] : memref<3x16x2048xf32, #tpu.memory_space<vmem>> -> memref<1x16x2048xf32, #tpu.memory_space<vmem>>
    %dma_start3A_207 = tpu.memref_squeeze %dma_start3A_206 : memref<1x16x2048xf32, #tpu.memory_space<vmem>> -> memref<16x2048xf32, #tpu.memory_space<vmem>>
    %dma_start3A_208 = arith.constant 0 : i32
    %dma_start3A_209 = arith.constant 0 : i32
    %dma_start3A_210 = tpu.memref_slice %arg5[%dma_start3A_208, %dma_start3A_209] : memref<10240x2048xf32, #tpu.memory_space<hbm>> -> memref<10240x2048xf32, #tpu.memory_space<hbm>>
    %dma_start3A_211 = tpu.memref_slice %arg23[%dma_start3A_203] : memref<3x!tpu.dma_semaphore, #tpu.memory_space<semaphore_mem>> -> memref<1x!tpu.dma_semaphore, #tpu.memory_space<semaphore_mem>>
    %dma_start3A_212 = tpu.memref_squeeze %dma_start3A_211 : memref<1x!tpu.dma_semaphore, #tpu.memory_space<semaphore_mem>> -> memref<!tpu.dma_semaphore, #tpu.memory_space<semaphore_mem>>
    tpu.enqueue_indirect_dma source(%dma_start3A_207 : memref<16x2048xf32, #tpu.memory_space<vmem>>) target(%dma_start3A_210 : memref<10240x2048xf32, #tpu.memory_space<hbm>>) offsets(%get3A_201 : vector<16xi32>) semaphore(%dma_start3A_212 : memref<!tpu.dma_semaphore, #tpu.memory_space<semaphore_mem>>)
    %dma_wait3A_213 = arith.constant 0 : i32
    %dma_wait3A_214 = arith.constant 0 : i32
    %dma_wait3A_215 = arith.constant 0 : i32
    %dma_wait3A_216 = arith.constant 0 : i32
    %dma_wait3A_217 = tpu.memref_slice %arg21[%dma_wait3A_213, %dma_wait3A_215, %dma_wait3A_216] : memref<3x16x2048xf32, #tpu.memory_space<vmem>> -> memref<1x16x2048xf32, #tpu.memory_space<vmem>>
    %dma_wait3A_218 = tpu.memref_squeeze %dma_wait3A_217 : memref<1x16x2048xf32, #tpu.memory_space<vmem>> -> memref<16x2048xf32, #tpu.memory_space<vmem>>
    %dma_wait3A_219 = arith.constant 0 : i32
    %dma_wait3A_220 = arith.constant 0 : i32
    %dma_wait3A_221 = tpu.memref_slice %arg5[%dma_wait3A_219, %dma_wait3A_220] : memref<10240x2048xf32, #tpu.memory_space<hbm>> -> memref<10240x2048xf32, #tpu.memory_space<hbm>>
    %dma_wait3A_222 = tpu.memref_slice %arg23[%dma_wait3A_214] : memref<3x!tpu.dma_semaphore, #tpu.memory_space<semaphore_mem>> -> memref<1x!tpu.dma_semaphore, #tpu.memory_space<semaphore_mem>>
    %dma_wait3A_223 = tpu.memref_squeeze %dma_wait3A_222 : memref<1x!tpu.dma_semaphore, #tpu.memory_space<semaphore_mem>> -> memref<!tpu.dma_semaphore, #tpu.memory_space<semaphore_mem>>
    tpu.wait_indirect_dma semaphore(%dma_wait3A_223 : memref<!tpu.dma_semaphore, #tpu.memory_space<semaphore_mem>>) src(%dma_wait3A_218 : memref<16x2048xf32, #tpu.memory_space<vmem>>) dst(%dma_wait3A_221 : memref<10240x2048xf32, #tpu.memory_space<hbm>>)
    %get3A_224 = arith.constant 96 : index
    %get3A_225 = tpu.vector_load %arg17[%get3A_224] {strides = array<i32>} : memref<192xi32, #tpu.memory_space<vmem>>, vector<16xi32>,
    %dma_start3A_226 = arith.constant 0 : i32
    %dma_start3A_227 = arith.constant 0 : i32
    %dma_start3A_228 = arith.constant 0 : i32
    %dma_start3A_229 = arith.constant 0 : i32
    %dma_start3A_230 = tpu.memref_slice %arg21[%dma_start3A_226, %dma_start3A_228, %dma_start3A_229] : memref<3x16x2048xf32, #tpu.memory_space<vmem>> -> memref<1x16x2048xf32, #tpu.memory_space<vmem>>
    %dma_start3A_231 = tpu.memref_squeeze %dma_start3A_230 : memref<1x16x2048xf32, #tpu.memory_space<vmem>> -> memref<16x2048xf32, #tpu.memory_space<vmem>>
    %dma_start3A_232 = arith.constant 0 : i32
    %dma_start3A_233 = arith.constant 0 : i32
    %dma_start3A_234 = tpu.memref_slice %arg4[%dma_start3A_232, %dma_start3A_233] : memref<8192x2048xf32, #tpu.memory_space<hbm>> -> memref<8192x2048xf32, #tpu.memory_space<hbm>>
    %dma_start3A_235 = tpu.memref_slice %arg22[%dma_start3A_227] : memref<3x!tpu.dma_semaphore, #tpu.memory_space<semaphore_mem>> -> memref<1x!tpu.dma_semaphore, #tpu.memory_space<semaphore_mem>>
    %dma_start3A_236 = tpu.memref_squeeze %dma_start3A_235 : memref<1x!tpu.dma_semaphore, #tpu.memory_space<semaphore_mem>> -> memref<!tpu.dma_semaphore, #tpu.memory_space<semaphore_mem>>
    tpu.enqueue_indirect_dma source(%dma_start3A_234 : memref<8192x2048xf32, #tpu.memory_space<hbm>>) target(%dma_start3A_231 : memref<16x2048xf32, #tpu.memory_space<vmem>>) offsets(%get3A_225 : vector<16xi32>) semaphore(%dma_start3A_236 : memref<!tpu.dma_semaphore, #tpu.memory_space<semaphore_mem>>)
    %dma_wait3A_237 = arith.constant 1 : i32
    %dma_wait3A_238 = arith.constant 1 : i32
    %dma_wait3A_239 = arith.constant 0 : i32
    %dma_wait3A_240 = arith.constant 0 : i32
    %dma_wait3A_241 = tpu.memref_slice %arg21[%dma_wait3A_237, %dma_wait3A_239, %dma_wait3A_240] : memref<3x16x2048xf32, #tpu.memory_space<vmem>> -> memref<1x16x2048xf32, #tpu.memory_space<vmem>>
    %dma_wait3A_242 = tpu.memref_squeeze %dma_wait3A_241 : memref<1x16x2048xf32, #tpu.memory_space<vmem>> -> memref<16x2048xf32, #tpu.memory_space<vmem>>
    %dma_wait3A_243 = arith.constant 0 : i32
    %dma_wait3A_244 = arith.constant 0 : i32
    %dma_wait3A_245 = tpu.memref_slice %arg4[%dma_wait3A_243, %dma_wait3A_244] : memref<8192x2048xf32, #tpu.memory_space<hbm>> -> memref<8192x2048xf32, #tpu.memory_space<hbm>>
    %dma_wait3A_246 = tpu.memref_slice %arg22[%dma_wait3A_238] : memref<3x!tpu.dma_semaphore, #tpu.memory_space<semaphore_mem>> -> memref<1x!tpu.dma_semaphore, #tpu.memory_space<semaphore_mem>>
    %dma_wait3A_247 = tpu.memref_squeeze %dma_wait3A_246 : memref<1x!tpu.dma_semaphore, #tpu.memory_space<semaphore_mem>> -> memref<!tpu.dma_semaphore, #tpu.memory_space<semaphore_mem>>
    tpu.wait_indirect_dma semaphore(%dma_wait3A_247 : memref<!tpu.dma_semaphore, #tpu.memory_space<semaphore_mem>>) src(%dma_wait3A_245 : memref<8192x2048xf32, #tpu.memory_space<hbm>>) dst(%dma_wait3A_242 : memref<16x2048xf32, #tpu.memory_space<vmem>>)
    %get3A_248 = arith.constant 64 : index
    %get3A_249 = tpu.vector_load %arg18[%get3A_248] {strides = array<i32>} : memref<192xi32, #tpu.memory_space<vmem>>, vector<16xi32>,
    %dma_start3A_250 = arith.constant 1 : i32
    %dma_start3A_251 = arith.constant 1 : i32
    %dma_start3A_252 = arith.constant 0 : i32
    %dma_start3A_253 = arith.constant 0 : i32
    %dma_start3A_254 = tpu.memref_slice %arg21[%dma_start3A_250, %dma_start3A_252, %dma_start3A_253] : memref<3x16x2048xf32, #tpu.memory_space<vmem>> -> memref<1x16x2048xf32, #tpu.memory_space<vmem>>
    %dma_start3A_255 = tpu.memref_squeeze %dma_start3A_254 : memref<1x16x2048xf32, #tpu.memory_space<vmem>> -> memref<16x2048xf32, #tpu.memory_space<vmem>>
    %dma_start3A_256 = arith.constant 0 : i32
    %dma_start3A_257 = arith.constant 0 : i32
    %dma_start3A_258 = tpu.memref_slice %arg5[%dma_start3A_256, %dma_start3A_257] : memref<10240x2048xf32, #tpu.memory_space<hbm>> -> memref<10240x2048xf32, #tpu.memory_space<hbm>>
    %dma_start3A_259 = tpu.memref_slice %arg23[%dma_start3A_251] : memref<3x!tpu.dma_semaphore, #tpu.memory_space<semaphore_mem>> -> memref<1x!tpu.dma_semaphore, #tpu.memory_space<semaphore_mem>>
    %dma_start3A_260 = tpu.memref_squeeze %dma_start3A_259 : memref<1x!tpu.dma_semaphore, #tpu.memory_space<semaphore_mem>> -> memref<!tpu.dma_semaphore, #tpu.memory_space<semaphore_mem>>
    tpu.enqueue_indirect_dma source(%dma_start3A_255 : memref<16x2048xf32, #tpu.memory_space<vmem>>) target(%dma_start3A_258 : memref<10240x2048xf32, #tpu.memory_space<hbm>>) offsets(%get3A_249 : vector<16xi32>) semaphore(%dma_start3A_260 : memref<!tpu.dma_semaphore, #tpu.memory_space<semaphore_mem>>)
    %dma_wait3A_261 = arith.constant 1 : i32
    %dma_wait3A_262 = arith.constant 1 : i32
    %dma_wait3A_263 = arith.constant 0 : i32
    %dma_wait3A_264 = arith.constant 0 : i32
    %dma_wait3A_265 = tpu.memref_slice %arg21[%dma_wait3A_261, %dma_wait3A_263, %dma_wait3A_264] : memref<3x16x2048xf32, #tpu.memory_space<vmem>> -> memref<1x16x2048xf32, #tpu.memory_space<vmem>>
    %dma_wait3A_266 = tpu.memref_squeeze %dma_wait3A_265 : memref<1x16x2048xf32, #tpu.memory_space<vmem>> -> memref<16x2048xf32, #tpu.memory_space<vmem>>
    %dma_wait3A_267 = arith.constant 0 : i32
    %dma_wait3A_268 = arith.constant 0 : i32
    %dma_wait3A_269 = tpu.memref_slice %arg5[%dma_wait3A_267, %dma_wait3A_268] : memref<10240x2048xf32, #tpu.memory_space<hbm>> -> memref<10240x2048xf32, #tpu.memory_space<hbm>>
    %dma_wait3A_270 = tpu.memref_slice %arg23[%dma_wait3A_262] : memref<3x!tpu.dma_semaphore, #tpu.memory_space<semaphore_mem>> -> memref<1x!tpu.dma_semaphore, #tpu.memory_space<semaphore_mem>>
    %dma_wait3A_271 = tpu.memref_squeeze %dma_wait3A_270 : memref<1x!tpu.dma_semaphore, #tpu.memory_space<semaphore_mem>> -> memref<!tpu.dma_semaphore, #tpu.memory_space<semaphore_mem>>
    tpu.wait_indirect_dma semaphore(%dma_wait3A_271 : memref<!tpu.dma_semaphore, #tpu.memory_space<semaphore_mem>>) src(%dma_wait3A_266 : memref<16x2048xf32, #tpu.memory_space<vmem>>) dst(%dma_wait3A_269 : memref<10240x2048xf32, #tpu.memory_space<hbm>>)
    %get3A_272 = arith.constant 112 : index
    %get3A_273 = tpu.vector_load %arg17[%get3A_272] {strides = array<i32>} : memref<192xi32, #tpu.memory_space<vmem>>, vector<16xi32>,
    %dma_start3A_274 = arith.constant 1 : i32
    %dma_start3A_275 = arith.constant 1 : i32
    %dma_start3A_276 = arith.constant 0 : i32
    %dma_start3A_277 = arith.constant 0 : i32
    %dma_start3A_278 = tpu.memref_slice %arg21[%dma_start3A_274, %dma_start3A_276, %dma_start3A_277] : memref<3x16x2048xf32, #tpu.memory_space<vmem>> -> memref<1x16x2048xf32, #tpu.memory_space<vmem>>
    %dma_start3A_279 = tpu.memref_squeeze %dma_start3A_278 : memref<1x16x2048xf32, #tpu.memory_space<vmem>> -> memref<16x2048xf32, #tpu.memory_space<vmem>>
    %dma_start3A_280 = arith.constant 0 : i32
    %dma_start3A_281 = arith.constant 0 : i32
    %dma_start3A_282 = tpu.memref_slice %arg4[%dma_start3A_280, %dma_start3A_281] : memref<8192x2048xf32, #tpu.memory_space<hbm>> -> memref<8192x2048xf32, #tpu.memory_space<hbm>>
    %dma_start3A_283 = tpu.memref_slice %arg22[%dma_start3A_275] : memref<3x!tpu.dma_semaphore, #tpu.memory_space<semaphore_mem>> -> memref<1x!tpu.dma_semaphore, #tpu.memory_space<semaphore_mem>>
    %dma_start3A_284 = tpu.memref_squeeze %dma_start3A_283 : memref<1x!tpu.dma_semaphore, #tpu.memory_space<semaphore_mem>> -> memref<!tpu.dma_semaphore, #tpu.memory_space<semaphore_mem>>
    tpu.enqueue_indirect_dma source(%dma_start3A_282 : memref<8192x2048xf32, #tpu.memory_space<hbm>>) target(%dma_start3A_279 : memref<16x2048xf32, #tpu.memory_space<vmem>>) offsets(%get3A_273 : vector<16xi32>) semaphore(%dma_start3A_284 : memref<!tpu.dma_semaphore, #tpu.memory_space<semaphore_mem>>)
    %dma_wait3A_285 = arith.constant 2 : i32
    %dma_wait3A_286 = arith.constant 2 : i32
    %dma_wait3A_287 = arith.constant 0 : i32
    %dma_wait3A_288 = arith.constant 0 : i32
    %dma_wait3A_289 = tpu.memref_slice %arg21[%dma_wait3A_285, %dma_wait3A_287, %dma_wait3A_288] : memref<3x16x2048xf32, #tpu.memory_space<vmem>> -> memref<1x16x2048xf32, #tpu.memory_space<vmem>>
    %dma_wait3A_290 = tpu.memref_squeeze %dma_wait3A_289 : memref<1x16x2048xf32, #tpu.memory_space<vmem>> -> memref<16x2048xf32, #tpu.memory_space<vmem>>
    %dma_wait3A_291 = arith.constant 0 : i32
    %dma_wait3A_292 = arith.constant 0 : i32
    %dma_wait3A_293 = tpu.memref_slice %arg4[%dma_wait3A_291, %dma_wait3A_292] : memref<8192x2048xf32, #tpu.memory_space<hbm>> -> memref<8192x2048xf32, #tpu.memory_space<hbm>>
    %dma_wait3A_294 = tpu.memref_slice %arg22[%dma_wait3A_286] : memref<3x!tpu.dma_semaphore, #tpu.memory_space<semaphore_mem>> -> memref<1x!tpu.dma_semaphore, #tpu.memory_space<semaphore_mem>>
    %dma_wait3A_295 = tpu.memref_squeeze %dma_wait3A_294 : memref<1x!tpu.dma_semaphore, #tpu.memory_space<semaphore_mem>> -> memref<!tpu.dma_semaphore, #tpu.memory_space<semaphore_mem>>
    tpu.wait_indirect_dma semaphore(%dma_wait3A_295 : memref<!tpu.dma_semaphore, #tpu.memory_space<semaphore_mem>>) src(%dma_wait3A_293 : memref<8192x2048xf32, #tpu.memory_space<hbm>>) dst(%dma_wait3A_290 : memref<16x2048xf32, #tpu.memory_space<vmem>>)
    %get3A_296 = arith.constant 80 : index
    %get3A_297 = tpu.vector_load %arg18[%get3A_296] {strides = array<i32>} : memref<192xi32, #tpu.memory_space<vmem>>, vector<16xi32>,
    %dma_start3A_298 = arith.constant 2 : i32
    %dma_start3A_299 = arith.constant 2 : i32
    %dma_start3A_300 = arith.constant 0 : i32
    %dma_start3A_301 = arith.constant 0 : i32
    %dma_start3A_302 = tpu.memref_slice %arg21[%dma_start3A_298, %dma_start3A_300, %dma_start3A_301] : memref<3x16x2048xf32, #tpu.memory_space<vmem>> -> memref<1x16x2048xf32, #tpu.memory_space<vmem>>
    %dma_start3A_303 = tpu.memref_squeeze %dma_start3A_302 : memref<1x16x2048xf32, #tpu.memory_space<vmem>> -> memref<16x2048xf32, #tpu.memory_space<vmem>>
    %dma_start3A_304 = arith.constant 0 : i32
    %dma_start3A_305 = arith.constant 0 : i32
    %dma_start3A_306 = tpu.memref_slice %arg5[%dma_start3A_304, %dma_start3A_305] : memref<10240x2048xf32, #tpu.memory_space<hbm>> -> memref<10240x2048xf32, #tpu.memory_space<hbm>>
    %dma_start3A_307 = tpu.memref_slice %arg23[%dma_start3A_299] : memref<3x!tpu.dma_semaphore, #tpu.memory_space<semaphore_mem>> -> memref<1x!tpu.dma_semaphore, #tpu.memory_space<semaphore_mem>>
    %dma_start3A_308 = tpu.memref_squeeze %dma_start3A_307 : memref<1x!tpu.dma_semaphore, #tpu.memory_space<semaphore_mem>> -> memref<!tpu.dma_semaphore, #tpu.memory_space<semaphore_mem>>
    tpu.enqueue_indirect_dma source(%dma_start3A_303 : memref<16x2048xf32, #tpu.memory_space<vmem>>) target(%dma_start3A_306 : memref<10240x2048xf32, #tpu.memory_space<hbm>>) offsets(%get3A_297 : vector<16xi32>) semaphore(%dma_start3A_308 : memref<!tpu.dma_semaphore, #tpu.memory_space<semaphore_mem>>)
    %dma_wait3A_309 = arith.constant 2 : i32
    %dma_wait3A_310 = arith.constant 2 : i32
    %dma_wait3A_311 = arith.constant 0 : i32
    %dma_wait3A_312 = arith.constant 0 : i32
    %dma_wait3A_313 = tpu.memref_slice %arg21[%dma_wait3A_309, %dma_wait3A_311, %dma_wait3A_312] : memref<3x16x2048xf32, #tpu.memory_space<vmem>> -> memref<1x16x2048xf32, #tpu.memory_space<vmem>>
    %dma_wait3A_314 = tpu.memref_squeeze %dma_wait3A_313 : memref<1x16x2048xf32, #tpu.memory_space<vmem>> -> memref<16x2048xf32, #tpu.memory_space<vmem>>
    %dma_wait3A_315 = arith.constant 0 : i32
    %dma_wait3A_316 = arith.constant 0 : i32
    %dma_wait3A_317 = tpu.memref_slice %arg5[%dma_wait3A_315, %dma_wait3A_316] : memref<10240x2048xf32, #tpu.memory_space<hbm>> -> memref<10240x2048xf32, #tpu.memory_space<hbm>>
    %dma_wait3A_318 = tpu.memref_slice %arg23[%dma_wait3A_310] : memref<3x!tpu.dma_semaphore, #tpu.memory_space<semaphore_mem>> -> memref<1x!tpu.dma_semaphore, #tpu.memory_space<semaphore_mem>>
    %dma_wait3A_319 = tpu.memref_squeeze %dma_wait3A_318 : memref<1x!tpu.dma_semaphore, #tpu.memory_space<semaphore_mem>> -> memref<!tpu.dma_semaphore, #tpu.memory_space<semaphore_mem>>
    tpu.wait_indirect_dma semaphore(%dma_wait3A_319 : memref<!tpu.dma_semaphore, #tpu.memory_space<semaphore_mem>>) src(%dma_wait3A_314 : memref<16x2048xf32, #tpu.memory_space<vmem>>) dst(%dma_wait3A_317 : memref<10240x2048xf32, #tpu.memory_space<hbm>>)
    %get3A_320 = arith.constant 128 : index
    %get3A_321 = tpu.vector_load %arg17[%get3A_320] {strides = array<i32>} : memref<192xi32, #tpu.memory_space<vmem>>, vector<16xi32>,
    %dma_start3A_322 = arith.constant 2 : i32
    %dma_start3A_323 = arith.constant 2 : i32
    %dma_start3A_324 = arith.constant 0 : i32
    %dma_start3A_325 = arith.constant 0 : i32
    %dma_start3A_326 = tpu.memref_slice %arg21[%dma_start3A_322, %dma_start3A_324, %dma_start3A_325] : memref<3x16x2048xf32, #tpu.memory_space<vmem>> -> memref<1x16x2048xf32, #tpu.memory_space<vmem>>
    %dma_start3A_327 = tpu.memref_squeeze %dma_start3A_326 : memref<1x16x2048xf32, #tpu.memory_space<vmem>> -> memref<16x2048xf32, #tpu.memory_space<vmem>>
    %dma_start3A_328 = arith.constant 0 : i32
    %dma_start3A_329 = arith.constant 0 : i32
    %dma_start3A_330 = tpu.memref_slice %arg4[%dma_start3A_328, %dma_start3A_329] : memref<8192x2048xf32, #tpu.memory_space<hbm>> -> memref<8192x2048xf32, #tpu.memory_space<hbm>>
    %dma_start3A_331 = tpu.memref_slice %arg22[%dma_start3A_323] : memref<3x!tpu.dma_semaphore, #tpu.memory_space<semaphore_mem>> -> memref<1x!tpu.dma_semaphore, #tpu.memory_space<semaphore_mem>>
    %dma_start3A_332 = tpu.memref_squeeze %dma_start3A_331 : memref<1x!tpu.dma_semaphore, #tpu.memory_space<semaphore_mem>> -> memref<!tpu.dma_semaphore, #tpu.memory_space<semaphore_mem>>
    tpu.enqueue_indirect_dma source(%dma_start3A_330 : memref<8192x2048xf32, #tpu.memory_space<hbm>>) target(%dma_start3A_327 : memref<16x2048xf32, #tpu.memory_space<vmem>>) offsets(%get3A_321 : vector<16xi32>) semaphore(%dma_start3A_332 : memref<!tpu.dma_semaphore, #tpu.memory_space<semaphore_mem>>)
    %dma_wait3A_333 = arith.constant 0 : i32
    %dma_wait3A_334 = arith.constant 0 : i32
    %dma_wait3A_335 = arith.constant 0 : i32
    %dma_wait3A_336 = arith.constant 0 : i32
    %dma_wait3A_337 = tpu.memref_slice %arg21[%dma_wait3A_333, %dma_wait3A_335, %dma_wait3A_336] : memref<3x16x2048xf32, #tpu.memory_space<vmem>> -> memref<1x16x2048xf32, #tpu.memory_space<vmem>>
    %dma_wait3A_338 = tpu.memref_squeeze %dma_wait3A_337 : memref<1x16x2048xf32, #tpu.memory_space<vmem>> -> memref<16x2048xf32, #tpu.memory_space<vmem>>
    %dma_wait3A_339 = arith.constant 0 : i32
    %dma_wait3A_340 = arith.constant 0 : i32
    %dma_wait3A_341 = tpu.memref_slice %arg4[%dma_wait3A_339, %dma_wait3A_340] : memref<8192x2048xf32, #tpu.memory_space<hbm>> -> memref<8192x2048xf32, #tpu.memory_space<hbm>>
    %dma_wait3A_342 = tpu.memref_slice %arg22[%dma_wait3A_334] : memref<3x!tpu.dma_semaphore, #tpu.memory_space<semaphore_mem>> -> memref<1x!tpu.dma_semaphore, #tpu.memory_space<semaphore_mem>>
    %dma_wait3A_343 = tpu.memref_squeeze %dma_wait3A_342 : memref<1x!tpu.dma_semaphore, #tpu.memory_space<semaphore_mem>> -> memref<!tpu.dma_semaphore, #tpu.memory_space<semaphore_mem>>
    tpu.wait_indirect_dma semaphore(%dma_wait3A_343 : memref<!tpu.dma_semaphore, #tpu.memory_space<semaphore_mem>>) src(%dma_wait3A_341 : memref<8192x2048xf32, #tpu.memory_space<hbm>>) dst(%dma_wait3A_338 : memref<16x2048xf32, #tpu.memory_space<vmem>>)
    %get3A_344 = arith.constant 96 : index
    %get3A_345 = tpu.vector_load %arg18[%get3A_344] {strides = array<i32>} : memref<192xi32, #tpu.memory_space<vmem>>, vector<16xi32>,
    %dma_start3A_346 = arith.constant 0 : i32
    %dma_start3A_347 = arith.constant 0 : i32
    %dma_start3A_348 = arith.constant 0 : i32
    %dma_start3A_349 = arith.constant 0 : i32
    %dma_start3A_350 = tpu.memref_slice %arg21[%dma_start3A_346, %dma_start3A_348, %dma_start3A_349] : memref<3x16x2048xf32, #tpu.memory_space<vmem>> -> memref<1x16x2048xf32, #tpu.memory_space<vmem>>
    %dma_start3A_351 = tpu.memref_squeeze %dma_start3A_350 : memref<1x16x2048xf32, #tpu.memory_space<vmem>> -> memref<16x2048xf32, #tpu.memory_space<vmem>>
    %dma_start3A_352 = arith.constant 0 : i32
    %dma_start3A_353 = arith.constant 0 : i32
    %dma_start3A_354 = tpu.memref_slice %arg5[%dma_start3A_352, %dma_start3A_353] : memref<10240x2048xf32, #tpu.memory_space<hbm>> -> memref<10240x2048xf32, #tpu.memory_space<hbm>>
    %dma_start3A_355 = tpu.memref_slice %arg23[%dma_start3A_347] : memref<3x!tpu.dma_semaphore, #tpu.memory_space<semaphore_mem>> -> memref<1x!tpu.dma_semaphore, #tpu.memory_space<semaphore_mem>>
    %dma_start3A_356 = tpu.memref_squeeze %dma_start3A_355 : memref<1x!tpu.dma_semaphore, #tpu.memory_space<semaphore_mem>> -> memref<!tpu.dma_semaphore, #tpu.memory_space<semaphore_mem>>
    tpu.enqueue_indirect_dma source(%dma_start3A_351 : memref<16x2048xf32, #tpu.memory_space<vmem>>) target(%dma_start3A_354 : memref<10240x2048xf32, #tpu.memory_space<hbm>>) offsets(%get3A_345 : vector<16xi32>) semaphore(%dma_start3A_356 : memref<!tpu.dma_semaphore, #tpu.memory_space<semaphore_mem>>)
    %dma_wait3A_357 = arith.constant 0 : i32
    %dma_wait3A_358 = arith.constant 0 : i32
    %dma_wait3A_359 = arith.constant 0 : i32
    %dma_wait3A_360 = arith.constant 0 : i32
    %dma_wait3A_361 = tpu.memref_slice %arg21[%dma_wait3A_357, %dma_wait3A_359, %dma_wait3A_360] : memref<3x16x2048xf32, #tpu.memory_space<vmem>> -> memref<1x16x2048xf32, #tpu.memory_space<vmem>>
    %dma_wait3A_362 = tpu.memref_squeeze %dma_wait3A_361 : memref<1x16x2048xf32, #tpu.memory_space<vmem>> -> memref<16x2048xf32, #tpu.memory_space<vmem>>
    %dma_wait3A_363 = arith.constant 0 : i32
    %dma_wait3A_364 = arith.constant 0 : i32
    %dma_wait3A_365 = tpu.memref_slice %arg5[%dma_wait3A_363, %dma_wait3A_364] : memref<10240x2048xf32, #tpu.memory_space<hbm>> -> memref<10240x2048xf32, #tpu.memory_space<hbm>>
    %dma_wait3A_366 = tpu.memref_slice %arg23[%dma_wait3A_358] : memref<3x!tpu.dma_semaphore, #tpu.memory_space<semaphore_mem>> -> memref<1x!tpu.dma_semaphore, #tpu.memory_space<semaphore_mem>>
    %dma_wait3A_367 = tpu.memref_squeeze %dma_wait3A_366 : memref<1x!tpu.dma_semaphore, #tpu.memory_space<semaphore_mem>> -> memref<!tpu.dma_semaphore, #tpu.memory_space<semaphore_mem>>
    tpu.wait_indirect_dma semaphore(%dma_wait3A_367 : memref<!tpu.dma_semaphore, #tpu.memory_space<semaphore_mem>>) src(%dma_wait3A_362 : memref<16x2048xf32, #tpu.memory_space<vmem>>) dst(%dma_wait3A_365 : memref<10240x2048xf32, #tpu.memory_space<hbm>>)
    %get3A_368 = arith.constant 144 : index
    %get3A_369 = tpu.vector_load %arg17[%get3A_368] {strides = array<i32>} : memref<192xi32, #tpu.memory_space<vmem>>, vector<16xi32>,
    %dma_start3A_370 = arith.constant 0 : i32
    %dma_start3A_371 = arith.constant 0 : i32
    %dma_start3A_372 = arith.constant 0 : i32
    %dma_start3A_373 = arith.constant 0 : i32
    %dma_start3A_374 = tpu.memref_slice %arg21[%dma_start3A_370, %dma_start3A_372, %dma_start3A_373] : memref<3x16x2048xf32, #tpu.memory_space<vmem>> -> memref<1x16x2048xf32, #tpu.memory_space<vmem>>
    %dma_start3A_375 = tpu.memref_squeeze %dma_start3A_374 : memref<1x16x2048xf32, #tpu.memory_space<vmem>> -> memref<16x2048xf32, #tpu.memory_space<vmem>>
    %dma_start3A_376 = arith.constant 0 : i32
    %dma_start3A_377 = arith.constant 0 : i32
    %dma_start3A_378 = tpu.memref_slice %arg4[%dma_start3A_376, %dma_start3A_377] : memref<8192x2048xf32, #tpu.memory_space<hbm>> -> memref<8192x2048xf32, #tpu.memory_space<hbm>>
    %dma_start3A_379 = tpu.memref_slice %arg22[%dma_start3A_371] : memref<3x!tpu.dma_semaphore, #tpu.memory_space<semaphore_mem>> -> memref<1x!tpu.dma_semaphore, #tpu.memory_space<semaphore_mem>>
    %dma_start3A_380 = tpu.memref_squeeze %dma_start3A_379 : memref<1x!tpu.dma_semaphore, #tpu.memory_space<semaphore_mem>> -> memref<!tpu.dma_semaphore, #tpu.memory_space<semaphore_mem>>
    tpu.enqueue_indirect_dma source(%dma_start3A_378 : memref<8192x2048xf32, #tpu.memory_space<hbm>>) target(%dma_start3A_375 : memref<16x2048xf32, #tpu.memory_space<vmem>>) offsets(%get3A_369 : vector<16xi32>) semaphore(%dma_start3A_380 : memref<!tpu.dma_semaphore, #tpu.memory_space<semaphore_mem>>)
    %dma_wait3A_381 = arith.constant 1 : i32
    %dma_wait3A_382 = arith.constant 1 : i32
    %dma_wait3A_383 = arith.constant 0 : i32
    %dma_wait3A_384 = arith.constant 0 : i32
    %dma_wait3A_385 = tpu.memref_slice %arg21[%dma_wait3A_381, %dma_wait3A_383, %dma_wait3A_384] : memref<3x16x2048xf32, #tpu.memory_space<vmem>> -> memref<1x16x2048xf32, #tpu.memory_space<vmem>>
    %dma_wait3A_386 = tpu.memref_squeeze %dma_wait3A_385 : memref<1x16x2048xf32, #tpu.memory_space<vmem>> -> memref<16x2048xf32, #tpu.memory_space<vmem>>
    %dma_wait3A_387 = arith.constant 0 : i32
    %dma_wait3A_388 = arith.constant 0 : i32
    %dma_wait3A_389 = tpu.memref_slice %arg4[%dma_wait3A_387, %dma_wait3A_388] : memref<8192x2048xf32, #tpu.memory_space<hbm>> -> memref<8192x2048xf32, #tpu.memory_space<hbm>>
    %dma_wait3A_390 = tpu.memref_slice %arg22[%dma_wait3A_382] : memref<3x!tpu.dma_semaphore, #tpu.memory_space<semaphore_mem>> -> memref<1x!tpu.dma_semaphore, #tpu.memory_space<semaphore_mem>>
    %dma_wait3A_391 = tpu.memref_squeeze %dma_wait3A_390 : memref<1x!tpu.dma_semaphore, #tpu.memory_space<semaphore_mem>> -> memref<!tpu.dma_semaphore, #tpu.memory_space<semaphore_mem>>
    tpu.wait_indirect_dma semaphore(%dma_wait3A_391 : memref<!tpu.dma_semaphore, #tpu.memory_space<semaphore_mem>>) src(%dma_wait3A_389 : memref<8192x2048xf32, #tpu.memory_space<hbm>>) dst(%dma_wait3A_386 : memref<16x2048xf32, #tpu.memory_space<vmem>>)
    %get3A_392 = arith.constant 112 : index
    %get3A_393 = tpu.vector_load %arg18[%get3A_392] {strides = array<i32>} : memref<192xi32, #tpu.memory_space<vmem>>, vector<16xi32>,
    %dma_start3A_394 = arith.constant 1 : i32
    %dma_start3A_395 = arith.constant 1 : i32
    %dma_start3A_396 = arith.constant 0 : i32
    %dma_start3A_397 = arith.constant 0 : i32
    %dma_start3A_398 = tpu.memref_slice %arg21[%dma_start3A_394, %dma_start3A_396, %dma_start3A_397] : memref<3x16x2048xf32, #tpu.memory_space<vmem>> -> memref<1x16x2048xf32, #tpu.memory_space<vmem>>
    %dma_start3A_399 = tpu.memref_squeeze %dma_start3A_398 : memref<1x16x2048xf32, #tpu.memory_space<vmem>> -> memref<16x2048xf32, #tpu.memory_space<vmem>>
    %dma_start3A_400 = arith.constant 0 : i32
    %dma_start3A_401 = arith.constant 0 : i32
    %dma_start3A_402 = tpu.memref_slice %arg5[%dma_start3A_400, %dma_start3A_401] : memref<10240x2048xf32, #tpu.memory_space<hbm>> -> memref<10240x2048xf32, #tpu.memory_space<hbm>>
    %dma_start3A_403 = tpu.memref_slice %arg23[%dma_start3A_395] : memref<3x!tpu.dma_semaphore, #tpu.memory_space<semaphore_mem>> -> memref<1x!tpu.dma_semaphore, #tpu.memory_space<semaphore_mem>>
    %dma_start3A_404 = tpu.memref_squeeze %dma_start3A_403 : memref<1x!tpu.dma_semaphore, #tpu.memory_space<semaphore_mem>> -> memref<!tpu.dma_semaphore, #tpu.memory_space<semaphore_mem>>
    tpu.enqueue_indirect_dma source(%dma_start3A_399 : memref<16x2048xf32, #tpu.memory_space<vmem>>) target(%dma_start3A_402 : memref<10240x2048xf32, #tpu.memory_space<hbm>>) offsets(%get3A_393 : vector<16xi32>) semaphore(%dma_start3A_404 : memref<!tpu.dma_semaphore, #tpu.memory_space<semaphore_mem>>)
    %dma_wait3A_405 = arith.constant 1 : i32
    %dma_wait3A_406 = arith.constant 1 : i32
    %dma_wait3A_407 = arith.constant 0 : i32
    %dma_wait3A_408 = arith.constant 0 : i32
    %dma_wait3A_409 = tpu.memref_slice %arg21[%dma_wait3A_405, %dma_wait3A_407, %dma_wait3A_408] : memref<3x16x2048xf32, #tpu.memory_space<vmem>> -> memref<1x16x2048xf32, #tpu.memory_space<vmem>>
    %dma_wait3A_410 = tpu.memref_squeeze %dma_wait3A_409 : memref<1x16x2048xf32, #tpu.memory_space<vmem>> -> memref<16x2048xf32, #tpu.memory_space<vmem>>
    %dma_wait3A_411 = arith.constant 0 : i32
    %dma_wait3A_412 = arith.constant 0 : i32
    %dma_wait3A_413 = tpu.memref_slice %arg5[%dma_wait3A_411, %dma_wait3A_412] : memref<10240x2048xf32, #tpu.memory_space<hbm>> -> memref<10240x2048xf32, #tpu.memory_space<hbm>>
    %dma_wait3A_414 = tpu.memref_slice %arg23[%dma_wait3A_406] : memref<3x!tpu.dma_semaphore, #tpu.memory_space<semaphore_mem>> -> memref<1x!tpu.dma_semaphore, #tpu.memory_space<semaphore_mem>>
    %dma_wait3A_415 = tpu.memref_squeeze %dma_wait3A_414 : memref<1x!tpu.dma_semaphore, #tpu.memory_space<semaphore_mem>> -> memref<!tpu.dma_semaphore, #tpu.memory_space<semaphore_mem>>
    tpu.wait_indirect_dma semaphore(%dma_wait3A_415 : memref<!tpu.dma_semaphore, #tpu.memory_space<semaphore_mem>>) src(%dma_wait3A_410 : memref<16x2048xf32, #tpu.memory_space<vmem>>) dst(%dma_wait3A_413 : memref<10240x2048xf32, #tpu.memory_space<hbm>>)
    %get3A_416 = arith.constant 160 : index
    %get3A_417 = tpu.vector_load %arg17[%get3A_416] {strides = array<i32>} : memref<192xi32, #tpu.memory_space<vmem>>, vector<16xi32>,
    %dma_start3A_418 = arith.constant 1 : i32
    %dma_start3A_419 = arith.constant 1 : i32
    %dma_start3A_420 = arith.constant 0 : i32
    %dma_start3A_421 = arith.constant 0 : i32
    %dma_start3A_422 = tpu.memref_slice %arg21[%dma_start3A_418, %dma_start3A_420, %dma_start3A_421] : memref<3x16x2048xf32, #tpu.memory_space<vmem>> -> memref<1x16x2048xf32, #tpu.memory_space<vmem>>
    %dma_start3A_423 = tpu.memref_squeeze %dma_start3A_422 : memref<1x16x2048xf32, #tpu.memory_space<vmem>> -> memref<16x2048xf32, #tpu.memory_space<vmem>>
    %dma_start3A_424 = arith.constant 0 : i32
    %dma_start3A_425 = arith.constant 0 : i32
    %dma_start3A_426 = tpu.memref_slice %arg4[%dma_start3A_424, %dma_start3A_425] : memref<8192x2048xf32, #tpu.memory_space<hbm>> -> memref<8192x2048xf32, #tpu.memory_space<hbm>>
    %dma_start3A_427 = tpu.memref_slice %arg22[%dma_start3A_419] : memref<3x!tpu.dma_semaphore, #tpu.memory_space<semaphore_mem>> -> memref<1x!tpu.dma_semaphore, #tpu.memory_space<semaphore_mem>>
    %dma_start3A_428 = tpu.memref_squeeze %dma_start3A_427 : memref<1x!tpu.dma_semaphore, #tpu.memory_space<semaphore_mem>> -> memref<!tpu.dma_semaphore, #tpu.memory_space<semaphore_mem>>
    tpu.enqueue_indirect_dma source(%dma_start3A_426 : memref<8192x2048xf32, #tpu.memory_space<hbm>>) target(%dma_start3A_423 : memref<16x2048xf32, #tpu.memory_space<vmem>>) offsets(%get3A_417 : vector<16xi32>) semaphore(%dma_start3A_428 : memref<!tpu.dma_semaphore, #tpu.memory_space<semaphore_mem>>)
    %dma_wait3A_429 = arith.constant 2 : i32
    %dma_wait3A_430 = arith.constant 2 : i32
    %dma_wait3A_431 = arith.constant 0 : i32
    %dma_wait3A_432 = arith.constant 0 : i32
    %dma_wait3A_433 = tpu.memref_slice %arg21[%dma_wait3A_429, %dma_wait3A_431, %dma_wait3A_432] : memref<3x16x2048xf32, #tpu.memory_space<vmem>> -> memref<1x16x2048xf32, #tpu.memory_space<vmem>>
    %dma_wait3A_434 = tpu.memref_squeeze %dma_wait3A_433 : memref<1x16x2048xf32, #tpu.memory_space<vmem>> -> memref<16x2048xf32, #tpu.memory_space<vmem>>
    %dma_wait3A_435 = arith.constant 0 : i32
    %dma_wait3A_436 = arith.constant 0 : i32
    %dma_wait3A_437 = tpu.memref_slice %arg4[%dma_wait3A_435, %dma_wait3A_436] : memref<8192x2048xf32, #tpu.memory_space<hbm>> -> memref<8192x2048xf32, #tpu.memory_space<hbm>>
    %dma_wait3A_438 = tpu.memref_slice %arg22[%dma_wait3A_430] : memref<3x!tpu.dma_semaphore, #tpu.memory_space<semaphore_mem>> -> memref<1x!tpu.dma_semaphore, #tpu.memory_space<semaphore_mem>>
    %dma_wait3A_439 = tpu.memref_squeeze %dma_wait3A_438 : memref<1x!tpu.dma_semaphore, #tpu.memory_space<semaphore_mem>> -> memref<!tpu.dma_semaphore, #tpu.memory_space<semaphore_mem>>
    tpu.wait_indirect_dma semaphore(%dma_wait3A_439 : memref<!tpu.dma_semaphore, #tpu.memory_space<semaphore_mem>>) src(%dma_wait3A_437 : memref<8192x2048xf32, #tpu.memory_space<hbm>>) dst(%dma_wait3A_434 : memref<16x2048xf32, #tpu.memory_space<vmem>>)
    %get3A_440 = arith.constant 128 : index
    %get3A_441 = tpu.vector_load %arg18[%get3A_440] {strides = array<i32>} : memref<192xi32, #tpu.memory_space<vmem>>, vector<16xi32>,
    %dma_start3A_442 = arith.constant 2 : i32
    %dma_start3A_443 = arith.constant 2 : i32
    %dma_start3A_444 = arith.constant 0 : i32
    %dma_start3A_445 = arith.constant 0 : i32
    %dma_start3A_446 = tpu.memref_slice %arg21[%dma_start3A_442, %dma_start3A_444, %dma_start3A_445] : memref<3x16x2048xf32, #tpu.memory_space<vmem>> -> memref<1x16x2048xf32, #tpu.memory_space<vmem>>
    %dma_start3A_447 = tpu.memref_squeeze %dma_start3A_446 : memref<1x16x2048xf32, #tpu.memory_space<vmem>> -> memref<16x2048xf32, #tpu.memory_space<vmem>>
    %dma_start3A_448 = arith.constant 0 : i32
    %dma_start3A_449 = arith.constant 0 : i32
    %dma_start3A_450 = tpu.memref_slice %arg5[%dma_start3A_448, %dma_start3A_449] : memref<10240x2048xf32, #tpu.memory_space<hbm>> -> memref<10240x2048xf32, #tpu.memory_space<hbm>>
    %dma_start3A_451 = tpu.memref_slice %arg23[%dma_start3A_443] : memref<3x!tpu.dma_semaphore, #tpu.memory_space<semaphore_mem>> -> memref<1x!tpu.dma_semaphore, #tpu.memory_space<semaphore_mem>>
    %dma_start3A_452 = tpu.memref_squeeze %dma_start3A_451 : memref<1x!tpu.dma_semaphore, #tpu.memory_space<semaphore_mem>> -> memref<!tpu.dma_semaphore, #tpu.memory_space<semaphore_mem>>
    tpu.enqueue_indirect_dma source(%dma_start3A_447 : memref<16x2048xf32, #tpu.memory_space<vmem>>) target(%dma_start3A_450 : memref<10240x2048xf32, #tpu.memory_space<hbm>>) offsets(%get3A_441 : vector<16xi32>) semaphore(%dma_start3A_452 : memref<!tpu.dma_semaphore, #tpu.memory_space<semaphore_mem>>)
    %dma_wait3A_453 = arith.constant 2 : i32
    %dma_wait3A_454 = arith.constant 2 : i32
    %dma_wait3A_455 = arith.constant 0 : i32
    %dma_wait3A_456 = arith.constant 0 : i32
    %dma_wait3A_457 = tpu.memref_slice %arg21[%dma_wait3A_453, %dma_wait3A_455, %dma_wait3A_456] : memref<3x16x2048xf32, #tpu.memory_space<vmem>> -> memref<1x16x2048xf32, #tpu.memory_space<vmem>>
    %dma_wait3A_458 = tpu.memref_squeeze %dma_wait3A_457 : memref<1x16x2048xf32, #tpu.memory_space<vmem>> -> memref<16x2048xf32, #tpu.memory_space<vmem>>
    %dma_wait3A_459 = arith.constant 0 : i32
    %dma_wait3A_460 = arith.constant 0 : i32
    %dma_wait3A_461 = tpu.memref_slice %arg5[%dma_wait3A_459, %dma_wait3A_460] : memref<10240x2048xf32, #tpu.memory_space<hbm>> -> memref<10240x2048xf32, #tpu.memory_space<hbm>>
    %dma_wait3A_462 = tpu.memref_slice %arg23[%dma_wait3A_454] : memref<3x!tpu.dma_semaphore, #tpu.memory_space<semaphore_mem>> -> memref<1x!tpu.dma_semaphore, #tpu.memory_space<semaphore_mem>>
    %dma_wait3A_463 = tpu.memref_squeeze %dma_wait3A_462 : memref<1x!tpu.dma_semaphore, #tpu.memory_space<semaphore_mem>> -> memref<!tpu.dma_semaphore, #tpu.memory_space<semaphore_mem>>
    tpu.wait_indirect_dma semaphore(%dma_wait3A_463 : memref<!tpu.dma_semaphore, #tpu.memory_space<semaphore_mem>>) src(%dma_wait3A_458 : memref<16x2048xf32, #tpu.memory_space<vmem>>) dst(%dma_wait3A_461 : memref<10240x2048xf32, #tpu.memory_space<hbm>>)
    %get3A_464 = arith.constant 176 : index
    %get3A_465 = tpu.vector_load %arg17[%get3A_464] {strides = array<i32>} : memref<192xi32, #tpu.memory_space<vmem>>, vector<16xi32>,
    %dma_start3A_466 = arith.constant 2 : i32
    %dma_start3A_467 = arith.constant 2 : i32
    %dma_start3A_468 = arith.constant 0 : i32
    %dma_start3A_469 = arith.constant 0 : i32
    %dma_start3A_470 = tpu.memref_slice %arg21[%dma_start3A_466, %dma_start3A_468, %dma_start3A_469] : memref<3x16x2048xf32, #tpu.memory_space<vmem>> -> memref<1x16x2048xf32, #tpu.memory_space<vmem>>
    %dma_start3A_471 = tpu.memref_squeeze %dma_start3A_470 : memref<1x16x2048xf32, #tpu.memory_space<vmem>> -> memref<16x2048xf32, #tpu.memory_space<vmem>>
    %dma_start3A_472 = arith.constant 0 : i32
    %dma_start3A_473 = arith.constant 0 : i32
    %dma_start3A_474 = tpu.memref_slice %arg4[%dma_start3A_472, %dma_start3A_473] : memref<8192x2048xf32, #tpu.memory_space<hbm>> -> memref<8192x2048xf32, #tpu.memory_space<hbm>>
    %dma_start3A_475 = tpu.memref_slice %arg22[%dma_start3A_467] : memref<3x!tpu.dma_semaphore, #tpu.memory_space<semaphore_mem>> -> memref<1x!tpu.dma_semaphore, #tpu.memory_space<semaphore_mem>>
    %dma_start3A_476 = tpu.memref_squeeze %dma_start3A_475 : memref<1x!tpu.dma_semaphore, #tpu.memory_space<semaphore_mem>> -> memref<!tpu.dma_semaphore, #tpu.memory_space<semaphore_mem>>
    tpu.enqueue_indirect_dma source(%dma_start3A_474 : memref<8192x2048xf32, #tpu.memory_space<hbm>>) target(%dma_start3A_471 : memref<16x2048xf32, #tpu.memory_space<vmem>>) offsets(%get3A_465 : vector<16xi32>) semaphore(%dma_start3A_476 : memref<!tpu.dma_semaphore, #tpu.memory_space<semaphore_mem>>)
    %dma_wait3A_477 = arith.constant 0 : i32
    %dma_wait3A_478 = arith.constant 0 : i32
    %dma_wait3A_479 = arith.constant 0 : i32
    %dma_wait3A_480 = arith.constant 0 : i32
    %dma_wait3A_481 = tpu.memref_slice %arg21[%dma_wait3A_477, %dma_wait3A_479, %dma_wait3A_480] : memref<3x16x2048xf32, #tpu.memory_space<vmem>> -> memref<1x16x2048xf32, #tpu.memory_space<vmem>>
    %dma_wait3A_482 = tpu.memref_squeeze %dma_wait3A_481 : memref<1x16x2048xf32, #tpu.memory_space<vmem>> -> memref<16x2048xf32, #tpu.memory_space<vmem>>
    %dma_wait3A_483 = arith.constant 0 : i32
    %dma_wait3A_484 = arith.constant 0 : i32
    %dma_wait3A_485 = tpu.memref_slice %arg4[%dma_wait3A_483, %dma_wait3A_484] : memref<8192x2048xf32, #tpu.memory_space<hbm>> -> memref<8192x2048xf32, #tpu.memory_space<hbm>>
    %dma_wait3A_486 = tpu.memref_slice %arg22[%dma_wait3A_478] : memref<3x!tpu.dma_semaphore, #tpu.memory_space<semaphore_mem>> -> memref<1x!tpu.dma_semaphore, #tpu.memory_space<semaphore_mem>>
    %dma_wait3A_487 = tpu.memref_squeeze %dma_wait3A_486 : memref<1x!tpu.dma_semaphore, #tpu.memory_space<semaphore_mem>> -> memref<!tpu.dma_semaphore, #tpu.memory_space<semaphore_mem>>
    tpu.wait_indirect_dma semaphore(%dma_wait3A_487 : memref<!tpu.dma_semaphore, #tpu.memory_space<semaphore_mem>>) src(%dma_wait3A_485 : memref<8192x2048xf32, #tpu.memory_space<hbm>>) dst(%dma_wait3A_482 : memref<16x2048xf32, #tpu.memory_space<vmem>>)
    %get3A_488 = arith.constant 144 : index
    %get3A_489 = tpu.vector_load %arg18[%get3A_488] {strides = array<i32>} : memref<192xi32, #tpu.memory_space<vmem>>, vector<16xi32>,
    %dma_start3A_490 = arith.constant 0 : i32
    %dma_start3A_491 = arith.constant 0 : i32
    %dma_start3A_492 = arith.constant 0 : i32
    %dma_start3A_493 = arith.constant 0 : i32
    %dma_start3A_494 = tpu.memref_slice %arg21[%dma_start3A_490, %dma_start3A_492, %dma_start3A_493] : memref<3x16x2048xf32, #tpu.memory_space<vmem>> -> memref<1x16x2048xf32, #tpu.memory_space<vmem>>
    %dma_start3A_495 = tpu.memref_squeeze %dma_start3A_494 : memref<1x16x2048xf32, #tpu.memory_space<vmem>> -> memref<16x2048xf32, #tpu.memory_space<vmem>>
    %dma_start3A_496 = arith.constant 0 : i32
    %dma_start3A_497 = arith.constant 0 : i32
    %dma_start3A_498 = tpu.memref_slice %arg5[%dma_start3A_496, %dma_start3A_497] : memref<10240x2048xf32, #tpu.memory_space<hbm>> -> memref<10240x2048xf32, #tpu.memory_space<hbm>>
    %dma_start3A_499 = tpu.memref_slice %arg23[%dma_start3A_491] : memref<3x!tpu.dma_semaphore, #tpu.memory_space<semaphore_mem>> -> memref<1x!tpu.dma_semaphore, #tpu.memory_space<semaphore_mem>>
    %dma_start3A_500 = tpu.memref_squeeze %dma_start3A_499 : memref<1x!tpu.dma_semaphore, #tpu.memory_space<semaphore_mem>> -> memref<!tpu.dma_semaphore, #tpu.memory_space<semaphore_mem>>
    tpu.enqueue_indirect_dma source(%dma_start3A_495 : memref<16x2048xf32, #tpu.memory_space<vmem>>) target(%dma_start3A_498 : memref<10240x2048xf32, #tpu.memory_space<hbm>>) offsets(%get3A_489 : vector<16xi32>) semaphore(%dma_start3A_500 : memref<!tpu.dma_semaphore, #tpu.memory_space<semaphore_mem>>)
    %dma_wait3A_501 = arith.constant 0 : i32
    %dma_wait3A_502 = arith.constant 0 : i32
    %dma_wait3A_503 = arith.constant 0 : i32
    %dma_wait3A_504 = arith.constant 0 : i32
    %dma_wait3A_505 = tpu.memref_slice %arg21[%dma_wait3A_501, %dma_wait3A_503, %dma_wait3A_504] : memref<3x16x2048xf32, #tpu.memory_space<vmem>> -> memref<1x16x2048xf32, #tpu.memory_space<vmem>>
    %dma_wait3A_506 = tpu.memref_squeeze %dma_wait3A_505 : memref<1x16x2048xf32, #tpu.memory_space<vmem>> -> memref<16x2048xf32, #tpu.memory_space<vmem>>
    %dma_wait3A_507 = arith.constant 0 : i32
    %dma_wait3A_508 = arith.constant 0 : i32
    %dma_wait3A_509 = tpu.memref_slice %arg5[%dma_wait3A_507, %dma_wait3A_508] : memref<10240x2048xf32, #tpu.memory_space<hbm>> -> memref<10240x2048xf32, #tpu.memory_space<hbm>>
    %dma_wait3A_510 = tpu.memref_slice %arg23[%dma_wait3A_502] : memref<3x!tpu.dma_semaphore, #tpu.memory_space<semaphore_mem>> -> memref<1x!tpu.dma_semaphore, #tpu.memory_space<semaphore_mem>>
    %dma_wait3A_511 = tpu.memref_squeeze %dma_wait3A_510 : memref<1x!tpu.dma_semaphore, #tpu.memory_space<semaphore_mem>> -> memref<!tpu.dma_semaphore, #tpu.memory_space<semaphore_mem>>
    tpu.wait_indirect_dma semaphore(%dma_wait3A_511 : memref<!tpu.dma_semaphore, #tpu.memory_space<semaphore_mem>>) src(%dma_wait3A_506 : memref<16x2048xf32, #tpu.memory_space<vmem>>) dst(%dma_wait3A_509 : memref<10240x2048xf32, #tpu.memory_space<hbm>>)
    %get3A_512 = arith.constant 0 : index
    %get3A_513 = tpu.vector_load %arg19[%get3A_512] {strides = array<i32>} : memref<128xi32, #tpu.memory_space<vmem>>, vector<16xi32>,
    %dma_start3A_514 = arith.constant 0 : i32
    %dma_start3A_515 = arith.constant 0 : i32
    %dma_start3A_516 = arith.constant 0 : i32
    %dma_start3A_517 = arith.constant 0 : i32
    %dma_start3A_518 = tpu.memref_slice %arg21[%dma_start3A_514, %dma_start3A_516, %dma_start3A_517] : memref<3x16x2048xf32, #tpu.memory_space<vmem>> -> memref<1x16x2048xf32, #tpu.memory_space<vmem>>
    %dma_start3A_519 = tpu.memref_squeeze %dma_start3A_518 : memref<1x16x2048xf32, #tpu.memory_space<vmem>> -> memref<16x2048xf32, #tpu.memory_space<vmem>>
    %dma_start3A_520 = arith.constant 0 : i32
    %dma_start3A_521 = arith.constant 0 : i32
    %dma_start3A_522 = tpu.memref_slice %arg3[%dma_start3A_520, %dma_start3A_521] : memref<16384x2048xf32, #tpu.memory_space<hbm>> -> memref<16384x2048xf32, #tpu.memory_space<hbm>>
    %dma_start3A_523 = tpu.memref_slice %arg22[%dma_start3A_515] : memref<3x!tpu.dma_semaphore, #tpu.memory_space<semaphore_mem>> -> memref<1x!tpu.dma_semaphore, #tpu.memory_space<semaphore_mem>>
    %dma_start3A_524 = tpu.memref_squeeze %dma_start3A_523 : memref<1x!tpu.dma_semaphore, #tpu.memory_space<semaphore_mem>> -> memref<!tpu.dma_semaphore, #tpu.memory_space<semaphore_mem>>
    tpu.enqueue_indirect_dma source(%dma_start3A_522 : memref<16384x2048xf32, #tpu.memory_space<hbm>>) target(%dma_start3A_519 : memref<16x2048xf32, #tpu.memory_space<vmem>>) offsets(%get3A_513 : vector<16xi32>) semaphore(%dma_start3A_524 : memref<!tpu.dma_semaphore, #tpu.memory_space<semaphore_mem>>)
    %dma_wait3A_525 = arith.constant 1 : i32
    %dma_wait3A_526 = arith.constant 1 : i32
    %dma_wait3A_527 = arith.constant 0 : i32
    %dma_wait3A_528 = arith.constant 0 : i32
    %dma_wait3A_529 = tpu.memref_slice %arg21[%dma_wait3A_525, %dma_wait3A_527, %dma_wait3A_528] : memref<3x16x2048xf32, #tpu.memory_space<vmem>> -> memref<1x16x2048xf32, #tpu.memory_space<vmem>>
    %dma_wait3A_530 = tpu.memref_squeeze %dma_wait3A_529 : memref<1x16x2048xf32, #tpu.memory_space<vmem>> -> memref<16x2048xf32, #tpu.memory_space<vmem>>
    %dma_wait3A_531 = arith.constant 0 : i32
    %dma_wait3A_532 = arith.constant 0 : i32
    %dma_wait3A_533 = tpu.memref_slice %arg4[%dma_wait3A_531, %dma_wait3A_532] : memref<8192x2048xf32, #tpu.memory_space<hbm>> -> memref<8192x2048xf32, #tpu.memory_space<hbm>>
    %dma_wait3A_534 = tpu.memref_slice %arg22[%dma_wait3A_526] : memref<3x!tpu.dma_semaphore, #tpu.memory_space<semaphore_mem>> -> memref<1x!tpu.dma_semaphore, #tpu.memory_space<semaphore_mem>>
    %dma_wait3A_535 = tpu.memref_squeeze %dma_wait3A_534 : memref<1x!tpu.dma_semaphore, #tpu.memory_space<semaphore_mem>> -> memref<!tpu.dma_semaphore, #tpu.memory_space<semaphore_mem>>
    tpu.wait_indirect_dma semaphore(%dma_wait3A_535 : memref<!tpu.dma_semaphore, #tpu.memory_space<semaphore_mem>>) src(%dma_wait3A_533 : memref<8192x2048xf32, #tpu.memory_space<hbm>>) dst(%dma_wait3A_530 : memref<16x2048xf32, #tpu.memory_space<vmem>>)
    %get3A_536 = arith.constant 160 : index
    %get3A_537 = tpu.vector_load %arg18[%get3A_536] {strides = array<i32>} : memref<192xi32, #tpu.memory_space<vmem>>, vector<16xi32>,
    %dma_start3A_538 = arith.constant 1 : i32
    %dma_start3A_539 = arith.constant 1 : i32
    %dma_start3A_540 = arith.constant 0 : i32
    %dma_start3A_541 = arith.constant 0 : i32
    %dma_start3A_542 = tpu.memref_slice %arg21[%dma_start3A_538, %dma_start3A_540, %dma_start3A_541] : memref<3x16x2048xf32, #tpu.memory_space<vmem>> -> memref<1x16x2048xf32, #tpu.memory_space<vmem>>
    %dma_start3A_543 = tpu.memref_squeeze %dma_start3A_542 : memref<1x16x2048xf32, #tpu.memory_space<vmem>> -> memref<16x2048xf32, #tpu.memory_space<vmem>>
    %dma_start3A_544 = arith.constant 0 : i32
    %dma_start3A_545 = arith.constant 0 : i32
    %dma_start3A_546 = tpu.memref_slice %arg5[%dma_start3A_544, %dma_start3A_545] : memref<10240x2048xf32, #tpu.memory_space<hbm>> -> memref<10240x2048xf32, #tpu.memory_space<hbm>>
    %dma_start3A_547 = tpu.memref_slice %arg23[%dma_start3A_539] : memref<3x!tpu.dma_semaphore, #tpu.memory_space<semaphore_mem>> -> memref<1x!tpu.dma_semaphore, #tpu.memory_space<semaphore_mem>>
    %dma_start3A_548 = tpu.memref_squeeze %dma_start3A_547 : memref<1x!tpu.dma_semaphore, #tpu.memory_space<semaphore_mem>> -> memref<!tpu.dma_semaphore, #tpu.memory_space<semaphore_mem>>
    tpu.enqueue_indirect_dma source(%dma_start3A_543 : memref<16x2048xf32, #tpu.memory_space<vmem>>) target(%dma_start3A_546 : memref<10240x2048xf32, #tpu.memory_space<hbm>>) offsets(%get3A_537 : vector<16xi32>) semaphore(%dma_start3A_548 : memref<!tpu.dma_semaphore, #tpu.memory_space<semaphore_mem>>)
    %dma_wait3A_549 = arith.constant 1 : i32
    %dma_wait3A_550 = arith.constant 1 : i32
    %dma_wait3A_551 = arith.constant 0 : i32
    %dma_wait3A_552 = arith.constant 0 : i32
    %dma_wait3A_553 = tpu.memref_slice %arg21[%dma_wait3A_549, %dma_wait3A_551, %dma_wait3A_552] : memref<3x16x2048xf32, #tpu.memory_space<vmem>> -> memref<1x16x2048xf32, #tpu.memory_space<vmem>>
    %dma_wait3A_554 = tpu.memref_squeeze %dma_wait3A_553 : memref<1x16x2048xf32, #tpu.memory_space<vmem>> -> memref<16x2048xf32, #tpu.memory_space<vmem>>
    %dma_wait3A_555 = arith.constant 0 : i32
    %dma_wait3A_556 = arith.constant 0 : i32
    %dma_wait3A_557 = tpu.memref_slice %arg5[%dma_wait3A_555, %dma_wait3A_556] : memref<10240x2048xf32, #tpu.memory_space<hbm>> -> memref<10240x2048xf32, #tpu.memory_space<hbm>>
    %dma_wait3A_558 = tpu.memref_slice %arg23[%dma_wait3A_550] : memref<3x!tpu.dma_semaphore, #tpu.memory_space<semaphore_mem>> -> memref<1x!tpu.dma_semaphore, #tpu.memory_space<semaphore_mem>>
    %dma_wait3A_559 = tpu.memref_squeeze %dma_wait3A_558 : memref<1x!tpu.dma_semaphore, #tpu.memory_space<semaphore_mem>> -> memref<!tpu.dma_semaphore, #tpu.memory_space<semaphore_mem>>
    tpu.wait_indirect_dma semaphore(%dma_wait3A_559 : memref<!tpu.dma_semaphore, #tpu.memory_space<semaphore_mem>>) src(%dma_wait3A_554 : memref<16x2048xf32, #tpu.memory_space<vmem>>) dst(%dma_wait3A_557 : memref<10240x2048xf32, #tpu.memory_space<hbm>>)
    %get3A_560 = arith.constant 16 : index
    %get3A_561 = tpu.vector_load %arg19[%get3A_560] {strides = array<i32>} : memref<128xi32, #tpu.memory_space<vmem>>, vector<16xi32>,
    %dma_start3A_562 = arith.constant 1 : i32
    %dma_start3A_563 = arith.constant 1 : i32
    %dma_start3A_564 = arith.constant 0 : i32
    %dma_start3A_565 = arith.constant 0 : i32
    %dma_start3A_566 = tpu.memref_slice %arg21[%dma_start3A_562, %dma_start3A_564, %dma_start3A_565] : memref<3x16x2048xf32, #tpu.memory_space<vmem>> -> memref<1x16x2048xf32, #tpu.memory_space<vmem>>
    %dma_start3A_567 = tpu.memref_squeeze %dma_start3A_566 : memref<1x16x2048xf32, #tpu.memory_space<vmem>> -> memref<16x2048xf32, #tpu.memory_space<vmem>>
    %dma_start3A_568 = arith.constant 0 : i32
    %dma_start3A_569 = arith.constant 0 : i32
    %dma_start3A_570 = tpu.memref_slice %arg3[%dma_start3A_568, %dma_start3A_569] : memref<16384x2048xf32, #tpu.memory_space<hbm>> -> memref<16384x2048xf32, #tpu.memory_space<hbm>>
    %dma_start3A_571 = tpu.memref_slice %arg22[%dma_start3A_563] : memref<3x!tpu.dma_semaphore, #tpu.memory_space<semaphore_mem>> -> memref<1x!tpu.dma_semaphore, #tpu.memory_space<semaphore_mem>>
    %dma_start3A_572 = tpu.memref_squeeze %dma_start3A_571 : memref<1x!tpu.dma_semaphore, #tpu.memory_space<semaphore_mem>> -> memref<!tpu.dma_semaphore, #tpu.memory_space<semaphore_mem>>
    tpu.enqueue_indirect_dma source(%dma_start3A_570 : memref<16384x2048xf32, #tpu.memory_space<hbm>>) target(%dma_start3A_567 : memref<16x2048xf32, #tpu.memory_space<vmem>>) offsets(%get3A_561 : vector<16xi32>) semaphore(%dma_start3A_572 : memref<!tpu.dma_semaphore, #tpu.memory_space<semaphore_mem>>)
    %dma_wait3A_573 = arith.constant 2 : i32
    %dma_wait3A_574 = arith.constant 2 : i32
    %dma_wait3A_575 = arith.constant 0 : i32
    %dma_wait3A_576 = arith.constant 0 : i32
    %dma_wait3A_577 = tpu.memref_slice %arg21[%dma_wait3A_573, %dma_wait3A_575, %dma_wait3A_576] : memref<3x16x2048xf32, #tpu.memory_space<vmem>> -> memref<1x16x2048xf32, #tpu.memory_space<vmem>>
    %dma_wait3A_578 = tpu.memref_squeeze %dma_wait3A_577 : memref<1x16x2048xf32, #tpu.memory_space<vmem>> -> memref<16x2048xf32, #tpu.memory_space<vmem>>
    %dma_wait3A_579 = arith.constant 0 : i32
    %dma_wait3A_580 = arith.constant 0 : i32
    %dma_wait3A_581 = tpu.memref_slice %arg4[%dma_wait3A_579, %dma_wait3A_580] : memref<8192x2048xf32, #tpu.memory_space<hbm>> -> memref<8192x2048xf32, #tpu.memory_space<hbm>>
    %dma_wait3A_582 = tpu.memref_slice %arg22[%dma_wait3A_574] : memref<3x!tpu.dma_semaphore, #tpu.memory_space<semaphore_mem>> -> memref<1x!tpu.dma_semaphore, #tpu.memory_space<semaphore_mem>>
    %dma_wait3A_583 = tpu.memref_squeeze %dma_wait3A_582 : memref<1x!tpu.dma_semaphore, #tpu.memory_space<semaphore_mem>> -> memref<!tpu.dma_semaphore, #tpu.memory_space<semaphore_mem>>
    tpu.wait_indirect_dma semaphore(%dma_wait3A_583 : memref<!tpu.dma_semaphore, #tpu.memory_space<semaphore_mem>>) src(%dma_wait3A_581 : memref<8192x2048xf32, #tpu.memory_space<hbm>>) dst(%dma_wait3A_578 : memref<16x2048xf32, #tpu.memory_space<vmem>>)
    %get3A_584 = arith.constant 176 : index
    %get3A_585 = tpu.vector_load %arg18[%get3A_584] {strides = array<i32>} : memref<192xi32, #tpu.memory_space<vmem>>, vector<16xi32>,
    %dma_start3A_586 = arith.constant 2 : i32
    %dma_start3A_587 = arith.constant 2 : i32
    %dma_start3A_588 = arith.constant 0 : i32
    %dma_start3A_589 = arith.constant 0 : i32
    %dma_start3A_590 = tpu.memref_slice %arg21[%dma_start3A_586, %dma_start3A_588, %dma_start3A_589] : memref<3x16x2048xf32, #tpu.memory_space<vmem>> -> memref<1x16x2048xf32, #tpu.memory_space<vmem>>
    %dma_start3A_591 = tpu.memref_squeeze %dma_start3A_590 : memref<1x16x2048xf32, #tpu.memory_space<vmem>> -> memref<16x2048xf32, #tpu.memory_space<vmem>>
    %dma_start3A_592 = arith.constant 0 : i32
    %dma_start3A_593 = arith.constant 0 : i32
    %dma_start3A_594 = tpu.memref_slice %arg5[%dma_start3A_592, %dma_start3A_593] : memref<10240x2048xf32, #tpu.memory_space<hbm>> -> memref<10240x2048xf32, #tpu.memory_space<hbm>>
    %dma_start3A_595 = tpu.memref_slice %arg23[%dma_start3A_587] : memref<3x!tpu.dma_semaphore, #tpu.memory_space<semaphore_mem>> -> memref<1x!tpu.dma_semaphore, #tpu.memory_space<semaphore_mem>>
    %dma_start3A_596 = tpu.memref_squeeze %dma_start3A_595 : memref<1x!tpu.dma_semaphore, #tpu.memory_space<semaphore_mem>> -> memref<!tpu.dma_semaphore, #tpu.memory_space<semaphore_mem>>
    tpu.enqueue_indirect_dma source(%dma_start3A_591 : memref<16x2048xf32, #tpu.memory_space<vmem>>) target(%dma_start3A_594 : memref<10240x2048xf32, #tpu.memory_space<hbm>>) offsets(%get3A_585 : vector<16xi32>) semaphore(%dma_start3A_596 : memref<!tpu.dma_semaphore, #tpu.memory_space<semaphore_mem>>)
    %dma_wait3A_597 = arith.constant 2 : i32
    %dma_wait3A_598 = arith.constant 2 : i32
    %dma_wait3A_599 = arith.constant 0 : i32
    %dma_wait3A_600 = arith.constant 0 : i32
    %dma_wait3A_601 = tpu.memref_slice %arg21[%dma_wait3A_597, %dma_wait3A_599, %dma_wait3A_600] : memref<3x16x2048xf32, #tpu.memory_space<vmem>> -> memref<1x16x2048xf32, #tpu.memory_space<vmem>>
    %dma_wait3A_602 = tpu.memref_squeeze %dma_wait3A_601 : memref<1x16x2048xf32, #tpu.memory_space<vmem>> -> memref<16x2048xf32, #tpu.memory_space<vmem>>
    %dma_wait3A_603 = arith.constant 0 : i32
    %dma_wait3A_604 = arith.constant 0 : i32
    %dma_wait3A_605 = tpu.memref_slice %arg5[%dma_wait3A_603, %dma_wait3A_604] : memref<10240x2048xf32, #tpu.memory_space<hbm>> -> memref<10240x2048xf32, #tpu.memory_space<hbm>>
    %dma_wait3A_606 = tpu.memref_slice %arg23[%dma_wait3A_598] : memref<3x!tpu.dma_semaphore, #tpu.memory_space<semaphore_mem>> -> memref<1x!tpu.dma_semaphore, #tpu.memory_space<semaphore_mem>>
    %dma_wait3A_607 = tpu.memref_squeeze %dma_wait3A_606 : memref<1x!tpu.dma_semaphore, #tpu.memory_space<semaphore_mem>> -> memref<!tpu.dma_semaphore, #tpu.memory_space<semaphore_mem>>
    tpu.wait_indirect_dma semaphore(%dma_wait3A_607 : memref<!tpu.dma_semaphore, #tpu.memory_space<semaphore_mem>>) src(%dma_wait3A_602 : memref<16x2048xf32, #tpu.memory_space<vmem>>) dst(%dma_wait3A_605 : memref<10240x2048xf32, #tpu.memory_space<hbm>>)
    %get3A_608 = arith.constant 32 : index
    %get3A_609 = tpu.vector_load %arg19[%get3A_608] {strides = array<i32>} : memref<128xi32, #tpu.memory_space<vmem>>, vector<16xi32>,
    %dma_start3A_610 = arith.constant 2 : i32
    %dma_start3A_611 = arith.constant 2 : i32
    %dma_start3A_612 = arith.constant 0 : i32
    %dma_start3A_613 = arith.constant 0 : i32
    %dma_start3A_614 = tpu.memref_slice %arg21[%dma_start3A_610, %dma_start3A_612, %dma_start3A_613] : memref<3x16x2048xf32, #tpu.memory_space<vmem>> -> memref<1x16x2048xf32, #tpu.memory_space<vmem>>
    %dma_start3A_615 = tpu.memref_squeeze %dma_start3A_614 : memref<1x16x2048xf32, #tpu.memory_space<vmem>> -> memref<16x2048xf32, #tpu.memory_space<vmem>>
    %dma_start3A_616 = arith.constant 0 : i32
    %dma_start3A_617 = arith.constant 0 : i32
    %dma_start3A_618 = tpu.memref_slice %arg3[%dma_start3A_616, %dma_start3A_617] : memref<16384x2048xf32, #tpu.memory_space<hbm>> -> memref<16384x2048xf32, #tpu.memory_space<hbm>>
    %dma_start3A_619 = tpu.memref_slice %arg22[%dma_start3A_611] : memref<3x!tpu.dma_semaphore, #tpu.memory_space<semaphore_mem>> -> memref<1x!tpu.dma_semaphore, #tpu.memory_space<semaphore_mem>>
    %dma_start3A_620 = tpu.memref_squeeze %dma_start3A_619 : memref<1x!tpu.dma_semaphore, #tpu.memory_space<semaphore_mem>> -> memref<!tpu.dma_semaphore, #tpu.memory_space<semaphore_mem>>
    tpu.enqueue_indirect_dma source(%dma_start3A_618 : memref<16384x2048xf32, #tpu.memory_space<hbm>>) target(%dma_start3A_615 : memref<16x2048xf32, #tpu.memory_space<vmem>>) offsets(%get3A_609 : vector<16xi32>) semaphore(%dma_start3A_620 : memref<!tpu.dma_semaphore, #tpu.memory_space<semaphore_mem>>)
    %dma_wait3A_621 = arith.constant 0 : i32
    %dma_wait3A_622 = arith.constant 0 : i32
    %dma_wait3A_623 = arith.constant 0 : i32
    %dma_wait3A_624 = arith.constant 0 : i32
    %dma_wait3A_625 = tpu.memref_slice %arg21[%dma_wait3A_621, %dma_wait3A_623, %dma_wait3A_624] : memref<3x16x2048xf32, #tpu.memory_space<vmem>> -> memref<1x16x2048xf32, #tpu.memory_space<vmem>>
    %dma_wait3A_626 = tpu.memref_squeeze %dma_wait3A_625 : memref<1x16x2048xf32, #tpu.memory_space<vmem>> -> memref<16x2048xf32, #tpu.memory_space<vmem>>
    %dma_wait3A_627 = arith.constant 0 : i32
    %dma_wait3A_628 = arith.constant 0 : i32
    %dma_wait3A_629 = tpu.memref_slice %arg3[%dma_wait3A_627, %dma_wait3A_628] : memref<16384x2048xf32, #tpu.memory_space<hbm>> -> memref<16384x2048xf32, #tpu.memory_space<hbm>>
    %dma_wait3A_630 = tpu.memref_slice %arg22[%dma_wait3A_622] : memref<3x!tpu.dma_semaphore, #tpu.memory_space<semaphore_mem>> -> memref<1x!tpu.dma_semaphore, #tpu.memory_space<semaphore_mem>>
    %dma_wait3A_631 = tpu.memref_squeeze %dma_wait3A_630 : memref<1x!tpu.dma_semaphore, #tpu.memory_space<semaphore_mem>> -> memref<!tpu.dma_semaphore, #tpu.memory_space<semaphore_mem>>
    tpu.wait_indirect_dma semaphore(%dma_wait3A_631 : memref<!tpu.dma_semaphore, #tpu.memory_space<semaphore_mem>>) src(%dma_wait3A_629 : memref<16384x2048xf32, #tpu.memory_space<hbm>>) dst(%dma_wait3A_626 : memref<16x2048xf32, #tpu.memory_space<vmem>>)
    %get3A_632 = arith.constant 0 : index
    %get3A_633 = tpu.vector_load %arg20[%get3A_632] {strides = array<i32>} : memref<128xi32, #tpu.memory_space<vmem>>, vector<16xi32>,
    %dma_start3A_634 = arith.constant 0 : i32
    %dma_start3A_635 = arith.constant 0 : i32
    %dma_start3A_636 = arith.constant 0 : i32
    %dma_start3A_637 = arith.constant 0 : i32
    %dma_start3A_638 = tpu.memref_slice %arg21[%dma_start3A_634, %dma_start3A_636, %dma_start3A_637] : memref<3x16x2048xf32, #tpu.memory_space<vmem>> -> memref<1x16x2048xf32, #tpu.memory_space<vmem>>
    %dma_start3A_639 = tpu.memref_squeeze %dma_start3A_638 : memref<1x16x2048xf32, #tpu.memory_space<vmem>> -> memref<16x2048xf32, #tpu.memory_space<vmem>>
    %dma_start3A_640 = arith.constant 0 : i32
    %dma_start3A_641 = arith.constant 0 : i32
    %dma_start3A_642 = tpu.memref_slice %arg5[%dma_start3A_640, %dma_start3A_641] : memref<10240x2048xf32, #tpu.memory_space<hbm>> -> memref<10240x2048xf32, #tpu.memory_space<hbm>>
    %dma_start3A_643 = tpu.memref_slice %arg23[%dma_start3A_635] : memref<3x!tpu.dma_semaphore, #tpu.memory_space<semaphore_mem>> -> memref<1x!tpu.dma_semaphore, #tpu.memory_space<semaphore_mem>>
    %dma_start3A_644 = tpu.memref_squeeze %dma_start3A_643 : memref<1x!tpu.dma_semaphore, #tpu.memory_space<semaphore_mem>> -> memref<!tpu.dma_semaphore, #tpu.memory_space<semaphore_mem>>
    tpu.enqueue_indirect_dma source(%dma_start3A_639 : memref<16x2048xf32, #tpu.memory_space<vmem>>) target(%dma_start3A_642 : memref<10240x2048xf32, #tpu.memory_space<hbm>>) offsets(%get3A_633 : vector<16xi32>) semaphore(%dma_start3A_644 : memref<!tpu.dma_semaphore, #tpu.memory_space<semaphore_mem>>)
    %dma_wait3A_645 = arith.constant 0 : i32
    %dma_wait3A_646 = arith.constant 0 : i32
    %dma_wait3A_647 = arith.constant 0 : i32
    %dma_wait3A_648 = arith.constant 0 : i32
    %dma_wait3A_649 = tpu.memref_slice %arg21[%dma_wait3A_645, %dma_wait3A_647, %dma_wait3A_648] : memref<3x16x2048xf32, #tpu.memory_space<vmem>> -> memref<1x16x2048xf32, #tpu.memory_space<vmem>>
    %dma_wait3A_650 = tpu.memref_squeeze %dma_wait3A_649 : memref<1x16x2048xf32, #tpu.memory_space<vmem>> -> memref<16x2048xf32, #tpu.memory_space<vmem>>
    %dma_wait3A_651 = arith.constant 0 : i32
    %dma_wait3A_652 = arith.constant 0 : i32
    %dma_wait3A_653 = tpu.memref_slice %arg5[%dma_wait3A_651, %dma_wait3A_652] : memref<10240x2048xf32, #tpu.memory_space<hbm>> -> memref<10240x2048xf32, #tpu.memory_space<hbm>>
    %dma_wait3A_654 = tpu.memref_slice %arg23[%dma_wait3A_646] : memref<3x!tpu.dma_semaphore, #tpu.memory_space<semaphore_mem>> -> memref<1x!tpu.dma_semaphore, #tpu.memory_space<semaphore_mem>>
    %dma_wait3A_655 = tpu.memref_squeeze %dma_wait3A_654 : memref<1x!tpu.dma_semaphore, #tpu.memory_space<semaphore_mem>> -> memref<!tpu.dma_semaphore, #tpu.memory_space<semaphore_mem>>
    tpu.wait_indirect_dma semaphore(%dma_wait3A_655 : memref<!tpu.dma_semaphore, #tpu.memory_space<semaphore_mem>>) src(%dma_wait3A_650 : memref<16x2048xf32, #tpu.memory_space<vmem>>) dst(%dma_wait3A_653 : memref<10240x2048xf32, #tpu.memory_space<hbm>>)
    %get3A_656 = arith.constant 48 : index
    %get3A_657 = tpu.vector_load %arg19[%get3A_656] {strides = array<i32>} : memref<128xi32, #tpu.memory_space<vmem>>, vector<16xi32>,
    %dma_start3A_658 = arith.constant 0 : i32
    %dma_start3A_659 = arith.constant 0 : i32
    %dma_start3A_660 = arith.constant 0 : i32
    %dma_start3A_661 = arith.constant 0 : i32
    %dma_start3A_662 = tpu.memref_slice %arg21[%dma_start3A_658, %dma_start3A_660, %dma_start3A_661] : memref<3x16x2048xf32, #tpu.memory_space<vmem>> -> memref<1x16x2048xf32, #tpu.memory_space<vmem>>
    %dma_start3A_663 = tpu.memref_squeeze %dma_start3A_662 : memref<1x16x2048xf32, #tpu.memory_space<vmem>> -> memref<16x2048xf32, #tpu.memory_space<vmem>>
    %dma_start3A_664 = arith.constant 0 : i32
    %dma_start3A_665 = arith.constant 0 : i32
    %dma_start3A_666 = tpu.memref_slice %arg3[%dma_start3A_664, %dma_start3A_665] : memref<16384x2048xf32, #tpu.memory_space<hbm>> -> memref<16384x2048xf32, #tpu.memory_space<hbm>>
    %dma_start3A_667 = tpu.memref_slice %arg22[%dma_start3A_659] : memref<3x!tpu.dma_semaphore, #tpu.memory_space<semaphore_mem>> -> memref<1x!tpu.dma_semaphore, #tpu.memory_space<semaphore_mem>>
    %dma_start3A_668 = tpu.memref_squeeze %dma_start3A_667 : memref<1x!tpu.dma_semaphore, #tpu.memory_space<semaphore_mem>> -> memref<!tpu.dma_semaphore, #tpu.memory_space<semaphore_mem>>
    tpu.enqueue_indirect_dma source(%dma_start3A_666 : memref<16384x2048xf32, #tpu.memory_space<hbm>>) target(%dma_start3A_663 : memref<16x2048xf32, #tpu.memory_space<vmem>>) offsets(%get3A_657 : vector<16xi32>) semaphore(%dma_start3A_668 : memref<!tpu.dma_semaphore, #tpu.memory_space<semaphore_mem>>)
    %dma_wait3A_669 = arith.constant 1 : i32
    %dma_wait3A_670 = arith.constant 1 : i32
    %dma_wait3A_671 = arith.constant 0 : i32
    %dma_wait3A_672 = arith.constant 0 : i32
    %dma_wait3A_673 = tpu.memref_slice %arg21[%dma_wait3A_669, %dma_wait3A_671, %dma_wait3A_672] : memref<3x16x2048xf32, #tpu.memory_space<vmem>> -> memref<1x16x2048xf32, #tpu.memory_space<vmem>>
    %dma_wait3A_674 = tpu.memref_squeeze %dma_wait3A_673 : memref<1x16x2048xf32, #tpu.memory_space<vmem>> -> memref<16x2048xf32, #tpu.memory_space<vmem>>
    %dma_wait3A_675 = arith.constant 0 : i32
    %dma_wait3A_676 = arith.constant 0 : i32
    %dma_wait3A_677 = tpu.memref_slice %arg3[%dma_wait3A_675, %dma_wait3A_676] : memref<16384x2048xf32, #tpu.memory_space<hbm>> -> memref<16384x2048xf32, #tpu.memory_space<hbm>>
    %dma_wait3A_678 = tpu.memref_slice %arg22[%dma_wait3A_670] : memref<3x!tpu.dma_semaphore, #tpu.memory_space<semaphore_mem>> -> memref<1x!tpu.dma_semaphore, #tpu.memory_space<semaphore_mem>>
    %dma_wait3A_679 = tpu.memref_squeeze %dma_wait3A_678 : memref<1x!tpu.dma_semaphore, #tpu.memory_space<semaphore_mem>> -> memref<!tpu.dma_semaphore, #tpu.memory_space<semaphore_mem>>
    tpu.wait_indirect_dma semaphore(%dma_wait3A_679 : memref<!tpu.dma_semaphore, #tpu.memory_space<semaphore_mem>>) src(%dma_wait3A_677 : memref<16384x2048xf32, #tpu.memory_space<hbm>>) dst(%dma_wait3A_674 : memref<16x2048xf32, #tpu.memory_space<vmem>>)
    %get3A_680 = arith.constant 16 : index
    %get3A_681 = tpu.vector_load %arg20[%get3A_680] {strides = array<i32>} : memref<128xi32, #tpu.memory_space<vmem>>, vector<16xi32>,
    %dma_start3A_682 = arith.constant 1 : i32
    %dma_start3A_683 = arith.constant 1 : i32
    %dma_start3A_684 = arith.constant 0 : i32
    %dma_start3A_685 = arith.constant 0 : i32
    %dma_start3A_686 = tpu.memref_slice %arg21[%dma_start3A_682, %dma_start3A_684, %dma_start3A_685] : memref<3x16x2048xf32, #tpu.memory_space<vmem>> -> memref<1x16x2048xf32, #tpu.memory_space<vmem>>
    %dma_start3A_687 = tpu.memref_squeeze %dma_start3A_686 : memref<1x16x2048xf32, #tpu.memory_space<vmem>> -> memref<16x2048xf32, #tpu.memory_space<vmem>>
    %dma_start3A_688 = arith.constant 0 : i32
    %dma_start3A_689 = arith.constant 0 : i32
    %dma_start3A_690 = tpu.memref_slice %arg5[%dma_start3A_688, %dma_start3A_689] : memref<10240x2048xf32, #tpu.memory_space<hbm>> -> memref<10240x2048xf32, #tpu.memory_space<hbm>>
    %dma_start3A_691 = tpu.memref_slice %arg23[%dma_start3A_683] : memref<3x!tpu.dma_semaphore, #tpu.memory_space<semaphore_mem>> -> memref<1x!tpu.dma_semaphore, #tpu.memory_space<semaphore_mem>>
    %dma_start3A_692 = tpu.memref_squeeze %dma_start3A_691 : memref<1x!tpu.dma_semaphore, #tpu.memory_space<semaphore_mem>> -> memref<!tpu.dma_semaphore, #tpu.memory_space<semaphore_mem>>
    tpu.enqueue_indirect_dma source(%dma_start3A_687 : memref<16x2048xf32, #tpu.memory_space<vmem>>) target(%dma_start3A_690 : memref<10240x2048xf32, #tpu.memory_space<hbm>>) offsets(%get3A_681 : vector<16xi32>) semaphore(%dma_start3A_692 : memref<!tpu.dma_semaphore, #tpu.memory_space<semaphore_mem>>)
    %dma_wait3A_693 = arith.constant 1 : i32
    %dma_wait3A_694 = arith.constant 1 : i32
    %dma_wait3A_695 = arith.constant 0 : i32
    %dma_wait3A_696 = arith.constant 0 : i32
    %dma_wait3A_697 = tpu.memref_slice %arg21[%dma_wait3A_693, %dma_wait3A_695, %dma_wait3A_696] : memref<3x16x2048xf32, #tpu.memory_space<vmem>> -> memref<1x16x2048xf32, #tpu.memory_space<vmem>>
    %dma_wait3A_698 = tpu.memref_squeeze %dma_wait3A_697 : memref<1x16x2048xf32, #tpu.memory_space<vmem>> -> memref<16x2048xf32, #tpu.memory_space<vmem>>
    %dma_wait3A_699 = arith.constant 0 : i32
    %dma_wait3A_700 = arith.constant 0 : i32
    %dma_wait3A_701 = tpu.memref_slice %arg5[%dma_wait3A_699, %dma_wait3A_700] : memref<10240x2048xf32, #tpu.memory_space<hbm>> -> memref<10240x2048xf32, #tpu.memory_space<hbm>>
    %dma_wait3A_702 = tpu.memref_slice %arg23[%dma_wait3A_694] : memref<3x!tpu.dma_semaphore, #tpu.memory_space<semaphore_mem>> -> memref<1x!tpu.dma_semaphore, #tpu.memory_space<semaphore_mem>>
    %dma_wait3A_703 = tpu.memref_squeeze %dma_wait3A_702 : memref<1x!tpu.dma_semaphore, #tpu.memory_space<semaphore_mem>> -> memref<!tpu.dma_semaphore, #tpu.memory_space<semaphore_mem>>
    tpu.wait_indirect_dma semaphore(%dma_wait3A_703 : memref<!tpu.dma_semaphore, #tpu.memory_space<semaphore_mem>>) src(%dma_wait3A_698 : memref<16x2048xf32, #tpu.memory_space<vmem>>) dst(%dma_wait3A_701 : memref<10240x2048xf32, #tpu.memory_space<hbm>>)
    %get3A_704 = arith.constant 64 : index
    %get3A_705 = tpu.vector_load %arg19[%get3A_704] {strides = array<i32>} : memref<128xi32, #tpu.memory_space<vmem>>, vector<16xi32>,
    %dma_start3A_706 = arith.constant 1 : i32
    %dma_start3A_707 = arith.constant 1 : i32
    %dma_start3A_708 = arith.constant 0 : i32
    %dma_start3A_709 = arith.constant 0 : i32
    %dma_start3A_710 = tpu.memref_slice %arg21[%dma_start3A_706, %dma_start3A_708, %dma_start3A_709] : memref<3x16x2048xf32, #tpu.memory_space<vmem>> -> memref<1x16x2048xf32, #tpu.memory_space<vmem>>
    %dma_start3A_711 = tpu.memref_squeeze %dma_start3A_710 : memref<1x16x2048xf32, #tpu.memory_space<vmem>> -> memref<16x2048xf32, #tpu.memory_space<vmem>>
    %dma_start3A_712 = arith.constant 0 : i32
    %dma_start3A_713 = arith.constant 0 : i32
    %dma_start3A_714 = tpu.memref_slice %arg3[%dma_start3A_712, %dma_start3A_713] : memref<16384x2048xf32, #tpu.memory_space<hbm>> -> memref<16384x2048xf32, #tpu.memory_space<hbm>>
    %dma_start3A_715 = tpu.memref_slice %arg22[%dma_start3A_707] : memref<3x!tpu.dma_semaphore, #tpu.memory_space<semaphore_mem>> -> memref<1x!tpu.dma_semaphore, #tpu.memory_space<semaphore_mem>>
    %dma_start3A_716 = tpu.memref_squeeze %dma_start3A_715 : memref<1x!tpu.dma_semaphore, #tpu.memory_space<semaphore_mem>> -> memref<!tpu.dma_semaphore, #tpu.memory_space<semaphore_mem>>
    tpu.enqueue_indirect_dma source(%dma_start3A_714 : memref<16384x2048xf32, #tpu.memory_space<hbm>>) target(%dma_start3A_711 : memref<16x2048xf32, #tpu.memory_space<vmem>>) offsets(%get3A_705 : vector<16xi32>) semaphore(%dma_start3A_716 : memref<!tpu.dma_semaphore, #tpu.memory_space<semaphore_mem>>)
    %dma_wait3A_717 = arith.constant 2 : i32
    %dma_wait3A_718 = arith.constant 2 : i32
    %dma_wait3A_719 = arith.constant 0 : i32
    %dma_wait3A_720 = arith.constant 0 : i32
    %dma_wait3A_721 = tpu.memref_slice %arg21[%dma_wait3A_717, %dma_wait3A_719, %dma_wait3A_720] : memref<3x16x2048xf32, #tpu.memory_space<vmem>> -> memref<1x16x2048xf32, #tpu.memory_space<vmem>>
    %dma_wait3A_722 = tpu.memref_squeeze %dma_wait3A_721 : memref<1x16x2048xf32, #tpu.memory_space<vmem>> -> memref<16x2048xf32, #tpu.memory_space<vmem>>
    %dma_wait3A_723 = arith.constant 0 : i32
    %dma_wait3A_724 = arith.constant 0 : i32
    %dma_wait3A_725 = tpu.memref_slice %arg3[%dma_wait3A_723, %dma_wait3A_724] : memref<16384x2048xf32, #tpu.memory_space<hbm>> -> memref<16384x2048xf32, #tpu.memory_space<hbm>>
    %dma_wait3A_726 = tpu.memref_slice %arg22[%dma_wait3A_718] : memref<3x!tpu.dma_semaphore, #tpu.memory_space<semaphore_mem>> -> memref<1x!tpu.dma_semaphore, #tpu.memory_space<semaphore_mem>>
    %dma_wait3A_727 = tpu.memref_squeeze %dma_wait3A_726 : memref<1x!tpu.dma_semaphore, #tpu.memory_space<semaphore_mem>> -> memref<!tpu.dma_semaphore, #tpu.memory_space<semaphore_mem>>
    tpu.wait_indirect_dma semaphore(%dma_wait3A_727 : memref<!tpu.dma_semaphore, #tpu.memory_space<semaphore_mem>>) src(%dma_wait3A_725 : memref<16384x2048xf32, #tpu.memory_space<hbm>>) dst(%dma_wait3A_722 : memref<16x2048xf32, #tpu.memory_space<vmem>>)
    %get3A_728 = arith.constant 32 : index
    %get3A_729 = tpu.vector_load %arg20[%get3A_728] {strides = array<i32>} : memref<128xi32, #tpu.memory_space<vmem>>, vector<16xi32>,
    %dma_start3A_730 = arith.constant 2 : i32
    %dma_start3A_731 = arith.constant 2 : i32
    %dma_start3A_732 = arith.constant 0 : i32
    %dma_start3A_733 = arith.constant 0 : i32
    %dma_start3A_734 = tpu.memref_slice %arg21[%dma_start3A_730, %dma_start3A_732, %dma_start3A_733] : memref<3x16x2048xf32, #tpu.memory_space<vmem>> -> memref<1x16x2048xf32, #tpu.memory_space<vmem>>
    %dma_start3A_735 = tpu.memref_squeeze %dma_start3A_734 : memref<1x16x2048xf32, #tpu.memory_space<vmem>> -> memref<16x2048xf32, #tpu.memory_space<vmem>>
    %dma_start3A_736 = arith.constant 0 : i32
    %dma_start3A_737 = arith.constant 0 : i32
    %dma_start3A_738 = tpu.memref_slice %arg5[%dma_start3A_736, %dma_start3A_737] : memref<10240x2048xf32, #tpu.memory_space<hbm>> -> memref<10240x2048xf32, #tpu.memory_space<hbm>>
    %dma_start3A_739 = tpu.memref_slice %arg23[%dma_start3A_731] : memref<3x!tpu.dma_semaphore, #tpu.memory_space<semaphore_mem>> -> memref<1x!tpu.dma_semaphore, #tpu.memory_space<semaphore_mem>>
    %dma_start3A_740 = tpu.memref_squeeze %dma_start3A_739 : memref<1x!tpu.dma_semaphore, #tpu.memory_space<semaphore_mem>> -> memref<!tpu.dma_semaphore, #tpu.memory_space<semaphore_mem>>
    tpu.enqueue_indirect_dma source(%dma_start3A_735 : memref<16x2048xf32, #tpu.memory_space<vmem>>) target(%dma_start3A_738 : memref<10240x2048xf32, #tpu.memory_space<hbm>>) offsets(%get3A_729 : vector<16xi32>) semaphore(%dma_start3A_740 : memref<!tpu.dma_semaphore, #tpu.memory_space<semaphore_mem>>)
    %dma_wait3A_741 = arith.constant 2 : i32
    %dma_wait3A_742 = arith.constant 2 : i32
    %dma_wait3A_743 = arith.constant 0 : i32
    %dma_wait3A_744 = arith.constant 0 : i32
    %dma_wait3A_745 = tpu.memref_slice %arg21[%dma_wait3A_741, %dma_wait3A_743, %dma_wait3A_744] : memref<3x16x2048xf32, #tpu.memory_space<vmem>> -> memref<1x16x2048xf32, #tpu.memory_space<vmem>>
    %dma_wait3A_746 = tpu.memref_squeeze %dma_wait3A_745 : memref<1x16x2048xf32, #tpu.memory_space<vmem>> -> memref<16x2048xf32, #tpu.memory_space<vmem>>
    %dma_wait3A_747 = arith.constant 0 : i32
    %dma_wait3A_748 = arith.constant 0 : i32
    %dma_wait3A_749 = tpu.memref_slice %arg5[%dma_wait3A_747, %dma_wait3A_748] : memref<10240x2048xf32, #tpu.memory_space<hbm>> -> memref<10240x2048xf32, #tpu.memory_space<hbm>>
    %dma_wait3A_750 = tpu.memref_slice %arg23[%dma_wait3A_742] : memref<3x!tpu.dma_semaphore, #tpu.memory_space<semaphore_mem>> -> memref<1x!tpu.dma_semaphore, #tpu.memory_space<semaphore_mem>>
    %dma_wait3A_751 = tpu.memref_squeeze %dma_wait3A_750 : memref<1x!tpu.dma_semaphore, #tpu.memory_space<semaphore_mem>> -> memref<!tpu.dma_semaphore, #tpu.memory_space<semaphore_mem>>
    tpu.wait_indirect_dma semaphore(%dma_wait3A_751 : memref<!tpu.dma_semaphore, #tpu.memory_space<semaphore_mem>>) src(%dma_wait3A_746 : memref<16x2048xf32, #tpu.memory_space<vmem>>) dst(%dma_wait3A_749 : memref<10240x2048xf32, #tpu.memory_space<hbm>>)
    %get3A_752 = arith.constant 80 : index
    %get3A_753 = tpu.vector_load %arg19[%get3A_752] {strides = array<i32>} : memref<128xi32, #tpu.memory_space<vmem>>, vector<16xi32>,
    %dma_start3A_754 = arith.constant 2 : i32
    %dma_start3A_755 = arith.constant 2 : i32
    %dma_start3A_756 = arith.constant 0 : i32
    %dma_start3A_757 = arith.constant 0 : i32
    %dma_start3A_758 = tpu.memref_slice %arg21[%dma_start3A_754, %dma_start3A_756, %dma_start3A_757] : memref<3x16x2048xf32, #tpu.memory_space<vmem>> -> memref<1x16x2048xf32, #tpu.memory_space<vmem>>
    %dma_start3A_759 = tpu.memref_squeeze %dma_start3A_758 : memref<1x16x2048xf32, #tpu.memory_space<vmem>> -> memref<16x2048xf32, #tpu.memory_space<vmem>>
    %dma_start3A_760 = arith.constant 0 : i32
    %dma_start3A_761 = arith.constant 0 : i32
    %dma_start3A_762 = tpu.memref_slice %arg3[%dma_start3A_760, %dma_start3A_761] : memref<16384x2048xf32, #tpu.memory_space<hbm>> -> memref<16384x2048xf32, #tpu.memory_space<hbm>>
    %dma_start3A_763 = tpu.memref_slice %arg22[%dma_start3A_755] : memref<3x!tpu.dma_semaphore, #tpu.memory_space<semaphore_mem>> -> memref<1x!tpu.dma_semaphore, #tpu.memory_space<semaphore_mem>>
    %dma_start3A_764 = tpu.memref_squeeze %dma_start3A_763 : memref<1x!tpu.dma_semaphore, #tpu.memory_space<semaphore_mem>> -> memref<!tpu.dma_semaphore, #tpu.memory_space<semaphore_mem>>
    tpu.enqueue_indirect_dma source(%dma_start3A_762 : memref<16384x2048xf32, #tpu.memory_space<hbm>>) target(%dma_start3A_759 : memref<16x2048xf32, #tpu.memory_space<vmem>>) offsets(%get3A_753 : vector<16xi32>) semaphore(%dma_start3A_764 : memref<!tpu.dma_semaphore, #tpu.memory_space<semaphore_mem>>)
    %dma_wait3A_765 = arith.constant 0 : i32
    %dma_wait3A_766 = arith.constant 0 : i32
    %dma_wait3A_767 = arith.constant 0 : i32
    %dma_wait3A_768 = arith.constant 0 : i32
    %dma_wait3A_769 = tpu.memref_slice %arg21[%dma_wait3A_765, %dma_wait3A_767, %dma_wait3A_768] : memref<3x16x2048xf32, #tpu.memory_space<vmem>> -> memref<1x16x2048xf32, #tpu.memory_space<vmem>>
    %dma_wait3A_770 = tpu.memref_squeeze %dma_wait3A_769 : memref<1x16x2048xf32, #tpu.memory_space<vmem>> -> memref<16x2048xf32, #tpu.memory_space<vmem>>
    %dma_wait3A_771 = arith.constant 0 : i32
    %dma_wait3A_772 = arith.constant 0 : i32
    %dma_wait3A_773 = tpu.memref_slice %arg3[%dma_wait3A_771, %dma_wait3A_772] : memref<16384x2048xf32, #tpu.memory_space<hbm>> -> memref<16384x2048xf32, #tpu.memory_space<hbm>>
    %dma_wait3A_774 = tpu.memref_slice %arg22[%dma_wait3A_766] : memref<3x!tpu.dma_semaphore, #tpu.memory_space<semaphore_mem>> -> memref<1x!tpu.dma_semaphore, #tpu.memory_space<semaphore_mem>>
    %dma_wait3A_775 = tpu.memref_squeeze %dma_wait3A_774 : memref<1x!tpu.dma_semaphore, #tpu.memory_space<semaphore_mem>> -> memref<!tpu.dma_semaphore, #tpu.memory_space<semaphore_mem>>
    tpu.wait_indirect_dma semaphore(%dma_wait3A_775 : memref<!tpu.dma_semaphore, #tpu.memory_space<semaphore_mem>>) src(%dma_wait3A_773 : memref<16384x2048xf32, #tpu.memory_space<hbm>>) dst(%dma_wait3A_770 : memref<16x2048xf32, #tpu.memory_space<vmem>>)
    %get3A_776 = arith.constant 48 : index
    %get3A_777 = tpu.vector_load %arg20[%get3A_776] {strides = array<i32>} : memref<128xi32, #tpu.memory_space<vmem>>, vector<16xi32>,
    %dma_start3A_778 = arith.constant 0 : i32
    %dma_start3A_779 = arith.constant 0 : i32
    %dma_start3A_780 = arith.constant 0 : i32
    %dma_start3A_781 = arith.constant 0 : i32
    %dma_start3A_782 = tpu.memref_slice %arg21[%dma_start3A_778, %dma_start3A_780, %dma_start3A_781] : memref<3x16x2048xf32, #tpu.memory_space<vmem>> -> memref<1x16x2048xf32, #tpu.memory_space<vmem>>
    %dma_start3A_783 = tpu.memref_squeeze %dma_start3A_782 : memref<1x16x2048xf32, #tpu.memory_space<vmem>> -> memref<16x2048xf32, #tpu.memory_space<vmem>>
    %dma_start3A_784 = arith.constant 0 : i32
    %dma_start3A_785 = arith.constant 0 : i32
    %dma_start3A_786 = tpu.memref_slice %arg5[%dma_start3A_784, %dma_start3A_785] : memref<10240x2048xf32, #tpu.memory_space<hbm>> -> memref<10240x2048xf32, #tpu.memory_space<hbm>>
    %dma_start3A_787 = tpu.memref_slice %arg23[%dma_start3A_779] : memref<3x!tpu.dma_semaphore, #tpu.memory_space<semaphore_mem>> -> memref<1x!tpu.dma_semaphore, #tpu.memory_space<semaphore_mem>>
    %dma_start3A_788 = tpu.memref_squeeze %dma_start3A_787 : memref<1x!tpu.dma_semaphore, #tpu.memory_space<semaphore_mem>> -> memref<!tpu.dma_semaphore, #tpu.memory_space<semaphore_mem>>
    tpu.enqueue_indirect_dma source(%dma_start3A_783 : memref<16x2048xf32, #tpu.memory_space<vmem>>) target(%dma_start3A_786 : memref<10240x2048xf32, #tpu.memory_space<hbm>>) offsets(%get3A_777 : vector<16xi32>) semaphore(%dma_start3A_788 : memref<!tpu.dma_semaphore, #tpu.memory_space<semaphore_mem>>)
    %dma_wait3A_789 = arith.constant 0 : i32
    %dma_wait3A_790 = arith.constant 0 : i32
    %dma_wait3A_791 = arith.constant 0 : i32
    %dma_wait3A_792 = arith.constant 0 : i32
    %dma_wait3A_793 = tpu.memref_slice %arg21[%dma_wait3A_789, %dma_wait3A_791, %dma_wait3A_792] : memref<3x16x2048xf32, #tpu.memory_space<vmem>> -> memref<1x16x2048xf32, #tpu.memory_space<vmem>>
    %dma_wait3A_794 = tpu.memref_squeeze %dma_wait3A_793 : memref<1x16x2048xf32, #tpu.memory_space<vmem>> -> memref<16x2048xf32, #tpu.memory_space<vmem>>
    %dma_wait3A_795 = arith.constant 0 : i32
    %dma_wait3A_796 = arith.constant 0 : i32
    %dma_wait3A_797 = tpu.memref_slice %arg5[%dma_wait3A_795, %dma_wait3A_796] : memref<10240x2048xf32, #tpu.memory_space<hbm>> -> memref<10240x2048xf32, #tpu.memory_space<hbm>>
    %dma_wait3A_798 = tpu.memref_slice %arg23[%dma_wait3A_790] : memref<3x!tpu.dma_semaphore, #tpu.memory_space<semaphore_mem>> -> memref<1x!tpu.dma_semaphore, #tpu.memory_space<semaphore_mem>>
    %dma_wait3A_799 = tpu.memref_squeeze %dma_wait3A_798 : memref<1x!tpu.dma_semaphore, #tpu.memory_space<semaphore_mem>> -> memref<!tpu.dma_semaphore, #tpu.memory_space<semaphore_mem>>
    tpu.wait_indirect_dma semaphore(%dma_wait3A_799 : memref<!tpu.dma_semaphore, #tpu.memory_space<semaphore_mem>>) src(%dma_wait3A_794 : memref<16x2048xf32, #tpu.memory_space<vmem>>) dst(%dma_wait3A_797 : memref<10240x2048xf32, #tpu.memory_space<hbm>>)
    %get3A_800 = arith.constant 96 : index
    %get3A_801 = tpu.vector_load %arg19[%get3A_800] {strides = array<i32>} : memref<128xi32, #tpu.memory_space<vmem>>, vector<16xi32>,
    %dma_start3A_802 = arith.constant 0 : i32
    %dma_start3A_803 = arith.constant 0 : i32
    %dma_start3A_804 = arith.constant 0 : i32
    %dma_start3A_805 = arith.constant 0 : i32
    %dma_start3A_806 = tpu.memref_slice %arg21[%dma_start3A_802, %dma_start3A_804, %dma_start3A_805] : memref<3x16x2048xf32, #tpu.memory_space<vmem>> -> memref<1x16x2048xf32, #tpu.memory_space<vmem>>
    %dma_start3A_807 = tpu.memref_squeeze %dma_start3A_806 : memref<1x16x2048xf32, #tpu.memory_space<vmem>> -> memref<16x2048xf32, #tpu.memory_space<vmem>>
    %dma_start3A_808 = arith.constant 0 : i32
    %dma_start3A_809 = arith.constant 0 : i32
    %dma_start3A_810 = tpu.memref_slice %arg3[%dma_start3A_808, %dma_start3A_809] : memref<16384x2048xf32, #tpu.memory_space<hbm>> -> memref<16384x2048xf32, #tpu.memory_space<hbm>>
    %dma_start3A_811 = tpu.memref_slice %arg22[%dma_start3A_803] : memref<3x!tpu.dma_semaphore, #tpu.memory_space<semaphore_mem>> -> memref<1x!tpu.dma_semaphore, #tpu.memory_space<semaphore_mem>>
    %dma_start3A_812 = tpu.memref_squeeze %dma_start3A_811 : memref<1x!tpu.dma_semaphore, #tpu.memory_space<semaphore_mem>> -> memref<!tpu.dma_semaphore, #tpu.memory_space<semaphore_mem>>
    tpu.enqueue_indirect_dma source(%dma_start3A_810 : memref<16384x2048xf32, #tpu.memory_space<hbm>>) target(%dma_start3A_807 : memref<16x2048xf32, #tpu.memory_space<vmem>>) offsets(%get3A_801 : vector<16xi32>) semaphore(%dma_start3A_812 : memref<!tpu.dma_semaphore, #tpu.memory_space<semaphore_mem>>)
    %dma_wait3A_813 = arith.constant 1 : i32
    %dma_wait3A_814 = arith.constant 1 : i32
    %dma_wait3A_815 = arith.constant 0 : i32
    %dma_wait3A_816 = arith.constant 0 : i32
    %dma_wait3A_817 = tpu.memref_slice %arg21[%dma_wait3A_813, %dma_wait3A_815, %dma_wait3A_816] : memref<3x16x2048xf32, #tpu.memory_space<vmem>> -> memref<1x16x2048xf32, #tpu.memory_space<vmem>>
    %dma_wait3A_818 = tpu.memref_squeeze %dma_wait3A_817 : memref<1x16x2048xf32, #tpu.memory_space<vmem>> -> memref<16x2048xf32, #tpu.memory_space<vmem>>
    %dma_wait3A_819 = arith.constant 0 : i32
    %dma_wait3A_820 = arith.constant 0 : i32
    %dma_wait3A_821 = tpu.memref_slice %arg3[%dma_wait3A_819, %dma_wait3A_820] : memref<16384x2048xf32, #tpu.memory_space<hbm>> -> memref<16384x2048xf32, #tpu.memory_space<hbm>>
    %dma_wait3A_822 = tpu.memref_slice %arg22[%dma_wait3A_814] : memref<3x!tpu.dma_semaphore, #tpu.memory_space<semaphore_mem>> -> memref<1x!tpu.dma_semaphore, #tpu.memory_space<semaphore_mem>>
    %dma_wait3A_823 = tpu.memref_squeeze %dma_wait3A_822 : memref<1x!tpu.dma_semaphore, #tpu.memory_space<semaphore_mem>> -> memref<!tpu.dma_semaphore, #tpu.memory_space<semaphore_mem>>
    tpu.wait_indirect_dma semaphore(%dma_wait3A_823 : memref<!tpu.dma_semaphore, #tpu.memory_space<semaphore_mem>>) src(%dma_wait3A_821 : memref<16384x2048xf32, #tpu.memory_space<hbm>>) dst(%dma_wait3A_818 : memref<16x2048xf32, #tpu.memory_space<vmem>>)
    %get3A_824 = arith.constant 64 : index
    %get3A_825 = tpu.vector_load %arg20[%get3A_824] {strides = array<i32>} : memref<128xi32, #tpu.memory_space<vmem>>, vector<16xi32>,
    %dma_start3A_826 = arith.constant 1 : i32
    %dma_start3A_827 = arith.constant 1 : i32
    %dma_start3A_828 = arith.constant 0 : i32
    %dma_start3A_829 = arith.constant 0 : i32
    %dma_start3A_830 = tpu.memref_slice %arg21[%dma_start3A_826, %dma_start3A_828, %dma_start3A_829] : memref<3x16x2048xf32, #tpu.memory_space<vmem>> -> memref<1x16x2048xf32, #tpu.memory_space<vmem>>
    %dma_start3A_831 = tpu.memref_squeeze %dma_start3A_830 : memref<1x16x2048xf32, #tpu.memory_space<vmem>> -> memref<16x2048xf32, #tpu.memory_space<vmem>>
    %dma_start3A_832 = arith.constant 0 : i32
    %dma_start3A_833 = arith.constant 0 : i32
    %dma_start3A_834 = tpu.memref_slice %arg5[%dma_start3A_832, %dma_start3A_833] : memref<10240x2048xf32, #tpu.memory_space<hbm>> -> memref<10240x2048xf32, #tpu.memory_space<hbm>>
    %dma_start3A_835 = tpu.memref_slice %arg23[%dma_start3A_827] : memref<3x!tpu.dma_semaphore, #tpu.memory_space<semaphore_mem>> -> memref<1x!tpu.dma_semaphore, #tpu.memory_space<semaphore_mem>>
    %dma_start3A_836 = tpu.memref_squeeze %dma_start3A_835 : memref<1x!tpu.dma_semaphore, #tpu.memory_space<semaphore_mem>> -> memref<!tpu.dma_semaphore, #tpu.memory_space<semaphore_mem>>
    tpu.enqueue_indirect_dma source(%dma_start3A_831 : memref<16x2048xf32, #tpu.memory_space<vmem>>) target(%dma_start3A_834 : memref<10240x2048xf32, #tpu.memory_space<hbm>>) offsets(%get3A_825 : vector<16xi32>) semaphore(%dma_start3A_836 : memref<!tpu.dma_semaphore, #tpu.memory_space<semaphore_mem>>)
    %dma_wait3A_837 = arith.constant 1 : i32
    %dma_wait3A_838 = arith.constant 1 : i32
    %dma_wait3A_839 = arith.constant 0 : i32
    %dma_wait3A_840 = arith.constant 0 : i32
    %dma_wait3A_841 = tpu.memref_slice %arg21[%dma_wait3A_837, %dma_wait3A_839, %dma_wait3A_840] : memref<3x16x2048xf32, #tpu.memory_space<vmem>> -> memref<1x16x2048xf32, #tpu.memory_space<vmem>>
    %dma_wait3A_842 = tpu.memref_squeeze %dma_wait3A_841 : memref<1x16x2048xf32, #tpu.memory_space<vmem>> -> memref<16x2048xf32, #tpu.memory_space<vmem>>
    %dma_wait3A_843 = arith.constant 0 : i32
    %dma_wait3A_844 = arith.constant 0 : i32
    %dma_wait3A_845 = tpu.memref_slice %arg5[%dma_wait3A_843, %dma_wait3A_844] : memref<10240x2048xf32, #tpu.memory_space<hbm>> -> memref<10240x2048xf32, #tpu.memory_space<hbm>>
    %dma_wait3A_846 = tpu.memref_slice %arg23[%dma_wait3A_838] : memref<3x!tpu.dma_semaphore, #tpu.memory_space<semaphore_mem>> -> memref<1x!tpu.dma_semaphore, #tpu.memory_space<semaphore_mem>>
    %dma_wait3A_847 = tpu.memref_squeeze %dma_wait3A_846 : memref<1x!tpu.dma_semaphore, #tpu.memory_space<semaphore_mem>> -> memref<!tpu.dma_semaphore, #tpu.memory_space<semaphore_mem>>
    tpu.wait_indirect_dma semaphore(%dma_wait3A_847 : memref<!tpu.dma_semaphore, #tpu.memory_space<semaphore_mem>>) src(%dma_wait3A_842 : memref<16x2048xf32, #tpu.memory_space<vmem>>) dst(%dma_wait3A_845 : memref<10240x2048xf32, #tpu.memory_space<hbm>>)
    %get3A_848 = arith.constant 112 : index
    %get3A_849 = tpu.vector_load %arg19[%get3A_848] {strides = array<i32>} : memref<128xi32, #tpu.memory_space<vmem>>, vector<16xi32>,
    %dma_start3A_850 = arith.constant 1 : i32
    %dma_start3A_851 = arith.constant 1 : i32
    %dma_start3A_852 = arith.constant 0 : i32
    %dma_start3A_853 = arith.constant 0 : i32
    %dma_start3A_854 = tpu.memref_slice %arg21[%dma_start3A_850, %dma_start3A_852, %dma_start3A_853] : memref<3x16x2048xf32, #tpu.memory_space<vmem>> -> memref<1x16x2048xf32, #tpu.memory_space<vmem>>
    %dma_start3A_855 = tpu.memref_squeeze %dma_start3A_854 : memref<1x16x2048xf32, #tpu.memory_space<vmem>> -> memref<16x2048xf32, #tpu.memory_space<vmem>>
    %dma_start3A_856 = arith.constant 0 : i32
    %dma_start3A_857 = arith.constant 0 : i32
    %dma_start3A_858 = tpu.memref_slice %arg3[%dma_start3A_856, %dma_start3A_857] : memref<16384x2048xf32, #tpu.memory_space<hbm>> -> memref<16384x2048xf32, #tpu.memory_space<hbm>>
    %dma_start3A_859 = tpu.memref_slice %arg22[%dma_start3A_851] : memref<3x!tpu.dma_semaphore, #tpu.memory_space<semaphore_mem>> -> memref<1x!tpu.dma_semaphore, #tpu.memory_space<semaphore_mem>>
    %dma_start3A_860 = tpu.memref_squeeze %dma_start3A_859 : memref<1x!tpu.dma_semaphore, #tpu.memory_space<semaphore_mem>> -> memref<!tpu.dma_semaphore, #tpu.memory_space<semaphore_mem>>
    tpu.enqueue_indirect_dma source(%dma_start3A_858 : memref<16384x2048xf32, #tpu.memory_space<hbm>>) target(%dma_start3A_855 : memref<16x2048xf32, #tpu.memory_space<vmem>>) offsets(%get3A_849 : vector<16xi32>) semaphore(%dma_start3A_860 : memref<!tpu.dma_semaphore, #tpu.memory_space<semaphore_mem>>)
    %dma_wait3A_861 = arith.constant 2 : i32
    %dma_wait3A_862 = arith.constant 2 : i32
    %dma_wait3A_863 = arith.constant 0 : i32
    %dma_wait3A_864 = arith.constant 0 : i32
    %dma_wait3A_865 = tpu.memref_slice %arg21[%dma_wait3A_861, %dma_wait3A_863, %dma_wait3A_864] : memref<3x16x2048xf32, #tpu.memory_space<vmem>> -> memref<1x16x2048xf32, #tpu.memory_space<vmem>>
    %dma_wait3A_866 = tpu.memref_squeeze %dma_wait3A_865 : memref<1x16x2048xf32, #tpu.memory_space<vmem>> -> memref<16x2048xf32, #tpu.memory_space<vmem>>
    %dma_wait3A_867 = arith.constant 0 : i32
    %dma_wait3A_868 = arith.constant 0 : i32
    %dma_wait3A_869 = tpu.memref_slice %arg3[%dma_wait3A_867, %dma_wait3A_868] : memref<16384x2048xf32, #tpu.memory_space<hbm>> -> memref<16384x2048xf32, #tpu.memory_space<hbm>>
    %dma_wait3A_870 = tpu.memref_slice %arg22[%dma_wait3A_862] : memref<3x!tpu.dma_semaphore, #tpu.memory_space<semaphore_mem>> -> memref<1x!tpu.dma_semaphore, #tpu.memory_space<semaphore_mem>>
    %dma_wait3A_871 = tpu.memref_squeeze %dma_wait3A_870 : memref<1x!tpu.dma_semaphore, #tpu.memory_space<semaphore_mem>> -> memref<!tpu.dma_semaphore, #tpu.memory_space<semaphore_mem>>
    tpu.wait_indirect_dma semaphore(%dma_wait3A_871 : memref<!tpu.dma_semaphore, #tpu.memory_space<semaphore_mem>>) src(%dma_wait3A_869 : memref<16384x2048xf32, #tpu.memory_space<hbm>>) dst(%dma_wait3A_866 : memref<16x2048xf32, #tpu.memory_space<vmem>>)
    %get3A_872 = arith.constant 80 : index
    %get3A_873 = tpu.vector_load %arg20[%get3A_872] {strides = array<i32>} : memref<128xi32, #tpu.memory_space<vmem>>, vector<16xi32>,
    %dma_start3A_874 = arith.constant 2 : i32
    %dma_start3A_875 = arith.constant 2 : i32
    %dma_start3A_876 = arith.constant 0 : i32
    %dma_start3A_877 = arith.constant 0 : i32
    %dma_start3A_878 = tpu.memref_slice %arg21[%dma_start3A_874, %dma_start3A_876, %dma_start3A_877] : memref<3x16x2048xf32, #tpu.memory_space<vmem>> -> memref<1x16x2048xf32, #tpu.memory_space<vmem>>
    %dma_start3A_879 = tpu.memref_squeeze %dma_start3A_878 : memref<1x16x2048xf32, #tpu.memory_space<vmem>> -> memref<16x2048xf32, #tpu.memory_space<vmem>>
    %dma_start3A_880 = arith.constant 0 : i32
    %dma_start3A_881 = arith.constant 0 : i32
    %dma_start3A_882 = tpu.memref_slice %arg5[%dma_start3A_880, %dma_start3A_881] : memref<10240x2048xf32, #tpu.memory_space<hbm>> -> memref<10240x2048xf32, #tpu.memory_space<hbm>>
    %dma_start3A_883 = tpu.memref_slice %arg23[%dma_start3A_875] : memref<3x!tpu.dma_semaphore, #tpu.memory_space<semaphore_mem>> -> memref<1x!tpu.dma_semaphore, #tpu.memory_space<semaphore_mem>>
    %dma_start3A_884 = tpu.memref_squeeze %dma_start3A_883 : memref<1x!tpu.dma_semaphore, #tpu.memory_space<semaphore_mem>> -> memref<!tpu.dma_semaphore, #tpu.memory_space<semaphore_mem>>
    tpu.enqueue_indirect_dma source(%dma_start3A_879 : memref<16x2048xf32, #tpu.memory_space<vmem>>) target(%dma_start3A_882 : memref<10240x2048xf32, #tpu.memory_space<hbm>>) offsets(%get3A_873 : vector<16xi32>) semaphore(%dma_start3A_884 : memref<!tpu.dma_semaphore, #tpu.memory_space<semaphore_mem>>)
    %dma_wait3A_885 = arith.constant 0 : i32
    %dma_wait3A_886 = arith.constant 0 : i32
    %dma_wait3A_887 = arith.constant 0 : i32
    %dma_wait3A_888 = arith.constant 0 : i32
    %dma_wait3A_889 = tpu.memref_slice %arg21[%dma_wait3A_885, %dma_wait3A_887, %dma_wait3A_888] : memref<3x16x2048xf32, #tpu.memory_space<vmem>> -> memref<1x16x2048xf32, #tpu.memory_space<vmem>>
    %dma_wait3A_890 = tpu.memref_squeeze %dma_wait3A_889 : memref<1x16x2048xf32, #tpu.memory_space<vmem>> -> memref<16x2048xf32, #tpu.memory_space<vmem>>
    %dma_wait3A_891 = arith.constant 0 : i32
    %dma_wait3A_892 = arith.constant 0 : i32
    %dma_wait3A_893 = tpu.memref_slice %arg3[%dma_wait3A_891, %dma_wait3A_892] : memref<16384x2048xf32, #tpu.memory_space<hbm>> -> memref<16384x2048xf32, #tpu.memory_space<hbm>>
    %dma_wait3A_894 = tpu.memref_slice %arg22[%dma_wait3A_886] : memref<3x!tpu.dma_semaphore, #tpu.memory_space<semaphore_mem>> -> memref<1x!tpu.dma_semaphore, #tpu.memory_space<semaphore_mem>>
    %dma_wait3A_895 = tpu.memref_squeeze %dma_wait3A_894 : memref<1x!tpu.dma_semaphore, #tpu.memory_space<semaphore_mem>> -> memref<!tpu.dma_semaphore, #tpu.memory_space<semaphore_mem>>
    tpu.wait_indirect_dma semaphore(%dma_wait3A_895 : memref<!tpu.dma_semaphore, #tpu.memory_space<semaphore_mem>>) src(%dma_wait3A_893 : memref<16384x2048xf32, #tpu.memory_space<hbm>>) dst(%dma_wait3A_890 : memref<16x2048xf32, #tpu.memory_space<vmem>>)
    %get3A_896 = arith.constant 96 : index
    %get3A_897 = tpu.vector_load %arg20[%get3A_896] {strides = array<i32>} : memref<128xi32, #tpu.memory_space<vmem>>, vector<16xi32>,
    %dma_start3A_898 = arith.constant 0 : i32
    %dma_start3A_899 = arith.constant 0 : i32
    %dma_start3A_900 = arith.constant 0 : i32
    %dma_start3A_901 = arith.constant 0 : i32
    %dma_start3A_902 = tpu.memref_slice %arg21[%dma_start3A_898, %dma_start3A_900, %dma_start3A_901] : memref<3x16x2048xf32, #tpu.memory_space<vmem>> -> memref<1x16x2048xf32, #tpu.memory_space<vmem>>
    %dma_start3A_903 = tpu.memref_squeeze %dma_start3A_902 : memref<1x16x2048xf32, #tpu.memory_space<vmem>> -> memref<16x2048xf32, #tpu.memory_space<vmem>>
    %dma_start3A_904 = arith.constant 0 : i32
    %dma_start3A_905 = arith.constant 0 : i32
    %dma_start3A_906 = tpu.memref_slice %arg5[%dma_start3A_904, %dma_start3A_905] : memref<10240x2048xf32, #tpu.memory_space<hbm>> -> memref<10240x2048xf32, #tpu.memory_space<hbm>>
    %dma_start3A_907 = tpu.memref_slice %arg23[%dma_start3A_899] : memref<3x!tpu.dma_semaphore, #tpu.memory_space<semaphore_mem>> -> memref<1x!tpu.dma_semaphore, #tpu.memory_space<semaphore_mem>>
    %dma_start3A_908 = tpu.memref_squeeze %dma_start3A_907 : memref<1x!tpu.dma_semaphore, #tpu.memory_space<semaphore_mem>> -> memref<!tpu.dma_semaphore, #tpu.memory_space<semaphore_mem>>
    tpu.enqueue_indirect_dma source(%dma_start3A_903 : memref<16x2048xf32, #tpu.memory_space<vmem>>) target(%dma_start3A_906 : memref<10240x2048xf32, #tpu.memory_space<hbm>>) offsets(%get3A_897 : vector<16xi32>) semaphore(%dma_start3A_908 : memref<!tpu.dma_semaphore, #tpu.memory_space<semaphore_mem>>)
    %dma_wait3A_909 = arith.constant 1 : i32
    %dma_wait3A_910 = arith.constant 1 : i32
    %dma_wait3A_911 = arith.constant 0 : i32
    %dma_wait3A_912 = arith.constant 0 : i32
    %dma_wait3A_913 = tpu.memref_slice %arg21[%dma_wait3A_909, %dma_wait3A_911, %dma_wait3A_912] : memref<3x16x2048xf32, #tpu.memory_space<vmem>> -> memref<1x16x2048xf32, #tpu.memory_space<vmem>>
    %dma_wait3A_914 = tpu.memref_squeeze %dma_wait3A_913 : memref<1x16x2048xf32, #tpu.memory_space<vmem>> -> memref<16x2048xf32, #tpu.memory_space<vmem>>
    %dma_wait3A_915 = arith.constant 0 : i32
    %dma_wait3A_916 = arith.constant 0 : i32
    %dma_wait3A_917 = tpu.memref_slice %arg3[%dma_wait3A_915, %dma_wait3A_916] : memref<16384x2048xf32, #tpu.memory_space<hbm>> -> memref<16384x2048xf32, #tpu.memory_space<hbm>>
    %dma_wait3A_918 = tpu.memref_slice %arg22[%dma_wait3A_910] : memref<3x!tpu.dma_semaphore, #tpu.memory_space<semaphore_mem>> -> memref<1x!tpu.dma_semaphore, #tpu.memory_space<semaphore_mem>>
    %dma_wait3A_919 = tpu.memref_squeeze %dma_wait3A_918 : memref<1x!tpu.dma_semaphore, #tpu.memory_space<semaphore_mem>> -> memref<!tpu.dma_semaphore, #tpu.memory_space<semaphore_mem>>
    tpu.wait_indirect_dma semaphore(%dma_wait3A_919 : memref<!tpu.dma_semaphore, #tpu.memory_space<semaphore_mem>>) src(%dma_wait3A_917 : memref<16384x2048xf32, #tpu.memory_space<hbm>>) dst(%dma_wait3A_914 : memref<16x2048xf32, #tpu.memory_space<vmem>>)
    %get3A_920 = arith.constant 112 : index
    %get3A_921 = tpu.vector_load %arg20[%get3A_920] {strides = array<i32>} : memref<128xi32, #tpu.memory_space<vmem>>, vector<16xi32>,
    %dma_start3A_922 = arith.constant 1 : i32
    %dma_start3A_923 = arith.constant 1 : i32
    %dma_start3A_924 = arith.constant 0 : i32
    %dma_start3A_925 = arith.constant 0 : i32
    %dma_start3A_926 = tpu.memref_slice %arg21[%dma_start3A_922, %dma_start3A_924, %dma_start3A_925] : memref<3x16x2048xf32, #tpu.memory_space<vmem>> -> memref<1x16x2048xf32, #tpu.memory_space<vmem>>
    %dma_start3A_927 = tpu.memref_squeeze %dma_start3A_926 : memref<1x16x2048xf32, #tpu.memory_space<vmem>> -> memref<16x2048xf32, #tpu.memory_space<vmem>>
    %dma_start3A_928 = arith.constant 0 : i32
    %dma_start3A_929 = arith.constant 0 : i32
    %dma_start3A_930 = tpu.memref_slice %arg5[%dma_start3A_928, %dma_start3A_929] : memref<10240x2048xf32, #tpu.memory_space<hbm>> -> memref<10240x2048xf32, #tpu.memory_space<hbm>>
    %dma_start3A_931 = tpu.memref_slice %arg23[%dma_start3A_923] : memref<3x!tpu.dma_semaphore, #tpu.memory_space<semaphore_mem>> -> memref<1x!tpu.dma_semaphore, #tpu.memory_space<semaphore_mem>>
    %dma_start3A_932 = tpu.memref_squeeze %dma_start3A_931 : memref<1x!tpu.dma_semaphore, #tpu.memory_space<semaphore_mem>> -> memref<!tpu.dma_semaphore, #tpu.memory_space<semaphore_mem>>
    tpu.enqueue_indirect_dma source(%dma_start3A_927 : memref<16x2048xf32, #tpu.memory_space<vmem>>) target(%dma_start3A_930 : memref<10240x2048xf32, #tpu.memory_space<hbm>>) offsets(%get3A_921 : vector<16xi32>) semaphore(%dma_start3A_932 : memref<!tpu.dma_semaphore, #tpu.memory_space<semaphore_mem>>)
    %dma_wait3A_933 = arith.constant 2 : i32
    %dma_wait3A_934 = arith.constant 2 : i32
    %dma_wait3A_935 = arith.constant 0 : i32
    %dma_wait3A_936 = arith.constant 0 : i32
    %dma_wait3A_937 = tpu.memref_slice %arg21[%dma_wait3A_933, %dma_wait3A_935, %dma_wait3A_936] : memref<3x16x2048xf32, #tpu.memory_space<vmem>> -> memref<1x16x2048xf32, #tpu.memory_space<vmem>>
    %dma_wait3A_938 = tpu.memref_squeeze %dma_wait3A_937 : memref<1x16x2048xf32, #tpu.memory_space<vmem>> -> memref<16x2048xf32, #tpu.memory_space<vmem>>
    %dma_wait3A_939 = arith.constant 0 : i32
    %dma_wait3A_940 = arith.constant 0 : i32
    %dma_wait3A_941 = tpu.memref_slice %arg5[%dma_wait3A_939, %dma_wait3A_940] : memref<10240x2048xf32, #tpu.memory_space<hbm>> -> memref<10240x2048xf32, #tpu.memory_space<hbm>>
    %dma_wait3A_942 = tpu.memref_slice %arg23[%dma_wait3A_934] : memref<3x!tpu.dma_semaphore, #tpu.memory_space<semaphore_mem>> -> memref<1x!tpu.dma_semaphore, #tpu.memory_space<semaphore_mem>>
    %dma_wait3A_943 = tpu.memref_squeeze %dma_wait3A_942 : memref<1x!tpu.dma_semaphore, #tpu.memory_space<semaphore_mem>> -> memref<!tpu.dma_semaphore, #tpu.memory_space<semaphore_mem>>
    tpu.wait_indirect_dma semaphore(%dma_wait3A_943 : memref<!tpu.dma_semaphore, #tpu.memory_space<semaphore_mem>>) src(%dma_wait3A_938 : memref<16x2048xf32, #tpu.memory_space<vmem>>) dst(%dma_wait3A_941 : memref<10240x2048xf32, #tpu.memory_space<hbm>>)
    %dma_wait3A_944 = arith.constant 0 : i32
    %dma_wait3A_945 = arith.constant 0 : i32
    %dma_wait3A_946 = arith.constant 0 : i32
    %dma_wait3A_947 = arith.constant 0 : i32
    %dma_wait3A_948 = tpu.memref_slice %arg21[%dma_wait3A_944, %dma_wait3A_946, %dma_wait3A_947] : memref<3x16x2048xf32, #tpu.memory_space<vmem>> -> memref<1x16x2048xf32, #tpu.memory_space<vmem>>
    %dma_wait3A_949 = tpu.memref_squeeze %dma_wait3A_948 : memref<1x16x2048xf32, #tpu.memory_space<vmem>> -> memref<16x2048xf32, #tpu.memory_space<vmem>>
    %dma_wait3A_950 = arith.constant 0 : i32
    %dma_wait3A_951 = arith.constant 0 : i32
    %dma_wait3A_952 = tpu.memref_slice %arg5[%dma_wait3A_950, %dma_wait3A_951] : memref<10240x2048xf32, #tpu.memory_space<hbm>> -> memref<10240x2048xf32, #tpu.memory_space<hbm>>
    %dma_wait3A_953 = tpu.memref_slice %arg23[%dma_wait3A_945] : memref<3x!tpu.dma_semaphore, #tpu.memory_space<semaphore_mem>> -> memref<1x!tpu.dma_semaphore, #tpu.memory_space<semaphore_mem>>
    %dma_wait3A_954 = tpu.memref_squeeze %dma_wait3A_953 : memref<1x!tpu.dma_semaphore, #tpu.memory_space<semaphore_mem>> -> memref<!tpu.dma_semaphore, #tpu.memory_space<semaphore_mem>>
    tpu.wait_indirect_dma semaphore(%dma_wait3A_954 : memref<!tpu.dma_semaphore, #tpu.memory_space<semaphore_mem>>) src(%dma_wait3A_949 : memref<16x2048xf32, #tpu.memory_space<vmem>>) dst(%dma_wait3A_952 : memref<10240x2048xf32, #tpu.memory_space<hbm>>)
    %dma_wait3A_955 = arith.constant 1 : i32
    %dma_wait3A_956 = arith.constant 1 : i32
    %dma_wait3A_957 = arith.constant 0 : i32
    %dma_wait3A_958 = arith.constant 0 : i32
    %dma_wait3A_959 = tpu.memref_slice %arg21[%dma_wait3A_955, %dma_wait3A_957, %dma_wait3A_958] : memref<3x16x2048xf32, #tpu.memory_space<vmem>> -> memref<1x16x2048xf32, #tpu.memory_space<vmem>>
    %dma_wait3A_960 = tpu.memref_squeeze %dma_wait3A_959 : memref<1x16x2048xf32, #tpu.memory_space<vmem>> -> memref<16x2048xf32, #tpu.memory_space<vmem>>
    %dma_wait3A_961 = arith.constant 0 : i32
    %dma_wait3A_962 = arith.constant 0 : i32
    %dma_wait3A_963 = tpu.memref_slice %arg5[%dma_wait3A_961, %dma_wait3A_962] : memref<10240x2048xf32, #tpu.memory_space<hbm>> -> memref<10240x2048xf32, #tpu.memory_space<hbm>>
    %dma_wait3A_964 = tpu.memref_slice %arg23[%dma_wait3A_956] : memref<3x!tpu.dma_semaphore, #tpu.memory_space<semaphore_mem>> -> memref<1x!tpu.dma_semaphore, #tpu.memory_space<semaphore_mem>>
    %dma_wait3A_965 = tpu.memref_squeeze %dma_wait3A_964 : memref<1x!tpu.dma_semaphore, #tpu.memory_space<semaphore_mem>> -> memref<!tpu.dma_semaphore, #tpu.memory_space<semaphore_mem>>
    tpu.wait_indirect_dma semaphore(%dma_wait3A_965 : memref<!tpu.dma_semaphore, #tpu.memory_space<semaphore_mem>>) src(%dma_wait3A_960 : memref<16x2048xf32, #tpu.memory_space<vmem>>) dst(%dma_wait3A_963 : memref<10240x2048xf32, #tpu.memory_space<hbm>>)
    return
  }
}

module attributes {stable_mosaic.version = 14 : i64} {
  func.func @_scores_kernel(%arg0: i32, %arg1: i32, %arg2: memref<1x2x64x128xf32, #tpu.memory_space<vmem>>, %arg3: memref<1x1x4096x128xf32, #tpu.memory_space<vmem>>, %arg4: memref<1x2x64x4096xf32, #tpu.memory_space<vmem>>, %arg5: memref<1x2x1x64xf32, #tpu.memory_space<vmem>>) attributes {dimension_semantics = [#tpu.dimension_semantics<arbitrary>, #tpu.dimension_semantics<arbitrary>], iteration_bounds = array<i64: 2, 8>, scalar_prefetch = 0 : i64, scratch_operands = 0 : i64, tpu.core_type = #tpu.core_type<tc>, window_params = [{transform_indices = @transform_0, window_bounds = array<i64: 1, 2, 64, 128>}, {transform_indices = @transform_1, window_bounds = array<i64: 1, 1, 4096, 128>}, {transform_indices = @transform_2, window_bounds = array<i64: 1, 2, 64, 4096>}, {transform_indices = @transform_3, window_bounds = array<i64: 1, 2, 1, 64>}]} {
    %get3A = arith.constant 0 : index
    %get3A_0 = arith.constant 0 : index
    %get3A_1 = arith.constant 0 : index
    %get3A_2 = arith.constant 0 : index
    %get3A_3 = vector.load %arg3[%get3A, %get3A_0, %get3A_1, %get3A_2] : memref<1x1x4096x128xf32, #tpu.memory_space<vmem>>, vector<1x1x4096x128xf32>
    %get3A_4 = vector.shape_cast %get3A_3 : vector<1x1x4096x128xf32> to vector<4096x128xf32>
    %get3A_5 = arith.constant 0 : index
    %get3A_6 = arith.constant 0 : index
    %get3A_7 = arith.constant 0 : index
    %get3A_8 = arith.constant 0 : index
    %get3A_9 = vector.load %arg2[%get3A_5, %get3A_6, %get3A_7, %get3A_8] : memref<1x2x64x128xf32, #tpu.memory_space<vmem>>, vector<1x1x64x128xf32>
    %get3A_10 = vector.shape_cast %get3A_9 : vector<1x1x64x128xf32> to vector<64x128xf32>
    %dot_general3A = arith.constant dense<0.000000e+00> : vector<64x4096xf32>
    %dot_general3A_11 = tpu.matmul %get3A_10, %get3A_4, %dot_general3A {dimension_numbers = #tpu.dot_dimension_numbers<[1], [1], [0], [0], [0, 0, 1, 0], [], []>, transpose_lhs_hint = false} : vector<64x128xf32>, vector<4096x128xf32>, vector<64x4096xf32> -> vector<64x4096xf32>
    %swap3A = arith.constant 0 : index
    %swap3A_12 = arith.constant 0 : index
    %swap3A_13 = arith.constant 0 : index
    %swap3A_14 = arith.constant 0 : index
    %swap3A_15 = vector.load %arg4[%swap3A, %swap3A_12, %swap3A_13, %swap3A_14] : memref<1x2x64x4096xf32, #tpu.memory_space<vmem>>, vector<1x1x64x4096xf32>
    %swap3A_16 = vector.shape_cast %swap3A_15 : vector<1x1x64x4096xf32> to vector<64x4096xf32>
    %swap3A_17 = vector.shape_cast %dot_general3A_11 : vector<64x4096xf32> to vector<1x1x64x4096xf32>
    tpu.vector_store %arg4[%swap3A, %swap3A_12, %swap3A_13, %swap3A_14], %swap3A_17 {strides = array<i32>} : memref<1x2x64x4096xf32, #tpu.memory_space<vmem>>, vector<1x1x64x4096xf32>,
    %mul3A = arith.constant 0.0883883461 : f32
    %mul3A_18 = vector.broadcast %mul3A : f32 to vector<64x4096xf32>
    %mul3A_19 = arith.mulf %dot_general3A_11, %mul3A_18 : vector<64x4096xf32>
    %reduce_max3A = arith.constant dense<0xFF800000> : vector<64xf32>
    %reduce_max3A_20 = vector.multi_reduction <maximumf>, %mul3A_19, %reduce_max3A [1] : vector<64x4096xf32> to vector<64xf32>
    %swap3A_21 = arith.constant 0 : index
    %swap3A_22 = arith.constant 0 : index
    %swap3A_23 = arith.constant 0 : index
    %swap3A_24 = arith.constant 0 : index
    %swap3A_25 = vector.load %arg5[%swap3A_21, %swap3A_22, %swap3A_23, %swap3A_24] : memref<1x2x1x64xf32, #tpu.memory_space<vmem>>, vector<1x1x1x64xf32>
    %swap3A_26 = vector.shape_cast %swap3A_25 : vector<1x1x1x64xf32> to vector<64xf32>
    %swap3A_27 = vector.shape_cast %reduce_max3A_20 : vector<64xf32> to vector<1x1x1x64xf32>
    tpu.vector_store %arg5[%swap3A_21, %swap3A_22, %swap3A_23, %swap3A_24], %swap3A_27 {strides = array<i32>} : memref<1x2x1x64xf32, #tpu.memory_space<vmem>>, vector<1x1x1x64xf32>,
    %get3A_28 = arith.constant 0 : index
    %get3A_29 = arith.constant 1 : index
    %get3A_30 = arith.constant 0 : index
    %get3A_31 = arith.constant 0 : index
    %get3A_32 = vector.load %arg2[%get3A_28, %get3A_29, %get3A_30, %get3A_31] : memref<1x2x64x128xf32, #tpu.memory_space<vmem>>, vector<1x1x64x128xf32>
    %get3A_33 = vector.shape_cast %get3A_32 : vector<1x1x64x128xf32> to vector<64x128xf32>
    %dot_general3A_34 = arith.constant dense<0.000000e+00> : vector<64x4096xf32>
    %dot_general3A_35 = tpu.matmul %get3A_33, %get3A_4, %dot_general3A_34 {dimension_numbers = #tpu.dot_dimension_numbers<[1], [1], [0], [0], [0, 0, 1, 0], [], []>, transpose_lhs_hint = false} : vector<64x128xf32>, vector<4096x128xf32>, vector<64x4096xf32> -> vector<64x4096xf32>
    %swap3A_36 = arith.constant 0 : index
    %swap3A_37 = arith.constant 1 : index
    %swap3A_38 = arith.constant 0 : index
    %swap3A_39 = arith.constant 0 : index
    %swap3A_40 = vector.load %arg4[%swap3A_36, %swap3A_37, %swap3A_38, %swap3A_39] : memref<1x2x64x4096xf32, #tpu.memory_space<vmem>>, vector<1x1x64x4096xf32>
    %swap3A_41 = vector.shape_cast %swap3A_40 : vector<1x1x64x4096xf32> to vector<64x4096xf32>
    %swap3A_42 = vector.shape_cast %dot_general3A_35 : vector<64x4096xf32> to vector<1x1x64x4096xf32>
    tpu.vector_store %arg4[%swap3A_36, %swap3A_37, %swap3A_38, %swap3A_39], %swap3A_42 {strides = array<i32>} : memref<1x2x64x4096xf32, #tpu.memory_space<vmem>>, vector<1x1x64x4096xf32>,
    %mul3A_43 = arith.constant 0.0883883461 : f32
    %mul3A_44 = vector.broadcast %mul3A_43 : f32 to vector<64x4096xf32>
    %mul3A_45 = arith.mulf %dot_general3A_35, %mul3A_44 : vector<64x4096xf32>
    %reduce_max3A_46 = arith.constant dense<0xFF800000> : vector<64xf32>
    %reduce_max3A_47 = vector.multi_reduction <maximumf>, %mul3A_45, %reduce_max3A_46 [1] : vector<64x4096xf32> to vector<64xf32>
    %swap3A_48 = arith.constant 0 : index
    %swap3A_49 = arith.constant 1 : index
    %swap3A_50 = arith.constant 0 : index
    %swap3A_51 = arith.constant 0 : index
    %swap3A_52 = vector.load %arg5[%swap3A_48, %swap3A_49, %swap3A_50, %swap3A_51] : memref<1x2x1x64xf32, #tpu.memory_space<vmem>>, vector<1x1x1x64xf32>
    %swap3A_53 = vector.shape_cast %swap3A_52 : vector<1x1x1x64xf32> to vector<64xf32>
    %swap3A_54 = vector.shape_cast %reduce_max3A_47 : vector<64xf32> to vector<1x1x1x64xf32>
    tpu.vector_store %arg5[%swap3A_48, %swap3A_49, %swap3A_50, %swap3A_51], %swap3A_54 {strides = array<i32>} : memref<1x2x1x64xf32, #tpu.memory_space<vmem>>, vector<1x1x1x64xf32>,
    return
  }
  func.func @transform_0(%arg0: i32, %arg1: i32) -> (i32, i32, i32, i32) {
    %c0_i32 = arith.constant 0 : i32
    %c0_i32_0 = arith.constant 0 : i32
    %c0_i32_1 = arith.constant 0 : i32
    return %arg0, %arg1, %c0_i32, %c0_i32_0 : i32, i32, i32, i32
  }
  func.func @transform_1(%arg0: i32, %arg1: i32) -> (i32, i32, i32, i32) {
    %c0_i32 = arith.constant 0 : i32
    %c0_i32_0 = arith.constant 0 : i32
    %c0_i32_1 = arith.constant 0 : i32
    return %arg0, %arg1, %c0_i32, %c0_i32_0 : i32, i32, i32, i32
  }
  func.func @transform_2(%arg0: i32, %arg1: i32) -> (i32, i32, i32, i32) {
    %c0_i32 = arith.constant 0 : i32
    %c0_i32_0 = arith.constant 0 : i32
    %c0_i32_1 = arith.constant 0 : i32
    return %arg0, %arg1, %c0_i32, %c0_i32_0 : i32, i32, i32, i32
  }
  func.func @transform_3(%arg0: i32, %arg1: i32) -> (i32, i32, i32, i32) {
    %c0_i32 = arith.constant 0 : i32
    %c0_i32_0 = arith.constant 0 : i32
    %c0_i32_1 = arith.constant 0 : i32
    return %arg0, %arg1, %c0_i32, %c0_i32_0 : i32, i32, i32, i32
  }
}

module attributes {stable_mosaic.version = 14 : i64} {
  func.func @_rank_kernel(%arg0: i32, %arg1: i32, %arg2: memref<1x1x4096xf32, #tpu.memory_space<vmem>>, %arg3: memref<1x512x1xf32, #tpu.memory_space<vmem>>, %arg4: memref<1x1x1x512xi32, #tpu.memory_space<vmem>>) attributes {dimension_semantics = [#tpu.dimension_semantics<arbitrary>, #tpu.dimension_semantics<arbitrary>], iteration_bounds = array<i64: 2, 8>, scalar_prefetch = 0 : i64, scratch_operands = 0 : i64, tpu.core_type = #tpu.core_type<tc>, window_params = [{transform_indices = @transform_0, window_bounds = array<i64: 1, 1, 4096>}, {transform_indices = @transform_1, window_bounds = array<i64: 1, 512, 1>}, {transform_indices = @transform_2, window_bounds = array<i64: 1, 1, 1, 512>}]} {
    %get3A = arith.constant 0 : index
    %get3A_0 = arith.constant 0 : index
    %get3A_1 = arith.constant 0 : index
    %get3A_2 = vector.load %arg2[%get3A, %get3A_0, %get3A_1] : memref<1x1x4096xf32, #tpu.memory_space<vmem>>, vector<1x1x4096xf32>
    %get3A_3 = vector.shape_cast %get3A_2 : vector<1x1x4096xf32> to vector<1x4096xf32>
    %get3A_4 = arith.constant 0 : index
    %get3A_5 = arith.constant 0 : index
    %get3A_6 = arith.constant 0 : index
    %get3A_7 = vector.load %arg3[%get3A_4, %get3A_5, %get3A_6] : memref<1x512x1xf32, #tpu.memory_space<vmem>>, vector<1x512x1xf32>
    %get3A_8 = vector.shape_cast %get3A_7 : vector<1x512x1xf32> to vector<512x1xf32>
    %iota3A = tpu.iota {dimensions = array<i32: 1>} : vector<512x4096xi32>
    %mul3A = arith.constant 512 : i32
    %mul3A_9 = arith.muli %arg1, %mul3A : i32
    %iota3A_10 = tpu.iota {dimensions = array<i32: 0>} : vector<512x4096xi32>
    %add3A = vector.broadcast %mul3A_9 : i32 to vector<512x4096xi32>
    %add3A_11 = arith.addi %add3A, %iota3A_10 : vector<512x4096xi32>
    %gt3A = vector.broadcast %get3A_3 : vector<1x4096xf32> to vector<512x4096xf32>
    %gt3A_12 = vector.broadcast %get3A_8 : vector<512x1xf32> to vector<512x4096xf32>
    %gt3A_13 = arith.cmpf ogt, %gt3A, %gt3A_12 : vector<512x4096xf32>
    %eq3A = vector.broadcast %get3A_3 : vector<1x4096xf32> to vector<512x4096xf32>
    %eq3A_14 = vector.broadcast %get3A_8 : vector<512x1xf32> to vector<512x4096xf32>
    %eq3A_15 = arith.cmpf oeq, %eq3A, %eq3A_14 : vector<512x4096xf32>
    %lt3A = arith.cmpi slt, %iota3A, %add3A_11 : vector<512x4096xi32>
    %and3A = arith.andi %eq3A_15, %lt3A : vector<512x4096xi1>
    %or3A = arith.ori %gt3A_13, %and3A : vector<512x4096xi1>
    %convert_element_type3A = arith.extui %or3A : vector<512x4096xi1> to vector<512x4096xi32>
    %reduce_sum3A = arith.constant dense<0> : vector<512xi32>
    %reduce_sum3A_16 = vector.multi_reduction <add>, %convert_element_type3A, %reduce_sum3A [1] : vector<512x4096xi32> to vector<512xi32>
    %swap3A = arith.constant 0 : index
    %swap3A_17 = arith.constant 0 : index
    %swap3A_18 = arith.constant 0 : index
    %swap3A_19 = arith.constant 0 : index
    %swap3A_20 = vector.load %arg4[%swap3A, %swap3A_17, %swap3A_18, %swap3A_19] : memref<1x1x1x512xi32, #tpu.memory_space<vmem>>, vector<1x1x1x512xi32>
    %swap3A_21 = vector.shape_cast %swap3A_20 : vector<1x1x1x512xi32> to vector<512xi32>
    %swap3A_22 = vector.shape_cast %reduce_sum3A_16 : vector<512xi32> to vector<1x1x1x512xi32>
    tpu.vector_store %arg4[%swap3A, %swap3A_17, %swap3A_18, %swap3A_19], %swap3A_22 {strides = array<i32>} : memref<1x1x1x512xi32, #tpu.memory_space<vmem>>, vector<1x1x1x512xi32>,
    return
  }
  func.func @transform_0(%arg0: i32, %arg1: i32) -> (i32, i32, i32) {
    %c0_i32 = arith.constant 0 : i32
    %c0_i32_0 = arith.constant 0 : i32
    %c0_i32_1 = arith.constant 0 : i32
    return %arg0, %c0_i32, %c0_i32_0 : i32, i32, i32
  }
  func.func @transform_1(%arg0: i32, %arg1: i32) -> (i32, i32, i32) {
    %c0_i32 = arith.constant 0 : i32
    %c0_i32_0 = arith.constant 0 : i32
    return %arg0, %arg1, %c0_i32 : i32, i32, i32
  }
  func.func @transform_2(%arg0: i32, %arg1: i32) -> (i32, i32, i32, i32) {
    %c0_i32 = arith.constant 0 : i32
    %c0_i32_0 = arith.constant 0 : i32
    %c0_i32_1 = arith.constant 0 : i32
    return %arg0, %arg1, %c0_i32, %c0_i32_0 : i32, i32, i32, i32
  }
}

</mosaic_0001>

<sc_bundles>
// kernel: kernel.5.cloned.1.call-start
scs
__scs_entry_jumppad:
0x0: {  	(pc) =	sbr.rel $0x88, $3  }
0x1: {  	(tag) =	ssettag $0x0;
	lr =	simm.s32 $0x1  }
0x2: {  	[smem:$0x3F9D] =	sst lr;
	_ =	strace $0xD0000000  }
0x3: {  	_ = 	snop  }
0x4: {  	_ = 	snop  }
0x5: {  	_ = 	snop  }
0x6: {  	_ = 	snop  }
0x7: {  	_ = 	snop  }
__scs_overlays_trampoline_lowered:
0x8: {  	[smem:$0x3FAC] =	sst s0  }
0x9: {  	[smem:$0x3FAD] =	sst s1  }
0xa: {  	[smem:$0x3FAE] =	sst s2  }
0xb: {  	[smem:$0x3FAF] =	sst s3  }
0xc: {  	[smem:$0x3FB0] =	sst s4  }
0xd: {  	[smem:$0x3FB1] =	sst s5  }
0xe: {  	[smem:$0x3FB2] =	sst s6  }
0xf: {  	[smem:$0x3FB3] =	sst s7  }
0x10: {  	[smem:$0x3FB4] =	sst s8  }
0x11: {  	[smem:$0x3FB5] =	sst s9;
	s0 =	simm.s32 @!p0 $0x0  }
0x12: {  	s1 =	sld [smem:$0x3F9B];
	s0 =	simm.s32 @p0 $0x1  }
0x13: {  	[smem:$0x3FB6] =	sst s0;
	s0 =	simm.s32 @!p1 $0x0  }
0x14: {  	s2 =	sld [smem:$0x3F9A];
	s0 =	simm.s32 @p1 $0x1  }
0x15: {  	[smem:$0x3FB7] =	sst s0;
	s0 =	simm.s32 @!p2 $0x0  }
0x16: {  	s3 =	sld [smem:$0x3FDB];
	s0 =	simm.s32 @p2 $0x1  }
0x17: {  	s4 =	simm.s32 $0x1BF5;
	[smem:$0x3FB9] =	sst s0  }
0x18: {  	s0 =	sld [smem:$0x3F9C];
	_ =	swait.ge [sflag:s4], $0x0  }
0x19: {  	s7 =	sld [smem:$0x3F9D]  }
0x1a: {  	s8 =	sadd.s32 $0xFFFFE003, lr  }
0x1b: {  	s9 =	sadd.s32 $0xFFFFFEF7, lr;
	s5 =	simm.s32 $0xFFFFFFFF;
	p2 =	slt.u32 s8, $0xFFFFF086  }
0x1c: {  	p1 =	slt.u32 s9, $0xF7A;
	s5 =	simm.s32 @!p2 $0x0  }
0x1d: {  	s5 =	simm.s32 @p1 $0x1;
	p0 =	seq.s32 s7, s2  }
0x1e: {  	s7 =	smul.u32 @!p0 $0xF7A, s2;
	p2 =	seq.s32 @!p0 s5, $0x0  }
0x1f: {  	s9 =	smul.u32 $0xF7A, s1;
	s8 =	simm.s32 @!p0 $0x1BF5;
	p2 =	por !p2, p0  }
0x20: {  	[sflag:s8] =	ssyncset.s32 @!p0 $0xFFFFF086;
	s6 =	sadd.s32 @!p0 s3, s7;
	s7 =	simm.s32 @!p0 $0x108  }
0x21: {  	s3 =	sadd.s32 s3, s9;
	s6 =	sadd.s32 @!p0 $0x88, s6;
	s7 =	simm.s32 @p2 $0x1082  }
0x22: {  	[simem:s7], [sflag:s8] =	dma.local @!p0 [hbm:s6], $0xF7A  }
0x23: {  	s9 =	sor.u32 $0xD0000000, s2;
	s6 =	simm.s32 $0x108;
	_ =	swait.ge @!p0 [sflag:s8], $0x0  }
0x24: {  	s3 =	sadd.s32 $0x88, s3;
	s6 =	simm.s32 @!p1 $0x1082;
	[sflag:s4] =	ssyncset.s32 $0xFFFFF086  }
0x25: {  	[simem:s6], [sflag:s4] =	dma.local [hbm:s3], $0xF7A  }
0x26: {  	[smem:$0x3F9D] =	sst s1;
	(tag) =	ssettag s2;
	_ =	strace s9  }
0x27: {  	s1 =	sld [smem:$0x3FAD]  }
0x28: {  	s2 =	sld [smem:$0x3FAE]  }
0x29: {  	s4 =	sld [smem:$0x3FB0]  }
0x2a: {  	p0 =	seq.s32 s5, $0x0;
	s5 =	sld [smem:$0x3FB1]  }
0x2b: {  	s6 =	sld [smem:$0x3FB2]  }
0x2c: {  	s7 =	sld [smem:$0x3FB3]  }
0x2d: {  	s3 =	simm.s32 $0x108;
	s8 =	sld [smem:$0x3FB4]  }
0x2e: {  	s3 =	simm.s32 @!p0 $0x1082;
	s9 =	sld [smem:$0x3FB5]  }
0x2f: {  	lr =	sadd.s32 s0, s3;
	s0 =	sld [smem:$0x3FAC]  }
0x30: {  	s3 =	sld [smem:$0x3FAF]  }
0x31: {  	[smem:$0x3FB8] =	sst s10  }
0x32: {  	s10 =	sld [smem:$0x3FB6];
	_ =	sdelay $0x3  }
0x33: {  	p0 =	seq.s32 s10, $0x1;
	s10 =	sld [smem:$0x3FB8];
	_ =	sdelay $0x3  }
0x34: {  	[smem:$0x3FB8] =	sst s10  }
0x35: {  	s10 =	sld [smem:$0x3FB7];
	_ =	sdelay $0x3  }
0x36: {  	p1 =	seq.s32 s10, $0x1;
	s10 =	sld [smem:$0x3FB8];
	_ =	sdelay $0x3  }
0x37: {  	[smem:$0x3FB8] =	sst s10  }
0x38: {  	s10 =	sld [smem:$0x3FB9]  }
0x39: {  	_ = 	snop;
	(pc) =	sbr.ind lr, $3  }
0x3a: {  	_ = 	snop  }
0x3b: {  	_ = 	snop  }
0x3c: {  	p2 =	seq.s32 s10, $0x1;
	s10 =	sld [smem:$0x3FB8]  }
0x3d: {  	_ =	shalt  }
0x3e: {  	_ =	shalt  }
0x3f: {  	_ =	shalt  }
0x40: {  	_ =	shalt  }
0x41: {  	_ =	shalt  }
0x42: {  	_ =	shalt  }
0x43: {  	_ =	shalt  }
0x44: {  	_ =	shalt  }
0x45: {  	_ =	shalt  }
0x46: {  	_ =	shalt  }
0x47: {  	_ =	shalt  }
0x48: {  	_ =	shalt  }
0x49: {  	_ =	shalt  }
0x4a: {  	_ =	shalt  }
0x4b: {  	_ =	shalt  }
0x4c: {  	_ =	shalt  }
0x4d: {  	_ =	shalt  }
0x4e: {  	_ =	shalt  }
0x4f: {  	_ =	shalt  }
0x50: {  	_ =	shalt  }
0x51: {  	_ =	shalt  }
0x52: {  	_ =	shalt  }
0x53: {  	_ =	shalt  }
0x54: {  	_ =	shalt  }
0x55: {  	_ =	shalt  }
0x56: {  	_ =	shalt  }
0x57: {  	_ =	shalt  }
0x58: {  	_ =	shalt  }
0x59: {  	_ =	shalt  }
0x5a: {  	_ =	shalt  }
0x5b: {  	_ =	shalt  }
0x5c: {  	_ =	shalt  }
0x5d: {  	_ =	shalt  }
0x5e: {  	_ =	shalt  }
0x5f: {  	_ =	shalt  }
0x60: {  	_ =	shalt  }
0x61: {  	_ =	shalt  }
0x62: {  	_ =	shalt  }
0x63: {  	_ =	shalt  }
0x64: {  	_ =	shalt  }
0x65: {  	_ =	shalt  }
0x66: {  	_ =	shalt  }
0x67: {  	_ =	shalt  }
0x68: {  	_ =	shalt  }
0x69: {  	_ =	shalt  }
0x6a: {  	_ =	shalt  }
0x6b: {  	_ =	shalt  }
0x6c: {  	_ =	shalt  }
0x6d: {  	_ =	shalt  }
0x6e: {  	_ =	shalt  }
0x6f: {  	_ =	shalt  }
0x70: {  	_ =	shalt  }
0x71: {  	_ =	shalt  }
0x72: {  	_ =	shalt  }
0x73: {  	_ =	shalt  }
0x74: {  	_ =	shalt  }
0x75: {  	_ =	shalt  }
0x76: {  	_ =	shalt  }
0x77: {  	_ =	shalt  }
0x78: {  	_ =	shalt  }
0x79: {  	_ =	shalt  }
0x7a: {  	_ =	shalt  }
0x7b: {  	_ =	shalt  }
0x7c: {  	_ =	shalt  }
0x7d: {  	_ =	shalt  }
0x7e: {  	_ =	shalt  }
0x7f: {  	_ =	shalt  }
0x80: {  	_ =	shalt  }
0x81: {  	_ =	shalt  }
0x82: {  	_ =	shalt  }
0x83: {  	_ =	shalt  }
0x84: {  	_ =	shalt  }
0x85: {  	_ =	shalt  }
0x86: {  	_ =	shalt  }
0x87: {  	_ =	shalt  }
.Lfunc_end0:
.L_simem_size_0:
called_computation_lowered:
.L_overlay_start_0:
0x88: {  	s2 =	sld [smem:$0x3FD9]  }
0x89: {  	s3 =	sld [smem:$0x3FFE];
	_ =	sdelay $0x1  }
0x8a: {  	s1 =	srdreg.scid  }
0x8b: {  	s0 =	sand.u32 $0x1, s1  }
0x8c: {  	s17 =	sshll.u32 s0, $0xA;
	s2 =	sadd.s32 s3, s2  }
0x8d: {  	s2 =	sadd.s32 s2, s17  }
0x8e: {  	[smem:$0x3FC4] =	sst s2  }
0x8f: {  	_ = 	snop  }
0x90: {  	s2 =	sld [smem:$0x3FC9]  }
0x91: {  	s18 =	sld [smem:$0x3FC8]  }
0x92: {  	s4 =	sld [smem:$0x3FD0];
	(tm) =	ssettm $0x1  }
0x93: {  	s5 =	sld [smem:$0x3FFB];
	_ =	sdelay $0x3  }
0x94: {  	_ =	strace s5  }
0x95: {  	s5 =	sld [smem:$0x3FFC];
	_ =	sdelay $0x3  }
0x96: {  	_ =	strace s5  }
0x97: {  	s5 =	sld [smem:$0x3FFD];
	_ =	sdelay $0x3  }
0x98: {  	_ =	strace s5  }
0x99: {  	_ =	strace $0x8FFFFFFF  }
0x9a: {  	s19 =	sld [smem:$0x3FDB];
	_ =	sdelay $0x1  }
0x9b: {  	s6 =	simm.s32 $_scs_section_size  }
0x9c: {  	s7 =	simm.s32 $_size__tile_overlayer_lowered;
	s8 =	simm.s32 $_tile_overlayer_lowered  }
0x9d: {  	s22 =	simm.s32 $0x1BFF;
	s21 =	sshll.u32 s8, $0x1;
	s5 =	sadd.s32 s6, s19  }
0x9e: {  	s9 =	simm.s32 $0x0;
	s20 =	sshll.u32 s7, $0x1;
	s7 =	sadd.s32 s21, s5  }
0x9f: {  	[timem:s9], [sflag:s22] =	dma.local [hbm:s7], s20  }
0xa0: {  	_ =	swait.ge [sflag:s22], s20  }
0xa1: {  	s6 =	ssub.s32 $0x0, s20;
	[sflag:s22] =	ssyncset.done $0x0  }
0xa2: {  	[sflag:s22] =	ssyncadd.s32 s6;
	_ =	sdelay $0x1  }
0xa3: {  	s23 =	simm.s32 $0x1B8B  }
0xa4: {  	_ =	swait.ge [sflag:s23], $0x1  }
0xa5: {  	[sflag:s23] =	ssyncset.done $0x0  }
0xa6: {  	s25 =	simm.s32 $0x1B8E;
	s24 =	sld [smem:$0x3FFE];
	[sflag:s23] =	ssyncadd.s32 $0xFFFFFFFF  }
0xa7: {  	s26 =	simm.s32 $execute0_lowered;
	[smem:$0x3FD2] =	sst s25  }
0xa8: {  	s7 =	sshll.u32 s26, $0x1;
	_ =	strace $0x80000046;
	[dreg:$0x1] =	wrdreg $0xFFFFFFFF  }
0xa9: {  	s28 =	simm.s32 $_size_execute0_lowered;
	s5 =	sadd.s32 s5, s7;
	[dreg:$0x0] =	wrdreg $0x0  }
0xaa: {  	s7 =	sshll.u32 s28, $0x1;
	[dreg:$0x2] =	wrdreg s5  }
0xab: {  	[dreg:$0x3] =	wrdreg s7  }
0xac: {  	[dreg:$0x4] =	wrdreg $0xC0  }
0xad: {  	_ =	task [dreg:s9], $0x5FFFF  }
0xae: {  	[dreg:$0x1] =	wrdreg $0xFFFFFFFF  }
0xaf: {  	[dreg:$0x0] =	wrdreg $0x60  }
0xb0: {  	[dreg:$0x2] =	wrdreg s24  }
0xb1: {  	[dreg:$0x3] =	wrdreg s2  }
0xb2: {  	[dreg:$0x4] =	wrdreg s18  }
0xb3: {  	[dreg:$0x5] =	wrdreg s4  }
0xb4: {  	[dreg:$0x6] =	wrdreg $0x40000  }
0xb5: {  	[dreg:$0x7] =	wrdreg $0x40C00  }
0xb6: {  	[dreg:$0x8] =	wrdreg $0x41800  }
0xb7: {  	[dreg:$0x9] =	wrdreg $0x42000  }
0xb8: {  	[dreg:$0xa] =	wrdreg $0x9  }
0xb9: {  	_ =	task.clear_ibuf [dreg:s9], $0xBFFFF;
	_ =	strace $0x90000046  }
0xba: {  	s29 =	simm.s32 $0x9;
	_ =	strace $0x80000048  }
0xbb: {  	_ =	swait.ge [sflag:s29], $0x1  }
0xbc: {  	[sflag:s29] =	ssyncadd.s32 $0xFFFFFFFF  }
0xbd: {  	_ =	strace $0x90000048  }
0xbe: {  	_ =	sfence  }
0xbf: {  	s30 =	sld [smem:$0x0];
	_ =	sdelay $0x2  }
0xc0: {  	s31 =	sshll.u32 s1, $0xD;
	s1 =	sshrl.u32 s1, $0x2  }
0xc1: {  	s3 =	sand.u32 $0x4000, s31;
	s1 =	sadd.s32 s1, s30  }
0xc2: {  	s0 =	sor.u32 s3, s0;
	s1 =	sshll.u32 s1, $0x11  }
0xc3: {  	s0 =	sor.u32 s1, s0  }
0xc4: {  	s0 =	sadd.s32 $0x8F2B, s0  }
0xc5: {  	[sflag:s0] =	ssyncadd.remote.s32 $0x1  }
0xc6: {  	_ =	sfence.sel $0xFFFF  }
0xc7: {  	[dreg:$0x0] =	wrdreg $0xFFFFFFFF;
	(pc) =	sbr.abs _section_cstart, $3  }
0xc8: {  	[dreg:$0x1] =	wrdreg $0xFFFFFFFF  }
0xc9: {  	_ =	task.clear_ibuf [dreg:s9], $0x2FFFF;
	_ =	strace $0x9FFFFFFF  }
0xca: {  	(tm) =	ssettm $0x7FFFFFFF  }
0xcb: {  	_ =	shalt  }
tec
execute0_lowered:
.L_overlay_start_1:
0x0: {  	(tag) =	ssettag $0x1  }
0x1: {  	s0 =	rddreg [dreg:$0x0]  }
0x2: {  	s2 =	rddreg [dreg:$0x1]  }
0x3: {  	s13 =	rddreg [dreg:$0x2]  }
0x4: {  	s9 =	rddreg [dreg:$0x3]  }
0x5: {  	s7 =	rddreg [dreg:$0x4]  }
0x6: {  	s10 =	rddreg [dreg:$0x5]  }
0x7: {  	s11 =	rddreg [dreg:$0x6]  }
0x8: {  	s12 =	rddreg [dreg:$0x7];
	s8 =	simm.s32 $0x0  }
0x9: {  	[smem:$0x7FF] =	sst s8;
	s16 =	sadd.s32 $0x100, s9  }
0xa: {  	s18 =	sadd.s32 $0x200, s9;
	_ =	strace $0x80000047;
	[dreg:$0x1e] =	wrdreg s16  }
0xb: {  	s19 =	sadd.s32 $0x300, s9;
	[dreg:$0x1f] =	wrdreg s18  }
0xc: {  	s20 =	sadd.s32 $0x400, s9;
	[smem:$0x7F9] =	sst s19  }
0xd: {  	s21 =	sadd.s32 $0x500, s9;
	[smem:$0x7FA] =	sst s20  }
0xe: {  	s1 =	srdreg.scid;
	s22 =	sadd.s32 $0x600, s9;
	[smem:$0x7FB] =	sst s21  }
0xf: {  	s4 =	stileid.u32;
	s23 =	sadd.s32 $0x700, s9;
	[smem:$0x7FC] =	sst s22  }
0x10: {  	s1 =	sand.u32 $0x1, s1;
	s24 =	sadd.s32 $0x100, s2;
	[smem:$0x7FD] =	sst s23  }
0x11: {  	s29 =	sshll.u32 s4, $0x7;
	s25 =	sadd.s32 $0x200, s2;
	[dreg:$0xf] =	wrdreg s24  }
0x12: {  	s6 =	smul.u32 $0xC0, s4;
	s31 =	sadd.s32 s29, s11;
	[dreg:$0x10] =	wrdreg s25  }
0x13: {  	s26 =	sshll.u32 s1, $0x9;
	s11 =	sadd.s32 $0x500, s13;
	[dreg:$0xc] =	wrdreg s31  }
0x14: {  	s0 =	sadd.s32 s0, s26;
	[dreg:$0x1b] =	wrdreg s11  }
0x15: {  	s28 =	sadd.s32 s6, s7;
	[dreg:$0x9] =	wrdreg s0  }
0x16: {  	s30 =	sadd.s32 s6, s10;
	[dreg:$0xa] =	wrdreg s28  }
0x17: {  	s6 =	sadd.s32 $0x200, s13;
	[dreg:$0xb] =	wrdreg s30  }
0x18: {  	s3 =	ssub.s32 $0x2, s1;
	s7 =	sadd.s32 $0x300, s13;
	[dreg:$0x18] =	wrdreg s6  }
0x19: {  	s15 =	sshll.u32 s1, $0xC;
	s10 =	sadd.s32 $0x400, s13;
	[dreg:$0x19] =	wrdreg s7  }
0x1a: {  	s14 =	sshll.u32 s1, $0xD;
	s26 =	sadd.s32 $0x300, s2;
	[dreg:$0x1a] =	wrdreg s10  }
0x1b: {  	s5 =	sshrl.u32 s3, $0x1;
	s31 =	sadd.s32 $0x700, s2;
	[dreg:$0x11] =	wrdreg s26  }
0x1c: {  	s0 =	smul.u32 $0x1400, s1;
	s1 =	sadd.s32 s29, s12;
	[dreg:$0x16] =	wrdreg s31  }
0x1d: {  	s3 =	ssub.s32 s3, s5;
	s5 =	sadd.s32 $0x100, s13;
	[dreg:$0xd] =	wrdreg s1  }
0x1e: {  	s12 =	sadd.s32 $0x600, s13;
	[dreg:$0x17] =	wrdreg s5  }
0x1f: {  	p0 =	sne.s32 s4, $0x0;
	s13 =	sadd.s32 $0x700, s13;
	[dreg:$0x1c] =	wrdreg s12  }
.Ltmp0:
0x20: {  	s28 =	sadd.s32 $0x400, s2;
	[dreg:$0x1d] =	wrdreg s13;
	(pc) =	sbr.rel .LBB2_1-.Ltmp0, $4  }
0x21: {  	v3 =	vimm.s32 $0x0;
	v4 =	vlaneseq.u32;
	s11 =	simm.s32 $0x1C00;
	s29 =	sadd.s32 $0x500, s2;
	[dreg:$0x13] =	wrdreg s28  }
0x22: {  	vm0 =	vmmov $0xffff;
	v5 =	vmul.u32 $0x2, v4;
	v7 =	vshrl.u32 v4, $0x3;
	s30 =	sadd.s32 $0x600, s2;
	s10 =	simm.s32 $0x1000;
	[dreg:$0x14] =	wrdreg s29  }
0x23: {  	v6 =	vand.u32 $0x7, v4;
	v8 =	vor.u32 $0x8, v4;
	v7 =	vmul.u32 $0x8, v7;
	s17 =	smax.u32 s3, $0x1;
	[dreg:$0x15] =	wrdreg s30;
	s12 =	simm.s32 $0x3000  }
0x24: {  	v0 =	vmov s15;
	v2 =	vmov s14;
	s13 =	simm.s32 $0x3800;
	[dreg:$0xe] =	wrdreg s17;
	v1 =	vmov s0;
	s0 =	simm.s32 $0x0  }
.LBB2_7:
0x25: {  	[bflag:$0x0] =	sbarrier.arrive $0xFFFF  }
0x26: {  	s1 =	simm.s32 $0x4280;
	s22 =	simm.s32 $0x7;
	s0 =	rddreg [dreg:$0xa]  }
0x27: {  	[tilespmem:s1], [sflag:$0x7] =	stream.linear.gather [spmem:s0], $0xC0, $0x38;
	[tilespmem:$0x1C580] =	vst v63  }
0x28: {  	_ =	swait.ge [sflag:s22], $0xC0  }
0x29: {  	[sflag:s22] =	ssyncset.done $0x0  }
0x2a: {  	s3 =	simm.s32 $0x4380;
	s23 =	rddreg [dreg:$0xb];
	[sflag:s22] =	ssyncadd.s32 $0xFFFFFF40  }
0x2b: {  	[tilespmem:s3], [sflag:$0x7] =	stream.linear.gather [spmem:s23], $0xC0, $0x38;
	[tilespmem:$0x1C580] =	vst v63  }
0x2c: {  	_ =	swait.ge [sflag:s22], $0xC0  }
0x2d: {  	[sflag:s22] =	ssyncset.done $0x0  }
0x2e: {  	s24 =	simm.s32 $0x4480;
	s25 =	rddreg [dreg:$0xc];
	[sflag:s22] =	ssyncadd.s32 $0xFFFFFF40  }
0x2f: {  	[tilespmem:s24], [sflag:$0x7] =	stream.linear.gather [spmem:s25], $0x80, $0x38;
	[tilespmem:$0x1C580] =	vst v63  }
0x30: {  	_ =	swait.ge [sflag:s22], $0x80  }
0x31: {  	[sflag:s22] =	ssyncset.done $0x0  }
0x32: {  	s26 =	simm.s32 $0x4500;
	s28 =	rddreg [dreg:$0xd];
	[sflag:s22] =	ssyncadd.s32 $0xFFFFFF80  }
0x33: {  	[tilespmem:s26], [sflag:$0x7] =	stream.linear.gather [spmem:s28], $0x80, $0x38;
	[tilespmem:$0x1C580] =	vst v63  }
0x34: {  	_ =	swait.ge [sflag:s22], $0x80  }
0x35: {  	[sflag:s22] =	ssyncset.done $0x0  }
0x36: {  	[sflag:s22] =	ssyncadd.s32 $0xFFFFFF80  }
0x37: {  	v9 =	vld [tilespmem:$0x4280];
	_ =	sdelay $0x4  }
0x38: {  	v10 =	vshll.u32 v9, $0x4  }
0x39: {  	v9 =	vand.u32 $0x7, v9;
	v10 =	vand.u32 $0xFFFFFF80, v10  }
0x3a: {  	v9 =	vor.u32 v9, v10  }
0x3b: {  	v10 =	vperm.xlane v9, v6;
	_ =	sdelay $0x1  }
0x3c: {  	v10 =	vadd.s32 v7, v10;
	_ =	sdelay $0x3  }
0x3d: {  	s29 =	simm.s32 $0x4580;
	s21 =	rddreg [dreg:$0x2]  }
0x3e: {  	[tilespmem:s29], [sflag:$0x1] =	stream.indirect_vreg.gather [hbm4b:s21+s8], $0x80, v10, vm0, $0xb8;
	[tilespmem:$0x1C580] =	vst v63  }
0x3f: {  	s30 =	simm.s32 $0x4D80;
	s2 =	rddreg [dreg:$0x17]  }
0x40: {  	[tilespmem:s30], [sflag:$0x1] =	stream.indirect_vreg.gather [hbm4b:s2+s8], $0x80, v10, vm0, $0xb8;
	[tilespmem:$0x1C580] =	vst v63  }
0x41: {  	s31 =	simm.s32 $0x5580;
	s16 =	rddreg [dreg:$0x18]  }
0x42: {  	[tilespmem:s31], [sflag:$0x1] =	stream.indirect_vreg.gather [hbm4b:s16+s8], $0x80, v10, vm0, $0xb8;
	[tilespmem:$0x1C580] =	vst v63  }
0x43: {  	s4 =	simm.s32 $0x5D80;
	s17 =	rddreg [dreg:$0x19]  }
0x44: {  	[tilespmem:s4], [sflag:$0x1] =	stream.indirect_vreg.gather [hbm4b:s17+s8], $0x80, v10, vm0, $0xb8;
	[tilespmem:$0x1C580] =	vst v63  }
0x45: {  	s5 =	simm.s32 $0x6580;
	s18 =	rddreg [dreg:$0x1a]  }
0x46: {  	[tilespmem:s5], [sflag:$0x1] =	stream.indirect_vreg.gather [hbm4b:s18+s8], $0x80, v10, vm0, $0xb8;
	[tilespmem:$0x1C580] =	vst v63  }
0x47: {  	s6 =	simm.s32 $0x6D80;
	s19 =	rddreg [dreg:$0x1b];
	v9 =	vperm.xlane v9, v8  }
0x48: {  	[tilespmem:s6], [sflag:$0x1] =	stream.indirect_vreg.gather [hbm4b:s19+s8], $0x80, v10, vm0, $0xb8;
	[tilespmem:$0x1C580] =	vst v63  }
0x49: {  	s7 =	simm.s32 $0x7580;
	s20 =	rddreg [dreg:$0x1c];
	v9 =	vadd.s32 v7, v9  }
0x4a: {  	[tilespmem:s7], [sflag:$0x1] =	stream.indirect_vreg.gather [hbm4b:s20+s8], $0x80, v10, vm0, $0xb8;
	[tilespmem:$0x1C580] =	vst v63  }
0x4b: {  	s9 =	simm.s32 $0x7D80;
	s31 =	rddreg [dreg:$0x1d]  }
0x4c: {  	[tilespmem:s9], [sflag:$0x1] =	stream.indirect_vreg.gather [hbm4b:s31+s8], $0x80, v10, vm0, $0xb8;
	[tilespmem:$0x1C580] =	vst v63  }
0x4d: {  	s14 =	simm.s32 $0x8580  }
0x4e: {  	[tilespmem:s14], [sflag:$0x1] =	stream.indirect_vreg.gather [hbm4b:s21+s8], $0x80, v9, vm0, $0xb8;
	[tilespmem:$0x1C580] =	vst v63  }
0x4f: {  	s15 =	simm.s32 $0x8D80  }
0x50: {  	[tilespmem:s15], [sflag:$0x1] =	stream.indirect_vreg.gather [hbm4b:s2+s8], $0x80, v9, vm0, $0xb8;
	[tilespmem:$0x1C580] =	vst v63  }
0x51: {  	s22 =	simm.s32 $0x9580  }
0x52: {  	[tilespmem:s22], [sflag:$0x1] =	stream.indirect_vreg.gather [hbm4b:s16+s8], $0x80, v9, vm0, $0xb8;
	[tilespmem:$0x1C580] =	vst v63  }
0x53: {  	s24 =	simm.s32 $0x9D80  }
0x54: {  	[tilespmem:s24], [sflag:$0x1] =	stream.indirect_vreg.gather [hbm4b:s17+s8], $0x80, v9, vm0, $0xb8;
	[tilespmem:$0x1C580] =	vst v63  }
0x55: {  	s25 =	simm.s32 $0xA580  }
0x56: {  	[tilespmem:s25], [sflag:$0x1] =	stream.indirect_vreg.gather [hbm4b:s18+s8], $0x80, v9, vm0, $0xb8;
	[tilespmem:$0x1C580] =	vst v63  }
0x57: {  	s26 =	simm.s32 $0xAD80  }
0x58: {  	[tilespmem:s26], [sflag:$0x1] =	stream.indirect_vreg.gather [hbm4b:s19+s8], $0x80, v9, vm0, $0xb8;
	[tilespmem:$0x1C580] =	vst v63  }
0x59: {  	s28 =	simm.s32 $0xB580  }
0x5a: {  	[tilespmem:s28], [sflag:$0x1] =	stream.indirect_vreg.gather [hbm4b:s20+s8], $0x80, v9, vm0, $0xb8;
	[tilespmem:$0x1C580] =	vst v63  }
0x5b: {  	s29 =	simm.s32 $0xBD80  }
0x5c: {  	[tilespmem:s29], [sflag:$0x1] =	stream.indirect_vreg.gather [hbm4b:s31+s8], $0x80, v9, vm0, $0xb8;
	[tilespmem:$0x1C580] =	vst v63  }
0x5d: {  	v9 =	vld [tilespmem:$0x4290];
	_ =	sdelay $0x4  }
0x5e: {  	v10 =	vshll.u32 v9, $0x4  }
0x5f: {  	v9 =	vand.u32 $0x7, v9;
	v10 =	vand.u32 $0xFFFFFF80, v10  }
0x60: {  	v9 =	vor.u32 v9, v10  }
0x61: {  	v10 =	vperm.xlane v9, v6;
	_ =	sdelay $0x1  }
0x62: {  	v10 =	vadd.s32 v7, v10;
	_ =	sdelay $0x3  }
0x63: {  	s30 =	simm.s32 $0xC580  }
0x64: {  	[tilespmem:s30], [sflag:$0x2] =	stream.indirect_vreg.gather [hbm4b:s21+s8], $0x80, v10, vm0, $0xb8;
	[tilespmem:$0x1C580] =	vst v63  }
0x65: {  	s4 =	simm.s32 $0xCD80  }
0x66: {  	[tilespmem:s4], [sflag:$0x2] =	stream.indirect_vreg.gather [hbm4b:s2+s8], $0x80, v10, vm0, $0xb8;
	[tilespmem:$0x1C580] =	vst v63  }
0x67: {  	s5 =	simm.s32 $0xD580  }
0x68: {  	[tilespmem:s5], [sflag:$0x2] =	stream.indirect_vreg.gather [hbm4b:s16+s8], $0x80, v10, vm0, $0xb8;
	[tilespmem:$0x1C580] =	vst v63  }
0x69: {  	s7 =	simm.s32 $0xDD80  }
0x6a: {  	[tilespmem:s7], [sflag:$0x2] =	stream.indirect_vreg.gather [hbm4b:s17+s8], $0x80, v10, vm0, $0xb8;
	[tilespmem:$0x1C580] =	vst v63  }
0x6b: {  	s9 =	simm.s32 $0xE580  }
0x6c: {  	[tilespmem:s9], [sflag:$0x2] =	stream.indirect_vreg.gather [hbm4b:s18+s8], $0x80, v10, vm0, $0xb8;
	[tilespmem:$0x1C580] =	vst v63  }
0x6d: {  	s14 =	simm.s32 $0xED80;
	v9 =	vperm.xlane v9, v8  }
0x6e: {  	[tilespmem:s14], [sflag:$0x2] =	stream.indirect_vreg.gather [hbm4b:s19+s8], $0x80, v10, vm0, $0xb8;
	[tilespmem:$0x1C580] =	vst v63  }
0x6f: {  	s15 =	simm.s32 $0xF580;
	v9 =	vadd.s32 v7, v9  }
0x70: {  	[tilespmem:s15], [sflag:$0x2] =	stream.indirect_vreg.gather [hbm4b:s20+s8], $0x80, v10, vm0, $0xb8;
	[tilespmem:$0x1C580] =	vst v63  }
0x71: {  	s22 =	simm.s32 $0xFD80  }
0x72: {  	[tilespmem:s22], [sflag:$0x2] =	stream.indirect_vreg.gather [hbm4b:s31+s8], $0x80, v10, vm0, $0xb8;
	[tilespmem:$0x1C580] =	vst v63  }
0x73: {  	s24 =	simm.s32 $0x10580  }
0x74: {  	[tilespmem:s24], [sflag:$0x2] =	stream.indirect_vreg.gather [hbm4b:s21+s8], $0x80, v9, vm0, $0xb8;
	[tilespmem:$0x1C580] =	vst v63  }
0x75: {  	s25 =	simm.s32 $0x10D80  }
0x76: {  	[tilespmem:s25], [sflag:$0x2] =	stream.indirect_vreg.gather [hbm4b:s2+s8], $0x80, v9, vm0, $0xb8;
	[tilespmem:$0x1C580] =	vst v63  }
0x77: {  	s26 =	simm.s32 $0x11580  }
0x78: {  	[tilespmem:s26], [sflag:$0x2] =	stream.indirect_vreg.gather [hbm4b:s16+s8], $0x80, v9, vm0, $0xb8;
	[tilespmem:$0x1C580] =	vst v63  }
0x79: {  	s28 =	simm.s32 $0x11D80  }
0x7a: {  	[tilespmem:s28], [sflag:$0x2] =	stream.indirect_vreg.gather [hbm4b:s17+s8], $0x80, v9, vm0, $0xb8;
	[tilespmem:$0x1C580] =	vst v63  }
0x7b: {  	s29 =	simm.s32 $0x12580  }
0x7c: {  	[tilespmem:s29], [sflag:$0x2] =	stream.indirect_vreg.gather [hbm4b:s18+s8], $0x80, v9, vm0, $0xb8;
	[tilespmem:$0x1C580] =	vst v63  }
0x7d: {  	s30 =	simm.s32 $0x12D80  }
0x7e: {  	[tilespmem:s30], [sflag:$0x2] =	stream.indirect_vreg.gather [hbm4b:s19+s8], $0x80, v9, vm0, $0xb8;
	[tilespmem:$0x1C580] =	vst v63  }
0x7f: {  	s4 =	simm.s32 $0x13580  }
0x80: {  	[tilespmem:s4], [sflag:$0x2] =	stream.indirect_vreg.gather [hbm4b:s20+s8], $0x80, v9, vm0, $0xb8;
	[tilespmem:$0x1C580] =	vst v63  }
0x81: {  	s5 =	simm.s32 $0x13D80  }
0x82: {  	[tilespmem:s5], [sflag:$0x2] =	stream.indirect_vreg.gather [hbm4b:s31+s8], $0x80, v9, vm0, $0xb8;
	[tilespmem:$0x1C580] =	vst v63  }
0x83: {  	v9 =	vld [tilespmem:$0x42A0];
	_ =	sdelay $0x4  }
0x84: {  	v10 =	vshll.u32 v9, $0x4  }
0x85: {  	v9 =	vand.u32 $0x7, v9;
	v10 =	vand.u32 $0xFFFFFF80, v10  }
0x86: {  	v9 =	vor.u32 v9, v10  }
0x87: {  	v10 =	vperm.xlane v9, v6;
	_ =	sdelay $0x1  }
0x88: {  	v10 =	vadd.s32 v7, v10;
	_ =	sdelay $0x3  }
0x89: {  	s7 =	simm.s32 $0x14580  }
0x8a: {  	[tilespmem:s7], [sflag:$0x3] =	stream.indirect_vreg.gather [hbm4b:s21+s8], $0x80, v10, vm0, $0xb8;
	[tilespmem:$0x1C580] =	vst v63  }
0x8b: {  	s9 =	simm.s32 $0x14D80  }
0x8c: {  	[tilespmem:s9], [sflag:$0x3] =	stream.indirect_vreg.gather [hbm4b:s2+s8], $0x80, v10, vm0, $0xb8;
	[tilespmem:$0x1C580] =	vst v63  }
0x8d: {  	s14 =	simm.s32 $0x15580  }
0x8e: {  	[tilespmem:s14], [sflag:$0x3] =	stream.indirect_vreg.gather [hbm4b:s16+s8], $0x80, v10, vm0, $0xb8;
	[tilespmem:$0x1C580] =	vst v63  }
0x8f: {  	s15 =	simm.s32 $0x15D80  }
0x90: {  	[tilespmem:s15], [sflag:$0x3] =	stream.indirect_vreg.gather [hbm4b:s17+s8], $0x80, v10, vm0, $0xb8;
	[tilespmem:$0x1C580] =	vst v63  }
0x91: {  	s22 =	simm.s32 $0x16580  }
0x92: {  	[tilespmem:s22], [sflag:$0x3] =	stream.indirect_vreg.gather [hbm4b:s18+s8], $0x80, v10, vm0, $0xb8;
	[tilespmem:$0x1C580] =	vst v63  }
0x93: {  	s24 =	simm.s32 $0x16D80;
	v9 =	vperm.xlane v9, v8  }
0x94: {  	[tilespmem:s24], [sflag:$0x3] =	stream.indirect_vreg.gather [hbm4b:s19+s8], $0x80, v10, vm0, $0xb8;
	[tilespmem:$0x1C580] =	vst v63  }
0x95: {  	s25 =	simm.s32 $0x17580;
	v9 =	vadd.s32 v7, v9  }
0x96: {  	[tilespmem:s25], [sflag:$0x3] =	stream.indirect_vreg.gather [hbm4b:s20+s8], $0x80, v10, vm0, $0xb8;
	[tilespmem:$0x1C580] =	vst v63  }
0x97: {  	s26 =	simm.s32 $0x17D80  }
0x98: {  	[tilespmem:s26], [sflag:$0x3] =	stream.indirect_vreg.gather [hbm4b:s31+s8], $0x80, v10, vm0, $0xb8;
	[tilespmem:$0x1C580] =	vst v63  }
0x99: {  	s28 =	simm.s32 $0x18580  }
0x9a: {  	[tilespmem:s28], [sflag:$0x3] =	stream.indirect_vreg.gather [hbm4b:s21+s8], $0x80, v9, vm0, $0xb8;
	[tilespmem:$0x1C580] =	vst v63  }
0x9b: {  	s29 =	simm.s32 $0x18D80  }
0x9c: {  	[tilespmem:s29], [sflag:$0x3] =	stream.indirect_vreg.gather [hbm4b:s2+s8], $0x80, v9, vm0, $0xb8;
	[tilespmem:$0x1C580] =	vst v63  }
0x9d: {  	s30 =	simm.s32 $0x19580  }
0x9e: {  	[tilespmem:s30], [sflag:$0x3] =	stream.indirect_vreg.gather [hbm4b:s16+s8], $0x80, v9, vm0, $0xb8;
	[tilespmem:$0x1C580] =	vst v63  }
0x9f: {  	s4 =	simm.s32 $0x19D80  }
0xa0: {  	[tilespmem:s4], [sflag:$0x3] =	stream.indirect_vreg.gather [hbm4b:s17+s8], $0x80, v9, vm0, $0xb8;
	[tilespmem:$0x1C580] =	vst v63  }
0xa1: {  	s5 =	simm.s32 $0x1A580  }
0xa2: {  	[tilespmem:s5], [sflag:$0x3] =	stream.indirect_vreg.gather [hbm4b:s18+s8], $0x80, v9, vm0, $0xb8;
	[tilespmem:$0x1C580] =	vst v63  }
0xa3: {  	s7 =	simm.s32 $0x1AD80  }
0xa4: {  	[tilespmem:s7], [sflag:$0x3] =	stream.indirect_vreg.gather [hbm4b:s19+s8], $0x80, v9, vm0, $0xb8;
	[tilespmem:$0x1C580] =	vst v63  }
0xa5: {  	s9 =	simm.s32 $0x1B580  }
0xa6: {  	[tilespmem:s9], [sflag:$0x3] =	stream.indirect_vreg.gather [hbm4b:s20+s8], $0x80, v9, vm0, $0xb8;
	[tilespmem:$0x1C580] =	vst v63  }
0xa7: {  	s14 =	simm.s32 $0x1BD80;
	s15 =	simm.s32 $0x1  }
0xa8: {  	[tilespmem:s14], [sflag:$0x3] =	stream.indirect_vreg.gather [hbm4b:s31+s8], $0x80, v9, vm0, $0xb8;
	[tilespmem:$0x1C580] =	vst v63  }
0xa9: {  	_ =	swait.ge [sflag:s15], $0x8000  }
0xaa: {  	[sflag:s15] =	ssyncset.done $0x0  }
0xab: {  	[sflag:s15] =	ssyncadd.s32 $0xFFFF8000  }
0xac: {  	v9 =	vld [tilespmem:$0x4380];
	_ =	sdelay $0x4  }
0xad: {  	v10 =	vshll.u32 v9, $0x4  }
0xae: {  	v9 =	vand.u32 $0x7, v9;
	v10 =	vand.u32 $0xFFFFFF80, v10  }
0xaf: {  	v9 =	vor.u32 v9, v10  }
0xb0: {  	v10 =	vperm.xlane v9, v6;
	_ =	sdelay $0x1  }
0xb1: {  	v10 =	vadd.s32 v7, v10;
	_ =	sdelay $0x2  }
0xb2: {  	s4 =	rddreg [dreg:$0x1e]  }
0xb3: {  	s1 =	simm.s32 $0x4580;
	s14 =	rddreg [dreg:$0x3]  }
0xb4: {  	[hbm4b:s14+s8] =	stream.indirect_vreg.scatter [tilespmem:s1], [sflag:$0x4], $0x80, v10, vm0, $0xb8;
	[tilespmem:$0x1C580] =	vst v63  }
0xb5: {  	s3 =	simm.s32 $0x4D80;
	s24 =	rddreg [dreg:$0x1f]  }
0xb6: {  	[hbm4b:s4+s8] =	stream.indirect_vreg.scatter [tilespmem:s3], [sflag:$0x4], $0x80, v10, vm0, $0xb8;
	[tilespmem:$0x1C580] =	vst v63  }
0xb7: {  	s22 =	simm.s32 $0x5580;
	s3 =	sld [smem:$0x7F9]  }
0xb8: {  	[hbm4b:s24+s8] =	stream.indirect_vreg.scatter [tilespmem:s22], [sflag:$0x4], $0x80, v10, vm0, $0xb8;
	[tilespmem:$0x1C580] =	vst v63  }
0xb9: {  	s26 =	sld [smem:$0x7FA];
	s15 =	simm.s32 $0x5D80  }
0xba: {  	[hbm4b:s3+s8] =	stream.indirect_vreg.scatter [tilespmem:s15], [sflag:$0x4], $0x80, v10, vm0, $0xb8;
	[tilespmem:$0x1C580] =	vst v63  }
0xbb: {  	s0 =	simm.s32 $0x6580;
	s28 =	sld [smem:$0x7FB]  }
0xbc: {  	[hbm4b:s26+s8] =	stream.indirect_vreg.scatter [tilespmem:s0], [sflag:$0x4], $0x80, v10, vm0, $0xb8;
	[tilespmem:$0x1C580] =	vst v63  }
0xbd: {  	s23 =	simm.s32 $0x6D80;
	s29 =	sld [smem:$0x7FC];
	v9 =	vperm.xlane v9, v8  }
0xbe: {  	[hbm4b:s28+s8] =	stream.indirect_vreg.scatter [tilespmem:s23], [sflag:$0x4], $0x80, v10, vm0, $0xb8;
	[tilespmem:$0x1C580] =	vst v63  }
0xbf: {  	v9 =	vadd.s32 v7, v9;
	s1 =	simm.s32 $0x7580;
	s23 =	sld [smem:$0x7FD]  }
0xc0: {  	[hbm4b:s29+s8] =	stream.indirect_vreg.scatter [tilespmem:s1], [sflag:$0x4], $0x80, v10, vm0, $0xb8;
	[tilespmem:$0x1C580] =	vst v63  }
0xc1: {  	s5 =	simm.s32 $0x7D80  }
0xc2: {  	[hbm4b:s23+s8] =	stream.indirect_vreg.scatter [tilespmem:s5], [sflag:$0x4], $0x80, v10, vm0, $0xb8;
	[tilespmem:$0x1C580] =	vst v63  }
0xc3: {  	s6 =	simm.s32 $0x8580  }
0xc4: {  	[hbm4b:s14+s8] =	stream.indirect_vreg.scatter [tilespmem:s6], [sflag:$0x4], $0x80, v9, vm0, $0xb8;
	[tilespmem:$0x1C580] =	vst v63  }
0xc5: {  	s6 =	simm.s32 $0x8D80  }
0xc6: {  	[hbm4b:s4+s8] =	stream.indirect_vreg.scatter [tilespmem:s6], [sflag:$0x4], $0x80, v9, vm0, $0xb8;
	[tilespmem:$0x1C580] =	vst v63  }
0xc7: {  	s7 =	simm.s32 $0x9580  }
0xc8: {  	[hbm4b:s24+s8] =	stream.indirect_vreg.scatter [tilespmem:s7], [sflag:$0x4], $0x80, v9, vm0, $0xb8;
	[tilespmem:$0x1C580] =	vst v63  }
0xc9: {  	s9 =	simm.s32 $0x9D80  }
0xca: {  	[hbm4b:s3+s8] =	stream.indirect_vreg.scatter [tilespmem:s9], [sflag:$0x4], $0x80, v9, vm0, $0xb8;
	[tilespmem:$0x1C580] =	vst v63  }
0xcb: {  	s25 =	simm.s32 $0xA580  }
0xcc: {  	[hbm4b:s26+s8] =	stream.indirect_vreg.scatter [tilespmem:s25], [sflag:$0x4], $0x80, v9, vm0, $0xb8;
	[tilespmem:$0x1C580] =	vst v63  }
0xcd: {  	s30 =	simm.s32 $0xAD80  }
0xce: {  	[hbm4b:s28+s8] =	stream.indirect_vreg.scatter [tilespmem:s30], [sflag:$0x4], $0x80, v9, vm0, $0xb8;
	[tilespmem:$0x1C580] =	vst v63  }
0xcf: {  	s14 =	simm.s32 $0xB580  }
0xd0: {  	[hbm4b:s29+s8] =	stream.indirect_vreg.scatter [tilespmem:s14], [sflag:$0x4], $0x80, v9, vm0, $0xb8;
	[tilespmem:$0x1C580] =	vst v63  }
0xd1: {  	s14 =	simm.s32 $0xBD80  }
0xd2: {  	[hbm4b:s23+s8] =	stream.indirect_vreg.scatter [tilespmem:s14], [sflag:$0x4], $0x80, v9, vm0, $0xb8;
	[tilespmem:$0x1C580] =	vst v63  }
0xd3: {  	s14 =	simm.s32 $0x4  }
0xd4: {  	_ =	swait.ge [sflag:s14], $0x8000  }
0xd5: {  	[sflag:s14] =	ssyncset.done $0x0  }
0xd6: {  	[sflag:s14] =	ssyncadd.s32 $0xFFFF8000  }
0xd7: {  	v9 =	vld [tilespmem:$0x42B0];
	_ =	sdelay $0x4  }
0xd8: {  	v10 =	vshll.u32 v9, $0x4  }
0xd9: {  	v9 =	vand.u32 $0x7, v9;
	v10 =	vand.u32 $0xFFFFFF80, v10  }
0xda: {  	v9 =	vor.u32 v9, v10  }
0xdb: {  	v10 =	vperm.xlane v9, v6;
	_ =	sdelay $0x1  }
0xdc: {  	v10 =	vadd.s32 v7, v10;
	_ =	sdelay $0x3  }
0xdd: {  	s14 =	simm.s32 $0x4580  }
0xde: {  	[tilespmem:s14], [sflag:$0x1] =	stream.indirect_vreg.gather [hbm4b:s21+s8], $0x80, v10, vm0, $0xb8;
	[tilespmem:$0x1C580] =	vst v63  }
0xdf: {  	s14 =	simm.s32 $0x4D80  }
0xe0: {  	[tilespmem:s14], [sflag:$0x1] =	stream.indirect_vreg.gather [hbm4b:s2+s8], $0x80, v10, vm0, $0xb8;
	[tilespmem:$0x1C580] =	vst v63  }
0xe1: {  	_ = 	snop  }
0xe2: {  	[tilespmem:s22], [sflag:$0x1] =	stream.indirect_vreg.gather [hbm4b:s16+s8], $0x80, v10, vm0, $0xb8;
	[tilespmem:$0x1C580] =	vst v63  }
0xe3: {  	_ = 	snop  }
0xe4: {  	[tilespmem:s15], [sflag:$0x1] =	stream.indirect_vreg.gather [hbm4b:s17+s8], $0x80, v10, vm0, $0xb8;
	[tilespmem:$0x1C580] =	vst v63  }
0xe5: {  	_ = 	snop  }
0xe6: {  	[tilespmem:s0], [sflag:$0x1] =	stream.indirect_vreg.gather [hbm4b:s18+s8], $0x80, v10, vm0, $0xb8;
	[tilespmem:$0x1C580] =	vst v63  }
0xe7: {  	v9 =	vperm.xlane v9, v8;
	s22 =	simm.s32 $0x6D80  }
0xe8: {  	[tilespmem:s22], [sflag:$0x1] =	stream.indirect_vreg.gather [hbm4b:s19+s8], $0x80, v10, vm0, $0xb8;
	[tilespmem:$0x1C580] =	vst v63  }
0xe9: {  	v9 =	vadd.s32 v7, v9  }
0xea: {  	[tilespmem:s1], [sflag:$0x1] =	stream.indirect_vreg.gather [hbm4b:s20+s8], $0x80, v10, vm0, $0xb8;
	[tilespmem:$0x1C580] =	vst v63  }
0xeb: {  	_ = 	snop  }
0xec: {  	[tilespmem:s5], [sflag:$0x1] =	stream.indirect_vreg.gather [hbm4b:s31+s8], $0x80, v10, vm0, $0xb8;
	[tilespmem:$0x1C580] =	vst v63  }
0xed: {  	s5 =	simm.s32 $0x8580  }
0xee: {  	[tilespmem:s5], [sflag:$0x1] =	stream.indirect_vreg.gather [hbm4b:s21+s8], $0x80, v9, vm0, $0xb8;
	[tilespmem:$0x1C580] =	vst v63  }
0xef: {  	_ = 	snop  }
0xf0: {  	[tilespmem:s6], [sflag:$0x1] =	stream.indirect_vreg.gather [hbm4b:s2+s8], $0x80, v9, vm0, $0xb8;
	[tilespmem:$0x1C580] =	vst v63  }
0xf1: {  	_ = 	snop  }
0xf2: {  	[tilespmem:s7], [sflag:$0x1] =	stream.indirect_vreg.gather [hbm4b:s16+s8], $0x80, v9, vm0, $0xb8;
	[tilespmem:$0x1C580] =	vst v63  }
0xf3: {  	_ = 	snop  }
0xf4: {  	[tilespmem:s9], [sflag:$0x1] =	stream.indirect_vreg.gather [hbm4b:s17+s8], $0x80, v9, vm0, $0xb8;
	[tilespmem:$0x1C580] =	vst v63  }
0xf5: {  	_ = 	snop  }
0xf6: {  	[tilespmem:s25], [sflag:$0x1] =	stream.indirect_vreg.gather [hbm4b:s18+s8], $0x80, v9, vm0, $0xb8;
	[tilespmem:$0x1C580] =	vst v63  }
0xf7: {  	_ = 	snop  }
0xf8: {  	[tilespmem:s30], [sflag:$0x1] =	stream.indirect_vreg.gather [hbm4b:s19+s8], $0x80, v9, vm0, $0xb8;
	[tilespmem:$0x1C580] =	vst v63  }
0xf9: {  	s14 =	simm.s32 $0xB580  }
0xfa: {  	[tilespmem:s14], [sflag:$0x1] =	stream.indirect_vreg.gather [hbm4b:s20+s8], $0x80, v9, vm0, $0xb8;
	[tilespmem:$0x1C580] =	vst v63  }
0xfb: {  	s15 =	simm.s32 $0xBD80;
	s22 =	simm.s32 $0x2  }
0xfc: {  	[tilespmem:s15], [sflag:$0x1] =	stream.indirect_vreg.gather [hbm4b:s31+s8], $0x80, v9, vm0, $0xb8;
	[tilespmem:$0x1C580] =	vst v63  }
0xfd: {  	_ =	swait.ge [sflag:s22], $0x8000  }
0xfe: {  	[sflag:s22] =	ssyncset.done $0x0  }
0xff: {  	[sflag:s22] =	ssyncadd.s32 $0xFFFF8000  }
0x100: {  	v9 =	vld [tilespmem:$0x4390];
	_ =	sdelay $0x4  }
0x101: {  	v10 =	vshll.u32 v9, $0x4  }
0x102: {  	v9 =	vand.u32 $0x7, v9;
	v10 =	vand.u32 $0xFFFFFF80, v10  }
0x103: {  	v9 =	vor.u32 v9, v10  }
0x104: {  	v10 =	vperm.xlane v9, v6;
	_ =	sdelay $0x1  }
0x105: {  	v10 =	vadd.s32 v7, v10;
	_ =	sdelay $0x3  }
0x106: {  	s1 =	simm.s32 $0xC580;
	s5 =	rddreg [dreg:$0x3]  }
0x107: {  	[hbm4b:s5+s8] =	stream.indirect_vreg.scatter [tilespmem:s1], [sflag:$0x5], $0x80, v10, vm0, $0xb8;
	[tilespmem:$0x1C580] =	vst v63  }
0x108: {  	s25 =	simm.s32 $0xCD80  }
0x109: {  	[hbm4b:s4+s8] =	stream.indirect_vreg.scatter [tilespmem:s25], [sflag:$0x5], $0x80, v10, vm0, $0xb8;
	[tilespmem:$0x1C580] =	vst v63  }
0x10a: {  	s9 =	simm.s32 $0xD580  }
0x10b: {  	[hbm4b:s24+s8] =	stream.indirect_vreg.scatter [tilespmem:s9], [sflag:$0x5], $0x80, v10, vm0, $0xb8;
	[tilespmem:$0x1C580] =	vst v63  }
0x10c: {  	s14 =	simm.s32 $0xDD80  }
0x10d: {  	[hbm4b:s3+s8] =	stream.indirect_vreg.scatter [tilespmem:s14], [sflag:$0x5], $0x80, v10, vm0, $0xb8;
	[tilespmem:$0x1C580] =	vst v63  }
0x10e: {  	s30 =	simm.s32 $0xE580  }
0x10f: {  	[hbm4b:s26+s8] =	stream.indirect_vreg.scatter [tilespmem:s30], [sflag:$0x5], $0x80, v10, vm0, $0xb8;
	[tilespmem:$0x1C580] =	vst v63  }
0x110: {  	s6 =	simm.s32 $0xED80;
	v9 =	vperm.xlane v9, v8  }
0x111: {  	[hbm4b:s28+s8] =	stream.indirect_vreg.scatter [tilespmem:s6], [sflag:$0x5], $0x80, v10, vm0, $0xb8;
	[tilespmem:$0x1C580] =	vst v63  }
0x112: {  	s7 =	simm.s32 $0xF580;
	v9 =	vadd.s32 v7, v9  }
0x113: {  	[hbm4b:s29+s8] =	stream.indirect_vreg.scatter [tilespmem:s7], [sflag:$0x5], $0x80, v10, vm0, $0xb8;
	[tilespmem:$0x1C580] =	vst v63  }
0x114: {  	s15 =	simm.s32 $0xFD80  }
0x115: {  	[hbm4b:s23+s8] =	stream.indirect_vreg.scatter [tilespmem:s15], [sflag:$0x5], $0x80, v10, vm0, $0xb8;
	[tilespmem:$0x1C580] =	vst v63  }
0x116: {  	s22 =	simm.s32 $0x10580  }
0x117: {  	[hbm4b:s5+s8] =	stream.indirect_vreg.scatter [tilespmem:s22], [sflag:$0x5], $0x80, v9, vm0, $0xb8;
	[tilespmem:$0x1C580] =	vst v63  }
0x118: {  	s5 =	simm.s32 $0x10D80  }
0x119: {  	[hbm4b:s4+s8] =	stream.indirect_vreg.scatter [tilespmem:s5], [sflag:$0x5], $0x80, v9, vm0, $0xb8;
	[tilespmem:$0x1C580] =	vst v63  }
0x11a: {  	s6 =	simm.s32 $0x11580  }
0x11b: {  	[hbm4b:s24+s8] =	stream.indirect_vreg.scatter [tilespmem:s6], [sflag:$0x5], $0x80, v9, vm0, $0xb8;
	[tilespmem:$0x1C580] =	vst v63  }
0x11c: {  	s7 =	simm.s32 $0x11D80  }
0x11d: {  	[hbm4b:s3+s8] =	stream.indirect_vreg.scatter [tilespmem:s7], [sflag:$0x5], $0x80, v9, vm0, $0xb8;
	[tilespmem:$0x1C580] =	vst v63  }
0x11e: {  	s22 =	simm.s32 $0x12580  }
0x11f: {  	[hbm4b:s26+s8] =	stream.indirect_vreg.scatter [tilespmem:s22], [sflag:$0x5], $0x80, v9, vm0, $0xb8;
	[tilespmem:$0x1C580] =	vst v63  }
0x120: {  	s30 =	simm.s32 $0x12D80  }
0x121: {  	[hbm4b:s28+s8] =	stream.indirect_vreg.scatter [tilespmem:s30], [sflag:$0x5], $0x80, v9, vm0, $0xb8;
	[tilespmem:$0x1C580] =	vst v63  }
0x122: {  	s0 =	simm.s32 $0x13580  }
0x123: {  	[hbm4b:s29+s8] =	stream.indirect_vreg.scatter [tilespmem:s0], [sflag:$0x5], $0x80, v9, vm0, $0xb8;
	[tilespmem:$0x1C580] =	vst v63  }
0x124: {  	s25 =	simm.s32 $0x5;
	s15 =	simm.s32 $0x13D80  }
0x125: {  	[hbm4b:s23+s8] =	stream.indirect_vreg.scatter [tilespmem:s15], [sflag:$0x5], $0x80, v9, vm0, $0xb8;
	[tilespmem:$0x1C580] =	vst v63  }
0x126: {  	_ =	swait.ge [sflag:s25], $0x8000  }
0x127: {  	[sflag:s25] =	ssyncset.done $0x0  }
0x128: {  	[sflag:s25] =	ssyncadd.s32 $0xFFFF8000  }
0x129: {  	v9 =	vld [tilespmem:$0x42C0];
	_ =	sdelay $0x4  }
0x12a: {  	v10 =	vshll.u32 v9, $0x4  }
0x12b: {  	v9 =	vand.u32 $0x7, v9;
	v10 =	vand.u32 $0xFFFFFF80, v10  }
0x12c: {  	v9 =	vor.u32 v9, v10  }
0x12d: {  	v10 =	vperm.xlane v9, v6;
	_ =	sdelay $0x1  }
0x12e: {  	v10 =	vadd.s32 v7, v10;
	_ =	sdelay $0x4  }
0x12f: {  	[tilespmem:s1], [sflag:$0x2] =	stream.indirect_vreg.gather [hbm4b:s21+s8], $0x80, v10, vm0, $0xb8;
	[tilespmem:$0x1C580] =	vst v63  }
0x130: {  	s25 =	simm.s32 $0xCD80  }
0x131: {  	[tilespmem:s25], [sflag:$0x2] =	stream.indirect_vreg.gather [hbm4b:s2+s8], $0x80, v10, vm0, $0xb8;
	[tilespmem:$0x1C580] =	vst v63  }
0x132: {  	_ = 	snop  }
0x133: {  	[tilespmem:s9], [sflag:$0x2] =	stream.indirect_vreg.gather [hbm4b:s16+s8], $0x80, v10, vm0, $0xb8;
	[tilespmem:$0x1C580] =	vst v63  }
0x134: {  	_ = 	snop  }
0x135: {  	[tilespmem:s14], [sflag:$0x2] =	stream.indirect_vreg.gather [hbm4b:s17+s8], $0x80, v10, vm0, $0xb8;
	[tilespmem:$0x1C580] =	vst v63  }
0x136: {  	s14 =	simm.s32 $0xE580  }
0x137: {  	[tilespmem:s14], [sflag:$0x2] =	stream.indirect_vreg.gather [hbm4b:s18+s8], $0x80, v10, vm0, $0xb8;
	[tilespmem:$0x1C580] =	vst v63  }
0x138: {  	v9 =	vperm.xlane v9, v8;
	s25 =	simm.s32 $0xED80  }
0x139: {  	[tilespmem:s25], [sflag:$0x2] =	stream.indirect_vreg.gather [hbm4b:s19+s8], $0x80, v10, vm0, $0xb8;
	[tilespmem:$0x1C580] =	vst v63  }
0x13a: {  	v9 =	vadd.s32 v7, v9;
	s9 =	simm.s32 $0xF580  }
0x13b: {  	[tilespmem:s9], [sflag:$0x2] =	stream.indirect_vreg.gather [hbm4b:s20+s8], $0x80, v10, vm0, $0xb8;
	[tilespmem:$0x1C580] =	vst v63  }
0x13c: {  	s14 =	simm.s32 $0xFD80  }
0x13d: {  	[tilespmem:s14], [sflag:$0x2] =	stream.indirect_vreg.gather [hbm4b:s31+s8], $0x80, v10, vm0, $0xb8;
	[tilespmem:$0x1C580] =	vst v63  }
0x13e: {  	s25 =	simm.s32 $0x10580  }
0x13f: {  	[tilespmem:s25], [sflag:$0x2] =	stream.indirect_vreg.gather [hbm4b:s21+s8], $0x80, v9, vm0, $0xb8;
	[tilespmem:$0x1C580] =	vst v63  }
0x140: {  	_ = 	snop  }
0x141: {  	[tilespmem:s5], [sflag:$0x2] =	stream.indirect_vreg.gather [hbm4b:s2+s8], $0x80, v9, vm0, $0xb8;
	[tilespmem:$0x1C580] =	vst v63  }
0x142: {  	_ = 	snop  }
0x143: {  	[tilespmem:s6], [sflag:$0x2] =	stream.indirect_vreg.gather [hbm4b:s16+s8], $0x80, v9, vm0, $0xb8;
	[tilespmem:$0x1C580] =	vst v63  }
0x144: {  	_ = 	snop  }
0x145: {  	[tilespmem:s7], [sflag:$0x2] =	stream.indirect_vreg.gather [hbm4b:s17+s8], $0x80, v9, vm0, $0xb8;
	[tilespmem:$0x1C580] =	vst v63  }
0x146: {  	_ = 	snop  }
0x147: {  	[tilespmem:s22], [sflag:$0x2] =	stream.indirect_vreg.gather [hbm4b:s18+s8], $0x80, v9, vm0, $0xb8;
	[tilespmem:$0x1C580] =	vst v63  }
0x148: {  	_ = 	snop  }
0x149: {  	[tilespmem:s30], [sflag:$0x2] =	stream.indirect_vreg.gather [hbm4b:s19+s8], $0x80, v9, vm0, $0xb8;
	[tilespmem:$0x1C580] =	vst v63  }
0x14a: {  	_ = 	snop  }
0x14b: {  	[tilespmem:s0], [sflag:$0x2] =	stream.indirect_vreg.gather [hbm4b:s20+s8], $0x80, v9, vm0, $0xb8;
	[tilespmem:$0x1C580] =	vst v63  }
0x14c: {  	s30 =	simm.s32 $0x3  }
0x14d: {  	[tilespmem:s15], [sflag:$0x2] =	stream.indirect_vreg.gather [hbm4b:s31+s8], $0x80, v9, vm0, $0xb8;
	[tilespmem:$0x1C580] =	vst v63  }
0x14e: {  	_ =	swait.ge [sflag:s30], $0x8000  }
0x14f: {  	[sflag:s30] =	ssyncset.done $0x0  }
0x150: {  	[sflag:s30] =	ssyncadd.s32 $0xFFFF8000  }
0x151: {  	v9 =	vld [tilespmem:$0x43A0];
	_ =	sdelay $0x4  }
0x152: {  	v10 =	vshll.u32 v9, $0x4  }
0x153: {  	v9 =	vand.u32 $0x7, v9;
	v10 =	vand.u32 $0xFFFFFF80, v10  }
0x154: {  	v9 =	vor.u32 v9, v10  }
0x155: {  	v10 =	vperm.xlane v9, v6;
	_ =	sdelay $0x1  }
0x156: {  	v10 =	vadd.s32 v7, v10;
	_ =	sdelay $0x3  }
0x157: {  	s1 =	simm.s32 $0x14580;
	s0 =	rddreg [dreg:$0x3]  }
0x158: {  	[hbm4b:s0+s8] =	stream.indirect_vreg.scatter [tilespmem:s1], [sflag:$0x6], $0x80, v10, vm0, $0xb8;
	[tilespmem:$0x1C580] =	vst v63  }
0x159: {  	s9 =	simm.s32 $0x14D80  }
0x15a: {  	[hbm4b:s4+s8] =	stream.indirect_vreg.scatter [tilespmem:s9], [sflag:$0x6], $0x80, v10, vm0, $0xb8;
	[tilespmem:$0x1C580] =	vst v63  }
0x15b: {  	s15 =	smov.u32 s4;
	s4 =	simm.s32 $0x15580  }
0x15c: {  	[hbm4b:s24+s8] =	stream.indirect_vreg.scatter [tilespmem:s4], [sflag:$0x6], $0x80, v10, vm0, $0xb8;
	[tilespmem:$0x1C580] =	vst v63  }
0x15d: {  	s5 =	simm.s32 $0x15D80  }
0x15e: {  	[hbm4b:s3+s8] =	stream.indirect_vreg.scatter [tilespmem:s5], [sflag:$0x6], $0x80, v10, vm0, $0xb8;
	[tilespmem:$0x1C580] =	vst v63  }
0x15f: {  	s22 =	simm.s32 $0x16580  }
0x160: {  	[hbm4b:s26+s8] =	stream.indirect_vreg.scatter [tilespmem:s22], [sflag:$0x6], $0x80, v10, vm0, $0xb8;
	[tilespmem:$0x1C580] =	vst v63  }
0x161: {  	s25 =	simm.s32 $0x16D80;
	v9 =	vperm.xlane v9, v8  }
0x162: {  	[hbm4b:s28+s8] =	stream.indirect_vreg.scatter [tilespmem:s25], [sflag:$0x6], $0x80, v10, vm0, $0xb8;
	[tilespmem:$0x1C580] =	vst v63  }
0x163: {  	s6 =	simm.s32 $0x17580;
	v9 =	vadd.s32 v7, v9  }
0x164: {  	[hbm4b:s29+s8] =	stream.indirect_vreg.scatter [tilespmem:s6], [sflag:$0x6], $0x80, v10, vm0, $0xb8;
	[tilespmem:$0x1C580] =	vst v63  }
0x165: {  	s7 =	simm.s32 $0x17D80  }
0x166: {  	[hbm4b:s23+s8] =	stream.indirect_vreg.scatter [tilespmem:s7], [sflag:$0x6], $0x80, v10, vm0, $0xb8;
	[tilespmem:$0x1C580] =	vst v63  }
0x167: {  	s9 =	simm.s32 $0x18580  }
0x168: {  	[hbm4b:s0+s8] =	stream.indirect_vreg.scatter [tilespmem:s9], [sflag:$0x6], $0x80, v9, vm0, $0xb8;
	[tilespmem:$0x1C580] =	vst v63  }
0x169: {  	s30 =	simm.s32 $0x18D80  }
0x16a: {  	[hbm4b:s15+s8] =	stream.indirect_vreg.scatter [tilespmem:s30], [sflag:$0x6], $0x80, v9, vm0, $0xb8;
	[tilespmem:$0x1C580] =	vst v63  }
0x16b: {  	s14 =	smov.u32 s15;
	s15 =	simm.s32 $0x19580  }
0x16c: {  	[hbm4b:s24+s8] =	stream.indirect_vreg.scatter [tilespmem:s15], [sflag:$0x6], $0x80, v9, vm0, $0xb8;
	[tilespmem:$0x1C580] =	vst v63  }
0x16d: {  	s22 =	simm.s32 $0x19D80  }
0x16e: {  	[hbm4b:s3+s8] =	stream.indirect_vreg.scatter [tilespmem:s22], [sflag:$0x6], $0x80, v9, vm0, $0xb8;
	[tilespmem:$0x1C580] =	vst v63  }
0x16f: {  	s30 =	simm.s32 $0x1A580  }
0x170: {  	[hbm4b:s26+s8] =	stream.indirect_vreg.scatter [tilespmem:s30], [sflag:$0x6], $0x80, v9, vm0, $0xb8;
	[tilespmem:$0x1C580] =	vst v63  }
0x171: {  	s0 =	simm.s32 $0x1AD80  }
0x172: {  	[hbm4b:s28+s8] =	stream.indirect_vreg.scatter [tilespmem:s0], [sflag:$0x6], $0x80, v9, vm0, $0xb8;
	[tilespmem:$0x1C580] =	vst v63  }
0x173: {  	s25 =	smov.u32 s3;
	s3 =	simm.s32 $0x1B580  }
0x174: {  	[hbm4b:s29+s8] =	stream.indirect_vreg.scatter [tilespmem:s3], [sflag:$0x6], $0x80, v9, vm0, $0xb8;
	[tilespmem:$0x1C580] =	vst v63  }
0x175: {  	s3 =	simm.s32 $0x1BD80  }
0x176: {  	[hbm4b:s23+s8] =	stream.indirect_vreg.scatter [tilespmem:s3], [sflag:$0x6], $0x80, v9, vm0, $0xb8;
	[tilespmem:$0x1C580] =	vst v63  }
0x177: {  	s3 =	simm.s32 $0x6  }
0x178: {  	_ =	swait.ge [sflag:s3], $0x8000  }
0x179: {  	[sflag:s3] =	ssyncset.done $0x0  }
0x17a: {  	[sflag:s3] =	ssyncadd.s32 $0xFFFF8000  }
0x17b: {  	v9 =	vld [tilespmem:$0x42D0];
	_ =	sdelay $0x4  }
0x17c: {  	v10 =	vshll.u32 v9, $0x4  }
0x17d: {  	v9 =	vand.u32 $0x7, v9;
	v10 =	vand.u32 $0xFFFFFF80, v10  }
0x17e: {  	v9 =	vor.u32 v9, v10  }
0x17f: {  	v10 =	vperm.xlane v9, v6;
	_ =	sdelay $0x1  }
0x180: {  	v10 =	vadd.s32 v7, v10;
	_ =	sdelay $0x4  }
0x181: {  	[tilespmem:s1], [sflag:$0x3] =	stream.indirect_vreg.gather [hbm4b:s21+s8], $0x80, v10, vm0, $0xb8;
	[tilespmem:$0x1C580] =	vst v63  }
0x182: {  	s3 =	simm.s32 $0x14D80  }
0x183: {  	[tilespmem:s3], [sflag:$0x3] =	stream.indirect_vreg.gather [hbm4b:s2+s8], $0x80, v10, vm0, $0xb8;
	[tilespmem:$0x1C580] =	vst v63  }
0x184: {  	_ = 	snop  }
0x185: {  	[tilespmem:s4], [sflag:$0x3] =	stream.indirect_vreg.gather [hbm4b:s16+s8], $0x80, v10, vm0, $0xb8;
	[tilespmem:$0x1C580] =	vst v63  }
0x186: {  	_ = 	snop  }
0x187: {  	[tilespmem:s5], [sflag:$0x3] =	stream.indirect_vreg.gather [hbm4b:s17+s8], $0x80, v10, vm0, $0xb8;
	[tilespmem:$0x1C580] =	vst v63  }
0x188: {  	s3 =	simm.s32 $0x16580  }
0x189: {  	[tilespmem:s3], [sflag:$0x3] =	stream.indirect_vreg.gather [hbm4b:s18+s8], $0x80, v10, vm0, $0xb8;
	[tilespmem:$0x1C580] =	vst v63  }
0x18a: {  	v9 =	vperm.xlane v9, v8;
	s4 =	simm.s32 $0x16D80  }
0x18b: {  	[tilespmem:s4], [sflag:$0x3] =	stream.indirect_vreg.gather [hbm4b:s19+s8], $0x80, v10, vm0, $0xb8;
	[tilespmem:$0x1C580] =	vst v63  }
0x18c: {  	v9 =	vadd.s32 v7, v9  }
0x18d: {  	[tilespmem:s6], [sflag:$0x3] =	stream.indirect_vreg.gather [hbm4b:s20+s8], $0x80, v10, vm0, $0xb8;
	[tilespmem:$0x1C580] =	vst v63  }
0x18e: {  	_ = 	snop  }
0x18f: {  	[tilespmem:s7], [sflag:$0x3] =	stream.indirect_vreg.gather [hbm4b:s31+s8], $0x80, v10, vm0, $0xb8;
	[tilespmem:$0x1C580] =	vst v63  }
0x190: {  	_ = 	snop  }
0x191: {  	[tilespmem:s9], [sflag:$0x3] =	stream.indirect_vreg.gather [hbm4b:s21+s8], $0x80, v9, vm0, $0xb8;
	[tilespmem:$0x1C580] =	vst v63  }
0x192: {  	s5 =	simm.s32 $0x18D80  }
0x193: {  	[tilespmem:s5], [sflag:$0x3] =	stream.indirect_vreg.gather [hbm4b:s2+s8], $0x80, v9, vm0, $0xb8;
	[tilespmem:$0x1C580] =	vst v63  }
0x194: {  	_ = 	snop  }
0x195: {  	[tilespmem:s15], [sflag:$0x3] =	stream.indirect_vreg.gather [hbm4b:s16+s8], $0x80, v9, vm0, $0xb8;
	[tilespmem:$0x1C580] =	vst v63  }
0x196: {  	_ = 	snop  }
0x197: {  	[tilespmem:s22], [sflag:$0x3] =	stream.indirect_vreg.gather [hbm4b:s17+s8], $0x80, v9, vm0, $0xb8;
	[tilespmem:$0x1C580] =	vst v63  }
0x198: {  	_ = 	snop  }
0x199: {  	[tilespmem:s30], [sflag:$0x3] =	stream.indirect_vreg.gather [hbm4b:s18+s8], $0x80, v9, vm0, $0xb8;
	[tilespmem:$0x1C580] =	vst v63  }
0x19a: {  	_ = 	snop  }
0x19b: {  	[tilespmem:s0], [sflag:$0x3] =	stream.indirect_vreg.gather [hbm4b:s19+s8], $0x80, v9, vm0, $0xb8;
	[tilespmem:$0x1C580] =	vst v63  }
0x19c: {  	s6 =	simm.s32 $0x1B580  }
0x19d: {  	[tilespmem:s6], [sflag:$0x3] =	stream.indirect_vreg.gather [hbm4b:s20+s8], $0x80, v9, vm0, $0xb8;
	[tilespmem:$0x1C580] =	vst v63  }
0x19e: {  	s7 =	simm.s32 $0x1BD80;
	s9 =	simm.s32 $0x1  }
0x19f: {  	[tilespmem:s7], [sflag:$0x3] =	stream.indirect_vreg.gather [hbm4b:s31+s8], $0x80, v9, vm0, $0xb8;
	[tilespmem:$0x1C580] =	vst v63  }
0x1a0: {  	_ =	swait.ge [sflag:s9], $0x8000  }
0x1a1: {  	[sflag:s9] =	ssyncset.done $0x0  }
0x1a2: {  	[sflag:s9] =	ssyncadd.s32 $0xFFFF8000  }
0x1a3: {  	v9 =	vld [tilespmem:$0x43B0];
	_ =	sdelay $0x4  }
0x1a4: {  	v10 =	vshll.u32 v9, $0x4  }
0x1a5: {  	v9 =	vand.u32 $0x7, v9;
	v10 =	vand.u32 $0xFFFFFF80, v10  }
0x1a6: {  	v9 =	vor.u32 v9, v10  }
0x1a7: {  	v10 =	vperm.xlane v9, v6;
	_ =	sdelay $0x1  }
0x1a8: {  	v10 =	vadd.s32 v7, v10;
	_ =	sdelay $0x3  }
0x1a9: {  	s22 =	simm.s32 $0x4580;
	s15 =	rddreg [dreg:$0x3]  }
0x1aa: {  	[hbm4b:s15+s8] =	stream.indirect_vreg.scatter [tilespmem:s22], [sflag:$0x4], $0x80, v10, vm0, $0xb8;
	[tilespmem:$0x1C580] =	vst v63  }
0x1ab: {  	s30 =	simm.s32 $0x4D80  }
0x1ac: {  	[hbm4b:s14+s8] =	stream.indirect_vreg.scatter [tilespmem:s30], [sflag:$0x4], $0x80, v10, vm0, $0xb8;
	[tilespmem:$0x1C580] =	vst v63  }
0x1ad: {  	s3 =	simm.s32 $0x5580  }
0x1ae: {  	[hbm4b:s24+s8] =	stream.indirect_vreg.scatter [tilespmem:s3], [sflag:$0x4], $0x80, v10, vm0, $0xb8;
	[tilespmem:$0x1C580] =	vst v63  }
0x1af: {  	s5 =	simm.s32 $0x5D80  }
0x1b0: {  	[hbm4b:s25+s8] =	stream.indirect_vreg.scatter [tilespmem:s5], [sflag:$0x4], $0x80, v10, vm0, $0xb8;
	[tilespmem:$0x1C580] =	vst v63  }
0x1b1: {  	s6 =	simm.s32 $0x6580  }
0x1b2: {  	[hbm4b:s26+s8] =	stream.indirect_vreg.scatter [tilespmem:s6], [sflag:$0x4], $0x80, v10, vm0, $0xb8;
	[tilespmem:$0x1C580] =	vst v63  }
0x1b3: {  	s7 =	simm.s32 $0x6D80;
	v9 =	vperm.xlane v9, v8  }
0x1b4: {  	[hbm4b:s28+s8] =	stream.indirect_vreg.scatter [tilespmem:s7], [sflag:$0x4], $0x80, v10, vm0, $0xb8;
	[tilespmem:$0x1C580] =	vst v63  }
0x1b5: {  	s9 =	simm.s32 $0x7580;
	v9 =	vadd.s32 v7, v9  }
0x1b6: {  	[hbm4b:s29+s8] =	stream.indirect_vreg.scatter [tilespmem:s9], [sflag:$0x4], $0x80, v10, vm0, $0xb8;
	[tilespmem:$0x1C580] =	vst v63  }
0x1b7: {  	s1 =	simm.s32 $0x7D80  }
0x1b8: {  	[hbm4b:s23+s8] =	stream.indirect_vreg.scatter [tilespmem:s1], [sflag:$0x4], $0x80, v10, vm0, $0xb8;
	[tilespmem:$0x1C580] =	vst v63  }
0x1b9: {  	s3 =	simm.s32 $0x8580  }
0x1ba: {  	[hbm4b:s15+s8] =	stream.indirect_vreg.scatter [tilespmem:s3], [sflag:$0x4], $0x80, v9, vm0, $0xb8;
	[tilespmem:$0x1C580] =	vst v63  }
0x1bb: {  	s4 =	simm.s32 $0x8D80  }
0x1bc: {  	[hbm4b:s14+s8] =	stream.indirect_vreg.scatter [tilespmem:s4], [sflag:$0x4], $0x80, v9, vm0, $0xb8;
	[tilespmem:$0x1C580] =	vst v63  }
0x1bd: {  	s5 =	simm.s32 $0x9580  }
0x1be: {  	[hbm4b:s24+s8] =	stream.indirect_vreg.scatter [tilespmem:s5], [sflag:$0x4], $0x80, v9, vm0, $0xb8;
	[tilespmem:$0x1C580] =	vst v63  }
0x1bf: {  	s6 =	simm.s32 $0x9D80  }
0x1c0: {  	[hbm4b:s25+s8] =	stream.indirect_vreg.scatter [tilespmem:s6], [sflag:$0x4], $0x80, v9, vm0, $0xb8;
	[tilespmem:$0x1C580] =	vst v63  }
0x1c1: {  	s7 =	simm.s32 $0xA580  }
0x1c2: {  	[hbm4b:s26+s8] =	stream.indirect_vreg.scatter [tilespmem:s7], [sflag:$0x4], $0x80, v9, vm0, $0xb8;
	[tilespmem:$0x1C580] =	vst v63  }
0x1c3: {  	s9 =	simm.s32 $0xAD80  }
0x1c4: {  	[hbm4b:s28+s8] =	stream.indirect_vreg.scatter [tilespmem:s9], [sflag:$0x4], $0x80, v9, vm0, $0xb8;
	[tilespmem:$0x1C580] =	vst v63  }
0x1c5: {  	s15 =	simm.s32 $0xB580  }
0x1c6: {  	[hbm4b:s29+s8] =	stream.indirect_vreg.scatter [tilespmem:s15], [sflag:$0x4], $0x80, v9, vm0, $0xb8;
	[tilespmem:$0x1C580] =	vst v63  }
0x1c7: {  	s0 =	simm.s32 $0x4;
	s15 =	simm.s32 $0xBD80  }
0x1c8: {  	[hbm4b:s23+s8] =	stream.indirect_vreg.scatter [tilespmem:s15], [sflag:$0x4], $0x80, v9, vm0, $0xb8;
	[tilespmem:$0x1C580] =	vst v63  }
0x1c9: {  	_ =	swait.ge [sflag:s0], $0x8000  }
0x1ca: {  	[sflag:s0] =	ssyncset.done $0x0  }
0x1cb: {  	[sflag:s0] =	ssyncadd.s32 $0xFFFF8000  }
0x1cc: {  	v9 =	vld [tilespmem:$0x42E0];
	_ =	sdelay $0x4  }
0x1cd: {  	v10 =	vshll.u32 v9, $0x4  }
0x1ce: {  	v9 =	vand.u32 $0x7, v9;
	v10 =	vand.u32 $0xFFFFFF80, v10  }
0x1cf: {  	v9 =	vor.u32 v9, v10  }
0x1d0: {  	v10 =	vperm.xlane v9, v6;
	_ =	sdelay $0x1  }
0x1d1: {  	v10 =	vadd.s32 v7, v10;
	_ =	sdelay $0x4  }
0x1d2: {  	[tilespmem:s22], [sflag:$0x1] =	stream.indirect_vreg.gather [hbm4b:s21+s8], $0x80, v10, vm0, $0xb8;
	[tilespmem:$0x1C580] =	vst v63  }
0x1d3: {  	_ = 	snop  }
0x1d4: {  	[tilespmem:s30], [sflag:$0x1] =	stream.indirect_vreg.gather [hbm4b:s2+s8], $0x80, v10, vm0, $0xb8;
	[tilespmem:$0x1C580] =	vst v63  }
0x1d5: {  	s30 =	simm.s32 $0x5580  }
0x1d6: {  	[tilespmem:s30], [sflag:$0x1] =	stream.indirect_vreg.gather [hbm4b:s16+s8], $0x80, v10, vm0, $0xb8;
	[tilespmem:$0x1C580] =	vst v63  }
0x1d7: {  	s22 =	simm.s32 $0x5D80  }
0x1d8: {  	[tilespmem:s22], [sflag:$0x1] =	stream.indirect_vreg.gather [hbm4b:s17+s8], $0x80, v10, vm0, $0xb8;
	[tilespmem:$0x1C580] =	vst v63  }
0x1d9: {  	s30 =	simm.s32 $0x6580  }
0x1da: {  	[tilespmem:s30], [sflag:$0x1] =	stream.indirect_vreg.gather [hbm4b:s18+s8], $0x80, v10, vm0, $0xb8;
	[tilespmem:$0x1C580] =	vst v63  }
0x1db: {  	v9 =	vperm.xlane v9, v8;
	s22 =	simm.s32 $0x6D80  }
0x1dc: {  	[tilespmem:s22], [sflag:$0x1] =	stream.indirect_vreg.gather [hbm4b:s19+s8], $0x80, v10, vm0, $0xb8;
	[tilespmem:$0x1C580] =	vst v63  }
0x1dd: {  	v9 =	vadd.s32 v7, v9;
	s30 =	simm.s32 $0x7580  }
0x1de: {  	[tilespmem:s30], [sflag:$0x1] =	stream.indirect_vreg.gather [hbm4b:s20+s8], $0x80, v10, vm0, $0xb8;
	[tilespmem:$0x1C580] =	vst v63  }
0x1df: {  	_ = 	snop  }
0x1e0: {  	[tilespmem:s1], [sflag:$0x1] =	stream.indirect_vreg.gather [hbm4b:s31+s8], $0x80, v10, vm0, $0xb8;
	[tilespmem:$0x1C580] =	vst v63  }
0x1e1: {  	_ = 	snop  }
0x1e2: {  	[tilespmem:s3], [sflag:$0x1] =	stream.indirect_vreg.gather [hbm4b:s21+s8], $0x80, v9, vm0, $0xb8;
	[tilespmem:$0x1C580] =	vst v63  }
0x1e3: {  	_ = 	snop  }
0x1e4: {  	[tilespmem:s4], [sflag:$0x1] =	stream.indirect_vreg.gather [hbm4b:s2+s8], $0x80, v9, vm0, $0xb8;
	[tilespmem:$0x1C580] =	vst v63  }
0x1e5: {  	_ = 	snop  }
0x1e6: {  	[tilespmem:s5], [sflag:$0x1] =	stream.indirect_vreg.gather [hbm4b:s16+s8], $0x80, v9, vm0, $0xb8;
	[tilespmem:$0x1C580] =	vst v63  }
0x1e7: {  	_ = 	snop  }
0x1e8: {  	[tilespmem:s6], [sflag:$0x1] =	stream.indirect_vreg.gather [hbm4b:s17+s8], $0x80, v9, vm0, $0xb8;
	[tilespmem:$0x1C580] =	vst v63  }
0x1e9: {  	_ = 	snop  }
0x1ea: {  	[tilespmem:s7], [sflag:$0x1] =	stream.indirect_vreg.gather [hbm4b:s18+s8], $0x80, v9, vm0, $0xb8;
	[tilespmem:$0x1C580] =	vst v63  }
0x1eb: {  	_ = 	snop  }
0x1ec: {  	[tilespmem:s9], [sflag:$0x1] =	stream.indirect_vreg.gather [hbm4b:s19+s8], $0x80, v9, vm0, $0xb8;
	[tilespmem:$0x1C580] =	vst v63  }
0x1ed: {  	s9 =	simm.s32 $0xB580  }
0x1ee: {  	[tilespmem:s9], [sflag:$0x1] =	stream.indirect_vreg.gather [hbm4b:s20+s8], $0x80, v9, vm0, $0xb8;
	[tilespmem:$0x1C580] =	vst v63  }
0x1ef: {  	s22 =	simm.s32 $0x2  }
0x1f0: {  	[tilespmem:s15], [sflag:$0x1] =	stream.indirect_vreg.gather [hbm4b:s31+s8], $0x80, v9, vm0, $0xb8;
	[tilespmem:$0x1C580] =	vst v63  }
0x1f1: {  	_ =	swait.ge [sflag:s22], $0x8000  }
0x1f2: {  	[sflag:s22] =	ssyncset.done $0x0  }
0x1f3: {  	[sflag:s22] =	ssyncadd.s32 $0xFFFF8000  }
0x1f4: {  	v9 =	vld [tilespmem:$0x43C0];
	_ =	sdelay $0x4  }
0x1f5: {  	v10 =	vshll.u32 v9, $0x4  }
0x1f6: {  	v9 =	vand.u32 $0x7, v9;
	v10 =	vand.u32 $0xFFFFFF80, v10  }
0x1f7: {  	v9 =	vor.u32 v9, v10  }
0x1f8: {  	v10 =	vperm.xlane v9, v6;
	_ =	sdelay $0x1  }
0x1f9: {  	v10 =	vadd.s32 v7, v10;
	_ =	sdelay $0x3  }
0x1fa: {  	s5 =	simm.s32 $0xC580;
	s4 =	rddreg [dreg:$0x3]  }
0x1fb: {  	[hbm4b:s4+s8] =	stream.indirect_vreg.scatter [tilespmem:s5], [sflag:$0x5], $0x80, v10, vm0, $0xb8;
	[tilespmem:$0x1C580] =	vst v63  }
0x1fc: {  	s6 =	simm.s32 $0xCD80  }
0x1fd: {  	[hbm4b:s14+s8] =	stream.indirect_vreg.scatter [tilespmem:s6], [sflag:$0x5], $0x80, v10, vm0, $0xb8;
	[tilespmem:$0x1C580] =	vst v63  }
0x1fe: {  	s7 =	simm.s32 $0xD580  }
0x1ff: {  	[hbm4b:s24+s8] =	stream.indirect_vreg.scatter [tilespmem:s7], [sflag:$0x5], $0x80, v10, vm0, $0xb8;
	[tilespmem:$0x1C580] =	vst v63  }
0x200: {  	s9 =	simm.s32 $0xDD80  }
0x201: {  	[hbm4b:s25+s8] =	stream.indirect_vreg.scatter [tilespmem:s9], [sflag:$0x5], $0x80, v10, vm0, $0xb8;
	[tilespmem:$0x1C580] =	vst v63  }
0x202: {  	s3 =	simm.s32 $0xE580  }
0x203: {  	[hbm4b:s26+s8] =	stream.indirect_vreg.scatter [tilespmem:s3], [sflag:$0x5], $0x80, v10, vm0, $0xb8;
	[tilespmem:$0x1C580] =	vst v63  }
0x204: {  	s1 =	simm.s32 $0xED80;
	v9 =	vperm.xlane v9, v8  }
0x205: {  	[hbm4b:s28+s8] =	stream.indirect_vreg.scatter [tilespmem:s1], [sflag:$0x5], $0x80, v10, vm0, $0xb8;
	[tilespmem:$0x1C580] =	vst v63  }
0x206: {  	s30 =	simm.s32 $0xF580;
	v9 =	vadd.s32 v7, v9  }
0x207: {  	[hbm4b:s29+s8] =	stream.indirect_vreg.scatter [tilespmem:s30], [sflag:$0x5], $0x80, v10, vm0, $0xb8;
	[tilespmem:$0x1C580] =	vst v63  }
0x208: {  	s15 =	simm.s32 $0xFD80  }
0x209: {  	[hbm4b:s23+s8] =	stream.indirect_vreg.scatter [tilespmem:s15], [sflag:$0x5], $0x80, v10, vm0, $0xb8;
	[tilespmem:$0x1C580] =	vst v63  }
0x20a: {  	s22 =	simm.s32 $0x10580  }
0x20b: {  	[hbm4b:s4+s8] =	stream.indirect_vreg.scatter [tilespmem:s22], [sflag:$0x5], $0x80, v9, vm0, $0xb8;
	[tilespmem:$0x1C580] =	vst v63  }
0x20c: {  	s30 =	simm.s32 $0x10D80  }
0x20d: {  	[hbm4b:s14+s8] =	stream.indirect_vreg.scatter [tilespmem:s30], [sflag:$0x5], $0x80, v9, vm0, $0xb8;
	[tilespmem:$0x1C580] =	vst v63  }
0x20e: {  	s15 =	simm.s32 $0x11580  }
0x20f: {  	[hbm4b:s24+s8] =	stream.indirect_vreg.scatter [tilespmem:s15], [sflag:$0x5], $0x80, v9, vm0, $0xb8;
	[tilespmem:$0x1C580] =	vst v63  }
0x210: {  	s22 =	simm.s32 $0x11D80  }
0x211: {  	[hbm4b:s25+s8] =	stream.indirect_vreg.scatter [tilespmem:s22], [sflag:$0x5], $0x80, v9, vm0, $0xb8;
	[tilespmem:$0x1C580] =	vst v63  }
0x212: {  	s30 =	simm.s32 $0x12580  }
0x213: {  	[hbm4b:s26+s8] =	stream.indirect_vreg.scatter [tilespmem:s30], [sflag:$0x5], $0x80, v9, vm0, $0xb8;
	[tilespmem:$0x1C580] =	vst v63  }
0x214: {  	s4 =	simm.s32 $0x12D80  }
0x215: {  	[hbm4b:s28+s8] =	stream.indirect_vreg.scatter [tilespmem:s4], [sflag:$0x5], $0x80, v9, vm0, $0xb8;
	[tilespmem:$0x1C580] =	vst v63  }
0x216: {  	s4 =	simm.s32 $0x13580  }
0x217: {  	[hbm4b:s29+s8] =	stream.indirect_vreg.scatter [tilespmem:s4], [sflag:$0x5], $0x80, v9, vm0, $0xb8;
	[tilespmem:$0x1C580] =	vst v63  }
0x218: {  	s0 =	simm.s32 $0x5;
	s4 =	simm.s32 $0x13D80  }
0x219: {  	[hbm4b:s23+s8] =	stream.indirect_vreg.scatter [tilespmem:s4], [sflag:$0x5], $0x80, v9, vm0, $0xb8;
	[tilespmem:$0x1C580] =	vst v63  }
0x21a: {  	_ =	swait.ge [sflag:s0], $0x8000  }
0x21b: {  	[sflag:s0] =	ssyncset.done $0x0  }
0x21c: {  	[sflag:s0] =	ssyncadd.s32 $0xFFFF8000  }
0x21d: {  	v9 =	vld [tilespmem:$0x42F0];
	_ =	sdelay $0x4  }
0x21e: {  	v10 =	vshll.u32 v9, $0x4  }
0x21f: {  	v9 =	vand.u32 $0x7, v9;
	v10 =	vand.u32 $0xFFFFFF80, v10  }
0x220: {  	v9 =	vor.u32 v9, v10  }
0x221: {  	v10 =	vperm.xlane v9, v6;
	_ =	sdelay $0x1  }
0x222: {  	v10 =	vadd.s32 v7, v10;
	_ =	sdelay $0x4  }
0x223: {  	[tilespmem:s5], [sflag:$0x2] =	stream.indirect_vreg.gather [hbm4b:s21+s8], $0x80, v10, vm0, $0xb8;
	[tilespmem:$0x1C580] =	vst v63  }
0x224: {  	_ = 	snop  }
0x225: {  	[tilespmem:s6], [sflag:$0x2] =	stream.indirect_vreg.gather [hbm4b:s2+s8], $0x80, v10, vm0, $0xb8;
	[tilespmem:$0x1C580] =	vst v63  }
0x226: {  	_ = 	snop  }
0x227: {  	[tilespmem:s7], [sflag:$0x2] =	stream.indirect_vreg.gather [hbm4b:s16+s8], $0x80, v10, vm0, $0xb8;
	[tilespmem:$0x1C580] =	vst v63  }
0x228: {  	_ = 	snop  }
0x229: {  	[tilespmem:s9], [sflag:$0x2] =	stream.indirect_vreg.gather [hbm4b:s17+s8], $0x80, v10, vm0, $0xb8;
	[tilespmem:$0x1C580] =	vst v63  }
0x22a: {  	_ = 	snop  }
0x22b: {  	[tilespmem:s3], [sflag:$0x2] =	stream.indirect_vreg.gather [hbm4b:s18+s8], $0x80, v10, vm0, $0xb8;
	[tilespmem:$0x1C580] =	vst v63  }
0x22c: {  	v9 =	vperm.xlane v9, v8  }
0x22d: {  	[tilespmem:s1], [sflag:$0x2] =	stream.indirect_vreg.gather [hbm4b:s19+s8], $0x80, v10, vm0, $0xb8;
	[tilespmem:$0x1C580] =	vst v63  }
0x22e: {  	v9 =	vadd.s32 v7, v9;
	s5 =	simm.s32 $0xF580  }
0x22f: {  	[tilespmem:s5], [sflag:$0x2] =	stream.indirect_vreg.gather [hbm4b:s20+s8], $0x80, v10, vm0, $0xb8;
	[tilespmem:$0x1C580] =	vst v63  }
0x230: {  	s6 =	simm.s32 $0xFD80  }
0x231: {  	[tilespmem:s6], [sflag:$0x2] =	stream.indirect_vreg.gather [hbm4b:s31+s8], $0x80, v10, vm0, $0xb8;
	[tilespmem:$0x1C580] =	vst v63  }
0x232: {  	s7 =	simm.s32 $0x10580  }
0x233: {  	[tilespmem:s7], [sflag:$0x2] =	stream.indirect_vreg.gather [hbm4b:s21+s8], $0x80, v9, vm0, $0xb8;
	[tilespmem:$0x1C580] =	vst v63  }
0x234: {  	s9 =	simm.s32 $0x10D80  }
0x235: {  	[tilespmem:s9], [sflag:$0x2] =	stream.indirect_vreg.gather [hbm4b:s2+s8], $0x80, v9, vm0, $0xb8;
	[tilespmem:$0x1C580] =	vst v63  }
0x236: {  	_ = 	snop  }
0x237: {  	[tilespmem:s15], [sflag:$0x2] =	stream.indirect_vreg.gather [hbm4b:s16+s8], $0x80, v9, vm0, $0xb8;
	[tilespmem:$0x1C580] =	vst v63  }
0x238: {  	_ = 	snop  }
0x239: {  	[tilespmem:s22], [sflag:$0x2] =	stream.indirect_vreg.gather [hbm4b:s17+s8], $0x80, v9, vm0, $0xb8;
	[tilespmem:$0x1C580] =	vst v63  }
0x23a: {  	_ = 	snop  }
0x23b: {  	[tilespmem:s30], [sflag:$0x2] =	stream.indirect_vreg.gather [hbm4b:s18+s8], $0x80, v9, vm0, $0xb8;
	[tilespmem:$0x1C580] =	vst v63  }
0x23c: {  	s22 =	simm.s32 $0x12D80  }
0x23d: {  	[tilespmem:s22], [sflag:$0x2] =	stream.indirect_vreg.gather [hbm4b:s19+s8], $0x80, v9, vm0, $0xb8;
	[tilespmem:$0x1C580] =	vst v63  }
0x23e: {  	s30 =	simm.s32 $0x13580  }
0x23f: {  	[tilespmem:s30], [sflag:$0x2] =	stream.indirect_vreg.gather [hbm4b:s20+s8], $0x80, v9, vm0, $0xb8;
	[tilespmem:$0x1C580] =	vst v63  }
0x240: {  	s0 =	simm.s32 $0x3  }
0x241: {  	[tilespmem:s4], [sflag:$0x2] =	stream.indirect_vreg.gather [hbm4b:s31+s8], $0x80, v9, vm0, $0xb8;
	[tilespmem:$0x1C580] =	vst v63  }
0x242: {  	_ =	swait.ge [sflag:s0], $0x8000  }
0x243: {  	[sflag:s0] =	ssyncset.done $0x0  }
0x244: {  	[sflag:s0] =	ssyncadd.s32 $0xFFFF8000  }
0x245: {  	v9 =	vld [tilespmem:$0x43D0];
	_ =	sdelay $0x4  }
0x246: {  	v10 =	vshll.u32 v9, $0x4  }
0x247: {  	v9 =	vand.u32 $0x7, v9;
	v10 =	vand.u32 $0xFFFFFF80, v10  }
0x248: {  	v9 =	vor.u32 v9, v10  }
0x249: {  	v10 =	vperm.xlane v9, v6;
	_ =	sdelay $0x1  }
0x24a: {  	v10 =	vadd.s32 v7, v10;
	_ =	sdelay $0x3  }
0x24b: {  	s7 =	simm.s32 $0x14580;
	s0 =	rddreg [dreg:$0x3]  }
0x24c: {  	[hbm4b:s0+s8] =	stream.indirect_vreg.scatter [tilespmem:s7], [sflag:$0x6], $0x80, v10, vm0, $0xb8;
	[tilespmem:$0x1C580] =	vst v63  }
0x24d: {  	s9 =	simm.s32 $0x14D80  }
0x24e: {  	[hbm4b:s14+s8] =	stream.indirect_vreg.scatter [tilespmem:s9], [sflag:$0x6], $0x80, v10, vm0, $0xb8;
	[tilespmem:$0x1C580] =	vst v63  }
0x24f: {  	s3 =	simm.s32 $0x15580  }
0x250: {  	[hbm4b:s24+s8] =	stream.indirect_vreg.scatter [tilespmem:s3], [sflag:$0x6], $0x80, v10, vm0, $0xb8;
	[tilespmem:$0x1C580] =	vst v63  }
0x251: {  	s15 =	simm.s32 $0x15D80  }
0x252: {  	[hbm4b:s25+s8] =	stream.indirect_vreg.scatter [tilespmem:s15], [sflag:$0x6], $0x80, v10, vm0, $0xb8;
	[tilespmem:$0x1C580] =	vst v63  }
0x253: {  	s5 =	simm.s32 $0x16580  }
0x254: {  	[hbm4b:s26+s8] =	stream.indirect_vreg.scatter [tilespmem:s5], [sflag:$0x6], $0x80, v10, vm0, $0xb8;
	[tilespmem:$0x1C580] =	vst v63  }
0x255: {  	s6 =	simm.s32 $0x16D80;
	v9 =	vperm.xlane v9, v8  }
0x256: {  	[hbm4b:s28+s8] =	stream.indirect_vreg.scatter [tilespmem:s6], [sflag:$0x6], $0x80, v10, vm0, $0xb8;
	[tilespmem:$0x1C580] =	vst v63  }
0x257: {  	s22 =	simm.s32 $0x17580;
	v9 =	vadd.s32 v7, v9  }
0x258: {  	[hbm4b:s29+s8] =	stream.indirect_vreg.scatter [tilespmem:s22], [sflag:$0x6], $0x80, v10, vm0, $0xb8;
	[tilespmem:$0x1C580] =	vst v63  }
0x259: {  	s30 =	simm.s32 $0x17D80  }
0x25a: {  	[hbm4b:s23+s8] =	stream.indirect_vreg.scatter [tilespmem:s30], [sflag:$0x6], $0x80, v10, vm0, $0xb8;
	[tilespmem:$0x1C580] =	vst v63  }
0x25b: {  	s4 =	simm.s32 $0x18580  }
0x25c: {  	[hbm4b:s0+s8] =	stream.indirect_vreg.scatter [tilespmem:s4], [sflag:$0x6], $0x80, v9, vm0, $0xb8;
	[tilespmem:$0x1C580] =	vst v63  }
0x25d: {  	s1 =	simm.s32 $0x18D80  }
0x25e: {  	[hbm4b:s14+s8] =	stream.indirect_vreg.scatter [tilespmem:s1], [sflag:$0x6], $0x80, v9, vm0, $0xb8;
	[tilespmem:$0x1C580] =	vst v63  }
0x25f: {  	s3 =	simm.s32 $0x19580  }
0x260: {  	[hbm4b:s24+s8] =	stream.indirect_vreg.scatter [tilespmem:s3], [sflag:$0x6], $0x80, v9, vm0, $0xb8;
	[tilespmem:$0x1C580] =	vst v63  }
0x261: {  	s4 =	simm.s32 $0x19D80  }
0x262: {  	[hbm4b:s25+s8] =	stream.indirect_vreg.scatter [tilespmem:s4], [sflag:$0x6], $0x80, v9, vm0, $0xb8;
	[tilespmem:$0x1C580] =	vst v63  }
0x263: {  	s3 =	simm.s32 $0x1A580  }
0x264: {  	[hbm4b:s26+s8] =	stream.indirect_vreg.scatter [tilespmem:s3], [sflag:$0x6], $0x80, v9, vm0, $0xb8;
	[tilespmem:$0x1C580] =	vst v63  }
0x265: {  	s4 =	simm.s32 $0x1AD80  }
0x266: {  	[hbm4b:s28+s8] =	stream.indirect_vreg.scatter [tilespmem:s4], [sflag:$0x6], $0x80, v9, vm0, $0xb8;
	[tilespmem:$0x1C580] =	vst v63  }
0x267: {  	s3 =	simm.s32 $0x1B580  }
0x268: {  	[hbm4b:s29+s8] =	stream.indirect_vreg.scatter [tilespmem:s3], [sflag:$0x6], $0x80, v9, vm0, $0xb8;
	[tilespmem:$0x1C580] =	vst v63  }
0x269: {  	s0 =	simm.s32 $0x6;
	s4 =	simm.s32 $0x1BD80  }
0x26a: {  	[hbm4b:s23+s8] =	stream.indirect_vreg.scatter [tilespmem:s4], [sflag:$0x6], $0x80, v9, vm0, $0xb8;
	[tilespmem:$0x1C580] =	vst v63  }
0x26b: {  	_ =	swait.ge [sflag:s0], $0x8000  }
0x26c: {  	[sflag:s0] =	ssyncset.done $0x0  }
0x26d: {  	[sflag:s0] =	ssyncadd.s32 $0xFFFF8000  }
0x26e: {  	v9 =	vld [tilespmem:$0x4300];
	_ =	sdelay $0x4  }
0x26f: {  	v10 =	vshll.u32 v9, $0x4  }
0x270: {  	v9 =	vand.u32 $0x7, v9;
	v10 =	vand.u32 $0xFFFFFF80, v10  }
0x271: {  	v9 =	vor.u32 v9, v10  }
0x272: {  	v10 =	vperm.xlane v9, v6;
	_ =	sdelay $0x1  }
0x273: {  	v10 =	vadd.s32 v7, v10;
	_ =	sdelay $0x4  }
0x274: {  	[tilespmem:s7], [sflag:$0x3] =	stream.indirect_vreg.gather [hbm4b:s21+s8], $0x80, v10, vm0, $0xb8;
	[tilespmem:$0x1C580] =	vst v63  }
0x275: {  	_ = 	snop  }
0x276: {  	[tilespmem:s9], [sflag:$0x3] =	stream.indirect_vreg.gather [hbm4b:s2+s8], $0x80, v10, vm0, $0xb8;
	[tilespmem:$0x1C580] =	vst v63  }
0x277: {  	s9 =	simm.s32 $0x15580  }
0x278: {  	[tilespmem:s9], [sflag:$0x3] =	stream.indirect_vreg.gather [hbm4b:s16+s8], $0x80, v10, vm0, $0xb8;
	[tilespmem:$0x1C580] =	vst v63  }
0x279: {  	_ = 	snop  }
0x27a: {  	[tilespmem:s15], [sflag:$0x3] =	stream.indirect_vreg.gather [hbm4b:s17+s8], $0x80, v10, vm0, $0xb8;
	[tilespmem:$0x1C580] =	vst v63  }
0x27b: {  	_ = 	snop  }
0x27c: {  	[tilespmem:s5], [sflag:$0x3] =	stream.indirect_vreg.gather [hbm4b:s18+s8], $0x80, v10, vm0, $0xb8;
	[tilespmem:$0x1C580] =	vst v63  }
0x27d: {  	v9 =	vperm.xlane v9, v8  }
0x27e: {  	[tilespmem:s6], [sflag:$0x3] =	stream.indirect_vreg.gather [hbm4b:s19+s8], $0x80, v10, vm0, $0xb8;
	[tilespmem:$0x1C580] =	vst v63  }
0x27f: {  	v9 =	vadd.s32 v7, v9  }
0x280: {  	[tilespmem:s22], [sflag:$0x3] =	stream.indirect_vreg.gather [hbm4b:s20+s8], $0x80, v10, vm0, $0xb8;
	[tilespmem:$0x1C580] =	vst v63  }
0x281: {  	_ = 	snop  }
0x282: {  	[tilespmem:s30], [sflag:$0x3] =	stream.indirect_vreg.gather [hbm4b:s31+s8], $0x80, v10, vm0, $0xb8;
	[tilespmem:$0x1C580] =	vst v63  }
0x283: {  	s22 =	simm.s32 $0x18580  }
0x284: {  	[tilespmem:s22], [sflag:$0x3] =	stream.indirect_vreg.gather [hbm4b:s21+s8], $0x80, v9, vm0, $0xb8;
	[tilespmem:$0x1C580] =	vst v63  }
0x285: {  	_ = 	snop  }
0x286: {  	[tilespmem:s1], [sflag:$0x3] =	stream.indirect_vreg.gather [hbm4b:s2+s8], $0x80, v9, vm0, $0xb8;
	[tilespmem:$0x1C580] =	vst v63  }
0x287: {  	s30 =	simm.s32 $0x19580  }
0x288: {  	[tilespmem:s30], [sflag:$0x3] =	stream.indirect_vreg.gather [hbm4b:s16+s8], $0x80, v9, vm0, $0xb8;
	[tilespmem:$0x1C580] =	vst v63  }
0x289: {  	s1 =	simm.s32 $0x19D80  }
0x28a: {  	[tilespmem:s1], [sflag:$0x3] =	stream.indirect_vreg.gather [hbm4b:s17+s8], $0x80, v9, vm0, $0xb8;
	[tilespmem:$0x1C580] =	vst v63  }
0x28b: {  	s5 =	simm.s32 $0x1A580  }
0x28c: {  	[tilespmem:s5], [sflag:$0x3] =	stream.indirect_vreg.gather [hbm4b:s18+s8], $0x80, v9, vm0, $0xb8;
	[tilespmem:$0x1C580] =	vst v63  }
0x28d: {  	s6 =	simm.s32 $0x1AD80  }
0x28e: {  	[tilespmem:s6], [sflag:$0x3] =	stream.indirect_vreg.gather [hbm4b:s19+s8], $0x80, v9, vm0, $0xb8;
	[tilespmem:$0x1C580] =	vst v63  }
0x28f: {  	_ = 	snop  }
0x290: {  	[tilespmem:s3], [sflag:$0x3] =	stream.indirect_vreg.gather [hbm4b:s20+s8], $0x80, v9, vm0, $0xb8;
	[tilespmem:$0x1C580] =	vst v63  }
0x291: {  	s7 =	simm.s32 $0x1  }
0x292: {  	[tilespmem:s4], [sflag:$0x3] =	stream.indirect_vreg.gather [hbm4b:s31+s8], $0x80, v9, vm0, $0xb8;
	[tilespmem:$0x1C580] =	vst v63  }
0x293: {  	_ =	swait.ge [sflag:s7], $0x8000  }
0x294: {  	[sflag:s7] =	ssyncset.done $0x0  }
0x295: {  	[sflag:s7] =	ssyncadd.s32 $0xFFFF8000  }
0x296: {  	v9 =	vld [tilespmem:$0x43E0];
	_ =	sdelay $0x4  }
0x297: {  	v10 =	vshll.u32 v9, $0x4  }
0x298: {  	v9 =	vand.u32 $0x7, v9;
	v10 =	vand.u32 $0xFFFFFF80, v10  }
0x299: {  	v9 =	vor.u32 v9, v10  }
0x29a: {  	v10 =	vperm.xlane v9, v6;
	_ =	sdelay $0x1  }
0x29b: {  	v10 =	vadd.s32 v7, v10;
	_ =	sdelay $0x3  }
0x29c: {  	s9 =	simm.s32 $0x4580;
	s15 =	rddreg [dreg:$0x3]  }
0x29d: {  	[hbm4b:s15+s8] =	stream.indirect_vreg.scatter [tilespmem:s9], [sflag:$0x4], $0x80, v10, vm0, $0xb8;
	[tilespmem:$0x1C580] =	vst v63  }
0x29e: {  	s5 =	simm.s32 $0x4D80  }
0x29f: {  	[hbm4b:s14+s8] =	stream.indirect_vreg.scatter [tilespmem:s5], [sflag:$0x4], $0x80, v10, vm0, $0xb8;
	[tilespmem:$0x1C580] =	vst v63  }
0x2a0: {  	s22 =	simm.s32 $0x5580  }
0x2a1: {  	[hbm4b:s24+s8] =	stream.indirect_vreg.scatter [tilespmem:s22], [sflag:$0x4], $0x80, v10, vm0, $0xb8;
	[tilespmem:$0x1C580] =	vst v63  }
0x2a2: {  	s30 =	simm.s32 $0x5D80  }
0x2a3: {  	[hbm4b:s25+s8] =	stream.indirect_vreg.scatter [tilespmem:s30], [sflag:$0x4], $0x80, v10, vm0, $0xb8;
	[tilespmem:$0x1C580] =	vst v63  }
0x2a4: {  	s6 =	simm.s32 $0x6580  }
0x2a5: {  	[hbm4b:s26+s8] =	stream.indirect_vreg.scatter [tilespmem:s6], [sflag:$0x4], $0x80, v10, vm0, $0xb8;
	[tilespmem:$0x1C580] =	vst v63  }
0x2a6: {  	s7 =	simm.s32 $0x6D80;
	v9 =	vperm.xlane v9, v8  }
0x2a7: {  	[hbm4b:s28+s8] =	stream.indirect_vreg.scatter [tilespmem:s7], [sflag:$0x4], $0x80, v10, vm0, $0xb8;
	[tilespmem:$0x1C580] =	vst v63  }
0x2a8: {  	v9 =	vadd.s32 v7, v9;
	s9 =	simm.s32 $0x7580  }
0x2a9: {  	[hbm4b:s29+s8] =	stream.indirect_vreg.scatter [tilespmem:s9], [sflag:$0x4], $0x80, v10, vm0, $0xb8;
	[tilespmem:$0x1C580] =	vst v63  }
0x2aa: {  	s1 =	simm.s32 $0x7D80  }
0x2ab: {  	[hbm4b:s23+s8] =	stream.indirect_vreg.scatter [tilespmem:s1], [sflag:$0x4], $0x80, v10, vm0, $0xb8;
	[tilespmem:$0x1C580] =	vst v63  }
0x2ac: {  	s3 =	simm.s32 $0x8580  }
0x2ad: {  	[hbm4b:s15+s8] =	stream.indirect_vreg.scatter [tilespmem:s3], [sflag:$0x4], $0x80, v9, vm0, $0xb8;
	[tilespmem:$0x1C580] =	vst v63  }
0x2ae: {  	s4 =	simm.s32 $0x8D80  }
0x2af: {  	[hbm4b:s14+s8] =	stream.indirect_vreg.scatter [tilespmem:s4], [sflag:$0x4], $0x80, v9, vm0, $0xb8;
	[tilespmem:$0x1C580] =	vst v63  }
0x2b0: {  	s5 =	simm.s32 $0x9580  }
0x2b1: {  	[hbm4b:s24+s8] =	stream.indirect_vreg.scatter [tilespmem:s5], [sflag:$0x4], $0x80, v9, vm0, $0xb8;
	[tilespmem:$0x1C580] =	vst v63  }
0x2b2: {  	s6 =	simm.s32 $0x9D80  }
0x2b3: {  	[hbm4b:s25+s8] =	stream.indirect_vreg.scatter [tilespmem:s6], [sflag:$0x4], $0x80, v9, vm0, $0xb8;
	[tilespmem:$0x1C580] =	vst v63  }
0x2b4: {  	s7 =	simm.s32 $0xA580  }
0x2b5: {  	[hbm4b:s26+s8] =	stream.indirect_vreg.scatter [tilespmem:s7], [sflag:$0x4], $0x80, v9, vm0, $0xb8;
	[tilespmem:$0x1C580] =	vst v63  }
0x2b6: {  	s9 =	simm.s32 $0xAD80  }
0x2b7: {  	[hbm4b:s28+s8] =	stream.indirect_vreg.scatter [tilespmem:s9], [sflag:$0x4], $0x80, v9, vm0, $0xb8;
	[tilespmem:$0x1C580] =	vst v63  }
0x2b8: {  	s15 =	simm.s32 $0xB580  }
0x2b9: {  	[hbm4b:s29+s8] =	stream.indirect_vreg.scatter [tilespmem:s15], [sflag:$0x4], $0x80, v9, vm0, $0xb8;
	[tilespmem:$0x1C580] =	vst v63  }
0x2ba: {  	s0 =	simm.s32 $0x4;
	s15 =	simm.s32 $0xBD80  }
0x2bb: {  	[hbm4b:s23+s8] =	stream.indirect_vreg.scatter [tilespmem:s15], [sflag:$0x4], $0x80, v9, vm0, $0xb8;
	[tilespmem:$0x1C580] =	vst v63  }
0x2bc: {  	_ =	swait.ge [sflag:s0], $0x8000  }
0x2bd: {  	[sflag:s0] =	ssyncset.done $0x0  }
0x2be: {  	[sflag:s0] =	ssyncadd.s32 $0xFFFF8000  }
0x2bf: {  	v9 =	vld [tilespmem:$0x4310];
	_ =	sdelay $0x4  }
0x2c0: {  	v10 =	vshll.u32 v9, $0x4  }
0x2c1: {  	v9 =	vand.u32 $0x7, v9;
	v10 =	vand.u32 $0xFFFFFF80, v10  }
0x2c2: {  	v9 =	vor.u32 v9, v10  }
0x2c3: {  	v10 =	vperm.xlane v9, v6;
	_ =	sdelay $0x1  }
0x2c4: {  	v10 =	vadd.s32 v7, v10;
	_ =	sdelay $0x3  }
0x2c5: {  	s0 =	simm.s32 $0x4580  }
0x2c6: {  	[tilespmem:s0], [sflag:$0x1] =	stream.indirect_vreg.gather [hbm4b:s21+s8], $0x80, v10, vm0, $0xb8;
	[tilespmem:$0x1C580] =	vst v63  }
0x2c7: {  	s0 =	simm.s32 $0x4D80  }
0x2c8: {  	[tilespmem:s0], [sflag:$0x1] =	stream.indirect_vreg.gather [hbm4b:s2+s8], $0x80, v10, vm0, $0xb8;
	[tilespmem:$0x1C580] =	vst v63  }
0x2c9: {  	_ = 	snop  }
0x2ca: {  	[tilespmem:s22], [sflag:$0x1] =	stream.indirect_vreg.gather [hbm4b:s16+s8], $0x80, v10, vm0, $0xb8;
	[tilespmem:$0x1C580] =	vst v63  }
0x2cb: {  	_ = 	snop  }
0x2cc: {  	[tilespmem:s30], [sflag:$0x1] =	stream.indirect_vreg.gather [hbm4b:s17+s8], $0x80, v10, vm0, $0xb8;
	[tilespmem:$0x1C580] =	vst v63  }
0x2cd: {  	s30 =	simm.s32 $0x6580  }
0x2ce: {  	[tilespmem:s30], [sflag:$0x1] =	stream.indirect_vreg.gather [hbm4b:s18+s8], $0x80, v10, vm0, $0xb8;
	[tilespmem:$0x1C580] =	vst v63  }
0x2cf: {  	v9 =	vperm.xlane v9, v8;
	s22 =	simm.s32 $0x6D80  }
0x2d0: {  	[tilespmem:s22], [sflag:$0x1] =	stream.indirect_vreg.gather [hbm4b:s19+s8], $0x80, v10, vm0, $0xb8;
	[tilespmem:$0x1C580] =	vst v63  }
0x2d1: {  	v9 =	vadd.s32 v7, v9;
	s30 =	simm.s32 $0x7580  }
0x2d2: {  	[tilespmem:s30], [sflag:$0x1] =	stream.indirect_vreg.gather [hbm4b:s20+s8], $0x80, v10, vm0, $0xb8;
	[tilespmem:$0x1C580] =	vst v63  }
0x2d3: {  	_ = 	snop  }
0x2d4: {  	[tilespmem:s1], [sflag:$0x1] =	stream.indirect_vreg.gather [hbm4b:s31+s8], $0x80, v10, vm0, $0xb8;
	[tilespmem:$0x1C580] =	vst v63  }
0x2d5: {  	_ = 	snop  }
0x2d6: {  	[tilespmem:s3], [sflag:$0x1] =	stream.indirect_vreg.gather [hbm4b:s21+s8], $0x80, v9, vm0, $0xb8;
	[tilespmem:$0x1C580] =	vst v63  }
0x2d7: {  	_ = 	snop  }
0x2d8: {  	[tilespmem:s4], [sflag:$0x1] =	stream.indirect_vreg.gather [hbm4b:s2+s8], $0x80, v9, vm0, $0xb8;
	[tilespmem:$0x1C580] =	vst v63  }
0x2d9: {  	_ = 	snop  }
0x2da: {  	[tilespmem:s5], [sflag:$0x1] =	stream.indirect_vreg.gather [hbm4b:s16+s8], $0x80, v9, vm0, $0xb8;
	[tilespmem:$0x1C580] =	vst v63  }
0x2db: {  	_ = 	snop  }
0x2dc: {  	[tilespmem:s6], [sflag:$0x1] =	stream.indirect_vreg.gather [hbm4b:s17+s8], $0x80, v9, vm0, $0xb8;
	[tilespmem:$0x1C580] =	vst v63  }
0x2dd: {  	_ = 	snop  }
0x2de: {  	[tilespmem:s7], [sflag:$0x1] =	stream.indirect_vreg.gather [hbm4b:s18+s8], $0x80, v9, vm0, $0xb8;
	[tilespmem:$0x1C580] =	vst v63  }
0x2df: {  	_ = 	snop  }
0x2e0: {  	[tilespmem:s9], [sflag:$0x1] =	stream.indirect_vreg.gather [hbm4b:s19+s8], $0x80, v9, vm0, $0xb8;
	[tilespmem:$0x1C580] =	vst v63  }
0x2e1: {  	s22 =	simm.s32 $0xB580  }
0x2e2: {  	[tilespmem:s22], [sflag:$0x1] =	stream.indirect_vreg.gather [hbm4b:s20+s8], $0x80, v9, vm0, $0xb8;
	[tilespmem:$0x1C580] =	vst v63  }
0x2e3: {  	s30 =	simm.s32 $0x2  }
0x2e4: {  	[tilespmem:s15], [sflag:$0x1] =	stream.indirect_vreg.gather [hbm4b:s31+s8], $0x80, v9, vm0, $0xb8;
	[tilespmem:$0x1C580] =	vst v63  }
0x2e5: {  	_ =	swait.ge [sflag:s30], $0x8000  }
0x2e6: {  	[sflag:s30] =	ssyncset.done $0x0  }
0x2e7: {  	[sflag:s30] =	ssyncadd.s32 $0xFFFF8000  }
0x2e8: {  	v9 =	vld [tilespmem:$0x43F0];
	_ =	sdelay $0x4  }
0x2e9: {  	v10 =	vshll.u32 v9, $0x4  }
0x2ea: {  	v9 =	vand.u32 $0x7, v9;
	v10 =	vand.u32 $0xFFFFFF80, v10  }
0x2eb: {  	v9 =	vor.u32 v9, v10  }
0x2ec: {  	v10 =	vperm.xlane v9, v6;
	_ =	sdelay $0x1  }
0x2ed: {  	v10 =	vadd.s32 v7, v10;
	_ =	sdelay $0x3  }
0x2ee: {  	s0 =	simm.s32 $0xC580;
	s3 =	rddreg [dreg:$0x3]  }
0x2ef: {  	[hbm4b:s3+s8] =	stream.indirect_vreg.scatter [tilespmem:s0], [sflag:$0x5], $0x80, v10, vm0, $0xb8;
	[tilespmem:$0x1C580] =	vst v63  }
0x2f0: {  	s15 =	simm.s32 $0xCD80  }
0x2f1: {  	[hbm4b:s14+s8] =	stream.indirect_vreg.scatter [tilespmem:s15], [sflag:$0x5], $0x80, v10, vm0, $0xb8;
	[tilespmem:$0x1C580] =	vst v63  }
0x2f2: {  	s22 =	simm.s32 $0xD580  }
0x2f3: {  	[hbm4b:s24+s8] =	stream.indirect_vreg.scatter [tilespmem:s22], [sflag:$0x5], $0x80, v10, vm0, $0xb8;
	[tilespmem:$0x1C580] =	vst v63  }
0x2f4: {  	s30 =	simm.s32 $0xDD80  }
0x2f5: {  	[hbm4b:s25+s8] =	stream.indirect_vreg.scatter [tilespmem:s30], [sflag:$0x5], $0x80, v10, vm0, $0xb8;
	[tilespmem:$0x1C580] =	vst v63  }
0x2f6: {  	s6 =	simm.s32 $0xE580  }
0x2f7: {  	[hbm4b:s26+s8] =	stream.indirect_vreg.scatter [tilespmem:s6], [sflag:$0x5], $0x80, v10, vm0, $0xb8;
	[tilespmem:$0x1C580] =	vst v63  }
0x2f8: {  	s7 =	simm.s32 $0xED80;
	v9 =	vperm.xlane v9, v8  }
0x2f9: {  	[hbm4b:s28+s8] =	stream.indirect_vreg.scatter [tilespmem:s7], [sflag:$0x5], $0x80, v10, vm0, $0xb8;
	[tilespmem:$0x1C580] =	vst v63  }
0x2fa: {  	s9 =	simm.s32 $0xF580;
	v9 =	vadd.s32 v7, v9  }
0x2fb: {  	[hbm4b:s29+s8] =	stream.indirect_vreg.scatter [tilespmem:s9], [sflag:$0x5], $0x80, v10, vm0, $0xb8;
	[tilespmem:$0x1C580] =	vst v63  }
0x2fc: {  	s4 =	simm.s32 $0xFD80  }
0x2fd: {  	[hbm4b:s23+s8] =	stream.indirect_vreg.scatter [tilespmem:s4], [sflag:$0x5], $0x80, v10, vm0, $0xb8;
	[tilespmem:$0x1C580] =	vst v63  }
0x2fe: {  	s5 =	simm.s32 $0x10580  }
0x2ff: {  	[hbm4b:s3+s8] =	stream.indirect_vreg.scatter [tilespmem:s5], [sflag:$0x5], $0x80, v9, vm0, $0xb8;
	[tilespmem:$0x1C580] =	vst v63  }
0x300: {  	s3 =	simm.s32 $0x10D80  }
0x301: {  	[hbm4b:s14+s8] =	stream.indirect_vreg.scatter [tilespmem:s3], [sflag:$0x5], $0x80, v9, vm0, $0xb8;
	[tilespmem:$0x1C580] =	vst v63  }
0x302: {  	s1 =	simm.s32 $0x11580  }
0x303: {  	[hbm4b:s24+s8] =	stream.indirect_vreg.scatter [tilespmem:s1], [sflag:$0x5], $0x80, v9, vm0, $0xb8;
	[tilespmem:$0x1C580] =	vst v63  }
0x304: {  	s9 =	simm.s32 $0x11D80  }
0x305: {  	[hbm4b:s25+s8] =	stream.indirect_vreg.scatter [tilespmem:s9], [sflag:$0x5], $0x80, v9, vm0, $0xb8;
	[tilespmem:$0x1C580] =	vst v63  }
0x306: {  	s0 =	simm.s32 $0x12580  }
0x307: {  	[hbm4b:s26+s8] =	stream.indirect_vreg.scatter [tilespmem:s0], [sflag:$0x5], $0x80, v9, vm0, $0xb8;
	[tilespmem:$0x1C580] =	vst v63  }
0x308: {  	s9 =	simm.s32 $0x12D80  }
0x309: {  	[hbm4b:s28+s8] =	stream.indirect_vreg.scatter [tilespmem:s9], [sflag:$0x5], $0x80, v9, vm0, $0xb8;
	[tilespmem:$0x1C580] =	vst v63  }
0x30a: {  	s1 =	simm.s32 $0x13580  }
0x30b: {  	[hbm4b:s29+s8] =	stream.indirect_vreg.scatter [tilespmem:s1], [sflag:$0x5], $0x80, v9, vm0, $0xb8;
	[tilespmem:$0x1C580] =	vst v63  }
0x30c: {  	s0 =	simm.s32 $0x5;
	s9 =	simm.s32 $0x13D80  }
0x30d: {  	[hbm4b:s23+s8] =	stream.indirect_vreg.scatter [tilespmem:s9], [sflag:$0x5], $0x80, v9, vm0, $0xb8;
	[tilespmem:$0x1C580] =	vst v63  }
0x30e: {  	_ =	swait.ge [sflag:s0], $0x8000  }
0x30f: {  	[sflag:s0] =	ssyncset.done $0x0  }
0x310: {  	[sflag:s0] =	ssyncadd.s32 $0xFFFF8000  }
0x311: {  	v9 =	vld [tilespmem:$0x4320];
	_ =	sdelay $0x4  }
0x312: {  	v10 =	vshll.u32 v9, $0x4  }
0x313: {  	v9 =	vand.u32 $0x7, v9;
	v10 =	vand.u32 $0xFFFFFF80, v10  }
0x314: {  	v9 =	vor.u32 v9, v10  }
0x315: {  	v10 =	vperm.xlane v9, v6;
	_ =	sdelay $0x1  }
0x316: {  	v10 =	vadd.s32 v7, v10;
	_ =	sdelay $0x3  }
0x317: {  	s0 =	simm.s32 $0xC580  }
0x318: {  	[tilespmem:s0], [sflag:$0x2] =	stream.indirect_vreg.gather [hbm4b:s21+s8], $0x80, v10, vm0, $0xb8;
	[tilespmem:$0x1C580] =	vst v63  }
0x319: {  	_ = 	snop  }
0x31a: {  	[tilespmem:s15], [sflag:$0x2] =	stream.indirect_vreg.gather [hbm4b:s2+s8], $0x80, v10, vm0, $0xb8;
	[tilespmem:$0x1C580] =	vst v63  }
0x31b: {  	_ = 	snop  }
0x31c: {  	[tilespmem:s22], [sflag:$0x2] =	stream.indirect_vreg.gather [hbm4b:s16+s8], $0x80, v10, vm0, $0xb8;
	[tilespmem:$0x1C580] =	vst v63  }
0x31d: {  	_ = 	snop  }
0x31e: {  	[tilespmem:s30], [sflag:$0x2] =	stream.indirect_vreg.gather [hbm4b:s17+s8], $0x80, v10, vm0, $0xb8;
	[tilespmem:$0x1C580] =	vst v63  }
0x31f: {  	_ = 	snop  }
0x320: {  	[tilespmem:s6], [sflag:$0x2] =	stream.indirect_vreg.gather [hbm4b:s18+s8], $0x80, v10, vm0, $0xb8;
	[tilespmem:$0x1C580] =	vst v63  }
0x321: {  	v9 =	vperm.xlane v9, v8  }
0x322: {  	[tilespmem:s7], [sflag:$0x2] =	stream.indirect_vreg.gather [hbm4b:s19+s8], $0x80, v10, vm0, $0xb8;
	[tilespmem:$0x1C580] =	vst v63  }
0x323: {  	v9 =	vadd.s32 v7, v9;
	s30 =	simm.s32 $0xF580  }
0x324: {  	[tilespmem:s30], [sflag:$0x2] =	stream.indirect_vreg.gather [hbm4b:s20+s8], $0x80, v10, vm0, $0xb8;
	[tilespmem:$0x1C580] =	vst v63  }
0x325: {  	_ = 	snop  }
0x326: {  	[tilespmem:s4], [sflag:$0x2] =	stream.indirect_vreg.gather [hbm4b:s31+s8], $0x80, v10, vm0, $0xb8;
	[tilespmem:$0x1C580] =	vst v63  }
0x327: {  	_ = 	snop  }
0x328: {  	[tilespmem:s5], [sflag:$0x2] =	stream.indirect_vreg.gather [hbm4b:s21+s8], $0x80, v9, vm0, $0xb8;
	[tilespmem:$0x1C580] =	vst v63  }
0x329: {  	_ = 	snop  }
0x32a: {  	[tilespmem:s3], [sflag:$0x2] =	stream.indirect_vreg.gather [hbm4b:s2+s8], $0x80, v9, vm0, $0xb8;
	[tilespmem:$0x1C580] =	vst v63  }
0x32b: {  	s3 =	simm.s32 $0x11580  }
0x32c: {  	[tilespmem:s3], [sflag:$0x2] =	stream.indirect_vreg.gather [hbm4b:s16+s8], $0x80, v9, vm0, $0xb8;
	[tilespmem:$0x1C580] =	vst v63  }
0x32d: {  	s4 =	simm.s32 $0x11D80  }
0x32e: {  	[tilespmem:s4], [sflag:$0x2] =	stream.indirect_vreg.gather [hbm4b:s17+s8], $0x80, v9, vm0, $0xb8;
	[tilespmem:$0x1C580] =	vst v63  }
0x32f: {  	s5 =	simm.s32 $0x12580  }
0x330: {  	[tilespmem:s5], [sflag:$0x2] =	stream.indirect_vreg.gather [hbm4b:s18+s8], $0x80, v9, vm0, $0xb8;
	[tilespmem:$0x1C580] =	vst v63  }
0x331: {  	s6 =	simm.s32 $0x12D80  }
0x332: {  	[tilespmem:s6], [sflag:$0x2] =	stream.indirect_vreg.gather [hbm4b:s19+s8], $0x80, v9, vm0, $0xb8;
	[tilespmem:$0x1C580] =	vst v63  }
0x333: {  	_ = 	snop  }
0x334: {  	[tilespmem:s1], [sflag:$0x2] =	stream.indirect_vreg.gather [hbm4b:s20+s8], $0x80, v9, vm0, $0xb8;
	[tilespmem:$0x1C580] =	vst v63  }
0x335: {  	s7 =	simm.s32 $0x3  }
0x336: {  	[tilespmem:s9], [sflag:$0x2] =	stream.indirect_vreg.gather [hbm4b:s31+s8], $0x80, v9, vm0, $0xb8;
	[tilespmem:$0x1C580] =	vst v63  }
0x337: {  	_ =	swait.ge [sflag:s7], $0x8000  }
0x338: {  	[sflag:s7] =	ssyncset.done $0x0  }
0x339: {  	[sflag:s7] =	ssyncadd.s32 $0xFFFF8000  }
0x33a: {  	v9 =	vld [tilespmem:$0x4400];
	_ =	sdelay $0x4  }
0x33b: {  	v10 =	vshll.u32 v9, $0x4  }
0x33c: {  	v9 =	vand.u32 $0x7, v9;
	v10 =	vand.u32 $0xFFFFFF80, v10  }
0x33d: {  	v9 =	vor.u32 v9, v10  }
0x33e: {  	v10 =	vperm.xlane v9, v6;
	_ =	sdelay $0x1  }
0x33f: {  	v10 =	vadd.s32 v7, v10;
	_ =	sdelay $0x3  }
0x340: {  	s15 =	simm.s32 $0x14580;
	s1 =	rddreg [dreg:$0x3]  }
0x341: {  	[hbm4b:s1+s8] =	stream.indirect_vreg.scatter [tilespmem:s15], [sflag:$0x6], $0x80, v10, vm0, $0xb8;
	[tilespmem:$0x1C580] =	vst v63  }
0x342: {  	s22 =	simm.s32 $0x14D80  }
0x343: {  	[hbm4b:s14+s8] =	stream.indirect_vreg.scatter [tilespmem:s22], [sflag:$0x6], $0x80, v10, vm0, $0xb8;
	[tilespmem:$0x1C580] =	vst v63  }
0x344: {  	s30 =	simm.s32 $0x15580  }
0x345: {  	[hbm4b:s24+s8] =	stream.indirect_vreg.scatter [tilespmem:s30], [sflag:$0x6], $0x80, v10, vm0, $0xb8;
	[tilespmem:$0x1C580] =	vst v63  }
0x346: {  	s9 =	simm.s32 $0x15D80  }
0x347: {  	[hbm4b:s25+s8] =	stream.indirect_vreg.scatter [tilespmem:s9], [sflag:$0x6], $0x80, v10, vm0, $0xb8;
	[tilespmem:$0x1C580] =	vst v63  }
0x348: {  	s9 =	simm.s32 $0x16580  }
0x349: {  	[hbm4b:s26+s8] =	stream.indirect_vreg.scatter [tilespmem:s9], [sflag:$0x6], $0x80, v10, vm0, $0xb8;
	[tilespmem:$0x1C580] =	vst v63  }
0x34a: {  	s3 =	simm.s32 $0x16D80;
	v9 =	vperm.xlane v9, v8  }
0x34b: {  	[hbm4b:s28+s8] =	stream.indirect_vreg.scatter [tilespmem:s3], [sflag:$0x6], $0x80, v10, vm0, $0xb8;
	[tilespmem:$0x1C580] =	vst v63  }
0x34c: {  	s4 =	simm.s32 $0x17580;
	v9 =	vadd.s32 v7, v9  }
0x34d: {  	[hbm4b:s29+s8] =	stream.indirect_vreg.scatter [tilespmem:s4], [sflag:$0x6], $0x80, v10, vm0, $0xb8;
	[tilespmem:$0x1C580] =	vst v63  }
0x34e: {  	s5 =	simm.s32 $0x17D80  }
0x34f: {  	[hbm4b:s23+s8] =	stream.indirect_vreg.scatter [tilespmem:s5], [sflag:$0x6], $0x80, v10, vm0, $0xb8;
	[tilespmem:$0x1C580] =	vst v63  }
0x350: {  	s6 =	simm.s32 $0x18580  }
0x351: {  	[hbm4b:s1+s8] =	stream.indirect_vreg.scatter [tilespmem:s6], [sflag:$0x6], $0x80, v9, vm0, $0xb8;
	[tilespmem:$0x1C580] =	vst v63  }
0x352: {  	s1 =	simm.s32 $0x18D80  }
0x353: {  	[hbm4b:s14+s8] =	stream.indirect_vreg.scatter [tilespmem:s1], [sflag:$0x6], $0x80, v9, vm0, $0xb8;
	[tilespmem:$0x1C580] =	vst v63  }
0x354: {  	s3 =	simm.s32 $0x19580  }
0x355: {  	[hbm4b:s24+s8] =	stream.indirect_vreg.scatter [tilespmem:s3], [sflag:$0x6], $0x80, v9, vm0, $0xb8;
	[tilespmem:$0x1C580] =	vst v63  }
0x356: {  	s4 =	simm.s32 $0x19D80  }
0x357: {  	[hbm4b:s25+s8] =	stream.indirect_vreg.scatter [tilespmem:s4], [sflag:$0x6], $0x80, v9, vm0, $0xb8;
	[tilespmem:$0x1C580] =	vst v63  }
0x358: {  	s7 =	simm.s32 $0x1A580  }
0x359: {  	[hbm4b:s26+s8] =	stream.indirect_vreg.scatter [tilespmem:s7], [sflag:$0x6], $0x80, v9, vm0, $0xb8;
	[tilespmem:$0x1C580] =	vst v63  }
0x35a: {  	s5 =	simm.s32 $0x1AD80  }
0x35b: {  	[hbm4b:s28+s8] =	stream.indirect_vreg.scatter [tilespmem:s5], [sflag:$0x6], $0x80, v9, vm0, $0xb8;
	[tilespmem:$0x1C580] =	vst v63  }
0x35c: {  	s6 =	simm.s32 $0x1B580  }
0x35d: {  	[hbm4b:s29+s8] =	stream.indirect_vreg.scatter [tilespmem:s6], [sflag:$0x6], $0x80, v9, vm0, $0xb8;
	[tilespmem:$0x1C580] =	vst v63  }
0x35e: {  	s0 =	simm.s32 $0x6;
	s7 =	simm.s32 $0x1BD80  }
0x35f: {  	[hbm4b:s23+s8] =	stream.indirect_vreg.scatter [tilespmem:s7], [sflag:$0x6], $0x80, v9, vm0, $0xb8;
	[tilespmem:$0x1C580] =	vst v63  }
0x360: {  	_ =	swait.ge [sflag:s0], $0x8000  }
0x361: {  	[sflag:s0] =	ssyncset.done $0x0  }
0x362: {  	[sflag:s0] =	ssyncadd.s32 $0xFFFF8000  }
0x363: {  	v9 =	vld [tilespmem:$0x4330];
	_ =	sdelay $0x4  }
0x364: {  	v10 =	vshll.u32 v9, $0x4  }
0x365: {  	v9 =	vand.u32 $0x7, v9;
	v10 =	vand.u32 $0xFFFFFF80, v10  }
0x366: {  	v9 =	vor.u32 v9, v10  }
0x367: {  	v10 =	vperm.xlane v9, v6;
	_ =	sdelay $0x1  }
0x368: {  	v10 =	vadd.s32 v7, v10;
	_ =	sdelay $0x4  }
0x369: {  	[tilespmem:s15], [sflag:$0x3] =	stream.indirect_vreg.gather [hbm4b:s21+s8], $0x80, v10, vm0, $0xb8;
	[tilespmem:$0x1C580] =	vst v63  }
0x36a: {  	_ = 	snop  }
0x36b: {  	[tilespmem:s22], [sflag:$0x3] =	stream.indirect_vreg.gather [hbm4b:s2+s8], $0x80, v10, vm0, $0xb8;
	[tilespmem:$0x1C580] =	vst v63  }
0x36c: {  	_ = 	snop  }
0x36d: {  	[tilespmem:s30], [sflag:$0x3] =	stream.indirect_vreg.gather [hbm4b:s16+s8], $0x80, v10, vm0, $0xb8;
	[tilespmem:$0x1C580] =	vst v63  }
0x36e: {  	s0 =	simm.s32 $0x15D80  }
0x36f: {  	[tilespmem:s0], [sflag:$0x3] =	stream.indirect_vreg.gather [hbm4b:s17+s8], $0x80, v10, vm0, $0xb8;
	[tilespmem:$0x1C580] =	vst v63  }
0x370: {  	_ = 	snop  }
0x371: {  	[tilespmem:s9], [sflag:$0x3] =	stream.indirect_vreg.gather [hbm4b:s18+s8], $0x80, v10, vm0, $0xb8;
	[tilespmem:$0x1C580] =	vst v63  }
0x372: {  	v9 =	vperm.xlane v9, v8;
	s9 =	simm.s32 $0x16D80  }
0x373: {  	[tilespmem:s9], [sflag:$0x3] =	stream.indirect_vreg.gather [hbm4b:s19+s8], $0x80, v10, vm0, $0xb8;
	[tilespmem:$0x1C580] =	vst v63  }
0x374: {  	v9 =	vadd.s32 v7, v9;
	s15 =	simm.s32 $0x17580  }
0x375: {  	[tilespmem:s15], [sflag:$0x3] =	stream.indirect_vreg.gather [hbm4b:s20+s8], $0x80, v10, vm0, $0xb8;
	[tilespmem:$0x1C580] =	vst v63  }
0x376: {  	s22 =	simm.s32 $0x17D80  }
0x377: {  	[tilespmem:s22], [sflag:$0x3] =	stream.indirect_vreg.gather [hbm4b:s31+s8], $0x80, v10, vm0, $0xb8;
	[tilespmem:$0x1C580] =	vst v63  }
0x378: {  	s30 =	simm.s32 $0x18580  }
0x379: {  	[tilespmem:s30], [sflag:$0x3] =	stream.indirect_vreg.gather [hbm4b:s21+s8], $0x80, v9, vm0, $0xb8;
	[tilespmem:$0x1C580] =	vst v63  }
0x37a: {  	_ = 	snop  }
0x37b: {  	[tilespmem:s1], [sflag:$0x3] =	stream.indirect_vreg.gather [hbm4b:s2+s8], $0x80, v9, vm0, $0xb8;
	[tilespmem:$0x1C580] =	vst v63  }
0x37c: {  	_ = 	snop  }
0x37d: {  	[tilespmem:s3], [sflag:$0x3] =	stream.indirect_vreg.gather [hbm4b:s16+s8], $0x80, v9, vm0, $0xb8;
	[tilespmem:$0x1C580] =	vst v63  }
0x37e: {  	_ = 	snop  }
0x37f: {  	[tilespmem:s4], [sflag:$0x3] =	stream.indirect_vreg.gather [hbm4b:s17+s8], $0x80, v9, vm0, $0xb8;
	[tilespmem:$0x1C580] =	vst v63  }
0x380: {  	s1 =	simm.s32 $0x1A580  }
0x381: {  	[tilespmem:s1], [sflag:$0x3] =	stream.indirect_vreg.gather [hbm4b:s18+s8], $0x80, v9, vm0, $0xb8;
	[tilespmem:$0x1C580] =	vst v63  }
0x382: {  	_ = 	snop  }
0x383: {  	[tilespmem:s5], [sflag:$0x3] =	stream.indirect_vreg.gather [hbm4b:s19+s8], $0x80, v9, vm0, $0xb8;
	[tilespmem:$0x1C580] =	vst v63  }
0x384: {  	_ = 	snop  }
0x385: {  	[tilespmem:s6], [sflag:$0x3] =	stream.indirect_vreg.gather [hbm4b:s20+s8], $0x80, v9, vm0, $0xb8;
	[tilespmem:$0x1C580] =	vst v63  }
0x386: {  	s2 =	simm.s32 $0x1  }
0x387: {  	[tilespmem:s7], [sflag:$0x3] =	stream.indirect_vreg.gather [hbm4b:s31+s8], $0x80, v9, vm0, $0xb8;
	[tilespmem:$0x1C580] =	vst v63  }
0x388: {  	_ =	swait.ge [sflag:s2], $0x8000  }
0x389: {  	[sflag:s2] =	ssyncset.done $0x0  }
0x38a: {  	[sflag:s2] =	ssyncadd.s32 $0xFFFF8000  }
0x38b: {  	v9 =	vld [tilespmem:$0x4410];
	_ =	sdelay $0x4  }
0x38c: {  	v10 =	vshll.u32 v9, $0x4  }
0x38d: {  	v9 =	vand.u32 $0x7, v9;
	v10 =	vand.u32 $0xFFFFFF80, v10  }
0x38e: {  	v9 =	vor.u32 v9, v10  }
0x38f: {  	v10 =	vperm.xlane v9, v6;
	_ =	sdelay $0x1  }
0x390: {  	v10 =	vadd.s32 v7, v10;
	_ =	sdelay $0x3  }
0x391: {  	s1 =	simm.s32 $0x4580;
	s3 =	rddreg [dreg:$0x3]  }
0x392: {  	[hbm4b:s3+s8] =	stream.indirect_vreg.scatter [tilespmem:s1], [sflag:$0x4], $0x80, v10, vm0, $0xb8;
	[tilespmem:$0x1C580] =	vst v63  }
0x393: {  	s4 =	simm.s32 $0x4D80  }
0x394: {  	[hbm4b:s14+s8] =	stream.indirect_vreg.scatter [tilespmem:s4], [sflag:$0x4], $0x80, v10, vm0, $0xb8;
	[tilespmem:$0x1C580] =	vst v63  }
0x395: {  	s5 =	simm.s32 $0x5580  }
0x396: {  	[hbm4b:s24+s8] =	stream.indirect_vreg.scatter [tilespmem:s5], [sflag:$0x4], $0x80, v10, vm0, $0xb8;
	[tilespmem:$0x1C580] =	vst v63  }
0x397: {  	s6 =	simm.s32 $0x5D80  }
0x398: {  	[hbm4b:s25+s8] =	stream.indirect_vreg.scatter [tilespmem:s6], [sflag:$0x4], $0x80, v10, vm0, $0xb8;
	[tilespmem:$0x1C580] =	vst v63  }
0x399: {  	s7 =	simm.s32 $0x6580  }
0x39a: {  	[hbm4b:s26+s8] =	stream.indirect_vreg.scatter [tilespmem:s7], [sflag:$0x4], $0x80, v10, vm0, $0xb8;
	[tilespmem:$0x1C580] =	vst v63  }
0x39b: {  	s0 =	simm.s32 $0x6D80;
	v9 =	vperm.xlane v9, v8  }
0x39c: {  	[hbm4b:s28+s8] =	stream.indirect_vreg.scatter [tilespmem:s0], [sflag:$0x4], $0x80, v10, vm0, $0xb8;
	[tilespmem:$0x1C580] =	vst v63  }
0x39d: {  	s30 =	simm.s32 $0x7580;
	v9 =	vadd.s32 v7, v9  }
0x39e: {  	[hbm4b:s29+s8] =	stream.indirect_vreg.scatter [tilespmem:s30], [sflag:$0x4], $0x80, v10, vm0, $0xb8;
	[tilespmem:$0x1C580] =	vst v63  }
0x39f: {  	s15 =	simm.s32 $0x7D80  }
0x3a0: {  	[hbm4b:s23+s8] =	stream.indirect_vreg.scatter [tilespmem:s15], [sflag:$0x4], $0x80, v10, vm0, $0xb8;
	[tilespmem:$0x1C580] =	vst v63  }
0x3a1: {  	s16 =	simm.s32 $0x8580  }
0x3a2: {  	[hbm4b:s3+s8] =	stream.indirect_vreg.scatter [tilespmem:s16], [sflag:$0x4], $0x80, v9, vm0, $0xb8;
	[tilespmem:$0x1C580] =	vst v63  }
0x3a3: {  	s19 =	simm.s32 $0x8D80  }
0x3a4: {  	[hbm4b:s14+s8] =	stream.indirect_vreg.scatter [tilespmem:s19], [sflag:$0x4], $0x80, v9, vm0, $0xb8;
	[tilespmem:$0x1C580] =	vst v63  }
0x3a5: {  	s20 =	simm.s32 $0x9580  }
0x3a6: {  	[hbm4b:s24+s8] =	stream.indirect_vreg.scatter [tilespmem:s20], [sflag:$0x4], $0x80, v9, vm0, $0xb8;
	[tilespmem:$0x1C580] =	vst v63  }
0x3a7: {  	s21 =	simm.s32 $0x9D80  }
0x3a8: {  	[hbm4b:s25+s8] =	stream.indirect_vreg.scatter [tilespmem:s21], [sflag:$0x4], $0x80, v9, vm0, $0xb8;
	[tilespmem:$0x1C580] =	vst v63  }
0x3a9: {  	s22 =	simm.s32 $0xA580  }
0x3aa: {  	[hbm4b:s26+s8] =	stream.indirect_vreg.scatter [tilespmem:s22], [sflag:$0x4], $0x80, v9, vm0, $0xb8;
	[tilespmem:$0x1C580] =	vst v63  }
0x3ab: {  	s31 =	simm.s32 $0xAD80  }
0x3ac: {  	[hbm4b:s28+s8] =	stream.indirect_vreg.scatter [tilespmem:s31], [sflag:$0x4], $0x80, v9, vm0, $0xb8;
	[tilespmem:$0x1C580] =	vst v63  }
0x3ad: {  	s17 =	simm.s32 $0xB580  }
0x3ae: {  	[hbm4b:s29+s8] =	stream.indirect_vreg.scatter [tilespmem:s17], [sflag:$0x4], $0x80, v9, vm0, $0xb8;
	[tilespmem:$0x1C580] =	vst v63  }
0x3af: {  	s9 =	simm.s32 $0x4;
	s18 =	simm.s32 $0xBD80  }
0x3b0: {  	[hbm4b:s23+s8] =	stream.indirect_vreg.scatter [tilespmem:s18], [sflag:$0x4], $0x80, v9, vm0, $0xb8;
	[tilespmem:$0x1C580] =	vst v63  }
0x3b1: {  	_ =	swait.ge [sflag:s9], $0x8000  }
0x3b2: {  	[sflag:s9] =	ssyncset.done $0x0  }
0x3b3: {  	[sflag:s9] =	ssyncadd.s32 $0xFFFF8000  }
0x3b4: {  	v9 =	vld [tilespmem:$0x4480];
	_ =	sdelay $0x4  }
0x3b5: {  	v10 =	vshll.u32 v9, $0x4  }
0x3b6: {  	v9 =	vand.u32 $0x7, v9;
	v10 =	vand.u32 $0xFFFFFF80, v10  }
0x3b7: {  	v9 =	vor.u32 v9, v10  }
0x3b8: {  	v10 =	vperm.xlane v9, v6;
	_ =	sdelay $0x1  }
0x3b9: {  	v10 =	vadd.s32 v7, v10;
	_ =	sdelay $0x3  }
0x3ba: {  	s2 =	rddreg [dreg:$0x1]  }
0x3bb: {  	[tilespmem:s1], [sflag:$0x1] =	stream.indirect_vreg.gather [hbm4b:s2+s8], $0x80, v10, vm0, $0xb8;
	[tilespmem:$0x1C580] =	vst v63  }
0x3bc: {  	s1 =	rddreg [dreg:$0xf]  }
0x3bd: {  	[tilespmem:s4], [sflag:$0x1] =	stream.indirect_vreg.gather [hbm4b:s1+s8], $0x80, v10, vm0, $0xb8;
	[tilespmem:$0x1C580] =	vst v63  }
0x3be: {  	s3 =	rddreg [dreg:$0x10]  }
0x3bf: {  	[tilespmem:s5], [sflag:$0x1] =	stream.indirect_vreg.gather [hbm4b:s3+s8], $0x80, v10, vm0, $0xb8;
	[tilespmem:$0x1C580] =	vst v63  }
0x3c0: {  	s9 =	rddreg [dreg:$0x11]  }
0x3c1: {  	[tilespmem:s6], [sflag:$0x1] =	stream.indirect_vreg.gather [hbm4b:s9+s8], $0x80, v10, vm0, $0xb8;
	[tilespmem:$0x1C580] =	vst v63  }
0x3c2: {  	s5 =	rddreg [dreg:$0x13]  }
0x3c3: {  	[tilespmem:s7], [sflag:$0x1] =	stream.indirect_vreg.gather [hbm4b:s5+s8], $0x80, v10, vm0, $0xb8;
	[tilespmem:$0x1C580] =	vst v63  }
0x3c4: {  	v9 =	vperm.xlane v9, v8;
	s6 =	rddreg [dreg:$0x14]  }
0x3c5: {  	[tilespmem:s0], [sflag:$0x1] =	stream.indirect_vreg.gather [hbm4b:s6+s8], $0x80, v10, vm0, $0xb8;
	[tilespmem:$0x1C580] =	vst v63  }
0x3c6: {  	v9 =	vadd.s32 v7, v9;
	s7 =	rddreg [dreg:$0x15]  }
0x3c7: {  	[tilespmem:s30], [sflag:$0x1] =	stream.indirect_vreg.gather [hbm4b:s7+s8], $0x80, v10, vm0, $0xb8;
	[tilespmem:$0x1C580] =	vst v63  }
0x3c8: {  	s30 =	rddreg [dreg:$0x16]  }
0x3c9: {  	[tilespmem:s15], [sflag:$0x1] =	stream.indirect_vreg.gather [hbm4b:s30+s8], $0x80, v10, vm0, $0xb8;
	[tilespmem:$0x1C580] =	vst v63  }
0x3ca: {  	_ = 	snop  }
0x3cb: {  	[tilespmem:s16], [sflag:$0x1] =	stream.indirect_vreg.gather [hbm4b:s2+s8], $0x80, v9, vm0, $0xb8;
	[tilespmem:$0x1C580] =	vst v63  }
0x3cc: {  	_ = 	snop  }
0x3cd: {  	[tilespmem:s19], [sflag:$0x1] =	stream.indirect_vreg.gather [hbm4b:s1+s8], $0x80, v9, vm0, $0xb8;
	[tilespmem:$0x1C580] =	vst v63  }
0x3ce: {  	_ = 	snop  }
0x3cf: {  	[tilespmem:s20], [sflag:$0x1] =	stream.indirect_vreg.gather [hbm4b:s3+s8], $0x80, v9, vm0, $0xb8;
	[tilespmem:$0x1C580] =	vst v63  }
0x3d0: {  	_ = 	snop  }
0x3d1: {  	[tilespmem:s21], [sflag:$0x1] =	stream.indirect_vreg.gather [hbm4b:s9+s8], $0x80, v9, vm0, $0xb8;
	[tilespmem:$0x1C580] =	vst v63  }
0x3d2: {  	_ = 	snop  }
0x3d3: {  	[tilespmem:s22], [sflag:$0x1] =	stream.indirect_vreg.gather [hbm4b:s5+s8], $0x80, v9, vm0, $0xb8;
	[tilespmem:$0x1C580] =	vst v63  }
0x3d4: {  	_ = 	snop  }
0x3d5: {  	[tilespmem:s31], [sflag:$0x1] =	stream.indirect_vreg.gather [hbm4b:s6+s8], $0x80, v9, vm0, $0xb8;
	[tilespmem:$0x1C580] =	vst v63  }
0x3d6: {  	_ = 	snop  }
0x3d7: {  	[tilespmem:s17], [sflag:$0x1] =	stream.indirect_vreg.gather [hbm4b:s7+s8], $0x80, v9, vm0, $0xb8;
	[tilespmem:$0x1C580] =	vst v63  }
0x3d8: {  	s20 =	simm.s32 $0x2  }
0x3d9: {  	[tilespmem:s18], [sflag:$0x1] =	stream.indirect_vreg.gather [hbm4b:s30+s8], $0x80, v9, vm0, $0xb8;
	[tilespmem:$0x1C580] =	vst v63  }
0x3da: {  	_ =	swait.ge [sflag:s20], $0x8000  }
0x3db: {  	[sflag:s20] =	ssyncset.done $0x0  }
0x3dc: {  	[sflag:s20] =	ssyncadd.s32 $0xFFFF8000  }
0x3dd: {  	v9 =	vld [tilespmem:$0x4420];
	_ =	sdelay $0x4  }
0x3de: {  	v10 =	vshll.u32 v9, $0x4  }
0x3df: {  	v9 =	vand.u32 $0x7, v9;
	v10 =	vand.u32 $0xFFFFFF80, v10  }
0x3e0: {  	v9 =	vor.u32 v9, v10  }
0x3e1: {  	v10 =	vperm.xlane v9, v6;
	_ =	sdelay $0x1  }
0x3e2: {  	v10 =	vadd.s32 v7, v10;
	_ =	sdelay $0x3  }
0x3e3: {  	s0 =	simm.s32 $0xC580;
	s21 =	rddreg [dreg:$0x3]  }
0x3e4: {  	[hbm4b:s21+s8] =	stream.indirect_vreg.scatter [tilespmem:s0], [sflag:$0x5], $0x80, v10, vm0, $0xb8;
	[tilespmem:$0x1C580] =	vst v63  }
0x3e5: {  	s17 =	simm.s32 $0xCD80  }
0x3e6: {  	[hbm4b:s14+s8] =	stream.indirect_vreg.scatter [tilespmem:s17], [sflag:$0x5], $0x80, v10, vm0, $0xb8;
	[tilespmem:$0x1C580] =	vst v63  }
0x3e7: {  	s18 =	simm.s32 $0xD580  }
0x3e8: {  	[hbm4b:s24+s8] =	stream.indirect_vreg.scatter [tilespmem:s18], [sflag:$0x5], $0x80, v10, vm0, $0xb8;
	[tilespmem:$0x1C580] =	vst v63  }
0x3e9: {  	s19 =	simm.s32 $0xDD80  }
0x3ea: {  	[hbm4b:s25+s8] =	stream.indirect_vreg.scatter [tilespmem:s19], [sflag:$0x5], $0x80, v10, vm0, $0xb8;
	[tilespmem:$0x1C580] =	vst v63  }
0x3eb: {  	s22 =	simm.s32 $0xE580  }
0x3ec: {  	[hbm4b:s26+s8] =	stream.indirect_vreg.scatter [tilespmem:s22], [sflag:$0x5], $0x80, v10, vm0, $0xb8;
	[tilespmem:$0x1C580] =	vst v63  }
0x3ed: {  	s31 =	simm.s32 $0xED80;
	v9 =	vperm.xlane v9, v8  }
0x3ee: {  	[hbm4b:s28+s8] =	stream.indirect_vreg.scatter [tilespmem:s31], [sflag:$0x5], $0x80, v10, vm0, $0xb8;
	[tilespmem:$0x1C580] =	vst v63  }
0x3ef: {  	s16 =	simm.s32 $0xF580;
	v9 =	vadd.s32 v7, v9  }
0x3f0: {  	[hbm4b:s29+s8] =	stream.indirect_vreg.scatter [tilespmem:s16], [sflag:$0x5], $0x80, v10, vm0, $0xb8;
	[tilespmem:$0x1C580] =	vst v63  }
0x3f1: {  	s18 =	simm.s32 $0xFD80  }
0x3f2: {  	[hbm4b:s23+s8] =	stream.indirect_vreg.scatter [tilespmem:s18], [sflag:$0x5], $0x80, v10, vm0, $0xb8;
	[tilespmem:$0x1C580] =	vst v63  }
0x3f3: {  	s17 =	simm.s32 $0x10580  }
0x3f4: {  	[hbm4b:s21+s8] =	stream.indirect_vreg.scatter [tilespmem:s17], [sflag:$0x5], $0x80, v9, vm0, $0xb8;
	[tilespmem:$0x1C580] =	vst v63  }
0x3f5: {  	s15 =	simm.s32 $0x10D80  }
0x3f6: {  	[hbm4b:s14+s8] =	stream.indirect_vreg.scatter [tilespmem:s15], [sflag:$0x5], $0x80, v9, vm0, $0xb8;
	[tilespmem:$0x1C580] =	vst v63  }
0x3f7: {  	s20 =	simm.s32 $0x11580  }
0x3f8: {  	[hbm4b:s24+s8] =	stream.indirect_vreg.scatter [tilespmem:s20], [sflag:$0x5], $0x80, v9, vm0, $0xb8;
	[tilespmem:$0x1C580] =	vst v63  }
0x3f9: {  	s19 =	simm.s32 $0x11D80  }
0x3fa: {  	[hbm4b:s25+s8] =	stream.indirect_vreg.scatter [tilespmem:s19], [sflag:$0x5], $0x80, v9, vm0, $0xb8;
	[tilespmem:$0x1C580] =	vst v63  }
0x3fb: {  	s20 =	simm.s32 $0x12580  }
0x3fc: {  	[hbm4b:s26+s8] =	stream.indirect_vreg.scatter [tilespmem:s20], [sflag:$0x5], $0x80, v9, vm0, $0xb8;
	[tilespmem:$0x1C580] =	vst v63  }
0x3fd: {  	s21 =	simm.s32 $0x12D80  }
0x3fe: {  	[hbm4b:s28+s8] =	stream.indirect_vreg.scatter [tilespmem:s21], [sflag:$0x5], $0x80, v9, vm0, $0xb8;
	[tilespmem:$0x1C580] =	vst v63  }
0x3ff: {  	s21 =	simm.s32 $0x13580  }
0x400: {  	[hbm4b:s29+s8] =	stream.indirect_vreg.scatter [tilespmem:s21], [sflag:$0x5], $0x80, v9, vm0, $0xb8;
	[tilespmem:$0x1C580] =	vst v63  }
0x401: {  	s4 =	simm.s32 $0x13D80  }
0x402: {  	[hbm4b:s23+s8] =	stream.indirect_vreg.scatter [tilespmem:s4], [sflag:$0x5], $0x80, v9, vm0, $0xb8;
	[tilespmem:$0x1C580] =	vst v63  }
0x403: {  	s4 =	simm.s32 $0x5  }
0x404: {  	_ =	swait.ge [sflag:s4], $0x8000  }
0x405: {  	[sflag:s4] =	ssyncset.done $0x0  }
0x406: {  	[sflag:s4] =	ssyncadd.s32 $0xFFFF8000  }
0x407: {  	v9 =	vld [tilespmem:$0x4490];
	_ =	sdelay $0x4  }
0x408: {  	v10 =	vshll.u32 v9, $0x4  }
0x409: {  	v9 =	vand.u32 $0x7, v9;
	v10 =	vand.u32 $0xFFFFFF80, v10  }
0x40a: {  	v9 =	vor.u32 v9, v10  }
0x40b: {  	v10 =	vperm.xlane v9, v6;
	_ =	sdelay $0x1  }
0x40c: {  	v10 =	vadd.s32 v7, v10;
	_ =	sdelay $0x4  }
0x40d: {  	[tilespmem:s0], [sflag:$0x2] =	stream.indirect_vreg.gather [hbm4b:s2+s8], $0x80, v10, vm0, $0xb8;
	[tilespmem:$0x1C580] =	vst v63  }
0x40e: {  	s4 =	simm.s32 $0xCD80  }
0x40f: {  	[tilespmem:s4], [sflag:$0x2] =	stream.indirect_vreg.gather [hbm4b:s1+s8], $0x80, v10, vm0, $0xb8;
	[tilespmem:$0x1C580] =	vst v63  }
0x410: {  	s4 =	simm.s32 $0xD580  }
0x411: {  	[tilespmem:s4], [sflag:$0x2] =	stream.indirect_vreg.gather [hbm4b:s3+s8], $0x80, v10, vm0, $0xb8;
	[tilespmem:$0x1C580] =	vst v63  }
0x412: {  	s4 =	simm.s32 $0xDD80  }
0x413: {  	[tilespmem:s4], [sflag:$0x2] =	stream.indirect_vreg.gather [hbm4b:s9+s8], $0x80, v10, vm0, $0xb8;
	[tilespmem:$0x1C580] =	vst v63  }
0x414: {  	_ = 	snop  }
0x415: {  	[tilespmem:s22], [sflag:$0x2] =	stream.indirect_vreg.gather [hbm4b:s5+s8], $0x80, v10, vm0, $0xb8;
	[tilespmem:$0x1C580] =	vst v63  }
0x416: {  	v9 =	vperm.xlane v9, v8  }
0x417: {  	[tilespmem:s31], [sflag:$0x2] =	stream.indirect_vreg.gather [hbm4b:s6+s8], $0x80, v10, vm0, $0xb8;
	[tilespmem:$0x1C580] =	vst v63  }
0x418: {  	v9 =	vadd.s32 v7, v9  }
0x419: {  	[tilespmem:s16], [sflag:$0x2] =	stream.indirect_vreg.gather [hbm4b:s7+s8], $0x80, v10, vm0, $0xb8;
	[tilespmem:$0x1C580] =	vst v63  }
0x41a: {  	_ = 	snop  }
0x41b: {  	[tilespmem:s18], [sflag:$0x2] =	stream.indirect_vreg.gather [hbm4b:s30+s8], $0x80, v10, vm0, $0xb8;
	[tilespmem:$0x1C580] =	vst v63  }
0x41c: {  	_ = 	snop  }
0x41d: {  	[tilespmem:s17], [sflag:$0x2] =	stream.indirect_vreg.gather [hbm4b:s2+s8], $0x80, v9, vm0, $0xb8;
	[tilespmem:$0x1C580] =	vst v63  }
0x41e: {  	_ = 	snop  }
0x41f: {  	[tilespmem:s15], [sflag:$0x2] =	stream.indirect_vreg.gather [hbm4b:s1+s8], $0x80, v9, vm0, $0xb8;
	[tilespmem:$0x1C580] =	vst v63  }
0x420: {  	s4 =	simm.s32 $0x11580  }
0x421: {  	[tilespmem:s4], [sflag:$0x2] =	stream.indirect_vreg.gather [hbm4b:s3+s8], $0x80, v9, vm0, $0xb8;
	[tilespmem:$0x1C580] =	vst v63  }
0x422: {  	_ = 	snop  }
0x423: {  	[tilespmem:s19], [sflag:$0x2] =	stream.indirect_vreg.gather [hbm4b:s9+s8], $0x80, v9, vm0, $0xb8;
	[tilespmem:$0x1C580] =	vst v63  }
0x424: {  	_ = 	snop  }
0x425: {  	[tilespmem:s20], [sflag:$0x2] =	stream.indirect_vreg.gather [hbm4b:s5+s8], $0x80, v9, vm0, $0xb8;
	[tilespmem:$0x1C580] =	vst v63  }
0x426: {  	s15 =	simm.s32 $0x12D80  }
0x427: {  	[tilespmem:s15], [sflag:$0x2] =	stream.indirect_vreg.gather [hbm4b:s6+s8], $0x80, v9, vm0, $0xb8;
	[tilespmem:$0x1C580] =	vst v63  }
0x428: {  	_ = 	snop  }
0x429: {  	[tilespmem:s21], [sflag:$0x2] =	stream.indirect_vreg.gather [hbm4b:s7+s8], $0x80, v9, vm0, $0xb8;
	[tilespmem:$0x1C580] =	vst v63  }
0x42a: {  	s16 =	simm.s32 $0x13D80;
	s17 =	simm.s32 $0x3  }
0x42b: {  	[tilespmem:s16], [sflag:$0x2] =	stream.indirect_vreg.gather [hbm4b:s30+s8], $0x80, v9, vm0, $0xb8;
	[tilespmem:$0x1C580] =	vst v63  }
0x42c: {  	_ =	swait.ge [sflag:s17], $0x8000  }
0x42d: {  	[sflag:s17] =	ssyncset.done $0x0  }
0x42e: {  	[sflag:s17] =	ssyncadd.s32 $0xFFFF8000  }
0x42f: {  	v9 =	vld [tilespmem:$0x4430];
	_ =	sdelay $0x4  }
0x430: {  	v10 =	vshll.u32 v9, $0x4  }
0x431: {  	v9 =	vand.u32 $0x7, v9;
	v10 =	vand.u32 $0xFFFFFF80, v10  }
0x432: {  	v9 =	vor.u32 v9, v10  }
0x433: {  	v10 =	vperm.xlane v9, v6;
	_ =	sdelay $0x1  }
0x434: {  	v10 =	vadd.s32 v7, v10;
	_ =	sdelay $0x3  }
0x435: {  	s15 =	simm.s32 $0x14580;
	s18 =	rddreg [dreg:$0x3]  }
0x436: {  	[hbm4b:s18+s8] =	stream.indirect_vreg.scatter [tilespmem:s15], [sflag:$0x6], $0x80, v10, vm0, $0xb8;
	[tilespmem:$0x1C580] =	vst v63  }
0x437: {  	s18 =	simm.s32 $0x14D80  }
0x438: {  	[hbm4b:s14+s8] =	stream.indirect_vreg.scatter [tilespmem:s18], [sflag:$0x6], $0x80, v10, vm0, $0xb8;
	[tilespmem:$0x1C580] =	vst v63  }
0x439: {  	s19 =	simm.s32 $0x15580  }
0x43a: {  	[hbm4b:s24+s8] =	stream.indirect_vreg.scatter [tilespmem:s19], [sflag:$0x6], $0x80, v10, vm0, $0xb8;
	[tilespmem:$0x1C580] =	vst v63  }
0x43b: {  	s16 =	simm.s32 $0x15D80  }
0x43c: {  	[hbm4b:s25+s8] =	stream.indirect_vreg.scatter [tilespmem:s16], [sflag:$0x6], $0x80, v10, vm0, $0xb8;
	[tilespmem:$0x1C580] =	vst v63  }
0x43d: {  	s20 =	simm.s32 $0x16580  }
0x43e: {  	[hbm4b:s26+s8] =	stream.indirect_vreg.scatter [tilespmem:s20], [sflag:$0x6], $0x80, v10, vm0, $0xb8;
	[tilespmem:$0x1C580] =	vst v63  }
0x43f: {  	s21 =	simm.s32 $0x16D80;
	v9 =	vperm.xlane v9, v8  }
0x440: {  	[hbm4b:s28+s8] =	stream.indirect_vreg.scatter [tilespmem:s21], [sflag:$0x6], $0x80, v10, vm0, $0xb8;
	[tilespmem:$0x1C580] =	vst v63  }
0x441: {  	s17 =	simm.s32 $0x17580;
	v9 =	vadd.s32 v7, v9  }
0x442: {  	[hbm4b:s29+s8] =	stream.indirect_vreg.scatter [tilespmem:s17], [sflag:$0x6], $0x80, v10, vm0, $0xb8;
	[tilespmem:$0x1C580] =	vst v63  }
0x443: {  	s22 =	simm.s32 $0x17D80  }
0x444: {  	[hbm4b:s23+s8] =	stream.indirect_vreg.scatter [tilespmem:s22], [sflag:$0x6], $0x80, v10, vm0, $0xb8;
	[tilespmem:$0x1C580] =	vst v63  }
0x445: {  	s0 =	smov.u32 s14;
	s31 =	rddreg [dreg:$0x3];
	s14 =	simm.s32 $0x18580  }
0x446: {  	[hbm4b:s31+s8] =	stream.indirect_vreg.scatter [tilespmem:s14], [sflag:$0x6], $0x80, v9, vm0, $0xb8;
	[tilespmem:$0x1C580] =	vst v63  }
0x447: {  	s19 =	simm.s32 $0x18D80  }
0x448: {  	[hbm4b:s0+s8] =	stream.indirect_vreg.scatter [tilespmem:s19], [sflag:$0x6], $0x80, v9, vm0, $0xb8;
	[tilespmem:$0x1C580] =	vst v63  }
0x449: {  	s20 =	simm.s32 $0x19580  }
0x44a: {  	[hbm4b:s24+s8] =	stream.indirect_vreg.scatter [tilespmem:s20], [sflag:$0x6], $0x80, v9, vm0, $0xb8;
	[tilespmem:$0x1C580] =	vst v63  }
0x44b: {  	s21 =	simm.s32 $0x19D80  }
0x44c: {  	[hbm4b:s25+s8] =	stream.indirect_vreg.scatter [tilespmem:s21], [sflag:$0x6], $0x80, v9, vm0, $0xb8;
	[tilespmem:$0x1C580] =	vst v63  }
0x44d: {  	s22 =	simm.s32 $0x1A580  }
0x44e: {  	[hbm4b:s26+s8] =	stream.indirect_vreg.scatter [tilespmem:s22], [sflag:$0x6], $0x80, v9, vm0, $0xb8;
	[tilespmem:$0x1C580] =	vst v63  }
0x44f: {  	s31 =	simm.s32 $0x1AD80  }
0x450: {  	[hbm4b:s28+s8] =	stream.indirect_vreg.scatter [tilespmem:s31], [sflag:$0x6], $0x80, v9, vm0, $0xb8;
	[tilespmem:$0x1C580] =	vst v63  }
0x451: {  	s4 =	simm.s32 $0x1B580  }
0x452: {  	[hbm4b:s29+s8] =	stream.indirect_vreg.scatter [tilespmem:s4], [sflag:$0x6], $0x80, v9, vm0, $0xb8;
	[tilespmem:$0x1C580] =	vst v63  }
0x453: {  	s4 =	simm.s32 $0x1BD80  }
0x454: {  	[hbm4b:s23+s8] =	stream.indirect_vreg.scatter [tilespmem:s4], [sflag:$0x6], $0x80, v9, vm0, $0xb8;
	[tilespmem:$0x1C580] =	vst v63  }
0x455: {  	s4 =	simm.s32 $0x6  }
0x456: {  	_ =	swait.ge [sflag:s4], $0x8000  }
0x457: {  	[sflag:s4] =	ssyncset.done $0x0  }
0x458: {  	[sflag:s4] =	ssyncadd.s32 $0xFFFF8000  }
0x459: {  	v9 =	vld [tilespmem:$0x44A0];
	_ =	sdelay $0x4  }
0x45a: {  	v10 =	vshll.u32 v9, $0x4  }
0x45b: {  	v9 =	vand.u32 $0x7, v9;
	v10 =	vand.u32 $0xFFFFFF80, v10  }
0x45c: {  	v9 =	vor.u32 v9, v10  }
0x45d: {  	v10 =	vperm.xlane v9, v6;
	_ =	sdelay $0x1  }
0x45e: {  	v10 =	vadd.s32 v7, v10;
	_ =	sdelay $0x4  }
0x45f: {  	[tilespmem:s15], [sflag:$0x3] =	stream.indirect_vreg.gather [hbm4b:s2+s8], $0x80, v10, vm0, $0xb8;
	[tilespmem:$0x1C580] =	vst v63  }
0x460: {  	_ = 	snop  }
0x461: {  	[tilespmem:s18], [sflag:$0x3] =	stream.indirect_vreg.gather [hbm4b:s1+s8], $0x80, v10, vm0, $0xb8;
	[tilespmem:$0x1C580] =	vst v63  }
0x462: {  	s18 =	simm.s32 $0x15580  }
0x463: {  	[tilespmem:s18], [sflag:$0x3] =	stream.indirect_vreg.gather [hbm4b:s3+s8], $0x80, v10, vm0, $0xb8;
	[tilespmem:$0x1C580] =	vst v63  }
0x464: {  	_ = 	snop  }
0x465: {  	[tilespmem:s16], [sflag:$0x3] =	stream.indirect_vreg.gather [hbm4b:s9+s8], $0x80, v10, vm0, $0xb8;
	[tilespmem:$0x1C580] =	vst v63  }
0x466: {  	s15 =	simm.s32 $0x16580  }
0x467: {  	[tilespmem:s15], [sflag:$0x3] =	stream.indirect_vreg.gather [hbm4b:s5+s8], $0x80, v10, vm0, $0xb8;
	[tilespmem:$0x1C580] =	vst v63  }
0x468: {  	v9 =	vperm.xlane v9, v8;
	s16 =	simm.s32 $0x16D80  }
0x469: {  	[tilespmem:s16], [sflag:$0x3] =	stream.indirect_vreg.gather [hbm4b:s6+s8], $0x80, v10, vm0, $0xb8;
	[tilespmem:$0x1C580] =	vst v63  }
0x46a: {  	v9 =	vadd.s32 v7, v9  }
0x46b: {  	[tilespmem:s17], [sflag:$0x3] =	stream.indirect_vreg.gather [hbm4b:s7+s8], $0x80, v10, vm0, $0xb8;
	[tilespmem:$0x1C580] =	vst v63  }
0x46c: {  	s18 =	simm.s32 $0x17D80  }
0x46d: {  	[tilespmem:s18], [sflag:$0x3] =	stream.indirect_vreg.gather [hbm4b:s30+s8], $0x80, v10, vm0, $0xb8;
	[tilespmem:$0x1C580] =	vst v63  }
0x46e: {  	_ = 	snop  }
0x46f: {  	[tilespmem:s14], [sflag:$0x3] =	stream.indirect_vreg.gather [hbm4b:s2+s8], $0x80, v9, vm0, $0xb8;
	[tilespmem:$0x1C580] =	vst v63  }
0x470: {  	_ = 	snop  }
0x471: {  	[tilespmem:s19], [sflag:$0x3] =	stream.indirect_vreg.gather [hbm4b:s1+s8], $0x80, v9, vm0, $0xb8;
	[tilespmem:$0x1C580] =	vst v63  }
0x472: {  	_ = 	snop  }
0x473: {  	[tilespmem:s20], [sflag:$0x3] =	stream.indirect_vreg.gather [hbm4b:s3+s8], $0x80, v9, vm0, $0xb8;
	[tilespmem:$0x1C580] =	vst v63  }
0x474: {  	_ = 	snop  }
0x475: {  	[tilespmem:s21], [sflag:$0x3] =	stream.indirect_vreg.gather [hbm4b:s9+s8], $0x80, v9, vm0, $0xb8;
	[tilespmem:$0x1C580] =	vst v63  }
0x476: {  	_ = 	snop  }
0x477: {  	[tilespmem:s22], [sflag:$0x3] =	stream.indirect_vreg.gather [hbm4b:s5+s8], $0x80, v9, vm0, $0xb8;
	[tilespmem:$0x1C580] =	vst v63  }
0x478: {  	_ = 	snop  }
0x479: {  	[tilespmem:s31], [sflag:$0x3] =	stream.indirect_vreg.gather [hbm4b:s6+s8], $0x80, v9, vm0, $0xb8;
	[tilespmem:$0x1C580] =	vst v63  }
0x47a: {  	s20 =	simm.s32 $0x1B580  }
0x47b: {  	[tilespmem:s20], [sflag:$0x3] =	stream.indirect_vreg.gather [hbm4b:s7+s8], $0x80, v9, vm0, $0xb8;
	[tilespmem:$0x1C580] =	vst v63  }
0x47c: {  	s21 =	simm.s32 $0x1BD80;
	s22 =	simm.s32 $0x1  }
0x47d: {  	[tilespmem:s21], [sflag:$0x3] =	stream.indirect_vreg.gather [hbm4b:s30+s8], $0x80, v9, vm0, $0xb8;
	[tilespmem:$0x1C580] =	vst v63  }
0x47e: {  	_ =	swait.ge [sflag:s22], $0x8000  }
0x47f: {  	[sflag:s22] =	ssyncset.done $0x0  }
0x480: {  	[sflag:s22] =	ssyncadd.s32 $0xFFFF8000  }
0x481: {  	v9 =	vld [tilespmem:$0x4500];
	_ =	sdelay $0x4  }
0x482: {  	v10 =	vshll.u32 v9, $0x4  }
0x483: {  	v9 =	vand.u32 $0x7, v9;
	v10 =	vand.u32 $0xFFFFFF80, v10  }
0x484: {  	v9 =	vor.u32 v9, v10  }
0x485: {  	v10 =	vperm.xlane v9, v6;
	_ =	sdelay $0x1  }
0x486: {  	v10 =	vadd.s32 v7, v10;
	_ =	sdelay $0x3  }
0x487: {  	s31 =	simm.s32 $0x4580;
	s4 =	rddreg [dreg:$0x3]  }
0x488: {  	[hbm4b:s4+s8] =	stream.indirect_vreg.scatter [tilespmem:s31], [sflag:$0x4], $0x80, v10, vm0, $0xb8;
	[tilespmem:$0x1C580] =	vst v63  }
0x489: {  	s15 =	simm.s32 $0x4D80  }
0x48a: {  	[hbm4b:s0+s8] =	stream.indirect_vreg.scatter [tilespmem:s15], [sflag:$0x4], $0x80, v10, vm0, $0xb8;
	[tilespmem:$0x1C580] =	vst v63  }
0x48b: {  	s16 =	simm.s32 $0x5580  }
0x48c: {  	[hbm4b:s24+s8] =	stream.indirect_vreg.scatter [tilespmem:s16], [sflag:$0x4], $0x80, v10, vm0, $0xb8;
	[tilespmem:$0x1C580] =	vst v63  }
0x48d: {  	s18 =	simm.s32 $0x5D80  }
0x48e: {  	[hbm4b:s25+s8] =	stream.indirect_vreg.scatter [tilespmem:s18], [sflag:$0x4], $0x80, v10, vm0, $0xb8;
	[tilespmem:$0x1C580] =	vst v63  }
0x48f: {  	s20 =	simm.s32 $0x6580  }
0x490: {  	[hbm4b:s26+s8] =	stream.indirect_vreg.scatter [tilespmem:s20], [sflag:$0x4], $0x80, v10, vm0, $0xb8;
	[tilespmem:$0x1C580] =	vst v63  }
0x491: {  	s21 =	simm.s32 $0x6D80;
	v9 =	vperm.xlane v9, v8  }
0x492: {  	[hbm4b:s28+s8] =	stream.indirect_vreg.scatter [tilespmem:s21], [sflag:$0x4], $0x80, v10, vm0, $0xb8;
	[tilespmem:$0x1C580] =	vst v63  }
0x493: {  	s19 =	simm.s32 $0x7580;
	v9 =	vadd.s32 v7, v9  }
0x494: {  	[hbm4b:s29+s8] =	stream.indirect_vreg.scatter [tilespmem:s19], [sflag:$0x4], $0x80, v10, vm0, $0xb8;
	[tilespmem:$0x1C580] =	vst v63  }
0x495: {  	s22 =	simm.s32 $0x7D80  }
0x496: {  	[hbm4b:s23+s8] =	stream.indirect_vreg.scatter [tilespmem:s22], [sflag:$0x4], $0x80, v10, vm0, $0xb8;
	[tilespmem:$0x1C580] =	vst v63  }
0x497: {  	s31 =	simm.s32 $0x8580  }
0x498: {  	[hbm4b:s4+s8] =	stream.indirect_vreg.scatter [tilespmem:s31], [sflag:$0x4], $0x80, v9, vm0, $0xb8;
	[tilespmem:$0x1C580] =	vst v63  }
0x499: {  	s14 =	simm.s32 $0x8D80  }
0x49a: {  	[hbm4b:s0+s8] =	stream.indirect_vreg.scatter [tilespmem:s14], [sflag:$0x4], $0x80, v9, vm0, $0xb8;
	[tilespmem:$0x1C580] =	vst v63  }
0x49b: {  	s14 =	simm.s32 $0x9580  }
0x49c: {  	[hbm4b:s24+s8] =	stream.indirect_vreg.scatter [tilespmem:s14], [sflag:$0x4], $0x80, v9, vm0, $0xb8;
	[tilespmem:$0x1C580] =	vst v63  }
0x49d: {  	s17 =	simm.s32 $0x9D80  }
0x49e: {  	[hbm4b:s25+s8] =	stream.indirect_vreg.scatter [tilespmem:s17], [sflag:$0x4], $0x80, v9, vm0, $0xb8;
	[tilespmem:$0x1C580] =	vst v63  }
0x49f: {  	s17 =	simm.s32 $0xA580  }
0x4a0: {  	[hbm4b:s26+s8] =	stream.indirect_vreg.scatter [tilespmem:s17], [sflag:$0x4], $0x80, v9, vm0, $0xb8;
	[tilespmem:$0x1C580] =	vst v63  }
0x4a1: {  	s17 =	simm.s32 $0xAD80  }
0x4a2: {  	[hbm4b:s28+s8] =	stream.indirect_vreg.scatter [tilespmem:s17], [sflag:$0x4], $0x80, v9, vm0, $0xb8;
	[tilespmem:$0x1C580] =	vst v63  }
0x4a3: {  	s17 =	simm.s32 $0xB580  }
0x4a4: {  	[hbm4b:s29+s8] =	stream.indirect_vreg.scatter [tilespmem:s17], [sflag:$0x4], $0x80, v9, vm0, $0xb8;
	[tilespmem:$0x1C580] =	vst v63  }
0x4a5: {  	s4 =	simm.s32 $0x4;
	s17 =	simm.s32 $0xBD80  }
0x4a6: {  	[hbm4b:s23+s8] =	stream.indirect_vreg.scatter [tilespmem:s17], [sflag:$0x4], $0x80, v9, vm0, $0xb8;
	[tilespmem:$0x1C580] =	vst v63  }
0x4a7: {  	_ =	swait.ge [sflag:s4], $0x8000  }
0x4a8: {  	[sflag:s4] =	ssyncset.done $0x0  }
0x4a9: {  	[sflag:s4] =	ssyncadd.s32 $0xFFFF8000  }
0x4aa: {  	v9 =	vld [tilespmem:$0x44B0];
	_ =	sdelay $0x4  }
0x4ab: {  	v10 =	vshll.u32 v9, $0x4  }
0x4ac: {  	v9 =	vand.u32 $0x7, v9;
	v10 =	vand.u32 $0xFFFFFF80, v10  }
0x4ad: {  	v9 =	vor.u32 v9, v10  }
0x4ae: {  	v10 =	vperm.xlane v9, v6;
	_ =	sdelay $0x1  }
0x4af: {  	v10 =	vadd.s32 v7, v10;
	_ =	sdelay $0x3  }
0x4b0: {  	s4 =	simm.s32 $0x4580  }
0x4b1: {  	[tilespmem:s4], [sflag:$0x1] =	stream.indirect_vreg.gather [hbm4b:s2+s8], $0x80, v10, vm0, $0xb8;
	[tilespmem:$0x1C580] =	vst v63  }
0x4b2: {  	_ = 	snop  }
0x4b3: {  	[tilespmem:s15], [sflag:$0x1] =	stream.indirect_vreg.gather [hbm4b:s1+s8], $0x80, v10, vm0, $0xb8;
	[tilespmem:$0x1C580] =	vst v63  }
0x4b4: {  	_ = 	snop  }
0x4b5: {  	[tilespmem:s16], [sflag:$0x1] =	stream.indirect_vreg.gather [hbm4b:s3+s8], $0x80, v10, vm0, $0xb8;
	[tilespmem:$0x1C580] =	vst v63  }
0x4b6: {  	_ = 	snop  }
0x4b7: {  	[tilespmem:s18], [sflag:$0x1] =	stream.indirect_vreg.gather [hbm4b:s9+s8], $0x80, v10, vm0, $0xb8;
	[tilespmem:$0x1C580] =	vst v63  }
0x4b8: {  	_ = 	snop  }
0x4b9: {  	[tilespmem:s20], [sflag:$0x1] =	stream.indirect_vreg.gather [hbm4b:s5+s8], $0x80, v10, vm0, $0xb8;
	[tilespmem:$0x1C580] =	vst v63  }
0x4ba: {  	v9 =	vperm.xlane v9, v8  }
0x4bb: {  	[tilespmem:s21], [sflag:$0x1] =	stream.indirect_vreg.gather [hbm4b:s6+s8], $0x80, v10, vm0, $0xb8;
	[tilespmem:$0x1C580] =	vst v63  }
0x4bc: {  	v9 =	vadd.s32 v7, v9  }
0x4bd: {  	[tilespmem:s19], [sflag:$0x1] =	stream.indirect_vreg.gather [hbm4b:s7+s8], $0x80, v10, vm0, $0xb8;
	[tilespmem:$0x1C580] =	vst v63  }
0x4be: {  	_ = 	snop  }
0x4bf: {  	[tilespmem:s22], [sflag:$0x1] =	stream.indirect_vreg.gather [hbm4b:s30+s8], $0x80, v10, vm0, $0xb8;
	[tilespmem:$0x1C580] =	vst v63  }
0x4c0: {  	_ = 	snop  }
0x4c1: {  	[tilespmem:s31], [sflag:$0x1] =	stream.indirect_vreg.gather [hbm4b:s2+s8], $0x80, v9, vm0, $0xb8;
	[tilespmem:$0x1C580] =	vst v63  }
0x4c2: {  	s31 =	simm.s32 $0x8D80  }
0x4c3: {  	[tilespmem:s31], [sflag:$0x1] =	stream.indirect_vreg.gather [hbm4b:s1+s8], $0x80, v9, vm0, $0xb8;
	[tilespmem:$0x1C580] =	vst v63  }
0x4c4: {  	_ = 	snop  }
0x4c5: {  	[tilespmem:s14], [sflag:$0x1] =	stream.indirect_vreg.gather [hbm4b:s3+s8], $0x80, v9, vm0, $0xb8;
	[tilespmem:$0x1C580] =	vst v63  }
0x4c6: {  	s14 =	simm.s32 $0x9D80  }
0x4c7: {  	[tilespmem:s14], [sflag:$0x1] =	stream.indirect_vreg.gather [hbm4b:s9+s8], $0x80, v9, vm0, $0xb8;
	[tilespmem:$0x1C580] =	vst v63  }
0x4c8: {  	s15 =	simm.s32 $0xA580  }
0x4c9: {  	[tilespmem:s15], [sflag:$0x1] =	stream.indirect_vreg.gather [hbm4b:s5+s8], $0x80, v9, vm0, $0xb8;
	[tilespmem:$0x1C580] =	vst v63  }
0x4ca: {  	s16 =	simm.s32 $0xAD80  }
0x4cb: {  	[tilespmem:s16], [sflag:$0x1] =	stream.indirect_vreg.gather [hbm4b:s6+s8], $0x80, v9, vm0, $0xb8;
	[tilespmem:$0x1C580] =	vst v63  }
0x4cc: {  	s18 =	simm.s32 $0xB580  }
0x4cd: {  	[tilespmem:s18], [sflag:$0x1] =	stream.indirect_vreg.gather [hbm4b:s7+s8], $0x80, v9, vm0, $0xb8;
	[tilespmem:$0x1C580] =	vst v63  }
0x4ce: {  	s19 =	simm.s32 $0x2  }
0x4cf: {  	[tilespmem:s17], [sflag:$0x1] =	stream.indirect_vreg.gather [hbm4b:s30+s8], $0x80, v9, vm0, $0xb8;
	[tilespmem:$0x1C580] =	vst v63  }
0x4d0: {  	_ =	swait.ge [sflag:s19], $0x8000  }
0x4d1: {  	[sflag:s19] =	ssyncset.done $0x0  }
0x4d2: {  	[sflag:s19] =	ssyncadd.s32 $0xFFFF8000  }
0x4d3: {  	v9 =	vld [tilespmem:$0x4510];
	_ =	sdelay $0x4  }
0x4d4: {  	v10 =	vshll.u32 v9, $0x4  }
0x4d5: {  	v9 =	vand.u32 $0x7, v9;
	v10 =	vand.u32 $0xFFFFFF80, v10  }
0x4d6: {  	v9 =	vor.u32 v9, v10  }
0x4d7: {  	v10 =	vperm.xlane v9, v6;
	_ =	sdelay $0x1  }
0x4d8: {  	v10 =	vadd.s32 v7, v10;
	_ =	sdelay $0x3  }
0x4d9: {  	s21 =	simm.s32 $0xC580;
	s4 =	rddreg [dreg:$0x3]  }
0x4da: {  	[hbm4b:s4+s8] =	stream.indirect_vreg.scatter [tilespmem:s21], [sflag:$0x5], $0x80, v10, vm0, $0xb8;
	[tilespmem:$0x1C580] =	vst v63  }
0x4db: {  	s22 =	simm.s32 $0xCD80  }
0x4dc: {  	[hbm4b:s0+s8] =	stream.indirect_vreg.scatter [tilespmem:s22], [sflag:$0x5], $0x80, v10, vm0, $0xb8;
	[tilespmem:$0x1C580] =	vst v63  }
0x4dd: {  	s31 =	simm.s32 $0xD580  }
0x4de: {  	[hbm4b:s24+s8] =	stream.indirect_vreg.scatter [tilespmem:s31], [sflag:$0x5], $0x80, v10, vm0, $0xb8;
	[tilespmem:$0x1C580] =	vst v63  }
0x4df: {  	s17 =	simm.s32 $0xDD80  }
0x4e0: {  	[hbm4b:s25+s8] =	stream.indirect_vreg.scatter [tilespmem:s17], [sflag:$0x5], $0x80, v10, vm0, $0xb8;
	[tilespmem:$0x1C580] =	vst v63  }
0x4e1: {  	s20 =	simm.s32 $0xE580  }
0x4e2: {  	[hbm4b:s26+s8] =	stream.indirect_vreg.scatter [tilespmem:s20], [sflag:$0x5], $0x80, v10, vm0, $0xb8;
	[tilespmem:$0x1C580] =	vst v63  }
0x4e3: {  	s15 =	simm.s32 $0xED80;
	v9 =	vperm.xlane v9, v8  }
0x4e4: {  	[hbm4b:s28+s8] =	stream.indirect_vreg.scatter [tilespmem:s15], [sflag:$0x5], $0x80, v10, vm0, $0xb8;
	[tilespmem:$0x1C580] =	vst v63  }
0x4e5: {  	s16 =	simm.s32 $0xF580;
	v9 =	vadd.s32 v7, v9  }
0x4e6: {  	[hbm4b:s29+s8] =	stream.indirect_vreg.scatter [tilespmem:s16], [sflag:$0x5], $0x80, v10, vm0, $0xb8;
	[tilespmem:$0x1C580] =	vst v63  }
0x4e7: {  	s18 =	simm.s32 $0xFD80  }
0x4e8: {  	[hbm4b:s23+s8] =	stream.indirect_vreg.scatter [tilespmem:s18], [sflag:$0x5], $0x80, v10, vm0, $0xb8;
	[tilespmem:$0x1C580] =	vst v63  }
0x4e9: {  	s19 =	simm.s32 $0x10580  }
0x4ea: {  	[hbm4b:s4+s8] =	stream.indirect_vreg.scatter [tilespmem:s19], [sflag:$0x5], $0x80, v9, vm0, $0xb8;
	[tilespmem:$0x1C580] =	vst v63  }
0x4eb: {  	s4 =	simm.s32 $0x10D80  }
0x4ec: {  	[hbm4b:s0+s8] =	stream.indirect_vreg.scatter [tilespmem:s4], [sflag:$0x5], $0x80, v9, vm0, $0xb8;
	[tilespmem:$0x1C580] =	vst v63  }
0x4ed: {  	s14 =	simm.s32 $0x11580  }
0x4ee: {  	[hbm4b:s24+s8] =	stream.indirect_vreg.scatter [tilespmem:s14], [sflag:$0x5], $0x80, v9, vm0, $0xb8;
	[tilespmem:$0x1C580] =	vst v63  }
0x4ef: {  	s19 =	simm.s32 $0x11D80  }
0x4f0: {  	[hbm4b:s25+s8] =	stream.indirect_vreg.scatter [tilespmem:s19], [sflag:$0x5], $0x80, v9, vm0, $0xb8;
	[tilespmem:$0x1C580] =	vst v63  }
0x4f1: {  	s18 =	simm.s32 $0x12580  }
0x4f2: {  	[hbm4b:s26+s8] =	stream.indirect_vreg.scatter [tilespmem:s18], [sflag:$0x5], $0x80, v9, vm0, $0xb8;
	[tilespmem:$0x1C580] =	vst v63  }
0x4f3: {  	s16 =	simm.s32 $0x12D80  }
0x4f4: {  	[hbm4b:s28+s8] =	stream.indirect_vreg.scatter [tilespmem:s16], [sflag:$0x5], $0x80, v9, vm0, $0xb8;
	[tilespmem:$0x1C580] =	vst v63  }
0x4f5: {  	s20 =	simm.s32 $0x13580  }
0x4f6: {  	[hbm4b:s29+s8] =	stream.indirect_vreg.scatter [tilespmem:s20], [sflag:$0x5], $0x80, v9, vm0, $0xb8;
	[tilespmem:$0x1C580] =	vst v63  }
0x4f7: {  	s15 =	simm.s32 $0x5;
	s20 =	simm.s32 $0x13D80  }
0x4f8: {  	[hbm4b:s23+s8] =	stream.indirect_vreg.scatter [tilespmem:s20], [sflag:$0x5], $0x80, v9, vm0, $0xb8;
	[tilespmem:$0x1C580] =	vst v63  }
0x4f9: {  	_ =	swait.ge [sflag:s15], $0x8000  }
0x4fa: {  	[sflag:s15] =	ssyncset.done $0x0  }
0x4fb: {  	[sflag:s15] =	ssyncadd.s32 $0xFFFF8000  }
0x4fc: {  	v9 =	vld [tilespmem:$0x44C0];
	_ =	sdelay $0x4  }
0x4fd: {  	v10 =	vshll.u32 v9, $0x4  }
0x4fe: {  	v9 =	vand.u32 $0x7, v9;
	v10 =	vand.u32 $0xFFFFFF80, v10  }
0x4ff: {  	v9 =	vor.u32 v9, v10  }
0x500: {  	v10 =	vperm.xlane v9, v6;
	_ =	sdelay $0x1  }
0x501: {  	v10 =	vadd.s32 v7, v10;
	_ =	sdelay $0x4  }
0x502: {  	[tilespmem:s21], [sflag:$0x2] =	stream.indirect_vreg.gather [hbm4b:s2+s8], $0x80, v10, vm0, $0xb8;
	[tilespmem:$0x1C580] =	vst v63  }
0x503: {  	_ = 	snop  }
0x504: {  	[tilespmem:s22], [sflag:$0x2] =	stream.indirect_vreg.gather [hbm4b:s1+s8], $0x80, v10, vm0, $0xb8;
	[tilespmem:$0x1C580] =	vst v63  }
0x505: {  	_ = 	snop  }
0x506: {  	[tilespmem:s31], [sflag:$0x2] =	stream.indirect_vreg.gather [hbm4b:s3+s8], $0x80, v10, vm0, $0xb8;
	[tilespmem:$0x1C580] =	vst v63  }
0x507: {  	_ = 	snop  }
0x508: {  	[tilespmem:s17], [sflag:$0x2] =	stream.indirect_vreg.gather [hbm4b:s9+s8], $0x80, v10, vm0, $0xb8;
	[tilespmem:$0x1C580] =	vst v63  }
0x509: {  	s31 =	simm.s32 $0xE580  }
0x50a: {  	[tilespmem:s31], [sflag:$0x2] =	stream.indirect_vreg.gather [hbm4b:s5+s8], $0x80, v10, vm0, $0xb8;
	[tilespmem:$0x1C580] =	vst v63  }
0x50b: {  	v9 =	vperm.xlane v9, v8;
	s17 =	simm.s32 $0xED80  }
0x50c: {  	[tilespmem:s17], [sflag:$0x2] =	stream.indirect_vreg.gather [hbm4b:s6+s8], $0x80, v10, vm0, $0xb8;
	[tilespmem:$0x1C580] =	vst v63  }
0x50d: {  	v9 =	vadd.s32 v7, v9;
	s21 =	simm.s32 $0xF580  }
0x50e: {  	[tilespmem:s21], [sflag:$0x2] =	stream.indirect_vreg.gather [hbm4b:s7+s8], $0x80, v10, vm0, $0xb8;
	[tilespmem:$0x1C580] =	vst v63  }
0x50f: {  	s22 =	simm.s32 $0xFD80  }
0x510: {  	[tilespmem:s22], [sflag:$0x2] =	stream.indirect_vreg.gather [hbm4b:s30+s8], $0x80, v10, vm0, $0xb8;
	[tilespmem:$0x1C580] =	vst v63  }
0x511: {  	s31 =	simm.s32 $0x10580  }
0x512: {  	[tilespmem:s31], [sflag:$0x2] =	stream.indirect_vreg.gather [hbm4b:s2+s8], $0x80, v9, vm0, $0xb8;
	[tilespmem:$0x1C580] =	vst v63  }
0x513: {  	_ = 	snop  }
0x514: {  	[tilespmem:s4], [sflag:$0x2] =	stream.indirect_vreg.gather [hbm4b:s1+s8], $0x80, v9, vm0, $0xb8;
	[tilespmem:$0x1C580] =	vst v63  }
0x515: {  	_ = 	snop  }
0x516: {  	[tilespmem:s14], [sflag:$0x2] =	stream.indirect_vreg.gather [hbm4b:s3+s8], $0x80, v9, vm0, $0xb8;
	[tilespmem:$0x1C580] =	vst v63  }
0x517: {  	_ = 	snop  }
0x518: {  	[tilespmem:s19], [sflag:$0x2] =	stream.indirect_vreg.gather [hbm4b:s9+s8], $0x80, v9, vm0, $0xb8;
	[tilespmem:$0x1C580] =	vst v63  }
0x519: {  	_ = 	snop  }
0x51a: {  	[tilespmem:s18], [sflag:$0x2] =	stream.indirect_vreg.gather [hbm4b:s5+s8], $0x80, v9, vm0, $0xb8;
	[tilespmem:$0x1C580] =	vst v63  }
0x51b: {  	_ = 	snop  }
0x51c: {  	[tilespmem:s16], [sflag:$0x2] =	stream.indirect_vreg.gather [hbm4b:s6+s8], $0x80, v9, vm0, $0xb8;
	[tilespmem:$0x1C580] =	vst v63  }
0x51d: {  	s17 =	simm.s32 $0x13580  }
0x51e: {  	[tilespmem:s17], [sflag:$0x2] =	stream.indirect_vreg.gather [hbm4b:s7+s8], $0x80, v9, vm0, $0xb8;
	[tilespmem:$0x1C580] =	vst v63  }
0x51f: {  	s18 =	simm.s32 $0x3  }
0x520: {  	[tilespmem:s20], [sflag:$0x2] =	stream.indirect_vreg.gather [hbm4b:s30+s8], $0x80, v9, vm0, $0xb8;
	[tilespmem:$0x1C580] =	vst v63  }
0x521: {  	_ =	swait.ge [sflag:s18], $0x8000  }
0x522: {  	[sflag:s18] =	ssyncset.done $0x0  }
0x523: {  	[sflag:s18] =	ssyncadd.s32 $0xFFFF8000  }
0x524: {  	v9 =	vld [tilespmem:$0x4520];
	_ =	sdelay $0x4  }
0x525: {  	v10 =	vshll.u32 v9, $0x4  }
0x526: {  	v9 =	vand.u32 $0x7, v9;
	v10 =	vand.u32 $0xFFFFFF80, v10  }
0x527: {  	v9 =	vor.u32 v9, v10  }
0x528: {  	v10 =	vperm.xlane v9, v6;
	_ =	sdelay $0x1  }
0x529: {  	v10 =	vadd.s32 v7, v10;
	_ =	sdelay $0x3  }
0x52a: {  	s19 =	simm.s32 $0x14580;
	s20 =	rddreg [dreg:$0x3]  }
0x52b: {  	[hbm4b:s20+s8] =	stream.indirect_vreg.scatter [tilespmem:s19], [sflag:$0x6], $0x80, v10, vm0, $0xb8;
	[tilespmem:$0x1C580] =	vst v63  }
0x52c: {  	s22 =	simm.s32 $0x14D80  }
0x52d: {  	[hbm4b:s0+s8] =	stream.indirect_vreg.scatter [tilespmem:s22], [sflag:$0x6], $0x80, v10, vm0, $0xb8;
	[tilespmem:$0x1C580] =	vst v63  }
0x52e: {  	s16 =	simm.s32 $0x15580  }
0x52f: {  	[hbm4b:s24+s8] =	stream.indirect_vreg.scatter [tilespmem:s16], [sflag:$0x6], $0x80, v10, vm0, $0xb8;
	[tilespmem:$0x1C580] =	vst v63  }
0x530: {  	s4 =	simm.s32 $0x15D80  }
0x531: {  	[hbm4b:s25+s8] =	stream.indirect_vreg.scatter [tilespmem:s4], [sflag:$0x6], $0x80, v10, vm0, $0xb8;
	[tilespmem:$0x1C580] =	vst v63  }
0x532: {  	s21 =	simm.s32 $0x16580  }
0x533: {  	[hbm4b:s26+s8] =	stream.indirect_vreg.scatter [tilespmem:s21], [sflag:$0x6], $0x80, v10, vm0, $0xb8;
	[tilespmem:$0x1C580] =	vst v63  }
0x534: {  	s15 =	simm.s32 $0x16D80;
	v9 =	vperm.xlane v9, v8  }
0x535: {  	[hbm4b:s28+s8] =	stream.indirect_vreg.scatter [tilespmem:s15], [sflag:$0x6], $0x80, v10, vm0, $0xb8;
	[tilespmem:$0x1C580] =	vst v63  }
0x536: {  	s14 =	simm.s32 $0x17580;
	v9 =	vadd.s32 v7, v9  }
0x537: {  	[hbm4b:s29+s8] =	stream.indirect_vreg.scatter [tilespmem:s14], [sflag:$0x6], $0x80, v10, vm0, $0xb8;
	[tilespmem:$0x1C580] =	vst v63  }
0x538: {  	s22 =	simm.s32 $0x17D80  }
0x539: {  	[hbm4b:s23+s8] =	stream.indirect_vreg.scatter [tilespmem:s22], [sflag:$0x6], $0x80, v10, vm0, $0xb8;
	[tilespmem:$0x1C580] =	vst v63  }
0x53a: {  	s17 =	simm.s32 $0x18580  }
0x53b: {  	[hbm4b:s20+s8] =	stream.indirect_vreg.scatter [tilespmem:s17], [sflag:$0x6], $0x80, v9, vm0, $0xb8;
	[tilespmem:$0x1C580] =	vst v63  }
0x53c: {  	s31 =	simm.s32 $0x18D80  }
0x53d: {  	[hbm4b:s0+s8] =	stream.indirect_vreg.scatter [tilespmem:s31], [sflag:$0x6], $0x80, v9, vm0, $0xb8;
	[tilespmem:$0x1C580] =	vst v63  }
0x53e: {  	s19 =	simm.s32 $0x19580  }
0x53f: {  	[hbm4b:s24+s8] =	stream.indirect_vreg.scatter [tilespmem:s19], [sflag:$0x6], $0x80, v9, vm0, $0xb8;
	[tilespmem:$0x1C580] =	vst v63  }
0x540: {  	s20 =	simm.s32 $0x19D80  }
0x541: {  	[hbm4b:s25+s8] =	stream.indirect_vreg.scatter [tilespmem:s20], [sflag:$0x6], $0x80, v9, vm0, $0xb8;
	[tilespmem:$0x1C580] =	vst v63  }
0x542: {  	s18 =	simm.s32 $0x1A580  }
0x543: {  	[hbm4b:s26+s8] =	stream.indirect_vreg.scatter [tilespmem:s18], [sflag:$0x6], $0x80, v9, vm0, $0xb8;
	[tilespmem:$0x1C580] =	vst v63  }
0x544: {  	s31 =	simm.s32 $0x1AD80  }
0x545: {  	[hbm4b:s28+s8] =	stream.indirect_vreg.scatter [tilespmem:s31], [sflag:$0x6], $0x80, v9, vm0, $0xb8;
	[tilespmem:$0x1C580] =	vst v63  }
0x546: {  	s19 =	simm.s32 $0x1B580  }
0x547: {  	[hbm4b:s29+s8] =	stream.indirect_vreg.scatter [tilespmem:s19], [sflag:$0x6], $0x80, v9, vm0, $0xb8;
	[tilespmem:$0x1C580] =	vst v63  }
0x548: {  	s20 =	simm.s32 $0x1BD80;
	s31 =	simm.s32 $0x6  }
0x549: {  	[hbm4b:s23+s8] =	stream.indirect_vreg.scatter [tilespmem:s20], [sflag:$0x6], $0x80, v9, vm0, $0xb8;
	[tilespmem:$0x1C580] =	vst v63  }
0x54a: {  	_ =	swait.ge [sflag:s31], $0x8000  }
0x54b: {  	[sflag:s31] =	ssyncset.done $0x0  }
0x54c: {  	[sflag:s31] =	ssyncadd.s32 $0xFFFF8000  }
0x54d: {  	v9 =	vld [tilespmem:$0x44D0];
	_ =	sdelay $0x4  }
0x54e: {  	v10 =	vshll.u32 v9, $0x4  }
0x54f: {  	v9 =	vand.u32 $0x7, v9;
	v10 =	vand.u32 $0xFFFFFF80, v10  }
0x550: {  	v9 =	vor.u32 v9, v10  }
0x551: {  	v10 =	vperm.xlane v9, v6;
	_ =	sdelay $0x1  }
0x552: {  	v10 =	vadd.s32 v7, v10;
	_ =	sdelay $0x3  }
0x553: {  	s31 =	simm.s32 $0x14580  }
0x554: {  	[tilespmem:s31], [sflag:$0x3] =	stream.indirect_vreg.gather [hbm4b:s2+s8], $0x80, v10, vm0, $0xb8;
	[tilespmem:$0x1C580] =	vst v63  }
0x555: {  	s31 =	simm.s32 $0x14D80  }
0x556: {  	[tilespmem:s31], [sflag:$0x3] =	stream.indirect_vreg.gather [hbm4b:s1+s8], $0x80, v10, vm0, $0xb8;
	[tilespmem:$0x1C580] =	vst v63  }
0x557: {  	_ = 	snop  }
0x558: {  	[tilespmem:s16], [sflag:$0x3] =	stream.indirect_vreg.gather [hbm4b:s3+s8], $0x80, v10, vm0, $0xb8;
	[tilespmem:$0x1C580] =	vst v63  }
0x559: {  	_ = 	snop  }
0x55a: {  	[tilespmem:s4], [sflag:$0x3] =	stream.indirect_vreg.gather [hbm4b:s9+s8], $0x80, v10, vm0, $0xb8;
	[tilespmem:$0x1C580] =	vst v63  }
0x55b: {  	_ = 	snop  }
0x55c: {  	[tilespmem:s21], [sflag:$0x3] =	stream.indirect_vreg.gather [hbm4b:s5+s8], $0x80, v10, vm0, $0xb8;
	[tilespmem:$0x1C580] =	vst v63  }
0x55d: {  	v9 =	vperm.xlane v9, v8  }
0x55e: {  	[tilespmem:s15], [sflag:$0x3] =	stream.indirect_vreg.gather [hbm4b:s6+s8], $0x80, v10, vm0, $0xb8;
	[tilespmem:$0x1C580] =	vst v63  }
0x55f: {  	v9 =	vadd.s32 v7, v9  }
0x560: {  	[tilespmem:s14], [sflag:$0x3] =	stream.indirect_vreg.gather [hbm4b:s7+s8], $0x80, v10, vm0, $0xb8;
	[tilespmem:$0x1C580] =	vst v63  }
0x561: {  	_ = 	snop  }
0x562: {  	[tilespmem:s22], [sflag:$0x3] =	stream.indirect_vreg.gather [hbm4b:s30+s8], $0x80, v10, vm0, $0xb8;
	[tilespmem:$0x1C580] =	vst v63  }
0x563: {  	_ = 	snop  }
0x564: {  	[tilespmem:s17], [sflag:$0x3] =	stream.indirect_vreg.gather [hbm4b:s2+s8], $0x80, v9, vm0, $0xb8;
	[tilespmem:$0x1C580] =	vst v63  }
0x565: {  	s14 =	simm.s32 $0x18D80  }
0x566: {  	[tilespmem:s14], [sflag:$0x3] =	stream.indirect_vreg.gather [hbm4b:s1+s8], $0x80, v9, vm0, $0xb8;
	[tilespmem:$0x1C580] =	vst v63  }
0x567: {  	s15 =	simm.s32 $0x19580  }
0x568: {  	[tilespmem:s15], [sflag:$0x3] =	stream.indirect_vreg.gather [hbm4b:s3+s8], $0x80, v9, vm0, $0xb8;
	[tilespmem:$0x1C580] =	vst v63  }
0x569: {  	s16 =	simm.s32 $0x19D80  }
0x56a: {  	[tilespmem:s16], [sflag:$0x3] =	stream.indirect_vreg.gather [hbm4b:s9+s8], $0x80, v9, vm0, $0xb8;
	[tilespmem:$0x1C580] =	vst v63  }
0x56b: {  	_ = 	snop  }
0x56c: {  	[tilespmem:s18], [sflag:$0x3] =	stream.indirect_vreg.gather [hbm4b:s5+s8], $0x80, v9, vm0, $0xb8;
	[tilespmem:$0x1C580] =	vst v63  }
0x56d: {  	s17 =	simm.s32 $0x1AD80  }
0x56e: {  	[tilespmem:s17], [sflag:$0x3] =	stream.indirect_vreg.gather [hbm4b:s6+s8], $0x80, v9, vm0, $0xb8;
	[tilespmem:$0x1C580] =	vst v63  }
0x56f: {  	_ = 	snop  }
0x570: {  	[tilespmem:s19], [sflag:$0x3] =	stream.indirect_vreg.gather [hbm4b:s7+s8], $0x80, v9, vm0, $0xb8;
	[tilespmem:$0x1C580] =	vst v63  }
0x571: {  	s18 =	simm.s32 $0x1  }
0x572: {  	[tilespmem:s20], [sflag:$0x3] =	stream.indirect_vreg.gather [hbm4b:s30+s8], $0x80, v9, vm0, $0xb8;
	[tilespmem:$0x1C580] =	vst v63  }
0x573: {  	_ =	swait.ge [sflag:s18], $0x8000  }
0x574: {  	[sflag:s18] =	ssyncset.done $0x0  }
0x575: {  	[sflag:s18] =	ssyncadd.s32 $0xFFFF8000  }
0x576: {  	v9 =	vld [tilespmem:$0x4530];
	_ =	sdelay $0x4  }
0x577: {  	v10 =	vshll.u32 v9, $0x4  }
0x578: {  	v9 =	vand.u32 $0x7, v9;
	v10 =	vand.u32 $0xFFFFFF80, v10  }
0x579: {  	v9 =	vor.u32 v9, v10  }
0x57a: {  	v10 =	vperm.xlane v9, v6;
	_ =	sdelay $0x1  }
0x57b: {  	v10 =	vadd.s32 v7, v10;
	_ =	sdelay $0x3  }
0x57c: {  	s18 =	simm.s32 $0x4580;
	s15 =	rddreg [dreg:$0x3]  }
0x57d: {  	[hbm4b:s15+s8] =	stream.indirect_vreg.scatter [tilespmem:s18], [sflag:$0x4], $0x80, v10, vm0, $0xb8;
	[tilespmem:$0x1C580] =	vst v63  }
0x57e: {  	s4 =	simm.s32 $0x4D80  }
0x57f: {  	[hbm4b:s0+s8] =	stream.indirect_vreg.scatter [tilespmem:s4], [sflag:$0x4], $0x80, v10, vm0, $0xb8;
	[tilespmem:$0x1C580] =	vst v63  }
0x580: {  	s31 =	simm.s32 $0x5580  }
0x581: {  	[hbm4b:s24+s8] =	stream.indirect_vreg.scatter [tilespmem:s31], [sflag:$0x4], $0x80, v10, vm0, $0xb8;
	[tilespmem:$0x1C580] =	vst v63  }
0x582: {  	s19 =	simm.s32 $0x5D80  }
0x583: {  	[hbm4b:s25+s8] =	stream.indirect_vreg.scatter [tilespmem:s19], [sflag:$0x4], $0x80, v10, vm0, $0xb8;
	[tilespmem:$0x1C580] =	vst v63  }
0x584: {  	s20 =	simm.s32 $0x6580  }
0x585: {  	[hbm4b:s26+s8] =	stream.indirect_vreg.scatter [tilespmem:s20], [sflag:$0x4], $0x80, v10, vm0, $0xb8;
	[tilespmem:$0x1C580] =	vst v63  }
0x586: {  	s21 =	simm.s32 $0x6D80;
	v9 =	vperm.xlane v9, v8  }
0x587: {  	[hbm4b:s28+s8] =	stream.indirect_vreg.scatter [tilespmem:s21], [sflag:$0x4], $0x80, v10, vm0, $0xb8;
	[tilespmem:$0x1C580] =	vst v63  }
0x588: {  	s22 =	simm.s32 $0x7580;
	v9 =	vadd.s32 v7, v9  }
0x589: {  	[hbm4b:s29+s8] =	stream.indirect_vreg.scatter [tilespmem:s22], [sflag:$0x4], $0x80, v10, vm0, $0xb8;
	[tilespmem:$0x1C580] =	vst v63  }
0x58a: {  	s16 =	simm.s32 $0x7D80  }
0x58b: {  	[hbm4b:s23+s8] =	stream.indirect_vreg.scatter [tilespmem:s16], [sflag:$0x4], $0x80, v10, vm0, $0xb8;
	[tilespmem:$0x1C580] =	vst v63  }
0x58c: {  	s17 =	simm.s32 $0x8580  }
0x58d: {  	[hbm4b:s15+s8] =	stream.indirect_vreg.scatter [tilespmem:s17], [sflag:$0x4], $0x80, v9, vm0, $0xb8;
	[tilespmem:$0x1C580] =	vst v63  }
0x58e: {  	s15 =	simm.s32 $0x8D80  }
0x58f: {  	[hbm4b:s0+s8] =	stream.indirect_vreg.scatter [tilespmem:s15], [sflag:$0x4], $0x80, v9, vm0, $0xb8;
	[tilespmem:$0x1C580] =	vst v63  }
0x590: {  	s16 =	simm.s32 $0x9580  }
0x591: {  	[hbm4b:s24+s8] =	stream.indirect_vreg.scatter [tilespmem:s16], [sflag:$0x4], $0x80, v9, vm0, $0xb8;
	[tilespmem:$0x1C580] =	vst v63  }
0x592: {  	s19 =	simm.s32 $0x9D80  }
0x593: {  	[hbm4b:s25+s8] =	stream.indirect_vreg.scatter [tilespmem:s19], [sflag:$0x4], $0x80, v9, vm0, $0xb8;
	[tilespmem:$0x1C580] =	vst v63  }
0x594: {  	s20 =	simm.s32 $0xA580  }
0x595: {  	[hbm4b:s26+s8] =	stream.indirect_vreg.scatter [tilespmem:s20], [sflag:$0x4], $0x80, v9, vm0, $0xb8;
	[tilespmem:$0x1C580] =	vst v63  }
0x596: {  	s21 =	simm.s32 $0xAD80  }
0x597: {  	[hbm4b:s28+s8] =	stream.indirect_vreg.scatter [tilespmem:s21], [sflag:$0x4], $0x80, v9, vm0, $0xb8;
	[tilespmem:$0x1C580] =	vst v63  }
0x598: {  	s17 =	simm.s32 $0xB580  }
0x599: {  	[hbm4b:s29+s8] =	stream.indirect_vreg.scatter [tilespmem:s17], [sflag:$0x4], $0x80, v9, vm0, $0xb8;
	[tilespmem:$0x1C580] =	vst v63  }
0x59a: {  	s14 =	simm.s32 $0xBD80;
	s22 =	simm.s32 $0x4  }
0x59b: {  	[hbm4b:s23+s8] =	stream.indirect_vreg.scatter [tilespmem:s14], [sflag:$0x4], $0x80, v9, vm0, $0xb8;
	[tilespmem:$0x1C580] =	vst v63  }
0x59c: {  	_ =	swait.ge [sflag:s22], $0x8000  }
0x59d: {  	[sflag:s22] =	ssyncset.done $0x0  }
0x59e: {  	[sflag:s22] =	ssyncadd.s32 $0xFFFF8000  }
0x59f: {  	v9 =	vld [tilespmem:$0x44E0];
	_ =	sdelay $0x4  }
0x5a0: {  	v10 =	vshll.u32 v9, $0x4  }
0x5a1: {  	v9 =	vand.u32 $0x7, v9;
	v10 =	vand.u32 $0xFFFFFF80, v10  }
0x5a2: {  	v9 =	vor.u32 v9, v10  }
0x5a3: {  	v10 =	vperm.xlane v9, v6;
	_ =	sdelay $0x1  }
0x5a4: {  	v10 =	vadd.s32 v7, v10;
	_ =	sdelay $0x4  }
0x5a5: {  	[tilespmem:s18], [sflag:$0x1] =	stream.indirect_vreg.gather [hbm4b:s2+s8], $0x80, v10, vm0, $0xb8;
	[tilespmem:$0x1C580] =	vst v63  }
0x5a6: {  	_ = 	snop  }
0x5a7: {  	[tilespmem:s4], [sflag:$0x1] =	stream.indirect_vreg.gather [hbm4b:s1+s8], $0x80, v10, vm0, $0xb8;
	[tilespmem:$0x1C580] =	vst v63  }
0x5a8: {  	_ = 	snop  }
0x5a9: {  	[tilespmem:s31], [sflag:$0x1] =	stream.indirect_vreg.gather [hbm4b:s3+s8], $0x80, v10, vm0, $0xb8;
	[tilespmem:$0x1C580] =	vst v63  }
0x5aa: {  	s18 =	simm.s32 $0x5D80  }
0x5ab: {  	[tilespmem:s18], [sflag:$0x1] =	stream.indirect_vreg.gather [hbm4b:s9+s8], $0x80, v10, vm0, $0xb8;
	[tilespmem:$0x1C580] =	vst v63  }
0x5ac: {  	s22 =	simm.s32 $0x6580  }
0x5ad: {  	[tilespmem:s22], [sflag:$0x1] =	stream.indirect_vreg.gather [hbm4b:s5+s8], $0x80, v10, vm0, $0xb8;
	[tilespmem:$0x1C580] =	vst v63  }
0x5ae: {  	v9 =	vperm.xlane v9, v8;
	s31 =	simm.s32 $0x6D80  }
0x5af: {  	[tilespmem:s31], [sflag:$0x1] =	stream.indirect_vreg.gather [hbm4b:s6+s8], $0x80, v10, vm0, $0xb8;
	[tilespmem:$0x1C580] =	vst v63  }
0x5b0: {  	v9 =	vadd.s32 v7, v9;
	s18 =	simm.s32 $0x7580  }
0x5b1: {  	[tilespmem:s18], [sflag:$0x1] =	stream.indirect_vreg.gather [hbm4b:s7+s8], $0x80, v10, vm0, $0xb8;
	[tilespmem:$0x1C580] =	vst v63  }
0x5b2: {  	s22 =	simm.s32 $0x7D80  }
0x5b3: {  	[tilespmem:s22], [sflag:$0x1] =	stream.indirect_vreg.gather [hbm4b:s30+s8], $0x80, v10, vm0, $0xb8;
	[tilespmem:$0x1C580] =	vst v63  }
0x5b4: {  	s31 =	simm.s32 $0x8580  }
0x5b5: {  	[tilespmem:s31], [sflag:$0x1] =	stream.indirect_vreg.gather [hbm4b:s2+s8], $0x80, v9, vm0, $0xb8;
	[tilespmem:$0x1C580] =	vst v63  }
0x5b6: {  	_ = 	snop  }
0x5b7: {  	[tilespmem:s15], [sflag:$0x1] =	stream.indirect_vreg.gather [hbm4b:s1+s8], $0x80, v9, vm0, $0xb8;
	[tilespmem:$0x1C580] =	vst v63  }
0x5b8: {  	_ = 	snop  }
0x5b9: {  	[tilespmem:s16], [sflag:$0x1] =	stream.indirect_vreg.gather [hbm4b:s3+s8], $0x80, v9, vm0, $0xb8;
	[tilespmem:$0x1C580] =	vst v63  }
0x5ba: {  	_ = 	snop  }
0x5bb: {  	[tilespmem:s19], [sflag:$0x1] =	stream.indirect_vreg.gather [hbm4b:s9+s8], $0x80, v9, vm0, $0xb8;
	[tilespmem:$0x1C580] =	vst v63  }
0x5bc: {  	_ = 	snop  }
0x5bd: {  	[tilespmem:s20], [sflag:$0x1] =	stream.indirect_vreg.gather [hbm4b:s5+s8], $0x80, v9, vm0, $0xb8;
	[tilespmem:$0x1C580] =	vst v63  }
0x5be: {  	_ = 	snop  }
0x5bf: {  	[tilespmem:s21], [sflag:$0x1] =	stream.indirect_vreg.gather [hbm4b:s6+s8], $0x80, v9, vm0, $0xb8;
	[tilespmem:$0x1C580] =	vst v63  }
0x5c0: {  	_ = 	snop  }
0x5c1: {  	[tilespmem:s17], [sflag:$0x1] =	stream.indirect_vreg.gather [hbm4b:s7+s8], $0x80, v9, vm0, $0xb8;
	[tilespmem:$0x1C580] =	vst v63  }
0x5c2: {  	s16 =	simm.s32 $0x2  }
0x5c3: {  	[tilespmem:s14], [sflag:$0x1] =	stream.indirect_vreg.gather [hbm4b:s30+s8], $0x80, v9, vm0, $0xb8;
	[tilespmem:$0x1C580] =	vst v63  }
0x5c4: {  	_ =	swait.ge [sflag:s16], $0x8000  }
0x5c5: {  	[sflag:s16] =	ssyncset.done $0x0  }
0x5c6: {  	[sflag:s16] =	ssyncadd.s32 $0xFFFF8000  }
0x5c7: {  	v9 =	vld [tilespmem:$0x4540];
	_ =	sdelay $0x4  }
0x5c8: {  	v10 =	vshll.u32 v9, $0x4  }
0x5c9: {  	v9 =	vand.u32 $0x7, v9;
	v10 =	vand.u32 $0xFFFFFF80, v10  }
0x5ca: {  	v9 =	vor.u32 v9, v10  }
0x5cb: {  	v10 =	vperm.xlane v9, v6;
	_ =	sdelay $0x1  }
0x5cc: {  	v10 =	vadd.s32 v7, v10;
	_ =	sdelay $0x3  }
0x5cd: {  	s17 =	simm.s32 $0xC580;
	s18 =	rddreg [dreg:$0x3]  }
0x5ce: {  	[hbm4b:s18+s8] =	stream.indirect_vreg.scatter [tilespmem:s17], [sflag:$0x5], $0x80, v10, vm0, $0xb8;
	[tilespmem:$0x1C580] =	vst v63  }
0x5cf: {  	s31 =	simm.s32 $0xCD80  }
0x5d0: {  	[hbm4b:s0+s8] =	stream.indirect_vreg.scatter [tilespmem:s31], [sflag:$0x5], $0x80, v10, vm0, $0xb8;
	[tilespmem:$0x1C580] =	vst v63  }
0x5d1: {  	s14 =	simm.s32 $0xD580  }
0x5d2: {  	[hbm4b:s24+s8] =	stream.indirect_vreg.scatter [tilespmem:s14], [sflag:$0x5], $0x80, v10, vm0, $0xb8;
	[tilespmem:$0x1C580] =	vst v63  }
0x5d3: {  	s19 =	simm.s32 $0xDD80  }
0x5d4: {  	[hbm4b:s25+s8] =	stream.indirect_vreg.scatter [tilespmem:s19], [sflag:$0x5], $0x80, v10, vm0, $0xb8;
	[tilespmem:$0x1C580] =	vst v63  }
0x5d5: {  	s20 =	simm.s32 $0xE580  }
0x5d6: {  	[hbm4b:s26+s8] =	stream.indirect_vreg.scatter [tilespmem:s20], [sflag:$0x5], $0x80, v10, vm0, $0xb8;
	[tilespmem:$0x1C580] =	vst v63  }
0x5d7: {  	s21 =	simm.s32 $0xED80;
	v9 =	vperm.xlane v9, v8  }
0x5d8: {  	[hbm4b:s28+s8] =	stream.indirect_vreg.scatter [tilespmem:s21], [sflag:$0x5], $0x80, v10, vm0, $0xb8;
	[tilespmem:$0x1C580] =	vst v63  }
0x5d9: {  	v9 =	vadd.s32 v7, v9;
	s14 =	simm.s32 $0xF580  }
0x5da: {  	[hbm4b:s29+s8] =	stream.indirect_vreg.scatter [tilespmem:s14], [sflag:$0x5], $0x80, v10, vm0, $0xb8;
	[tilespmem:$0x1C580] =	vst v63  }
0x5db: {  	s4 =	simm.s32 $0xFD80  }
0x5dc: {  	[hbm4b:s23+s8] =	stream.indirect_vreg.scatter [tilespmem:s4], [sflag:$0x5], $0x80, v10, vm0, $0xb8;
	[tilespmem:$0x1C580] =	vst v63  }
0x5dd: {  	s22 =	simm.s32 $0x10580  }
0x5de: {  	[hbm4b:s18+s8] =	stream.indirect_vreg.scatter [tilespmem:s22], [sflag:$0x5], $0x80, v9, vm0, $0xb8;
	[tilespmem:$0x1C580] =	vst v63  }
0x5df: {  	s17 =	simm.s32 $0x10D80  }
0x5e0: {  	[hbm4b:s0+s8] =	stream.indirect_vreg.scatter [tilespmem:s17], [sflag:$0x5], $0x80, v9, vm0, $0xb8;
	[tilespmem:$0x1C580] =	vst v63  }
0x5e1: {  	s31 =	simm.s32 $0x11580  }
0x5e2: {  	[hbm4b:s24+s8] =	stream.indirect_vreg.scatter [tilespmem:s31], [sflag:$0x5], $0x80, v9, vm0, $0xb8;
	[tilespmem:$0x1C580] =	vst v63  }
0x5e3: {  	s16 =	simm.s32 $0x11D80  }
0x5e4: {  	[hbm4b:s25+s8] =	stream.indirect_vreg.scatter [tilespmem:s16], [sflag:$0x5], $0x80, v9, vm0, $0xb8;
	[tilespmem:$0x1C580] =	vst v63  }
0x5e5: {  	s15 =	simm.s32 $0x12580  }
0x5e6: {  	[hbm4b:s26+s8] =	stream.indirect_vreg.scatter [tilespmem:s15], [sflag:$0x5], $0x80, v9, vm0, $0xb8;
	[tilespmem:$0x1C580] =	vst v63  }
0x5e7: {  	s18 =	simm.s32 $0x12D80  }
0x5e8: {  	[hbm4b:s28+s8] =	stream.indirect_vreg.scatter [tilespmem:s18], [sflag:$0x5], $0x80, v9, vm0, $0xb8;
	[tilespmem:$0x1C580] =	vst v63  }
0x5e9: {  	s16 =	simm.s32 $0x13580  }
0x5ea: {  	[hbm4b:s29+s8] =	stream.indirect_vreg.scatter [tilespmem:s16], [sflag:$0x5], $0x80, v9, vm0, $0xb8;
	[tilespmem:$0x1C580] =	vst v63  }
0x5eb: {  	s18 =	simm.s32 $0x13D80  }
0x5ec: {  	[hbm4b:s23+s8] =	stream.indirect_vreg.scatter [tilespmem:s18], [sflag:$0x5], $0x80, v9, vm0, $0xb8;
	[tilespmem:$0x1C580] =	vst v63  }
0x5ed: {  	s18 =	simm.s32 $0x5  }
0x5ee: {  	_ =	swait.ge [sflag:s18], $0x8000  }
0x5ef: {  	[sflag:s18] =	ssyncset.done $0x0  }
0x5f0: {  	[sflag:s18] =	ssyncadd.s32 $0xFFFF8000  }
0x5f1: {  	v9 =	vld [tilespmem:$0x44F0];
	_ =	sdelay $0x4  }
0x5f2: {  	v10 =	vshll.u32 v9, $0x4  }
0x5f3: {  	v9 =	vand.u32 $0x7, v9;
	v10 =	vand.u32 $0xFFFFFF80, v10  }
0x5f4: {  	v9 =	vor.u32 v9, v10  }
0x5f5: {  	v10 =	vperm.xlane v9, v6;
	_ =	sdelay $0x1  }
0x5f6: {  	v10 =	vadd.s32 v7, v10;
	_ =	sdelay $0x3  }
0x5f7: {  	s18 =	simm.s32 $0xC580  }
0x5f8: {  	[tilespmem:s18], [sflag:$0x2] =	stream.indirect_vreg.gather [hbm4b:s2+s8], $0x80, v10, vm0, $0xb8;
	[tilespmem:$0x1C580] =	vst v63  }
0x5f9: {  	s18 =	simm.s32 $0xCD80  }
0x5fa: {  	[tilespmem:s18], [sflag:$0x2] =	stream.indirect_vreg.gather [hbm4b:s1+s8], $0x80, v10, vm0, $0xb8;
	[tilespmem:$0x1C580] =	vst v63  }
0x5fb: {  	s18 =	simm.s32 $0xD580  }
0x5fc: {  	[tilespmem:s18], [sflag:$0x2] =	stream.indirect_vreg.gather [hbm4b:s3+s8], $0x80, v10, vm0, $0xb8;
	[tilespmem:$0x1C580] =	vst v63  }
0x5fd: {  	_ = 	snop  }
0x5fe: {  	[tilespmem:s19], [sflag:$0x2] =	stream.indirect_vreg.gather [hbm4b:s9+s8], $0x80, v10, vm0, $0xb8;
	[tilespmem:$0x1C580] =	vst v63  }
0x5ff: {  	_ = 	snop  }
0x600: {  	[tilespmem:s20], [sflag:$0x2] =	stream.indirect_vreg.gather [hbm4b:s5+s8], $0x80, v10, vm0, $0xb8;
	[tilespmem:$0x1C580] =	vst v63  }
0x601: {  	v9 =	vperm.xlane v9, v8  }
0x602: {  	[tilespmem:s21], [sflag:$0x2] =	stream.indirect_vreg.gather [hbm4b:s6+s8], $0x80, v10, vm0, $0xb8;
	[tilespmem:$0x1C580] =	vst v63  }
0x603: {  	v9 =	vadd.s32 v7, v9  }
0x604: {  	[tilespmem:s14], [sflag:$0x2] =	stream.indirect_vreg.gather [hbm4b:s7+s8], $0x80, v10, vm0, $0xb8;
	[tilespmem:$0x1C580] =	vst v63  }
0x605: {  	_ = 	snop  }
0x606: {  	[tilespmem:s4], [sflag:$0x2] =	stream.indirect_vreg.gather [hbm4b:s30+s8], $0x80, v10, vm0, $0xb8;
	[tilespmem:$0x1C580] =	vst v63  }
0x607: {  	_ = 	snop  }
0x608: {  	[tilespmem:s22], [sflag:$0x2] =	stream.indirect_vreg.gather [hbm4b:s2+s8], $0x80, v9, vm0, $0xb8;
	[tilespmem:$0x1C580] =	vst v63  }
0x609: {  	_ = 	snop  }
0x60a: {  	[tilespmem:s17], [sflag:$0x2] =	stream.indirect_vreg.gather [hbm4b:s1+s8], $0x80, v9, vm0, $0xb8;
	[tilespmem:$0x1C580] =	vst v63  }
0x60b: {  	_ = 	snop  }
0x60c: {  	[tilespmem:s31], [sflag:$0x2] =	stream.indirect_vreg.gather [hbm4b:s3+s8], $0x80, v9, vm0, $0xb8;
	[tilespmem:$0x1C580] =	vst v63  }
0x60d: {  	s2 =	simm.s32 $0x11D80  }
0x60e: {  	[tilespmem:s2], [sflag:$0x2] =	stream.indirect_vreg.gather [hbm4b:s9+s8], $0x80, v9, vm0, $0xb8;
	[tilespmem:$0x1C580] =	vst v63  }
0x60f: {  	_ = 	snop  }
0x610: {  	[tilespmem:s15], [sflag:$0x2] =	stream.indirect_vreg.gather [hbm4b:s5+s8], $0x80, v9, vm0, $0xb8;
	[tilespmem:$0x1C580] =	vst v63  }
0x611: {  	s5 =	simm.s32 $0x12D80  }
0x612: {  	[tilespmem:s5], [sflag:$0x2] =	stream.indirect_vreg.gather [hbm4b:s6+s8], $0x80, v9, vm0, $0xb8;
	[tilespmem:$0x1C580] =	vst v63  }
0x613: {  	_ = 	snop  }
0x614: {  	[tilespmem:s16], [sflag:$0x2] =	stream.indirect_vreg.gather [hbm4b:s7+s8], $0x80, v9, vm0, $0xb8;
	[tilespmem:$0x1C580] =	vst v63  }
0x615: {  	s15 =	simm.s32 $0x13D80;
	s16 =	simm.s32 $0x3  }
0x616: {  	[tilespmem:s15], [sflag:$0x2] =	stream.indirect_vreg.gather [hbm4b:s30+s8], $0x80, v9, vm0, $0xb8;
	[tilespmem:$0x1C580] =	vst v63  }
0x617: {  	_ =	swait.ge [sflag:s16], $0x8000  }
0x618: {  	[sflag:s16] =	ssyncset.done $0x0  }
0x619: {  	[sflag:s16] =	ssyncadd.s32 $0xFFFF8000  }
0x61a: {  	v9 =	vld [tilespmem:$0x4550];
	_ =	sdelay $0x4  }
0x61b: {  	v10 =	vshll.u32 v9, $0x4  }
0x61c: {  	v9 =	vand.u32 $0x7, v9;
	v10 =	vand.u32 $0xFFFFFF80, v10  }
0x61d: {  	v9 =	vor.u32 v9, v10  }
0x61e: {  	v10 =	vperm.xlane v9, v6;
	_ =	sdelay $0x1  }
0x61f: {  	v10 =	vadd.s32 v7, v10;
	_ =	sdelay $0x3  }
0x620: {  	s17 =	simm.s32 $0x14580;
	s7 =	rddreg [dreg:$0x3]  }
0x621: {  	[hbm4b:s7+s8] =	stream.indirect_vreg.scatter [tilespmem:s17], [sflag:$0x6], $0x80, v10, vm0, $0xb8;
	[tilespmem:$0x1C580] =	vst v63  }
0x622: {  	s30 =	simm.s32 $0x14D80  }
0x623: {  	[hbm4b:s0+s8] =	stream.indirect_vreg.scatter [tilespmem:s30], [sflag:$0x6], $0x80, v10, vm0, $0xb8;
	[tilespmem:$0x1C580] =	vst v63  }
0x624: {  	s31 =	simm.s32 $0x15580  }
0x625: {  	[hbm4b:s24+s8] =	stream.indirect_vreg.scatter [tilespmem:s31], [sflag:$0x6], $0x80, v10, vm0, $0xb8;
	[tilespmem:$0x1C580] =	vst v63  }
0x626: {  	s16 =	simm.s32 $0x15D80  }
0x627: {  	[hbm4b:s25+s8] =	stream.indirect_vreg.scatter [tilespmem:s16], [sflag:$0x6], $0x80, v10, vm0, $0xb8;
	[tilespmem:$0x1C580] =	vst v63  }
0x628: {  	s17 =	simm.s32 $0x16580  }
0x629: {  	[hbm4b:s26+s8] =	stream.indirect_vreg.scatter [tilespmem:s17], [sflag:$0x6], $0x80, v10, vm0, $0xb8;
	[tilespmem:$0x1C580] =	vst v63  }
0x62a: {  	v9 =	vperm.xlane v9, v8;
	s30 =	simm.s32 $0x16D80  }
0x62b: {  	[hbm4b:s28+s8] =	stream.indirect_vreg.scatter [tilespmem:s30], [sflag:$0x6], $0x80, v10, vm0, $0xb8;
	[tilespmem:$0x1C580] =	vst v63  }
0x62c: {  	v9 =	vadd.s32 v7, v9;
	s31 =	simm.s32 $0x17580  }
0x62d: {  	[hbm4b:s29+s8] =	stream.indirect_vreg.scatter [tilespmem:s31], [sflag:$0x6], $0x80, v10, vm0, $0xb8;
	[tilespmem:$0x1C580] =	vst v63  }
0x62e: {  	s16 =	simm.s32 $0x17D80  }
0x62f: {  	[hbm4b:s23+s8] =	stream.indirect_vreg.scatter [tilespmem:s16], [sflag:$0x6], $0x80, v10, vm0, $0xb8;
	[tilespmem:$0x1C580] =	vst v63  }
0x630: {  	s17 =	simm.s32 $0x18580  }
0x631: {  	[hbm4b:s7+s8] =	stream.indirect_vreg.scatter [tilespmem:s17], [sflag:$0x6], $0x80, v9, vm0, $0xb8;
	[tilespmem:$0x1C580] =	vst v63  }
0x632: {  	s30 =	simm.s32 $0x18D80  }
0x633: {  	[hbm4b:s0+s8] =	stream.indirect_vreg.scatter [tilespmem:s30], [sflag:$0x6], $0x80, v9, vm0, $0xb8;
	[tilespmem:$0x1C580] =	vst v63  }
0x634: {  	s31 =	simm.s32 $0x19580  }
0x635: {  	[hbm4b:s24+s8] =	stream.indirect_vreg.scatter [tilespmem:s31], [sflag:$0x6], $0x80, v9, vm0, $0xb8;
	[tilespmem:$0x1C580] =	vst v63  }
0x636: {  	s16 =	simm.s32 $0x19D80  }
0x637: {  	[hbm4b:s25+s8] =	stream.indirect_vreg.scatter [tilespmem:s16], [sflag:$0x6], $0x80, v9, vm0, $0xb8;
	[tilespmem:$0x1C580] =	vst v63  }
0x638: {  	s17 =	simm.s32 $0x1A580  }
0x639: {  	[hbm4b:s26+s8] =	stream.indirect_vreg.scatter [tilespmem:s17], [sflag:$0x6], $0x80, v9, vm0, $0xb8;
	[tilespmem:$0x1C580] =	vst v63  }
0x63a: {  	s30 =	simm.s32 $0x1AD80  }
0x63b: {  	[hbm4b:s28+s8] =	stream.indirect_vreg.scatter [tilespmem:s30], [sflag:$0x6], $0x80, v9, vm0, $0xb8;
	[tilespmem:$0x1C580] =	vst v63  }
0x63c: {  	s31 =	simm.s32 $0x1B580  }
0x63d: {  	[hbm4b:s29+s8] =	stream.indirect_vreg.scatter [tilespmem:s31], [sflag:$0x6], $0x80, v9, vm0, $0xb8;
	[tilespmem:$0x1C580] =	vst v63  }
0x63e: {  	s16 =	simm.s32 $0x1BD80;
	s17 =	simm.s32 $0x1  }
0x63f: {  	[hbm4b:s23+s8] =	stream.indirect_vreg.scatter [tilespmem:s16], [sflag:$0x6], $0x80, v9, vm0, $0xb8;
	[tilespmem:$0x1C580] =	vst v63  }
0x640: {  	_ =	swait.ge [sflag:s17], $0x8000  }
0x641: {  	[sflag:s17] =	ssyncset.done $0x0  }
0x642: {  	[sflag:s17] =	ssyncadd.s32 $0xFFFF8000  }
0x643: {  	v9 =	vld [tilespmem:$0x4560];
	_ =	sdelay $0x4  }
0x644: {  	v10 =	vshll.u32 v9, $0x4  }
0x645: {  	v9 =	vand.u32 $0x7, v9;
	v10 =	vand.u32 $0xFFFFFF80, v10  }
0x646: {  	v9 =	vor.u32 v9, v10  }
0x647: {  	v10 =	vperm.xlane v9, v6;
	_ =	sdelay $0x1  }
0x648: {  	v10 =	vadd.s32 v7, v10;
	_ =	sdelay $0x3  }
0x649: {  	s30 =	simm.s32 $0x4580  }
0x64a: {  	[hbm4b:s7+s8] =	stream.indirect_vreg.scatter [tilespmem:s30], [sflag:$0x4], $0x80, v10, vm0, $0xb8;
	[tilespmem:$0x1C580] =	vst v63  }
0x64b: {  	s31 =	simm.s32 $0x4D80  }
0x64c: {  	[hbm4b:s0+s8] =	stream.indirect_vreg.scatter [tilespmem:s31], [sflag:$0x4], $0x80, v10, vm0, $0xb8;
	[tilespmem:$0x1C580] =	vst v63  }
0x64d: {  	s16 =	simm.s32 $0x5580  }
0x64e: {  	[hbm4b:s24+s8] =	stream.indirect_vreg.scatter [tilespmem:s16], [sflag:$0x4], $0x80, v10, vm0, $0xb8;
	[tilespmem:$0x1C580] =	vst v63  }
0x64f: {  	s17 =	simm.s32 $0x5D80  }
0x650: {  	[hbm4b:s25+s8] =	stream.indirect_vreg.scatter [tilespmem:s17], [sflag:$0x4], $0x80, v10, vm0, $0xb8;
	[tilespmem:$0x1C580] =	vst v63  }
0x651: {  	s30 =	simm.s32 $0x6580  }
0x652: {  	[hbm4b:s26+s8] =	stream.indirect_vreg.scatter [tilespmem:s30], [sflag:$0x4], $0x80, v10, vm0, $0xb8;
	[tilespmem:$0x1C580] =	vst v63  }
0x653: {  	v9 =	vperm.xlane v9, v8;
	s31 =	simm.s32 $0x6D80  }
0x654: {  	[hbm4b:s28+s8] =	stream.indirect_vreg.scatter [tilespmem:s31], [sflag:$0x4], $0x80, v10, vm0, $0xb8;
	[tilespmem:$0x1C580] =	vst v63  }
0x655: {  	v9 =	vadd.s32 v7, v9;
	s16 =	simm.s32 $0x7580  }
0x656: {  	[hbm4b:s29+s8] =	stream.indirect_vreg.scatter [tilespmem:s16], [sflag:$0x4], $0x80, v10, vm0, $0xb8;
	[tilespmem:$0x1C580] =	vst v63  }
0x657: {  	s17 =	simm.s32 $0x7D80  }
0x658: {  	[hbm4b:s23+s8] =	stream.indirect_vreg.scatter [tilespmem:s17], [sflag:$0x4], $0x80, v10, vm0, $0xb8;
	[tilespmem:$0x1C580] =	vst v63  }
0x659: {  	s30 =	simm.s32 $0x8580  }
0x65a: {  	[hbm4b:s7+s8] =	stream.indirect_vreg.scatter [tilespmem:s30], [sflag:$0x4], $0x80, v9, vm0, $0xb8;
	[tilespmem:$0x1C580] =	vst v63  }
0x65b: {  	s31 =	simm.s32 $0x8D80  }
0x65c: {  	[hbm4b:s0+s8] =	stream.indirect_vreg.scatter [tilespmem:s31], [sflag:$0x4], $0x80, v9, vm0, $0xb8;
	[tilespmem:$0x1C580] =	vst v63  }
0x65d: {  	s16 =	simm.s32 $0x9580  }
0x65e: {  	[hbm4b:s24+s8] =	stream.indirect_vreg.scatter [tilespmem:s16], [sflag:$0x4], $0x80, v9, vm0, $0xb8;
	[tilespmem:$0x1C580] =	vst v63  }
0x65f: {  	s17 =	simm.s32 $0x9D80  }
0x660: {  	[hbm4b:s25+s8] =	stream.indirect_vreg.scatter [tilespmem:s17], [sflag:$0x4], $0x80, v9, vm0, $0xb8;
	[tilespmem:$0x1C580] =	vst v63  }
0x661: {  	s30 =	simm.s32 $0xA580  }
0x662: {  	[hbm4b:s26+s8] =	stream.indirect_vreg.scatter [tilespmem:s30], [sflag:$0x4], $0x80, v9, vm0, $0xb8;
	[tilespmem:$0x1C580] =	vst v63  }
0x663: {  	s31 =	simm.s32 $0xAD80  }
0x664: {  	[hbm4b:s28+s8] =	stream.indirect_vreg.scatter [tilespmem:s31], [sflag:$0x4], $0x80, v9, vm0, $0xb8;
	[tilespmem:$0x1C580] =	vst v63  }
0x665: {  	s16 =	simm.s32 $0xB580  }
0x666: {  	[hbm4b:s29+s8] =	stream.indirect_vreg.scatter [tilespmem:s16], [sflag:$0x4], $0x80, v9, vm0, $0xb8;
	[tilespmem:$0x1C580] =	vst v63  }
0x667: {  	s17 =	simm.s32 $0xBD80;
	s30 =	simm.s32 $0x2  }
0x668: {  	[hbm4b:s23+s8] =	stream.indirect_vreg.scatter [tilespmem:s17], [sflag:$0x4], $0x80, v9, vm0, $0xb8;
	[tilespmem:$0x1C580] =	vst v63  }
0x669: {  	_ =	swait.ge [sflag:s30], $0x8000  }
0x66a: {  	[sflag:s30] =	ssyncset.done $0x0  }
0x66b: {  	[sflag:s30] =	ssyncadd.s32 $0xFFFF8000  }
0x66c: {  	v9 =	vld [tilespmem:$0x4570];
	_ =	sdelay $0x4  }
0x66d: {  	v10 =	vshll.u32 v9, $0x4  }
0x66e: {  	v9 =	vand.u32 $0x7, v9;
	v10 =	vand.u32 $0xFFFFFF80, v10  }
0x66f: {  	v9 =	vor.u32 v9, v10  }
0x670: {  	v10 =	vperm.xlane v9, v6;
	_ =	sdelay $0x1  }
0x671: {  	v10 =	vadd.s32 v7, v10;
	_ =	sdelay $0x3  }
0x672: {  	s31 =	simm.s32 $0xC580  }
0x673: {  	[hbm4b:s7+s8] =	stream.indirect_vreg.scatter [tilespmem:s31], [sflag:$0x5], $0x80, v10, vm0, $0xb8;
	[tilespmem:$0x1C580] =	vst v63  }
0x674: {  	s16 =	simm.s32 $0xCD80  }
0x675: {  	[hbm4b:s0+s8] =	stream.indirect_vreg.scatter [tilespmem:s16], [sflag:$0x5], $0x80, v10, vm0, $0xb8;
	[tilespmem:$0x1C580] =	vst v63  }
0x676: {  	s17 =	simm.s32 $0xD580  }
0x677: {  	[hbm4b:s24+s8] =	stream.indirect_vreg.scatter [tilespmem:s17], [sflag:$0x5], $0x80, v10, vm0, $0xb8;
	[tilespmem:$0x1C580] =	vst v63  }
0x678: {  	s19 =	simm.s32 $0xDD80  }
0x679: {  	[hbm4b:s25+s8] =	stream.indirect_vreg.scatter [tilespmem:s19], [sflag:$0x5], $0x80, v10, vm0, $0xb8;
	[tilespmem:$0x1C580] =	vst v63  }
0x67a: {  	s20 =	simm.s32 $0xE580  }
0x67b: {  	[hbm4b:s26+s8] =	stream.indirect_vreg.scatter [tilespmem:s20], [sflag:$0x5], $0x80, v10, vm0, $0xb8;
	[tilespmem:$0x1C580] =	vst v63  }
0x67c: {  	s21 =	simm.s32 $0xED80;
	v9 =	vperm.xlane v9, v8  }
0x67d: {  	[hbm4b:s28+s8] =	stream.indirect_vreg.scatter [tilespmem:s21], [sflag:$0x5], $0x80, v10, vm0, $0xb8;
	[tilespmem:$0x1C580] =	vst v63  }
0x67e: {  	s14 =	simm.s32 $0xF580;
	v9 =	vadd.s32 v7, v9  }
0x67f: {  	[hbm4b:s29+s8] =	stream.indirect_vreg.scatter [tilespmem:s14], [sflag:$0x5], $0x80, v10, vm0, $0xb8;
	[tilespmem:$0x1C580] =	vst v63  }
0x680: {  	s18 =	simm.s32 $0xFD80  }
0x681: {  	[hbm4b:s23+s8] =	stream.indirect_vreg.scatter [tilespmem:s18], [sflag:$0x5], $0x80, v10, vm0, $0xb8;
	[tilespmem:$0x1C580] =	vst v63  }
0x682: {  	s4 =	simm.s32 $0x10580  }
0x683: {  	[hbm4b:s7+s8] =	stream.indirect_vreg.scatter [tilespmem:s4], [sflag:$0x5], $0x80, v9, vm0, $0xb8;
	[tilespmem:$0x1C580] =	vst v63  }
0x684: {  	s22 =	simm.s32 $0x10D80  }
0x685: {  	[hbm4b:s0+s8] =	stream.indirect_vreg.scatter [tilespmem:s22], [sflag:$0x5], $0x80, v9, vm0, $0xb8;
	[tilespmem:$0x1C580] =	vst v63  }
0x686: {  	s3 =	simm.s32 $0x11580  }
0x687: {  	[hbm4b:s24+s8] =	stream.indirect_vreg.scatter [tilespmem:s3], [sflag:$0x5], $0x80, v9, vm0, $0xb8;
	[tilespmem:$0x1C580] =	vst v63  }
0x688: {  	s9 =	simm.s32 $0x11D80  }
0x689: {  	[hbm4b:s25+s8] =	stream.indirect_vreg.scatter [tilespmem:s9], [sflag:$0x5], $0x80, v9, vm0, $0xb8;
	[tilespmem:$0x1C580] =	vst v63  }
0x68a: {  	s1 =	simm.s32 $0x12580  }
0x68b: {  	[hbm4b:s26+s8] =	stream.indirect_vreg.scatter [tilespmem:s1], [sflag:$0x5], $0x80, v9, vm0, $0xb8;
	[tilespmem:$0x1C580] =	vst v63  }
0x68c: {  	s6 =	simm.s32 $0x12D80  }
0x68d: {  	[hbm4b:s28+s8] =	stream.indirect_vreg.scatter [tilespmem:s6], [sflag:$0x5], $0x80, v9, vm0, $0xb8;
	[tilespmem:$0x1C580] =	vst v63  }
0x68e: {  	s2 =	simm.s32 $0x13580  }
0x68f: {  	[hbm4b:s29+s8] =	stream.indirect_vreg.scatter [tilespmem:s2], [sflag:$0x5], $0x80, v9, vm0, $0xb8;
	[tilespmem:$0x1C580] =	vst v63  }
0x690: {  	s5 =	simm.s32 $0x13D80;
	s25 =	simm.s32 $0x6  }
0x691: {  	[hbm4b:s23+s8] =	stream.indirect_vreg.scatter [tilespmem:s5], [sflag:$0x5], $0x80, v9, vm0, $0xb8;
	[tilespmem:$0x1C580] =	vst v63  }
0x692: {  	_ =	swait.ge [sflag:s25], $0x8000  }
0x693: {  	[sflag:s25] =	ssyncset.done $0x0  }
0x694: {  	s26 =	simm.s32 $0x4;
	[sflag:s25] =	ssyncadd.s32 $0xFFFF8000  }
0x695: {  	_ =	swait.ge [sflag:s26], $0x8000  }
0x696: {  	[sflag:s26] =	ssyncset.done $0x0  }
0x697: {  	s28 =	simm.s32 $0x5;
	[sflag:s26] =	ssyncadd.s32 $0xFFFF8000  }
0x698: {  	_ =	swait.ge [sflag:s28], $0x8000  }
0x699: {  	s29 =	rddreg [dreg:$0x12]  }
0x69a: {  	s31 =	rddreg [dreg:$0xe];
	s1 =	sadd.s32 $0x1, s29  }
0x69b: {  	p1 =	sne.s32 s1, s31  }
.Ltmp1:
0x69c: {  	_ = 	snop;
	(pc) =	sbr.rel @!p1 .LBB2_8-.Ltmp1, $3  }
0x69d: {  	_ =	sdelay $0x1  }
0x69e: {  	s30 =	simm.s32 $0x5;
	[sflag:s28] =	ssyncset.done $0x0  }
0x69f: {  	[sflag:s30] =	ssyncadd.s32 $0xFFFF8000;
	s0 =	smov.u32 s1  }
.LBB2_1:
.Ltmp2:
0x6a0: {  	(pc) =	sbr.rel @p0 .LBB2_7-.Ltmp2, $2  }
0x6a1: {  	_ =	sdelay $0x2  }
0x6a2: {  	[dreg:$0x12] =	wrdreg s0  }
0x6a3: {  	s2 =	simm.s32 $0x0;
	s0 =	rddreg [dreg:$0x9];
	s29 =	simm.s32 $0x7  }
0x6a4: {  	[tilespmem:s2], [sflag:$0x7] =	stream.linear.gather [hbm4b:s0+s2], $0x1000, $0x38;
	[tilespmem:$0x1C580] =	vst v63  }
0x6a5: {  	_ =	swait.ge [sflag:s29], $0x1000  }
0x6a6: {  	[sflag:s29] =	ssyncset.done $0x0  }
0x6a7: {  	[sflag:s29] =	ssyncadd.s32 $0xFFFFF000  }
0x6a8: {  	v9 =	vld [tilespmem:s2+$0x0];
	_ =	sdelay $0x4  }
0x6a9: {  	vm1 =	vlt.s32 v9, $0x400  }
0x6aa: {  	v10 =	vsel vm1, $0x1, v3  }
0x6ab: {  	(xrf0) =	vadd.scan.msk.s32 $0xffff, v10;
	_ =	sdelay $0x5  }
0x6ac: {  	v11, _, _ =	vpop (xrf0)  }
0x6ad: {  	(v2sf) =	vpush v11, $0xF  }
0x6ae: {  	v10 =	vsub.s32 v11, v10  }
0x6af: {  	vm2 =	vge.s32 v9, $0x400;
	v11 =	vor.u32 s2, v4;
	v10 =	vadd.s32 s2, v10  }
0x6b0: {  	v12 =	vsub.s32 v11, v10;
	_ =	sdelay $0x3  }
0x6b1: {  	v13 =	vor.u32 v0, v11;
	v14 =	vadd.s32 v1, v11  }
0x6b2: {  	v63 =	vadd.s32 v10, v14;
	[tilespmem:v12+s10+$0x0] =	vst.idx.msk vm2, v13  }
0x6b3: {  	s22 =	simm.s32 $0x2800;
	[tilespmem:v12+s11+$0x0] =	vst.idx.msk vm2, v63  }
0x6b4: {  	s1 =	simm.s32 $0x2C00;
	[tilespmem:v9+s22+$0x0] =	vst.idx.msk vm1, v11  }
0x6b5: {  	s9 =	simm.s32 $0x10;
	[tilespmem:v10+s1+$0x0] =	vst.idx.msk vm1, v63  }
0x6b6: {  	v9 =	vld [tilespmem:s9+$0x0];
	_ =	sdelay $0x1  }
0x6b7: {  	s30 =	simm.s32 $0x20  }
0x6b8: {  	s31 =	simm.s32 $0x10;
	s0 =	simm.s32 $0x0;
	s3 =	spop (v2sf)  }
.LBB2_3:
0x6b9: {  	p1 =	sne.s32 s30, $0xFF0  }
0x6ba: {  	vm1 =	vlt.s32 v9, $0x400;
	s0 =	sadd.s32 s0, s3;
	s3 =	smov.u32 s30;
	s30 =	sadd.s32 $0x10, s30  }
0x6bb: {  	v10 =	vsel vm1, $0x1, v3  }
0x6bc: {  	(xrf0) =	vadd.scan.msk.s32 $0xffff, v10;
	_ =	sdelay $0x5  }
0x6bd: {  	v11, _, _ =	vpop (xrf0)  }
0x6be: {  	v10 =	vsub.s32 v11, v10;
	(v2sf) =	vpush v11, $0xF  }
0x6bf: {  	vm2 =	vge.s32 v9, $0x400;
	v11 =	vor.u32 s9, v4;
	s9 =	smov.u32 s3;
	v10 =	vadd.s32 s0, v10  }
0x6c0: {  	v12 =	vsub.s32 v11, v10;
	_ =	sdelay $0x3  }
0x6c1: {  	v13 =	vor.u32 v0, v11;
	v14 =	vadd.s32 v1, v11  }
0x6c2: {  	[tilespmem:v12+s10+$0x0] =	vst.idx.msk vm2, v13;
	v13 =	vadd.s32 v10, v14  }
0x6c3: {  	[tilespmem:v12+s11+$0x0] =	vst.idx.msk vm2, v13  }
0x6c4: {  	[tilespmem:v9+s22+$0x0] =	vst.idx.msk vm1, v11  }
0x6c5: {  	s31 =	sadd.s32 $0x10, s31;
	[tilespmem:v10+s1+$0x0] =	vst.idx.msk vm1, v13  }
.Ltmp3:
0x6c6: {  	v9 =	vld [tilespmem:s31+$0x0];
	(pc) =	sbr.rel @p1 .LBB2_3-.Ltmp3, $2  }
0x6c7: {  	_ =	sdelay $0x2  }
0x6c8: {  	s3 =	spop (v2sf)  }
0x6c9: {  	vm1 =	vlt.s32 v9, $0x400  }
0x6ca: {  	v10 =	vsel vm1, $0x1, v3  }
0x6cb: {  	(xrf0) =	vadd.scan.msk.s32 $0xffff, v10;
	_ =	sdelay $0x5  }
0x6cc: {  	v11, _, _ =	vpop (xrf0)  }
0x6cd: {  	s0 =	sadd.s32 s0, s3;
	v10 =	vsub.s32 v11, v10  }
0x6ce: {  	vm2 =	vge.s32 v9, $0x400;
	v12 =	vor.u32 s9, v4;
	v10 =	vadd.s32 s0, v10  }
0x6cf: {  	v13 =	vsub.s32 v12, v10;
	_ =	sdelay $0x2  }
0x6d0: {  	(v2sf) =	vpush v11, $0xF  }
0x6d1: {  	v14 =	vadd.s32 v1, v12;
	v11 =	vor.u32 v0, v12  }
0x6d2: {  	[tilespmem:v13+s10+$0x0] =	vst.idx.msk vm2, v11;
	v11 =	vadd.s32 v10, v14  }
0x6d3: {  	s0 =	simm.s32 $0x2800;
	[tilespmem:v13+s11+$0x0] =	vst.idx.msk vm2, v11  }
0x6d4: {  	s1 =	simm.s32 $0x2C00;
	[tilespmem:v9+s0+$0x0] =	vst.idx.msk vm1, v12  }
0x6d5: {  	[tilespmem:v10+s1+$0x0] =	vst.idx.msk vm1, v11  }
0x6d6: {  	v9 =	vmov s2;
	v10 =	vld [tilespmem:s0+$0x0]  }
0x6d7: {  	v9 =	vshll.u32 v9, $0x1  }
0x6d8: {  	v11 =	vor.u32 v5, v9  }
0x6d9: {  	v9 =	vor.u32 $0x1, v11  }
0x6da: {  	v12 =	vld [tilespmem:s1+$0x0]  }
0x6db: {  	v10 =	vshll.u32 v10, $0x1  }
0x6dc: {  	v10 =	vadd.s32 v2, v10  }
0x6dd: {  	[tilespmem:v11+s12+$0x0] =	vst.idx.msk $0xffff, v10;
	v10 =	vor.u32 $0x1, v10  }
0x6de: {  	[tilespmem:v9+s12+$0x0] =	vst.idx.msk $0xffff, v10  }
0x6df: {  	s9 =	simm.s32 $0x10;
	s31 =	spop (v2sf);
	v10 =	vadd.s32 $0x1, v12;
	[tilespmem:v11+s13+$0x0] =	vst.idx.msk $0xffff, v12  }
.LBB2_5:
0x6e0: {  	p1 =	sne.s32 s9, $0x3F0;
	[tilespmem:v9+s13+$0x0] =	vst.idx.msk $0xffff, v10;
	s0 =	sadd.s32 $0x10, s0;
	s1 =	sadd.s32 $0x10, s1  }
0x6e1: {  	v9 =	vmov s9;
	s9 =	sadd.s32 $0x10, s9;
	v10 =	vld [tilespmem:s0+$0x0]  }
0x6e2: {  	v9 =	vshll.u32 v9, $0x1  }
0x6e3: {  	v11 =	vor.u32 v5, v9  }
0x6e4: {  	v9 =	vor.u32 $0x1, v11  }
0x6e5: {  	v12 =	vld [tilespmem:s1+$0x0]  }
.Ltmp4:
0x6e6: {  	v10 =	vshll.u32 v10, $0x1;
	(pc) =	sbr.rel @p1 .LBB2_5-.Ltmp4, $4  }
0x6e7: {  	v10 =	vadd.s32 v2, v10  }
0x6e8: {  	[tilespmem:v11+s12+$0x0] =	vst.idx.msk $0xffff, v10;
	v10 =	vor.u32 $0x1, v10  }
0x6e9: {  	[tilespmem:v9+s12+$0x0] =	vst.idx.msk $0xffff, v10  }
0x6ea: {  	[tilespmem:v11+s13+$0x0] =	vst.idx.msk $0xffff, v12;
	v10 =	vadd.s32 $0x1, v12  }
0x6eb: {  	_ =	sdelay $0x3  }
0x6ec: {  	[tilespmem:v9+s13+$0x0] =	vst.idx.msk $0xffff, v10;
	s0 =	rddreg [dreg:$0x4];
	s1 =	simm.s32 $0x7  }
0x6ed: {  	[spmem:s0] =	stream.linear.scatter [tilespmem:s10], [sflag:$0x7], $0xC00, $0x38;
	[tilespmem:$0x1C580] =	vst v63  }
0x6ee: {  	_ =	swait.ge [sflag:s1], $0xC00  }
0x6ef: {  	[sflag:s1] =	ssyncset.done $0x0  }
0x6f0: {  	[sflag:s1] =	ssyncadd.s32 $0xFFFFF400  }
0x6f1: {  	s29 =	rddreg [dreg:$0x5]  }
0x6f2: {  	[spmem:s29] =	stream.linear.scatter [tilespmem:s11], [sflag:$0x7], $0xC00, $0x38;
	[tilespmem:$0x1C580] =	vst v63  }
0x6f3: {  	_ =	swait.ge [sflag:s1], $0xC00  }
0x6f4: {  	[sflag:s1] =	ssyncset.done $0x0  }
0x6f5: {  	[sflag:s1] =	ssyncadd.s32 $0xFFFFF400  }
0x6f6: {  	s30 =	rddreg [dreg:$0x6]  }
0x6f7: {  	[spmem:s30] =	stream.linear.scatter [tilespmem:s12], [sflag:$0x7], $0x800, $0x38;
	[tilespmem:$0x1C580] =	vst v63  }
0x6f8: {  	_ =	swait.ge [sflag:s1], $0x800  }
0x6f9: {  	[sflag:s1] =	ssyncset.done $0x0  }
0x6fa: {  	[sflag:s1] =	ssyncadd.s32 $0xFFFFF800  }
.Ltmp5:
0x6fb: {  	s31 =	rddreg [dreg:$0x7];
	(pc) =	sbr.rel .LBB2_7-.Ltmp5, $4  }
0x6fc: {  	[spmem:s31] =	stream.linear.scatter [tilespmem:s13], [sflag:$0x7], $0x800, $0x38;
	[tilespmem:$0x1C580] =	vst v63  }
0x6fd: {  	_ =	swait.ge [sflag:s1], $0x800  }
0x6fe: {  	[sflag:s1] =	ssyncset.done $0x0  }
0x6ff: {  	[sflag:s1] =	ssyncadd.s32 $0xFFFFF800  }
.LBB2_8:
0x700: {  	_ =	sfence.sel $0x180000  }
0x701: {  	[bflag:$0x0] =	sbarrier.arrive $0xFFFF  }
0x702: {  	_ =	strace $0x90000047  }
0x703: {  	[bflag:$0x2] =	sbarrier.arrive $0xFFFF  }
0x704: {  	s0 =	rddreg [dreg:$0x8]  }
0x705: {  	s0 =	sadd.s32 @!p0 $0x100000, s0  }
0x706: {  	[sflag:s0] =	ssyncadd.tile.s32 @!p0 $0x1;
	_ =	shalt  }
.Lfunc_end2:
_tile_overlayer_lowered:
.L_overlay_start_2:
0x707: {  	(tag) =	ssettag $0x2  }
0x708: {  	s0 =	rddreg [dreg:$0x0];
	s2 =	stileid.u32  }
0x709: {  	s1 =	rddreg [dreg:$0x1];
	p0 =	sne.s32 s2, $0x0  }
0x70a: {  	s3 =	rddreg [dreg:$0x2];
	[bflag:$0x3] =	sbarrier.arrive $0xFFFF;
	s2 =	simm.s32 @!p0 $0x1C07  }
0x70b: {  	[timem:s3], [sflag:s2] =	dma.local @!p0 [hbm:s0], s1  }
0x70c: {  	s0 =	simm.s32 @!p0 $0x7  }
0x70d: {  	_ =	swait.ge @!p0 [sflag:s0], s1  }
0x70e: {  	s1 =	ssub.s32 @!p0 $0x0, s1;
	[sflag:s0] =	ssyncset.done @!p0 $0x0  }
0x70f: {  	[sflag:s0] =	ssyncadd.s32 @!p0 s1  }
0x710: {  	[bflag:$0x3] =	sbarrier.arrive $0xFFFF  }
0x711: {  	_ =	shalt  }

</sc_bundles>
